<compile_context>
chip_gen: v7x
topology: tpu7x:2x2x1
jax: 0.10.2.dev20260603
libtpu: 0.0.44.dev20260713+nightly
codegen_flags: <defaults>
</compile_context>

<pallas_src>
import functools

import jax
import jax.numpy as jnp
from jax import lax
from jax.experimental import pallas as pl
from jax.experimental.pallas import tpu as pltpu
from jax.experimental.pallas import tpu_sc as plsc

_NUM_USERS = 1000000
_NUM_FIELDS = 26
_CAT_VOCAB = 100000
_EMB = 64
_DM = 512
_B = 4096
_F_ALL = _NUM_FIELDS + 1
_IN_DIM = _F_ALL * _EMB
_XW = 1792

_NC, _NS = 2, 16
_NW = _NC * _NS
_BPW = _B // _NW
_SUB = 32


def _gather_body(gr_hbm, uid_hbm, feat_hbm, x_hbm,
                 gr_v, rows_v, stage_v, sem):
    wid = lax.axis_index("s") * _NC + lax.axis_index("c")
    base = wid * _BPW

    def issue(tab_hbm, f, pb):
        for blk in range(_SUB // 16):
            idx16 = (lax.iota(jnp.int32, 16) + blk * 16) * _F_ALL + f
            v16 = plsc.load_gather(gr_v, [idx16])
            for j in range(16):
                pltpu.async_copy(
                    tab_hbm.at[v16[j]], rows_v.at[pb, blk * 16 + j], sem)

    def drain_copyout(fprev, pb):
        pltpu.make_async_copy(
            feat_hbm.at[pl.ds(0, _SUB)], rows_v.at[pb], sem
        ).wait()
        for i in range(_SUB):
            for k in range(_EMB // 16):
                stage_v[i, pl.ds(fprev * _EMB + k * 16, 16)] = (
                    rows_v[pb, i, pl.ds(k * 16, 16)])

    @pl.loop(0, _BPW // _SUB)
    def _sub(s):
        b0 = base + s * _SUB

        pltpu.sync_copy(gr_hbm.at[pl.ds(b0 * _F_ALL, _SUB * _F_ALL)], gr_v)

        @pl.loop(0, _SUB)
        def _z(i):
            for k in range(_EMB // 16):
                stage_v[i, pl.ds(_IN_DIM + k * 16, 16)] = (
                    jnp.zeros((16,), jnp.float32))

        issue(uid_hbm, 0, 0)

        @pl.loop(1, _F_ALL + 1)
        def _field(f):
            @pl.when(f < _F_ALL)
            def _():
                issue(feat_hbm, f, f & 1)
            drain_copyout(f - 1, (f - 1) & 1)

        pltpu.sync_copy(stage_v, x_hbm.at[pl.ds(b0, _SUB), :])


@functools.cache
def _make_gather():
    return pl.kernel(
        _gather_body,
        out_type=jax.ShapeDtypeStruct((_B, _XW), jnp.float32),
        mesh=plsc.VectorSubcoreMesh(core_axis_name="c", subcore_axis_name="s",
                                    num_cores=_NC, num_subcores=_NS),
        scratch_types=[
            pltpu.VMEM((_SUB * _F_ALL,), jnp.int32),
            pltpu.VMEM((2, _SUB, _EMB), jnp.float32),
            pltpu.VMEM((_SUB, _XW), jnp.float32),
            pltpu.SemaphoreType.DMA,
        ],
        compiler_params=pltpu.CompilerParams(needs_layout_passes=False),
    )


_BM = 256


def _mlp_body(x_ref, w1_ref, b1_ref, w2_ref, b2_ref, o_ref):
    h = jnp.dot(x_ref[...], w1_ref[...], preferred_element_type=jnp.float32)
    h = h + b1_ref[...]
    h = jnp.where(h >= 0, h, 0.01 * h)
    o = jnp.dot(h, w2_ref[...], preferred_element_type=jnp.float32)
    o_ref[...] = o + b2_ref[...]


def kernel(uid, onehot_feats, uid_table, feat_tables, W1, b1, W2, b2):
    gr = jnp.concatenate(
        [uid[:, None],
         onehot_feats + (jnp.arange(_NUM_FIELDS, dtype=jnp.int32)
                         * _CAT_VOCAB)[None, :]],
        axis=1).reshape(_F_ALL * _B)
    feat_flat = feat_tables.reshape(_NUM_FIELDS * _CAT_VOCAB, _EMB)

    x = _make_gather()(gr, uid_table, feat_flat)

    W1p = jnp.pad(W1, ((0, _XW - _IN_DIM), (0, 0)))
    out = pl.pallas_call(
        _mlp_body,
        grid=(_B // _BM,),
        in_specs=[
            pl.BlockSpec((_BM, _XW), lambda i: (i, 0)),
            pl.BlockSpec((_XW, _DM), lambda i: (0, 0)),
            pl.BlockSpec((1, _DM), lambda i: (0, 0)),
            pl.BlockSpec((_DM, _DM), lambda i: (0, 0)),
            pl.BlockSpec((1, _DM), lambda i: (0, 0)),
        ],
        out_specs=pl.BlockSpec((_BM, _DM), lambda i: (i, 0)),
        out_shape=jax.ShapeDtypeStruct((_B, _DM), jnp.float32),
    )(x, W1p, b1.reshape(1, _DM), W2, b2.reshape(1, _DM))
    return out[:, None, :]

# --- scband reference (transcript-rebuilt; emitter-appended) ---
"""Pipeline reference for scband-user-static-pathway-26405458936359 (READ-ONLY COPY).

The authoritative reference and input builder live on the scoring server;
editing this copy changes nothing except your own understanding.
"""

import jax, jax.numpy as jnp
import numpy as np

NUM_USERS = 1000000
NUM_FIELDS = 26
CAT_VOCAB = 100000
EMB_DIM = 64
D_MODEL = 512
BATCH = 4096
INPUT_DIM = EMB_DIM * (NUM_FIELDS + 1)


def setup_inputs(seed: int = 0) -> dict:
    key = jax.random.key(seed)
    k_uid, k_feat, k_ut, k_ft, k_w1, k_b1, k_w2, k_b2 = jax.random.split(key, 8)
    uid = jax.random.randint(k_uid, (BATCH,), 0, NUM_USERS, dtype=jnp.int32)
    onehot_feats = jax.random.randint(k_feat, (BATCH, NUM_FIELDS), 0, CAT_VOCAB, dtype=jnp.int32)
    uid_table = jax.random.normal(k_ut, (NUM_USERS, EMB_DIM), dtype=jnp.float32) * 0.02
    feat_tables = jax.random.normal(k_ft, (NUM_FIELDS, CAT_VOCAB, EMB_DIM), dtype=jnp.float32) * 0.02
    W1 = jax.random.normal(k_w1, (INPUT_DIM, D_MODEL), dtype=jnp.float32) * (1.0 / np.sqrt(INPUT_DIM))
    b1 = jax.random.normal(k_b1, (D_MODEL,), dtype=jnp.float32) * 0.01
    W2 = jax.random.normal(k_w2, (D_MODEL, D_MODEL), dtype=jnp.float32) * (1.0 / np.sqrt(D_MODEL))
    b2 = jax.random.normal(k_b2, (D_MODEL,), dtype=jnp.float32) * 0.01
    return {"uid": uid, "onehot_feats": onehot_feats, "uid_table": uid_table,
            "feat_tables": feat_tables, "W1": W1, "b1": b1, "W2": W2, "b2": b2}


def reference(uid, onehot_feats, uid_table, feat_tables, W1, b1, W2, b2):
    # uid embedding lookup
    uid_emb = jnp.take(uid_table, uid, axis=0)  # [B, emb_dim]
    # per-field categorical embedding lookups (gather from each field's table)
    field_idx = jnp.arange(NUM_FIELDS)[None, :]  # [1, F]
    feat_embs = feat_tables[field_idx, onehot_feats]  # [B, F, emb_dim]
    feat_embs = feat_embs.reshape(onehot_feats.shape[0], NUM_FIELDS * EMB_DIM)
    x = jnp.concatenate([uid_emb, feat_embs], axis=-1)  # [B, (F+1)*emb_dim]
    x = jax.nn.leaky_relu(x @ W1 + b1, negative_slope=0.01)
    out = x @ W2 + b2
    return out[:, None, :]  # unsqueeze(1)

if __name__ == "__main__":
    import jax
    _d = setup_inputs()
    print(jax.jit(kernel)(*tuple(_d.values())))

</pallas_src>

<mosaic_0001>
#map = affine_map<(d0, d1) -> (0)>
#map1 = affine_map<(d0, d1) -> (0, 0)>
module attributes {stable_mosaic.version = 14 : i64} {
  func.func @_gather_body(%arg0: i32, %arg1: i32, %arg2: memref<110592xi32, #tpu.memory_space<hbm>>, %arg3: memref<1000000x64xf32, #tpu.memory_space<hbm>>, %arg4: memref<2600000x64xf32, #tpu.memory_space<hbm>>, %arg5: memref<4096x1792xf32, #tpu.memory_space<hbm>>, %arg6: memref<864xi32, #tpu.memory_space<vmem>>, %arg7: memref<2x32x64xf32, #tpu.memory_space<vmem>>, %arg8: memref<32x1792xf32, #tpu.memory_space<vmem>>, %arg9: memref<!tpu.dma_semaphore, #tpu.memory_space<semaphore_mem>>) attributes {dimension_semantics = [#tpu.dimension_semantics<core_parallel>, #tpu.dimension_semantics<subcore_parallel>], iteration_bounds = array<i64: 2, 16>, scalar_prefetch = 0 : i64, scratch_operands = 4 : i64, tpu.core_type = #tpu.core_type<sc_vector_subcore>, window_params = [{transform_indices = #map}, {transform_indices = #map1}, {transform_indices = #map1}, {transform_indices = #map1}]} {
    %mul3A = arith.constant 2 : i32
    %mul3A_0 = arith.muli %arg1, %mul3A : i32
    %add3A = arith.addi %mul3A_0, %arg0 : i32
    %mul3A_1 = arith.constant 128 : i32
    %mul3A_2 = arith.muli %add3A, %mul3A_1 : i32
    %scan3A = arith.constant 0 : i32
    %scan3A_3 = arith.constant 4 : i32
    %scan3A_4 = arith.addi %scan3A, %scan3A_3 : i32
    %scan3A_5 = arith.constant 1 : i32
    scf.for %scan3A_7 = %scan3A to %scan3A_4 step %scan3A_5  : i32 {
      %mul3A_8 = arith.constant 1 : i32
      %mul3A_9 = arith.muli %scan3A_7, %mul3A_8 : i32
      %add3A_10 = arith.constant 0 : i32
      %add3A_11 = arith.addi %add3A_10, %mul3A_9 : i32
      %mul3A_12 = arith.constant 32 : i32
      %mul3A_13 = arith.muli %add3A_11, %mul3A_12 : i32
      %add3A_14 = arith.addi %mul3A_2, %mul3A_13 : i32
      %mul3A_15 = arith.constant 27 : i32
      %mul3A_16 = arith.muli %add3A_14, %mul3A_15 : i32
      "tpu.region"() ({
        %run_scoped3A = tpu.sem_alloc : memref<!tpu.dma_semaphore, #tpu.memory_space<semaphore_mem>>
        %dma_start3A_556 = tpu.memref_slice %arg2[%mul3A_16] : memref<110592xi32, #tpu.memory_space<hbm>> -> memref<864xi32, #tpu.memory_space<hbm>>
        %dma_start3A_557 = tpu.memref_slice %arg2[%mul3A_16] : memref<110592xi32, #tpu.memory_space<hbm>> -> memref<864xi32, #tpu.memory_space<hbm>>
        tpu.enqueue_dma source(%dma_start3A_557 : memref<864xi32, #tpu.memory_space<hbm>>) target(%arg6 : memref<864xi32, #tpu.memory_space<vmem>>) target_semaphore(%run_scoped3A : memref<!tpu.dma_semaphore, #tpu.memory_space<semaphore_mem>>)
        %dma_wait3A = tpu.memref_slice %arg2[%mul3A_16] : memref<110592xi32, #tpu.memory_space<hbm>> -> memref<864xi32, #tpu.memory_space<hbm>>
        %dma_wait3A_558 = tpu.memref_slice %arg2[%mul3A_16] : memref<110592xi32, #tpu.memory_space<hbm>> -> memref<864xi32, #tpu.memory_space<hbm>>
        tpu.wait_dma2 semaphore(%run_scoped3A : memref<!tpu.dma_semaphore, #tpu.memory_space<semaphore_mem>>) src(%dma_wait3A_558 : memref<864xi32, #tpu.memory_space<hbm>>) dst(%arg6 : memref<864xi32, #tpu.memory_space<vmem>>)
        tpu.yield
      }) : () -> ()
      %scan3A_17 = arith.constant 0 : i32
      %scan3A_18 = arith.constant 32 : i32
      %scan3A_19 = arith.addi %scan3A_17, %scan3A_18 : i32
      %scan3A_20 = arith.constant 1 : i32
      scf.for %scan3A_556 = %scan3A_17 to %scan3A_19 step %scan3A_20  : i32 {
        %mul3A_557 = arith.constant 1 : i32
        %mul3A_558 = arith.muli %scan3A_556, %mul3A_557 : i32
        %add3A_559 = arith.constant 0 : i32
        %add3A_560 = arith.addi %add3A_559, %mul3A_558 : i32
        %broadcast_in_dim3A = arith.constant 0.000000e+00 : f32
        %broadcast_in_dim3A_561 = vector.broadcast %broadcast_in_dim3A : f32 to vector<16xf32>
        %swap3A = arith.index_cast %add3A_560 : i32 to index
        %swap3A_562 = arith.constant 1728 : index
        %swap3A_563 = tpu.vector_load %arg8[%swap3A, %swap3A_562] {strides = array<i32>} : memref<32x1792xf32, #tpu.memory_space<vmem>>, vector<16xf32>,
        tpu.vector_store %arg8[%swap3A, %swap3A_562], %broadcast_in_dim3A_561 {strides = array<i32>} : memref<32x1792xf32, #tpu.memory_space<vmem>>, vector<16xf32>,
        %broadcast_in_dim3A_564 = arith.constant 0.000000e+00 : f32
        %broadcast_in_dim3A_565 = vector.broadcast %broadcast_in_dim3A_564 : f32 to vector<16xf32>
        %swap3A_566 = arith.index_cast %add3A_560 : i32 to index
        %swap3A_567 = arith.constant 1744 : index
        %swap3A_568 = tpu.vector_load %arg8[%swap3A_566, %swap3A_567] {strides = array<i32>} : memref<32x1792xf32, #tpu.memory_space<vmem>>, vector<16xf32>,
        tpu.vector_store %arg8[%swap3A_566, %swap3A_567], %broadcast_in_dim3A_565 {strides = array<i32>} : memref<32x1792xf32, #tpu.memory_space<vmem>>, vector<16xf32>,
        %broadcast_in_dim3A_569 = arith.constant 0.000000e+00 : f32
        %broadcast_in_dim3A_570 = vector.broadcast %broadcast_in_dim3A_569 : f32 to vector<16xf32>
        %swap3A_571 = arith.index_cast %add3A_560 : i32 to index
        %swap3A_572 = arith.constant 1760 : index
        %swap3A_573 = tpu.vector_load %arg8[%swap3A_571, %swap3A_572] {strides = array<i32>} : memref<32x1792xf32, #tpu.memory_space<vmem>>, vector<16xf32>,
        tpu.vector_store %arg8[%swap3A_571, %swap3A_572], %broadcast_in_dim3A_570 {strides = array<i32>} : memref<32x1792xf32, #tpu.memory_space<vmem>>, vector<16xf32>,
        %broadcast_in_dim3A_574 = arith.constant 0.000000e+00 : f32
        %broadcast_in_dim3A_575 = vector.broadcast %broadcast_in_dim3A_574 : f32 to vector<16xf32>
        %swap3A_576 = arith.index_cast %add3A_560 : i32 to index
        %swap3A_577 = arith.constant 1776 : index
        %swap3A_578 = tpu.vector_load %arg8[%swap3A_576, %swap3A_577] {strides = array<i32>} : memref<32x1792xf32, #tpu.memory_space<vmem>>, vector<16xf32>,
        tpu.vector_store %arg8[%swap3A_576, %swap3A_577], %broadcast_in_dim3A_575 {strides = array<i32>} : memref<32x1792xf32, #tpu.memory_space<vmem>>, vector<16xf32>,
      }
      %scan3A_21 = arith.constant 32 : i32
      %iota3A = tpu.iota {dimensions = array<i32: 0>} : vector<16xi32>
      %add3A_22 = arith.constant 0 : i32
      %add3A_23 = vector.broadcast %add3A_22 : i32 to vector<16xi32>
      %add3A_24 = arith.addi %iota3A, %add3A_23 : vector<16xi32>
      %mul3A_25 = arith.constant 27 : i32
      %mul3A_26 = vector.broadcast %mul3A_25 : i32 to vector<16xi32>
      %mul3A_27 = arith.muli %add3A_24, %mul3A_26 : vector<16xi32>
      %add3A_28 = arith.constant 0 : i32
      %add3A_29 = vector.broadcast %add3A_28 : i32 to vector<16xi32>
      %add3A_30 = arith.addi %mul3A_27, %add3A_29 : vector<16xi32>
      %gather3A = tpu.vector_load_idx %arg6[%add3A_30] : memref<864xi32, #tpu.memory_space<vmem>>[vector<16xi32>], vector<16xi32>,
      %slice3A = vector.extract_strided_slice %gather3A {offsets = [0], sizes = [1], strides = [1]} : vector<16xi32> to vector<1xi32>
      %squeeze3A = vector.extract %slice3A[0] : i32 from vector<1xi32>
      %dma_start3A = arith.constant 0 : i32
      %dma_start3A_31 = arith.constant 0 : i32
      %dma_start3A_32 = arith.constant 0 : i32
      %dma_start3A_33 = tpu.memref_slice %arg7[%dma_start3A, %dma_start3A_31, %dma_start3A_32] : memref<2x32x64xf32, #tpu.memory_space<vmem>> -> memref<1x1x64xf32, #tpu.memory_space<vmem>>
      %dma_start3A_34 = tpu.memref_squeeze %dma_start3A_33 : memref<1x1x64xf32, #tpu.memory_space<vmem>> -> memref<64xf32, #tpu.memory_space<vmem>>
      %dma_start3A_35 = arith.constant 0 : i32
      %dma_start3A_36 = tpu.memref_slice %arg3[%squeeze3A, %dma_start3A_35] : memref<1000000x64xf32, #tpu.memory_space<hbm>> -> memref<1x64xf32, #tpu.memory_space<hbm>>
      %dma_start3A_37 = tpu.memref_squeeze %dma_start3A_36 : memref<1x64xf32, #tpu.memory_space<hbm>> -> memref<64xf32, #tpu.memory_space<hbm>>
      %dma_start3A_38 = arith.constant 0 : i32
      %dma_start3A_39 = tpu.memref_slice %arg7[%dma_start3A, %dma_start3A_31, %dma_start3A_38] : memref<2x32x64xf32, #tpu.memory_space<vmem>> -> memref<1x1x64xf32, #tpu.memory_space<vmem>>
      %dma_start3A_40 = tpu.memref_squeeze %dma_start3A_39 : memref<1x1x64xf32, #tpu.memory_space<vmem>> -> memref<64xf32, #tpu.memory_space<vmem>>
      %dma_start3A_41 = arith.constant 0 : i32
      %dma_start3A_42 = tpu.memref_slice %arg3[%squeeze3A, %dma_start3A_41] : memref<1000000x64xf32, #tpu.memory_space<hbm>> -> memref<1x64xf32, #tpu.memory_space<hbm>>
      %dma_start3A_43 = tpu.memref_squeeze %dma_start3A_42 : memref<1x64xf32, #tpu.memory_space<hbm>> -> memref<64xf32, #tpu.memory_space<hbm>>
      tpu.enqueue_dma source(%dma_start3A_43 : memref<64xf32, #tpu.memory_space<hbm>>) target(%dma_start3A_40 : memref<64xf32, #tpu.memory_space<vmem>>) target_semaphore(%arg9 : memref<!tpu.dma_semaphore, #tpu.memory_space<semaphore_mem>>)
      %slice3A_44 = vector.extract_strided_slice %gather3A {offsets = [1], sizes = [1], strides = [1]} : vector<16xi32> to vector<1xi32>
      %squeeze3A_45 = vector.extract %slice3A_44[0] : i32 from vector<1xi32>
      %dma_start3A_46 = arith.constant 0 : i32
      %dma_start3A_47 = arith.constant 1 : i32
      %dma_start3A_48 = arith.constant 0 : i32
      %dma_start3A_49 = tpu.memref_slice %arg7[%dma_start3A_46, %dma_start3A_47, %dma_start3A_48] : memref<2x32x64xf32, #tpu.memory_space<vmem>> -> memref<1x1x64xf32, #tpu.memory_space<vmem>>
      %dma_start3A_50 = tpu.memref_squeeze %dma_start3A_49 : memref<1x1x64xf32, #tpu.memory_space<vmem>> -> memref<64xf32, #tpu.memory_space<vmem>>
      %dma_start3A_51 = arith.constant 0 : i32
      %dma_start3A_52 = tpu.memref_slice %arg3[%squeeze3A_45, %dma_start3A_51] : memref<1000000x64xf32, #tpu.memory_space<hbm>> -> memref<1x64xf32, #tpu.memory_space<hbm>>
      %dma_start3A_53 = tpu.memref_squeeze %dma_start3A_52 : memref<1x64xf32, #tpu.memory_space<hbm>> -> memref<64xf32, #tpu.memory_space<hbm>>
      %dma_start3A_54 = arith.constant 0 : i32
      %dma_start3A_55 = tpu.memref_slice %arg7[%dma_start3A_46, %dma_start3A_47, %dma_start3A_54] : memref<2x32x64xf32, #tpu.memory_space<vmem>> -> memref<1x1x64xf32, #tpu.memory_space<vmem>>
      %dma_start3A_56 = tpu.memref_squeeze %dma_start3A_55 : memref<1x1x64xf32, #tpu.memory_space<vmem>> -> memref<64xf32, #tpu.memory_space<vmem>>
      %dma_start3A_57 = arith.constant 0 : i32
      %dma_start3A_58 = tpu.memref_slice %arg3[%squeeze3A_45, %dma_start3A_57] : memref<1000000x64xf32, #tpu.memory_space<hbm>> -> memref<1x64xf32, #tpu.memory_space<hbm>>
      %dma_start3A_59 = tpu.memref_squeeze %dma_start3A_58 : memref<1x64xf32, #tpu.memory_space<hbm>> -> memref<64xf32, #tpu.memory_space<hbm>>
      tpu.enqueue_dma source(%dma_start3A_59 : memref<64xf32, #tpu.memory_space<hbm>>) target(%dma_start3A_56 : memref<64xf32, #tpu.memory_space<vmem>>) target_semaphore(%arg9 : memref<!tpu.dma_semaphore, #tpu.memory_space<semaphore_mem>>)
      %slice3A_60 = vector.extract_strided_slice %gather3A {offsets = [2], sizes = [1], strides = [1]} : vector<16xi32> to vector<1xi32>
      %squeeze3A_61 = vector.extract %slice3A_60[0] : i32 from vector<1xi32>
      %dma_start3A_62 = arith.constant 0 : i32
      %dma_start3A_63 = arith.constant 2 : i32
      %dma_start3A_64 = arith.constant 0 : i32
      %dma_start3A_65 = tpu.memref_slice %arg7[%dma_start3A_62, %dma_start3A_63, %dma_start3A_64] : memref<2x32x64xf32, #tpu.memory_space<vmem>> -> memref<1x1x64xf32, #tpu.memory_space<vmem>>
      %dma_start3A_66 = tpu.memref_squeeze %dma_start3A_65 : memref<1x1x64xf32, #tpu.memory_space<vmem>> -> memref<64xf32, #tpu.memory_space<vmem>>
      %dma_start3A_67 = arith.constant 0 : i32
      %dma_start3A_68 = tpu.memref_slice %arg3[%squeeze3A_61, %dma_start3A_67] : memref<1000000x64xf32, #tpu.memory_space<hbm>> -> memref<1x64xf32, #tpu.memory_space<hbm>>
      %dma_start3A_69 = tpu.memref_squeeze %dma_start3A_68 : memref<1x64xf32, #tpu.memory_space<hbm>> -> memref<64xf32, #tpu.memory_space<hbm>>
      %dma_start3A_70 = arith.constant 0 : i32
      %dma_start3A_71 = tpu.memref_slice %arg7[%dma_start3A_62, %dma_start3A_63, %dma_start3A_70] : memref<2x32x64xf32, #tpu.memory_space<vmem>> -> memref<1x1x64xf32, #tpu.memory_space<vmem>>
      %dma_start3A_72 = tpu.memref_squeeze %dma_start3A_71 : memref<1x1x64xf32, #tpu.memory_space<vmem>> -> memref<64xf32, #tpu.memory_space<vmem>>
      %dma_start3A_73 = arith.constant 0 : i32
      %dma_start3A_74 = tpu.memref_slice %arg3[%squeeze3A_61, %dma_start3A_73] : memref<1000000x64xf32, #tpu.memory_space<hbm>> -> memref<1x64xf32, #tpu.memory_space<hbm>>
      %dma_start3A_75 = tpu.memref_squeeze %dma_start3A_74 : memref<1x64xf32, #tpu.memory_space<hbm>> -> memref<64xf32, #tpu.memory_space<hbm>>
      tpu.enqueue_dma source(%dma_start3A_75 : memref<64xf32, #tpu.memory_space<hbm>>) target(%dma_start3A_72 : memref<64xf32, #tpu.memory_space<vmem>>) target_semaphore(%arg9 : memref<!tpu.dma_semaphore, #tpu.memory_space<semaphore_mem>>)
      %slice3A_76 = vector.extract_strided_slice %gather3A {offsets = [3], sizes = [1], strides = [1]} : vector<16xi32> to vector<1xi32>
      %squeeze3A_77 = vector.extract %slice3A_76[0] : i32 from vector<1xi32>
      %dma_start3A_78 = arith.constant 0 : i32
      %dma_start3A_79 = arith.constant 3 : i32
      %dma_start3A_80 = arith.constant 0 : i32
      %dma_start3A_81 = tpu.memref_slice %arg7[%dma_start3A_78, %dma_start3A_79, %dma_start3A_80] : memref<2x32x64xf32, #tpu.memory_space<vmem>> -> memref<1x1x64xf32, #tpu.memory_space<vmem>>
      %dma_start3A_82 = tpu.memref_squeeze %dma_start3A_81 : memref<1x1x64xf32, #tpu.memory_space<vmem>> -> memref<64xf32, #tpu.memory_space<vmem>>
      %dma_start3A_83 = arith.constant 0 : i32
      %dma_start3A_84 = tpu.memref_slice %arg3[%squeeze3A_77, %dma_start3A_83] : memref<1000000x64xf32, #tpu.memory_space<hbm>> -> memref<1x64xf32, #tpu.memory_space<hbm>>
      %dma_start3A_85 = tpu.memref_squeeze %dma_start3A_84 : memref<1x64xf32, #tpu.memory_space<hbm>> -> memref<64xf32, #tpu.memory_space<hbm>>
      %dma_start3A_86 = arith.constant 0 : i32
      %dma_start3A_87 = tpu.memref_slice %arg7[%dma_start3A_78, %dma_start3A_79, %dma_start3A_86] : memref<2x32x64xf32, #tpu.memory_space<vmem>> -> memref<1x1x64xf32, #tpu.memory_space<vmem>>
      %dma_start3A_88 = tpu.memref_squeeze %dma_start3A_87 : memref<1x1x64xf32, #tpu.memory_space<vmem>> -> memref<64xf32, #tpu.memory_space<vmem>>
      %dma_start3A_89 = arith.constant 0 : i32
      %dma_start3A_90 = tpu.memref_slice %arg3[%squeeze3A_77, %dma_start3A_89] : memref<1000000x64xf32, #tpu.memory_space<hbm>> -> memref<1x64xf32, #tpu.memory_space<hbm>>
      %dma_start3A_91 = tpu.memref_squeeze %dma_start3A_90 : memref<1x64xf32, #tpu.memory_space<hbm>> -> memref<64xf32, #tpu.memory_space<hbm>>
      tpu.enqueue_dma source(%dma_start3A_91 : memref<64xf32, #tpu.memory_space<hbm>>) target(%dma_start3A_88 : memref<64xf32, #tpu.memory_space<vmem>>) target_semaphore(%arg9 : memref<!tpu.dma_semaphore, #tpu.memory_space<semaphore_mem>>)
      %slice3A_92 = vector.extract_strided_slice %gather3A {offsets = [4], sizes = [1], strides = [1]} : vector<16xi32> to vector<1xi32>
      %squeeze3A_93 = vector.extract %slice3A_92[0] : i32 from vector<1xi32>
      %dma_start3A_94 = arith.constant 0 : i32
      %dma_start3A_95 = arith.constant 4 : i32
      %dma_start3A_96 = arith.constant 0 : i32
      %dma_start3A_97 = tpu.memref_slice %arg7[%dma_start3A_94, %dma_start3A_95, %dma_start3A_96] : memref<2x32x64xf32, #tpu.memory_space<vmem>> -> memref<1x1x64xf32, #tpu.memory_space<vmem>>
      %dma_start3A_98 = tpu.memref_squeeze %dma_start3A_97 : memref<1x1x64xf32, #tpu.memory_space<vmem>> -> memref<64xf32, #tpu.memory_space<vmem>>
      %dma_start3A_99 = arith.constant 0 : i32
      %dma_start3A_100 = tpu.memref_slice %arg3[%squeeze3A_93, %dma_start3A_99] : memref<1000000x64xf32, #tpu.memory_space<hbm>> -> memref<1x64xf32, #tpu.memory_space<hbm>>
      %dma_start3A_101 = tpu.memref_squeeze %dma_start3A_100 : memref<1x64xf32, #tpu.memory_space<hbm>> -> memref<64xf32, #tpu.memory_space<hbm>>
      %dma_start3A_102 = arith.constant 0 : i32
      %dma_start3A_103 = tpu.memref_slice %arg7[%dma_start3A_94, %dma_start3A_95, %dma_start3A_102] : memref<2x32x64xf32, #tpu.memory_space<vmem>> -> memref<1x1x64xf32, #tpu.memory_space<vmem>>
      %dma_start3A_104 = tpu.memref_squeeze %dma_start3A_103 : memref<1x1x64xf32, #tpu.memory_space<vmem>> -> memref<64xf32, #tpu.memory_space<vmem>>
      %dma_start3A_105 = arith.constant 0 : i32
      %dma_start3A_106 = tpu.memref_slice %arg3[%squeeze3A_93, %dma_start3A_105] : memref<1000000x64xf32, #tpu.memory_space<hbm>> -> memref<1x64xf32, #tpu.memory_space<hbm>>
      %dma_start3A_107 = tpu.memref_squeeze %dma_start3A_106 : memref<1x64xf32, #tpu.memory_space<hbm>> -> memref<64xf32, #tpu.memory_space<hbm>>
      tpu.enqueue_dma source(%dma_start3A_107 : memref<64xf32, #tpu.memory_space<hbm>>) target(%dma_start3A_104 : memref<64xf32, #tpu.memory_space<vmem>>) target_semaphore(%arg9 : memref<!tpu.dma_semaphore, #tpu.memory_space<semaphore_mem>>)
      %slice3A_108 = vector.extract_strided_slice %gather3A {offsets = [5], sizes = [1], strides = [1]} : vector<16xi32> to vector<1xi32>
      %squeeze3A_109 = vector.extract %slice3A_108[0] : i32 from vector<1xi32>
      %dma_start3A_110 = arith.constant 0 : i32
      %dma_start3A_111 = arith.constant 5 : i32
      %dma_start3A_112 = arith.constant 0 : i32
      %dma_start3A_113 = tpu.memref_slice %arg7[%dma_start3A_110, %dma_start3A_111, %dma_start3A_112] : memref<2x32x64xf32, #tpu.memory_space<vmem>> -> memref<1x1x64xf32, #tpu.memory_space<vmem>>
      %dma_start3A_114 = tpu.memref_squeeze %dma_start3A_113 : memref<1x1x64xf32, #tpu.memory_space<vmem>> -> memref<64xf32, #tpu.memory_space<vmem>>
      %dma_start3A_115 = arith.constant 0 : i32
      %dma_start3A_116 = tpu.memref_slice %arg3[%squeeze3A_109, %dma_start3A_115] : memref<1000000x64xf32, #tpu.memory_space<hbm>> -> memref<1x64xf32, #tpu.memory_space<hbm>>
      %dma_start3A_117 = tpu.memref_squeeze %dma_start3A_116 : memref<1x64xf32, #tpu.memory_space<hbm>> -> memref<64xf32, #tpu.memory_space<hbm>>
      %dma_start3A_118 = arith.constant 0 : i32
      %dma_start3A_119 = tpu.memref_slice %arg7[%dma_start3A_110, %dma_start3A_111, %dma_start3A_118] : memref<2x32x64xf32, #tpu.memory_space<vmem>> -> memref<1x1x64xf32, #tpu.memory_space<vmem>>
      %dma_start3A_120 = tpu.memref_squeeze %dma_start3A_119 : memref<1x1x64xf32, #tpu.memory_space<vmem>> -> memref<64xf32, #tpu.memory_space<vmem>>
      %dma_start3A_121 = arith.constant 0 : i32
      %dma_start3A_122 = tpu.memref_slice %arg3[%squeeze3A_109, %dma_start3A_121] : memref<1000000x64xf32, #tpu.memory_space<hbm>> -> memref<1x64xf32, #tpu.memory_space<hbm>>
      %dma_start3A_123 = tpu.memref_squeeze %dma_start3A_122 : memref<1x64xf32, #tpu.memory_space<hbm>> -> memref<64xf32, #tpu.memory_space<hbm>>
      tpu.enqueue_dma source(%dma_start3A_123 : memref<64xf32, #tpu.memory_space<hbm>>) target(%dma_start3A_120 : memref<64xf32, #tpu.memory_space<vmem>>) target_semaphore(%arg9 : memref<!tpu.dma_semaphore, #tpu.memory_space<semaphore_mem>>)
      %slice3A_124 = vector.extract_strided_slice %gather3A {offsets = [6], sizes = [1], strides = [1]} : vector<16xi32> to vector<1xi32>
      %squeeze3A_125 = vector.extract %slice3A_124[0] : i32 from vector<1xi32>
      %dma_start3A_126 = arith.constant 0 : i32
      %dma_start3A_127 = arith.constant 6 : i32
      %dma_start3A_128 = arith.constant 0 : i32
      %dma_start3A_129 = tpu.memref_slice %arg7[%dma_start3A_126, %dma_start3A_127, %dma_start3A_128] : memref<2x32x64xf32, #tpu.memory_space<vmem>> -> memref<1x1x64xf32, #tpu.memory_space<vmem>>
      %dma_start3A_130 = tpu.memref_squeeze %dma_start3A_129 : memref<1x1x64xf32, #tpu.memory_space<vmem>> -> memref<64xf32, #tpu.memory_space<vmem>>
      %dma_start3A_131 = arith.constant 0 : i32
      %dma_start3A_132 = tpu.memref_slice %arg3[%squeeze3A_125, %dma_start3A_131] : memref<1000000x64xf32, #tpu.memory_space<hbm>> -> memref<1x64xf32, #tpu.memory_space<hbm>>
      %dma_start3A_133 = tpu.memref_squeeze %dma_start3A_132 : memref<1x64xf32, #tpu.memory_space<hbm>> -> memref<64xf32, #tpu.memory_space<hbm>>
      %dma_start3A_134 = arith.constant 0 : i32
      %dma_start3A_135 = tpu.memref_slice %arg7[%dma_start3A_126, %dma_start3A_127, %dma_start3A_134] : memref<2x32x64xf32, #tpu.memory_space<vmem>> -> memref<1x1x64xf32, #tpu.memory_space<vmem>>
      %dma_start3A_136 = tpu.memref_squeeze %dma_start3A_135 : memref<1x1x64xf32, #tpu.memory_space<vmem>> -> memref<64xf32, #tpu.memory_space<vmem>>
      %dma_start3A_137 = arith.constant 0 : i32
      %dma_start3A_138 = tpu.memref_slice %arg3[%squeeze3A_125, %dma_start3A_137] : memref<1000000x64xf32, #tpu.memory_space<hbm>> -> memref<1x64xf32, #tpu.memory_space<hbm>>
      %dma_start3A_139 = tpu.memref_squeeze %dma_start3A_138 : memref<1x64xf32, #tpu.memory_space<hbm>> -> memref<64xf32, #tpu.memory_space<hbm>>
      tpu.enqueue_dma source(%dma_start3A_139 : memref<64xf32, #tpu.memory_space<hbm>>) target(%dma_start3A_136 : memref<64xf32, #tpu.memory_space<vmem>>) target_semaphore(%arg9 : memref<!tpu.dma_semaphore, #tpu.memory_space<semaphore_mem>>)
      %slice3A_140 = vector.extract_strided_slice %gather3A {offsets = [7], sizes = [1], strides = [1]} : vector<16xi32> to vector<1xi32>
      %squeeze3A_141 = vector.extract %slice3A_140[0] : i32 from vector<1xi32>
      %dma_start3A_142 = arith.constant 0 : i32
      %dma_start3A_143 = arith.constant 7 : i32
      %dma_start3A_144 = arith.constant 0 : i32
      %dma_start3A_145 = tpu.memref_slice %arg7[%dma_start3A_142, %dma_start3A_143, %dma_start3A_144] : memref<2x32x64xf32, #tpu.memory_space<vmem>> -> memref<1x1x64xf32, #tpu.memory_space<vmem>>
      %dma_start3A_146 = tpu.memref_squeeze %dma_start3A_145 : memref<1x1x64xf32, #tpu.memory_space<vmem>> -> memref<64xf32, #tpu.memory_space<vmem>>
      %dma_start3A_147 = arith.constant 0 : i32
      %dma_start3A_148 = tpu.memref_slice %arg3[%squeeze3A_141, %dma_start3A_147] : memref<1000000x64xf32, #tpu.memory_space<hbm>> -> memref<1x64xf32, #tpu.memory_space<hbm>>
      %dma_start3A_149 = tpu.memref_squeeze %dma_start3A_148 : memref<1x64xf32, #tpu.memory_space<hbm>> -> memref<64xf32, #tpu.memory_space<hbm>>
      %dma_start3A_150 = arith.constant 0 : i32
      %dma_start3A_151 = tpu.memref_slice %arg7[%dma_start3A_142, %dma_start3A_143, %dma_start3A_150] : memref<2x32x64xf32, #tpu.memory_space<vmem>> -> memref<1x1x64xf32, #tpu.memory_space<vmem>>
      %dma_start3A_152 = tpu.memref_squeeze %dma_start3A_151 : memref<1x1x64xf32, #tpu.memory_space<vmem>> -> memref<64xf32, #tpu.memory_space<vmem>>
      %dma_start3A_153 = arith.constant 0 : i32
      %dma_start3A_154 = tpu.memref_slice %arg3[%squeeze3A_141, %dma_start3A_153] : memref<1000000x64xf32, #tpu.memory_space<hbm>> -> memref<1x64xf32, #tpu.memory_space<hbm>>
      %dma_start3A_155 = tpu.memref_squeeze %dma_start3A_154 : memref<1x64xf32, #tpu.memory_space<hbm>> -> memref<64xf32, #tpu.memory_space<hbm>>
      tpu.enqueue_dma source(%dma_start3A_155 : memref<64xf32, #tpu.memory_space<hbm>>) target(%dma_start3A_152 : memref<64xf32, #tpu.memory_space<vmem>>) target_semaphore(%arg9 : memref<!tpu.dma_semaphore, #tpu.memory_space<semaphore_mem>>)
      %slice3A_156 = vector.extract_strided_slice %gather3A {offsets = [8], sizes = [1], strides = [1]} : vector<16xi32> to vector<1xi32>
      %squeeze3A_157 = vector.extract %slice3A_156[0] : i32 from vector<1xi32>
      %dma_start3A_158 = arith.constant 0 : i32
      %dma_start3A_159 = arith.constant 8 : i32
      %dma_start3A_160 = arith.constant 0 : i32
      %dma_start3A_161 = tpu.memref_slice %arg7[%dma_start3A_158, %dma_start3A_159, %dma_start3A_160] : memref<2x32x64xf32, #tpu.memory_space<vmem>> -> memref<1x1x64xf32, #tpu.memory_space<vmem>>
      %dma_start3A_162 = tpu.memref_squeeze %dma_start3A_161 : memref<1x1x64xf32, #tpu.memory_space<vmem>> -> memref<64xf32, #tpu.memory_space<vmem>>
      %dma_start3A_163 = arith.constant 0 : i32
      %dma_start3A_164 = tpu.memref_slice %arg3[%squeeze3A_157, %dma_start3A_163] : memref<1000000x64xf32, #tpu.memory_space<hbm>> -> memref<1x64xf32, #tpu.memory_space<hbm>>
      %dma_start3A_165 = tpu.memref_squeeze %dma_start3A_164 : memref<1x64xf32, #tpu.memory_space<hbm>> -> memref<64xf32, #tpu.memory_space<hbm>>
      %dma_start3A_166 = arith.constant 0 : i32
      %dma_start3A_167 = tpu.memref_slice %arg7[%dma_start3A_158, %dma_start3A_159, %dma_start3A_166] : memref<2x32x64xf32, #tpu.memory_space<vmem>> -> memref<1x1x64xf32, #tpu.memory_space<vmem>>
      %dma_start3A_168 = tpu.memref_squeeze %dma_start3A_167 : memref<1x1x64xf32, #tpu.memory_space<vmem>> -> memref<64xf32, #tpu.memory_space<vmem>>
      %dma_start3A_169 = arith.constant 0 : i32
      %dma_start3A_170 = tpu.memref_slice %arg3[%squeeze3A_157, %dma_start3A_169] : memref<1000000x64xf32, #tpu.memory_space<hbm>> -> memref<1x64xf32, #tpu.memory_space<hbm>>
      %dma_start3A_171 = tpu.memref_squeeze %dma_start3A_170 : memref<1x64xf32, #tpu.memory_space<hbm>> -> memref<64xf32, #tpu.memory_space<hbm>>
      tpu.enqueue_dma source(%dma_start3A_171 : memref<64xf32, #tpu.memory_space<hbm>>) target(%dma_start3A_168 : memref<64xf32, #tpu.memory_space<vmem>>) target_semaphore(%arg9 : memref<!tpu.dma_semaphore, #tpu.memory_space<semaphore_mem>>)
      %slice3A_172 = vector.extract_strided_slice %gather3A {offsets = [9], sizes = [1], strides = [1]} : vector<16xi32> to vector<1xi32>
      %squeeze3A_173 = vector.extract %slice3A_172[0] : i32 from vector<1xi32>
      %dma_start3A_174 = arith.constant 0 : i32
      %dma_start3A_175 = arith.constant 9 : i32
      %dma_start3A_176 = arith.constant 0 : i32
      %dma_start3A_177 = tpu.memref_slice %arg7[%dma_start3A_174, %dma_start3A_175, %dma_start3A_176] : memref<2x32x64xf32, #tpu.memory_space<vmem>> -> memref<1x1x64xf32, #tpu.memory_space<vmem>>
      %dma_start3A_178 = tpu.memref_squeeze %dma_start3A_177 : memref<1x1x64xf32, #tpu.memory_space<vmem>> -> memref<64xf32, #tpu.memory_space<vmem>>
      %dma_start3A_179 = arith.constant 0 : i32
      %dma_start3A_180 = tpu.memref_slice %arg3[%squeeze3A_173, %dma_start3A_179] : memref<1000000x64xf32, #tpu.memory_space<hbm>> -> memref<1x64xf32, #tpu.memory_space<hbm>>
      %dma_start3A_181 = tpu.memref_squeeze %dma_start3A_180 : memref<1x64xf32, #tpu.memory_space<hbm>> -> memref<64xf32, #tpu.memory_space<hbm>>
      %dma_start3A_182 = arith.constant 0 : i32
      %dma_start3A_183 = tpu.memref_slice %arg7[%dma_start3A_174, %dma_start3A_175, %dma_start3A_182] : memref<2x32x64xf32, #tpu.memory_space<vmem>> -> memref<1x1x64xf32, #tpu.memory_space<vmem>>
      %dma_start3A_184 = tpu.memref_squeeze %dma_start3A_183 : memref<1x1x64xf32, #tpu.memory_space<vmem>> -> memref<64xf32, #tpu.memory_space<vmem>>
      %dma_start3A_185 = arith.constant 0 : i32
      %dma_start3A_186 = tpu.memref_slice %arg3[%squeeze3A_173, %dma_start3A_185] : memref<1000000x64xf32, #tpu.memory_space<hbm>> -> memref<1x64xf32, #tpu.memory_space<hbm>>
      %dma_start3A_187 = tpu.memref_squeeze %dma_start3A_186 : memref<1x64xf32, #tpu.memory_space<hbm>> -> memref<64xf32, #tpu.memory_space<hbm>>
      tpu.enqueue_dma source(%dma_start3A_187 : memref<64xf32, #tpu.memory_space<hbm>>) target(%dma_start3A_184 : memref<64xf32, #tpu.memory_space<vmem>>) target_semaphore(%arg9 : memref<!tpu.dma_semaphore, #tpu.memory_space<semaphore_mem>>)
      %slice3A_188 = vector.extract_strided_slice %gather3A {offsets = [10], sizes = [1], strides = [1]} : vector<16xi32> to vector<1xi32>
      %squeeze3A_189 = vector.extract %slice3A_188[0] : i32 from vector<1xi32>
      %dma_start3A_190 = arith.constant 0 : i32
      %dma_start3A_191 = arith.constant 10 : i32
      %dma_start3A_192 = arith.constant 0 : i32
      %dma_start3A_193 = tpu.memref_slice %arg7[%dma_start3A_190, %dma_start3A_191, %dma_start3A_192] : memref<2x32x64xf32, #tpu.memory_space<vmem>> -> memref<1x1x64xf32, #tpu.memory_space<vmem>>
      %dma_start3A_194 = tpu.memref_squeeze %dma_start3A_193 : memref<1x1x64xf32, #tpu.memory_space<vmem>> -> memref<64xf32, #tpu.memory_space<vmem>>
      %dma_start3A_195 = arith.constant 0 : i32
      %dma_start3A_196 = tpu.memref_slice %arg3[%squeeze3A_189, %dma_start3A_195] : memref<1000000x64xf32, #tpu.memory_space<hbm>> -> memref<1x64xf32, #tpu.memory_space<hbm>>
      %dma_start3A_197 = tpu.memref_squeeze %dma_start3A_196 : memref<1x64xf32, #tpu.memory_space<hbm>> -> memref<64xf32, #tpu.memory_space<hbm>>
      %dma_start3A_198 = arith.constant 0 : i32
      %dma_start3A_199 = tpu.memref_slice %arg7[%dma_start3A_190, %dma_start3A_191, %dma_start3A_198] : memref<2x32x64xf32, #tpu.memory_space<vmem>> -> memref<1x1x64xf32, #tpu.memory_space<vmem>>
      %dma_start3A_200 = tpu.memref_squeeze %dma_start3A_199 : memref<1x1x64xf32, #tpu.memory_space<vmem>> -> memref<64xf32, #tpu.memory_space<vmem>>
      %dma_start3A_201 = arith.constant 0 : i32
      %dma_start3A_202 = tpu.memref_slice %arg3[%squeeze3A_189, %dma_start3A_201] : memref<1000000x64xf32, #tpu.memory_space<hbm>> -> memref<1x64xf32, #tpu.memory_space<hbm>>
      %dma_start3A_203 = tpu.memref_squeeze %dma_start3A_202 : memref<1x64xf32, #tpu.memory_space<hbm>> -> memref<64xf32, #tpu.memory_space<hbm>>
      tpu.enqueue_dma source(%dma_start3A_203 : memref<64xf32, #tpu.memory_space<hbm>>) target(%dma_start3A_200 : memref<64xf32, #tpu.memory_space<vmem>>) target_semaphore(%arg9 : memref<!tpu.dma_semaphore, #tpu.memory_space<semaphore_mem>>)
      %slice3A_204 = vector.extract_strided_slice %gather3A {offsets = [11], sizes = [1], strides = [1]} : vector<16xi32> to vector<1xi32>
      %squeeze3A_205 = vector.extract %slice3A_204[0] : i32 from vector<1xi32>
      %dma_start3A_206 = arith.constant 0 : i32
      %dma_start3A_207 = arith.constant 11 : i32
      %dma_start3A_208 = arith.constant 0 : i32
      %dma_start3A_209 = tpu.memref_slice %arg7[%dma_start3A_206, %dma_start3A_207, %dma_start3A_208] : memref<2x32x64xf32, #tpu.memory_space<vmem>> -> memref<1x1x64xf32, #tpu.memory_space<vmem>>
      %dma_start3A_210 = tpu.memref_squeeze %dma_start3A_209 : memref<1x1x64xf32, #tpu.memory_space<vmem>> -> memref<64xf32, #tpu.memory_space<vmem>>
      %dma_start3A_211 = arith.constant 0 : i32
      %dma_start3A_212 = tpu.memref_slice %arg3[%squeeze3A_205, %dma_start3A_211] : memref<1000000x64xf32, #tpu.memory_space<hbm>> -> memref<1x64xf32, #tpu.memory_space<hbm>>
      %dma_start3A_213 = tpu.memref_squeeze %dma_start3A_212 : memref<1x64xf32, #tpu.memory_space<hbm>> -> memref<64xf32, #tpu.memory_space<hbm>>
      %dma_start3A_214 = arith.constant 0 : i32
      %dma_start3A_215 = tpu.memref_slice %arg7[%dma_start3A_206, %dma_start3A_207, %dma_start3A_214] : memref<2x32x64xf32, #tpu.memory_space<vmem>> -> memref<1x1x64xf32, #tpu.memory_space<vmem>>
      %dma_start3A_216 = tpu.memref_squeeze %dma_start3A_215 : memref<1x1x64xf32, #tpu.memory_space<vmem>> -> memref<64xf32, #tpu.memory_space<vmem>>
      %dma_start3A_217 = arith.constant 0 : i32
      %dma_start3A_218 = tpu.memref_slice %arg3[%squeeze3A_205, %dma_start3A_217] : memref<1000000x64xf32, #tpu.memory_space<hbm>> -> memref<1x64xf32, #tpu.memory_space<hbm>>
      %dma_start3A_219 = tpu.memref_squeeze %dma_start3A_218 : memref<1x64xf32, #tpu.memory_space<hbm>> -> memref<64xf32, #tpu.memory_space<hbm>>
      tpu.enqueue_dma source(%dma_start3A_219 : memref<64xf32, #tpu.memory_space<hbm>>) target(%dma_start3A_216 : memref<64xf32, #tpu.memory_space<vmem>>) target_semaphore(%arg9 : memref<!tpu.dma_semaphore, #tpu.memory_space<semaphore_mem>>)
      %slice3A_220 = vector.extract_strided_slice %gather3A {offsets = [12], sizes = [1], strides = [1]} : vector<16xi32> to vector<1xi32>
      %squeeze3A_221 = vector.extract %slice3A_220[0] : i32 from vector<1xi32>
      %dma_start3A_222 = arith.constant 0 : i32
      %dma_start3A_223 = arith.constant 12 : i32
      %dma_start3A_224 = arith.constant 0 : i32
      %dma_start3A_225 = tpu.memref_slice %arg7[%dma_start3A_222, %dma_start3A_223, %dma_start3A_224] : memref<2x32x64xf32, #tpu.memory_space<vmem>> -> memref<1x1x64xf32, #tpu.memory_space<vmem>>
      %dma_start3A_226 = tpu.memref_squeeze %dma_start3A_225 : memref<1x1x64xf32, #tpu.memory_space<vmem>> -> memref<64xf32, #tpu.memory_space<vmem>>
      %dma_start3A_227 = arith.constant 0 : i32
      %dma_start3A_228 = tpu.memref_slice %arg3[%squeeze3A_221, %dma_start3A_227] : memref<1000000x64xf32, #tpu.memory_space<hbm>> -> memref<1x64xf32, #tpu.memory_space<hbm>>
      %dma_start3A_229 = tpu.memref_squeeze %dma_start3A_228 : memref<1x64xf32, #tpu.memory_space<hbm>> -> memref<64xf32, #tpu.memory_space<hbm>>
      %dma_start3A_230 = arith.constant 0 : i32
      %dma_start3A_231 = tpu.memref_slice %arg7[%dma_start3A_222, %dma_start3A_223, %dma_start3A_230] : memref<2x32x64xf32, #tpu.memory_space<vmem>> -> memref<1x1x64xf32, #tpu.memory_space<vmem>>
      %dma_start3A_232 = tpu.memref_squeeze %dma_start3A_231 : memref<1x1x64xf32, #tpu.memory_space<vmem>> -> memref<64xf32, #tpu.memory_space<vmem>>
      %dma_start3A_233 = arith.constant 0 : i32
      %dma_start3A_234 = tpu.memref_slice %arg3[%squeeze3A_221, %dma_start3A_233] : memref<1000000x64xf32, #tpu.memory_space<hbm>> -> memref<1x64xf32, #tpu.memory_space<hbm>>
      %dma_start3A_235 = tpu.memref_squeeze %dma_start3A_234 : memref<1x64xf32, #tpu.memory_space<hbm>> -> memref<64xf32, #tpu.memory_space<hbm>>
      tpu.enqueue_dma source(%dma_start3A_235 : memref<64xf32, #tpu.memory_space<hbm>>) target(%dma_start3A_232 : memref<64xf32, #tpu.memory_space<vmem>>) target_semaphore(%arg9 : memref<!tpu.dma_semaphore, #tpu.memory_space<semaphore_mem>>)
      %slice3A_236 = vector.extract_strided_slice %gather3A {offsets = [13], sizes = [1], strides = [1]} : vector<16xi32> to vector<1xi32>
      %squeeze3A_237 = vector.extract %slice3A_236[0] : i32 from vector<1xi32>
      %dma_start3A_238 = arith.constant 0 : i32
      %dma_start3A_239 = arith.constant 13 : i32
      %dma_start3A_240 = arith.constant 0 : i32
      %dma_start3A_241 = tpu.memref_slice %arg7[%dma_start3A_238, %dma_start3A_239, %dma_start3A_240] : memref<2x32x64xf32, #tpu.memory_space<vmem>> -> memref<1x1x64xf32, #tpu.memory_space<vmem>>
      %dma_start3A_242 = tpu.memref_squeeze %dma_start3A_241 : memref<1x1x64xf32, #tpu.memory_space<vmem>> -> memref<64xf32, #tpu.memory_space<vmem>>
      %dma_start3A_243 = arith.constant 0 : i32
      %dma_start3A_244 = tpu.memref_slice %arg3[%squeeze3A_237, %dma_start3A_243] : memref<1000000x64xf32, #tpu.memory_space<hbm>> -> memref<1x64xf32, #tpu.memory_space<hbm>>
      %dma_start3A_245 = tpu.memref_squeeze %dma_start3A_244 : memref<1x64xf32, #tpu.memory_space<hbm>> -> memref<64xf32, #tpu.memory_space<hbm>>
      %dma_start3A_246 = arith.constant 0 : i32
      %dma_start3A_247 = tpu.memref_slice %arg7[%dma_start3A_238, %dma_start3A_239, %dma_start3A_246] : memref<2x32x64xf32, #tpu.memory_space<vmem>> -> memref<1x1x64xf32, #tpu.memory_space<vmem>>
      %dma_start3A_248 = tpu.memref_squeeze %dma_start3A_247 : memref<1x1x64xf32, #tpu.memory_space<vmem>> -> memref<64xf32, #tpu.memory_space<vmem>>
      %dma_start3A_249 = arith.constant 0 : i32
      %dma_start3A_250 = tpu.memref_slice %arg3[%squeeze3A_237, %dma_start3A_249] : memref<1000000x64xf32, #tpu.memory_space<hbm>> -> memref<1x64xf32, #tpu.memory_space<hbm>>
      %dma_start3A_251 = tpu.memref_squeeze %dma_start3A_250 : memref<1x64xf32, #tpu.memory_space<hbm>> -> memref<64xf32, #tpu.memory_space<hbm>>
      tpu.enqueue_dma source(%dma_start3A_251 : memref<64xf32, #tpu.memory_space<hbm>>) target(%dma_start3A_248 : memref<64xf32, #tpu.memory_space<vmem>>) target_semaphore(%arg9 : memref<!tpu.dma_semaphore, #tpu.memory_space<semaphore_mem>>)
      %slice3A_252 = vector.extract_strided_slice %gather3A {offsets = [14], sizes = [1], strides = [1]} : vector<16xi32> to vector<1xi32>
      %squeeze3A_253 = vector.extract %slice3A_252[0] : i32 from vector<1xi32>
      %dma_start3A_254 = arith.constant 0 : i32
      %dma_start3A_255 = arith.constant 14 : i32
      %dma_start3A_256 = arith.constant 0 : i32
      %dma_start3A_257 = tpu.memref_slice %arg7[%dma_start3A_254, %dma_start3A_255, %dma_start3A_256] : memref<2x32x64xf32, #tpu.memory_space<vmem>> -> memref<1x1x64xf32, #tpu.memory_space<vmem>>
      %dma_start3A_258 = tpu.memref_squeeze %dma_start3A_257 : memref<1x1x64xf32, #tpu.memory_space<vmem>> -> memref<64xf32, #tpu.memory_space<vmem>>
      %dma_start3A_259 = arith.constant 0 : i32
      %dma_start3A_260 = tpu.memref_slice %arg3[%squeeze3A_253, %dma_start3A_259] : memref<1000000x64xf32, #tpu.memory_space<hbm>> -> memref<1x64xf32, #tpu.memory_space<hbm>>
      %dma_start3A_261 = tpu.memref_squeeze %dma_start3A_260 : memref<1x64xf32, #tpu.memory_space<hbm>> -> memref<64xf32, #tpu.memory_space<hbm>>
      %dma_start3A_262 = arith.constant 0 : i32
      %dma_start3A_263 = tpu.memref_slice %arg7[%dma_start3A_254, %dma_start3A_255, %dma_start3A_262] : memref<2x32x64xf32, #tpu.memory_space<vmem>> -> memref<1x1x64xf32, #tpu.memory_space<vmem>>
      %dma_start3A_264 = tpu.memref_squeeze %dma_start3A_263 : memref<1x1x64xf32, #tpu.memory_space<vmem>> -> memref<64xf32, #tpu.memory_space<vmem>>
      %dma_start3A_265 = arith.constant 0 : i32
      %dma_start3A_266 = tpu.memref_slice %arg3[%squeeze3A_253, %dma_start3A_265] : memref<1000000x64xf32, #tpu.memory_space<hbm>> -> memref<1x64xf32, #tpu.memory_space<hbm>>
      %dma_start3A_267 = tpu.memref_squeeze %dma_start3A_266 : memref<1x64xf32, #tpu.memory_space<hbm>> -> memref<64xf32, #tpu.memory_space<hbm>>
      tpu.enqueue_dma source(%dma_start3A_267 : memref<64xf32, #tpu.memory_space<hbm>>) target(%dma_start3A_264 : memref<64xf32, #tpu.memory_space<vmem>>) target_semaphore(%arg9 : memref<!tpu.dma_semaphore, #tpu.memory_space<semaphore_mem>>)
      %slice3A_268 = vector.extract_strided_slice %gather3A {offsets = [15], sizes = [1], strides = [1]} : vector<16xi32> to vector<1xi32>
      %squeeze3A_269 = vector.extract %slice3A_268[0] : i32 from vector<1xi32>
      %dma_start3A_270 = arith.constant 0 : i32
      %dma_start3A_271 = arith.constant 15 : i32
      %dma_start3A_272 = arith.constant 0 : i32
      %dma_start3A_273 = tpu.memref_slice %arg7[%dma_start3A_270, %dma_start3A_271, %dma_start3A_272] : memref<2x32x64xf32, #tpu.memory_space<vmem>> -> memref<1x1x64xf32, #tpu.memory_space<vmem>>
      %dma_start3A_274 = tpu.memref_squeeze %dma_start3A_273 : memref<1x1x64xf32, #tpu.memory_space<vmem>> -> memref<64xf32, #tpu.memory_space<vmem>>
      %dma_start3A_275 = arith.constant 0 : i32
      %dma_start3A_276 = tpu.memref_slice %arg3[%squeeze3A_269, %dma_start3A_275] : memref<1000000x64xf32, #tpu.memory_space<hbm>> -> memref<1x64xf32, #tpu.memory_space<hbm>>
      %dma_start3A_277 = tpu.memref_squeeze %dma_start3A_276 : memref<1x64xf32, #tpu.memory_space<hbm>> -> memref<64xf32, #tpu.memory_space<hbm>>
      %dma_start3A_278 = arith.constant 0 : i32
      %dma_start3A_279 = tpu.memref_slice %arg7[%dma_start3A_270, %dma_start3A_271, %dma_start3A_278] : memref<2x32x64xf32, #tpu.memory_space<vmem>> -> memref<1x1x64xf32, #tpu.memory_space<vmem>>
      %dma_start3A_280 = tpu.memref_squeeze %dma_start3A_279 : memref<1x1x64xf32, #tpu.memory_space<vmem>> -> memref<64xf32, #tpu.memory_space<vmem>>
      %dma_start3A_281 = arith.constant 0 : i32
      %dma_start3A_282 = tpu.memref_slice %arg3[%squeeze3A_269, %dma_start3A_281] : memref<1000000x64xf32, #tpu.memory_space<hbm>> -> memref<1x64xf32, #tpu.memory_space<hbm>>
      %dma_start3A_283 = tpu.memref_squeeze %dma_start3A_282 : memref<1x64xf32, #tpu.memory_space<hbm>> -> memref<64xf32, #tpu.memory_space<hbm>>
      tpu.enqueue_dma source(%dma_start3A_283 : memref<64xf32, #tpu.memory_space<hbm>>) target(%dma_start3A_280 : memref<64xf32, #tpu.memory_space<vmem>>) target_semaphore(%arg9 : memref<!tpu.dma_semaphore, #tpu.memory_space<semaphore_mem>>)
      %iota3A_284 = tpu.iota {dimensions = array<i32: 0>} : vector<16xi32>
      %add3A_285 = arith.constant 16 : i32
      %add3A_286 = vector.broadcast %add3A_285 : i32 to vector<16xi32>
      %add3A_287 = arith.addi %iota3A_284, %add3A_286 : vector<16xi32>
      %mul3A_288 = arith.constant 27 : i32
      %mul3A_289 = vector.broadcast %mul3A_288 : i32 to vector<16xi32>
      %mul3A_290 = arith.muli %add3A_287, %mul3A_289 : vector<16xi32>
      %add3A_291 = arith.constant 0 : i32
      %add3A_292 = vector.broadcast %add3A_291 : i32 to vector<16xi32>
      %add3A_293 = arith.addi %mul3A_290, %add3A_292 : vector<16xi32>
      %gather3A_294 = tpu.vector_load_idx %arg6[%add3A_293] : memref<864xi32, #tpu.memory_space<vmem>>[vector<16xi32>], vector<16xi32>,
      %slice3A_295 = vector.extract_strided_slice %gather3A_294 {offsets = [0], sizes = [1], strides = [1]} : vector<16xi32> to vector<1xi32>
      %squeeze3A_296 = vector.extract %slice3A_295[0] : i32 from vector<1xi32>
      %dma_start3A_297 = arith.constant 0 : i32
      %dma_start3A_298 = arith.constant 16 : i32
      %dma_start3A_299 = arith.constant 0 : i32
      %dma_start3A_300 = tpu.memref_slice %arg7[%dma_start3A_297, %dma_start3A_298, %dma_start3A_299] : memref<2x32x64xf32, #tpu.memory_space<vmem>> -> memref<1x1x64xf32, #tpu.memory_space<vmem>>
      %dma_start3A_301 = tpu.memref_squeeze %dma_start3A_300 : memref<1x1x64xf32, #tpu.memory_space<vmem>> -> memref<64xf32, #tpu.memory_space<vmem>>
      %dma_start3A_302 = arith.constant 0 : i32
      %dma_start3A_303 = tpu.memref_slice %arg3[%squeeze3A_296, %dma_start3A_302] : memref<1000000x64xf32, #tpu.memory_space<hbm>> -> memref<1x64xf32, #tpu.memory_space<hbm>>
      %dma_start3A_304 = tpu.memref_squeeze %dma_start3A_303 : memref<1x64xf32, #tpu.memory_space<hbm>> -> memref<64xf32, #tpu.memory_space<hbm>>
      %dma_start3A_305 = arith.constant 0 : i32
      %dma_start3A_306 = tpu.memref_slice %arg7[%dma_start3A_297, %dma_start3A_298, %dma_start3A_305] : memref<2x32x64xf32, #tpu.memory_space<vmem>> -> memref<1x1x64xf32, #tpu.memory_space<vmem>>
      %dma_start3A_307 = tpu.memref_squeeze %dma_start3A_306 : memref<1x1x64xf32, #tpu.memory_space<vmem>> -> memref<64xf32, #tpu.memory_space<vmem>>
      %dma_start3A_308 = arith.constant 0 : i32
      %dma_start3A_309 = tpu.memref_slice %arg3[%squeeze3A_296, %dma_start3A_308] : memref<1000000x64xf32, #tpu.memory_space<hbm>> -> memref<1x64xf32, #tpu.memory_space<hbm>>
      %dma_start3A_310 = tpu.memref_squeeze %dma_start3A_309 : memref<1x64xf32, #tpu.memory_space<hbm>> -> memref<64xf32, #tpu.memory_space<hbm>>
      tpu.enqueue_dma source(%dma_start3A_310 : memref<64xf32, #tpu.memory_space<hbm>>) target(%dma_start3A_307 : memref<64xf32, #tpu.memory_space<vmem>>) target_semaphore(%arg9 : memref<!tpu.dma_semaphore, #tpu.memory_space<semaphore_mem>>)
      %slice3A_311 = vector.extract_strided_slice %gather3A_294 {offsets = [1], sizes = [1], strides = [1]} : vector<16xi32> to vector<1xi32>
      %squeeze3A_312 = vector.extract %slice3A_311[0] : i32 from vector<1xi32>
      %dma_start3A_313 = arith.constant 0 : i32
      %dma_start3A_314 = arith.constant 17 : i32
      %dma_start3A_315 = arith.constant 0 : i32
      %dma_start3A_316 = tpu.memref_slice %arg7[%dma_start3A_313, %dma_start3A_314, %dma_start3A_315] : memref<2x32x64xf32, #tpu.memory_space<vmem>> -> memref<1x1x64xf32, #tpu.memory_space<vmem>>
      %dma_start3A_317 = tpu.memref_squeeze %dma_start3A_316 : memref<1x1x64xf32, #tpu.memory_space<vmem>> -> memref<64xf32, #tpu.memory_space<vmem>>
      %dma_start3A_318 = arith.constant 0 : i32
      %dma_start3A_319 = tpu.memref_slice %arg3[%squeeze3A_312, %dma_start3A_318] : memref<1000000x64xf32, #tpu.memory_space<hbm>> -> memref<1x64xf32, #tpu.memory_space<hbm>>
      %dma_start3A_320 = tpu.memref_squeeze %dma_start3A_319 : memref<1x64xf32, #tpu.memory_space<hbm>> -> memref<64xf32, #tpu.memory_space<hbm>>
      %dma_start3A_321 = arith.constant 0 : i32
      %dma_start3A_322 = tpu.memref_slice %arg7[%dma_start3A_313, %dma_start3A_314, %dma_start3A_321] : memref<2x32x64xf32, #tpu.memory_space<vmem>> -> memref<1x1x64xf32, #tpu.memory_space<vmem>>
      %dma_start3A_323 = tpu.memref_squeeze %dma_start3A_322 : memref<1x1x64xf32, #tpu.memory_space<vmem>> -> memref<64xf32, #tpu.memory_space<vmem>>
      %dma_start3A_324 = arith.constant 0 : i32
      %dma_start3A_325 = tpu.memref_slice %arg3[%squeeze3A_312, %dma_start3A_324] : memref<1000000x64xf32, #tpu.memory_space<hbm>> -> memref<1x64xf32, #tpu.memory_space<hbm>>
      %dma_start3A_326 = tpu.memref_squeeze %dma_start3A_325 : memref<1x64xf32, #tpu.memory_space<hbm>> -> memref<64xf32, #tpu.memory_space<hbm>>
      tpu.enqueue_dma source(%dma_start3A_326 : memref<64xf32, #tpu.memory_space<hbm>>) target(%dma_start3A_323 : memref<64xf32, #tpu.memory_space<vmem>>) target_semaphore(%arg9 : memref<!tpu.dma_semaphore, #tpu.memory_space<semaphore_mem>>)
      %slice3A_327 = vector.extract_strided_slice %gather3A_294 {offsets = [2], sizes = [1], strides = [1]} : vector<16xi32> to vector<1xi32>
      %squeeze3A_328 = vector.extract %slice3A_327[0] : i32 from vector<1xi32>
      %dma_start3A_329 = arith.constant 0 : i32
      %dma_start3A_330 = arith.constant 18 : i32
      %dma_start3A_331 = arith.constant 0 : i32
      %dma_start3A_332 = tpu.memref_slice %arg7[%dma_start3A_329, %dma_start3A_330, %dma_start3A_331] : memref<2x32x64xf32, #tpu.memory_space<vmem>> -> memref<1x1x64xf32, #tpu.memory_space<vmem>>
      %dma_start3A_333 = tpu.memref_squeeze %dma_start3A_332 : memref<1x1x64xf32, #tpu.memory_space<vmem>> -> memref<64xf32, #tpu.memory_space<vmem>>
      %dma_start3A_334 = arith.constant 0 : i32
      %dma_start3A_335 = tpu.memref_slice %arg3[%squeeze3A_328, %dma_start3A_334] : memref<1000000x64xf32, #tpu.memory_space<hbm>> -> memref<1x64xf32, #tpu.memory_space<hbm>>
      %dma_start3A_336 = tpu.memref_squeeze %dma_start3A_335 : memref<1x64xf32, #tpu.memory_space<hbm>> -> memref<64xf32, #tpu.memory_space<hbm>>
      %dma_start3A_337 = arith.constant 0 : i32
      %dma_start3A_338 = tpu.memref_slice %arg7[%dma_start3A_329, %dma_start3A_330, %dma_start3A_337] : memref<2x32x64xf32, #tpu.memory_space<vmem>> -> memref<1x1x64xf32, #tpu.memory_space<vmem>>
      %dma_start3A_339 = tpu.memref_squeeze %dma_start3A_338 : memref<1x1x64xf32, #tpu.memory_space<vmem>> -> memref<64xf32, #tpu.memory_space<vmem>>
      %dma_start3A_340 = arith.constant 0 : i32
      %dma_start3A_341 = tpu.memref_slice %arg3[%squeeze3A_328, %dma_start3A_340] : memref<1000000x64xf32, #tpu.memory_space<hbm>> -> memref<1x64xf32, #tpu.memory_space<hbm>>
      %dma_start3A_342 = tpu.memref_squeeze %dma_start3A_341 : memref<1x64xf32, #tpu.memory_space<hbm>> -> memref<64xf32, #tpu.memory_space<hbm>>
      tpu.enqueue_dma source(%dma_start3A_342 : memref<64xf32, #tpu.memory_space<hbm>>) target(%dma_start3A_339 : memref<64xf32, #tpu.memory_space<vmem>>) target_semaphore(%arg9 : memref<!tpu.dma_semaphore, #tpu.memory_space<semaphore_mem>>)
      %slice3A_343 = vector.extract_strided_slice %gather3A_294 {offsets = [3], sizes = [1], strides = [1]} : vector<16xi32> to vector<1xi32>
      %squeeze3A_344 = vector.extract %slice3A_343[0] : i32 from vector<1xi32>
      %dma_start3A_345 = arith.constant 0 : i32
      %dma_start3A_346 = arith.constant 19 : i32
      %dma_start3A_347 = arith.constant 0 : i32
      %dma_start3A_348 = tpu.memref_slice %arg7[%dma_start3A_345, %dma_start3A_346, %dma_start3A_347] : memref<2x32x64xf32, #tpu.memory_space<vmem>> -> memref<1x1x64xf32, #tpu.memory_space<vmem>>
      %dma_start3A_349 = tpu.memref_squeeze %dma_start3A_348 : memref<1x1x64xf32, #tpu.memory_space<vmem>> -> memref<64xf32, #tpu.memory_space<vmem>>
      %dma_start3A_350 = arith.constant 0 : i32
      %dma_start3A_351 = tpu.memref_slice %arg3[%squeeze3A_344, %dma_start3A_350] : memref<1000000x64xf32, #tpu.memory_space<hbm>> -> memref<1x64xf32, #tpu.memory_space<hbm>>
      %dma_start3A_352 = tpu.memref_squeeze %dma_start3A_351 : memref<1x64xf32, #tpu.memory_space<hbm>> -> memref<64xf32, #tpu.memory_space<hbm>>
      %dma_start3A_353 = arith.constant 0 : i32
      %dma_start3A_354 = tpu.memref_slice %arg7[%dma_start3A_345, %dma_start3A_346, %dma_start3A_353] : memref<2x32x64xf32, #tpu.memory_space<vmem>> -> memref<1x1x64xf32, #tpu.memory_space<vmem>>
      %dma_start3A_355 = tpu.memref_squeeze %dma_start3A_354 : memref<1x1x64xf32, #tpu.memory_space<vmem>> -> memref<64xf32, #tpu.memory_space<vmem>>
      %dma_start3A_356 = arith.constant 0 : i32
      %dma_start3A_357 = tpu.memref_slice %arg3[%squeeze3A_344, %dma_start3A_356] : memref<1000000x64xf32, #tpu.memory_space<hbm>> -> memref<1x64xf32, #tpu.memory_space<hbm>>
      %dma_start3A_358 = tpu.memref_squeeze %dma_start3A_357 : memref<1x64xf32, #tpu.memory_space<hbm>> -> memref<64xf32, #tpu.memory_space<hbm>>
      tpu.enqueue_dma source(%dma_start3A_358 : memref<64xf32, #tpu.memory_space<hbm>>) target(%dma_start3A_355 : memref<64xf32, #tpu.memory_space<vmem>>) target_semaphore(%arg9 : memref<!tpu.dma_semaphore, #tpu.memory_space<semaphore_mem>>)
      %slice3A_359 = vector.extract_strided_slice %gather3A_294 {offsets = [4], sizes = [1], strides = [1]} : vector<16xi32> to vector<1xi32>
      %squeeze3A_360 = vector.extract %slice3A_359[0] : i32 from vector<1xi32>
      %dma_start3A_361 = arith.constant 0 : i32
      %dma_start3A_362 = arith.constant 20 : i32
      %dma_start3A_363 = arith.constant 0 : i32
      %dma_start3A_364 = tpu.memref_slice %arg7[%dma_start3A_361, %dma_start3A_362, %dma_start3A_363] : memref<2x32x64xf32, #tpu.memory_space<vmem>> -> memref<1x1x64xf32, #tpu.memory_space<vmem>>
      %dma_start3A_365 = tpu.memref_squeeze %dma_start3A_364 : memref<1x1x64xf32, #tpu.memory_space<vmem>> -> memref<64xf32, #tpu.memory_space<vmem>>
      %dma_start3A_366 = arith.constant 0 : i32
      %dma_start3A_367 = tpu.memref_slice %arg3[%squeeze3A_360, %dma_start3A_366] : memref<1000000x64xf32, #tpu.memory_space<hbm>> -> memref<1x64xf32, #tpu.memory_space<hbm>>
      %dma_start3A_368 = tpu.memref_squeeze %dma_start3A_367 : memref<1x64xf32, #tpu.memory_space<hbm>> -> memref<64xf32, #tpu.memory_space<hbm>>
      %dma_start3A_369 = arith.constant 0 : i32
      %dma_start3A_370 = tpu.memref_slice %arg7[%dma_start3A_361, %dma_start3A_362, %dma_start3A_369] : memref<2x32x64xf32, #tpu.memory_space<vmem>> -> memref<1x1x64xf32, #tpu.memory_space<vmem>>
      %dma_start3A_371 = tpu.memref_squeeze %dma_start3A_370 : memref<1x1x64xf32, #tpu.memory_space<vmem>> -> memref<64xf32, #tpu.memory_space<vmem>>
      %dma_start3A_372 = arith.constant 0 : i32
      %dma_start3A_373 = tpu.memref_slice %arg3[%squeeze3A_360, %dma_start3A_372] : memref<1000000x64xf32, #tpu.memory_space<hbm>> -> memref<1x64xf32, #tpu.memory_space<hbm>>
      %dma_start3A_374 = tpu.memref_squeeze %dma_start3A_373 : memref<1x64xf32, #tpu.memory_space<hbm>> -> memref<64xf32, #tpu.memory_space<hbm>>
      tpu.enqueue_dma source(%dma_start3A_374 : memref<64xf32, #tpu.memory_space<hbm>>) target(%dma_start3A_371 : memref<64xf32, #tpu.memory_space<vmem>>) target_semaphore(%arg9 : memref<!tpu.dma_semaphore, #tpu.memory_space<semaphore_mem>>)
      %slice3A_375 = vector.extract_strided_slice %gather3A_294 {offsets = [5], sizes = [1], strides = [1]} : vector<16xi32> to vector<1xi32>
      %squeeze3A_376 = vector.extract %slice3A_375[0] : i32 from vector<1xi32>
      %dma_start3A_377 = arith.constant 0 : i32
      %dma_start3A_378 = arith.constant 21 : i32
      %dma_start3A_379 = arith.constant 0 : i32
      %dma_start3A_380 = tpu.memref_slice %arg7[%dma_start3A_377, %dma_start3A_378, %dma_start3A_379] : memref<2x32x64xf32, #tpu.memory_space<vmem>> -> memref<1x1x64xf32, #tpu.memory_space<vmem>>
      %dma_start3A_381 = tpu.memref_squeeze %dma_start3A_380 : memref<1x1x64xf32, #tpu.memory_space<vmem>> -> memref<64xf32, #tpu.memory_space<vmem>>
      %dma_start3A_382 = arith.constant 0 : i32
      %dma_start3A_383 = tpu.memref_slice %arg3[%squeeze3A_376, %dma_start3A_382] : memref<1000000x64xf32, #tpu.memory_space<hbm>> -> memref<1x64xf32, #tpu.memory_space<hbm>>
      %dma_start3A_384 = tpu.memref_squeeze %dma_start3A_383 : memref<1x64xf32, #tpu.memory_space<hbm>> -> memref<64xf32, #tpu.memory_space<hbm>>
      %dma_start3A_385 = arith.constant 0 : i32
      %dma_start3A_386 = tpu.memref_slice %arg7[%dma_start3A_377, %dma_start3A_378, %dma_start3A_385] : memref<2x32x64xf32, #tpu.memory_space<vmem>> -> memref<1x1x64xf32, #tpu.memory_space<vmem>>
      %dma_start3A_387 = tpu.memref_squeeze %dma_start3A_386 : memref<1x1x64xf32, #tpu.memory_space<vmem>> -> memref<64xf32, #tpu.memory_space<vmem>>
      %dma_start3A_388 = arith.constant 0 : i32
      %dma_start3A_389 = tpu.memref_slice %arg3[%squeeze3A_376, %dma_start3A_388] : memref<1000000x64xf32, #tpu.memory_space<hbm>> -> memref<1x64xf32, #tpu.memory_space<hbm>>
      %dma_start3A_390 = tpu.memref_squeeze %dma_start3A_389 : memref<1x64xf32, #tpu.memory_space<hbm>> -> memref<64xf32, #tpu.memory_space<hbm>>
      tpu.enqueue_dma source(%dma_start3A_390 : memref<64xf32, #tpu.memory_space<hbm>>) target(%dma_start3A_387 : memref<64xf32, #tpu.memory_space<vmem>>) target_semaphore(%arg9 : memref<!tpu.dma_semaphore, #tpu.memory_space<semaphore_mem>>)
      %slice3A_391 = vector.extract_strided_slice %gather3A_294 {offsets = [6], sizes = [1], strides = [1]} : vector<16xi32> to vector<1xi32>
      %squeeze3A_392 = vector.extract %slice3A_391[0] : i32 from vector<1xi32>
      %dma_start3A_393 = arith.constant 0 : i32
      %dma_start3A_394 = arith.constant 22 : i32
      %dma_start3A_395 = arith.constant 0 : i32
      %dma_start3A_396 = tpu.memref_slice %arg7[%dma_start3A_393, %dma_start3A_394, %dma_start3A_395] : memref<2x32x64xf32, #tpu.memory_space<vmem>> -> memref<1x1x64xf32, #tpu.memory_space<vmem>>
      %dma_start3A_397 = tpu.memref_squeeze %dma_start3A_396 : memref<1x1x64xf32, #tpu.memory_space<vmem>> -> memref<64xf32, #tpu.memory_space<vmem>>
      %dma_start3A_398 = arith.constant 0 : i32
      %dma_start3A_399 = tpu.memref_slice %arg3[%squeeze3A_392, %dma_start3A_398] : memref<1000000x64xf32, #tpu.memory_space<hbm>> -> memref<1x64xf32, #tpu.memory_space<hbm>>
      %dma_start3A_400 = tpu.memref_squeeze %dma_start3A_399 : memref<1x64xf32, #tpu.memory_space<hbm>> -> memref<64xf32, #tpu.memory_space<hbm>>
      %dma_start3A_401 = arith.constant 0 : i32
      %dma_start3A_402 = tpu.memref_slice %arg7[%dma_start3A_393, %dma_start3A_394, %dma_start3A_401] : memref<2x32x64xf32, #tpu.memory_space<vmem>> -> memref<1x1x64xf32, #tpu.memory_space<vmem>>
      %dma_start3A_403 = tpu.memref_squeeze %dma_start3A_402 : memref<1x1x64xf32, #tpu.memory_space<vmem>> -> memref<64xf32, #tpu.memory_space<vmem>>
      %dma_start3A_404 = arith.constant 0 : i32
      %dma_start3A_405 = tpu.memref_slice %arg3[%squeeze3A_392, %dma_start3A_404] : memref<1000000x64xf32, #tpu.memory_space<hbm>> -> memref<1x64xf32, #tpu.memory_space<hbm>>
      %dma_start3A_406 = tpu.memref_squeeze %dma_start3A_405 : memref<1x64xf32, #tpu.memory_space<hbm>> -> memref<64xf32, #tpu.memory_space<hbm>>
      tpu.enqueue_dma source(%dma_start3A_406 : memref<64xf32, #tpu.memory_space<hbm>>) target(%dma_start3A_403 : memref<64xf32, #tpu.memory_space<vmem>>) target_semaphore(%arg9 : memref<!tpu.dma_semaphore, #tpu.memory_space<semaphore_mem>>)
      %slice3A_407 = vector.extract_strided_slice %gather3A_294 {offsets = [7], sizes = [1], strides = [1]} : vector<16xi32> to vector<1xi32>
      %squeeze3A_408 = vector.extract %slice3A_407[0] : i32 from vector<1xi32>
      %dma_start3A_409 = arith.constant 0 : i32
      %dma_start3A_410 = arith.constant 23 : i32
      %dma_start3A_411 = arith.constant 0 : i32
      %dma_start3A_412 = tpu.memref_slice %arg7[%dma_start3A_409, %dma_start3A_410, %dma_start3A_411] : memref<2x32x64xf32, #tpu.memory_space<vmem>> -> memref<1x1x64xf32, #tpu.memory_space<vmem>>
      %dma_start3A_413 = tpu.memref_squeeze %dma_start3A_412 : memref<1x1x64xf32, #tpu.memory_space<vmem>> -> memref<64xf32, #tpu.memory_space<vmem>>
      %dma_start3A_414 = arith.constant 0 : i32
      %dma_start3A_415 = tpu.memref_slice %arg3[%squeeze3A_408, %dma_start3A_414] : memref<1000000x64xf32, #tpu.memory_space<hbm>> -> memref<1x64xf32, #tpu.memory_space<hbm>>
      %dma_start3A_416 = tpu.memref_squeeze %dma_start3A_415 : memref<1x64xf32, #tpu.memory_space<hbm>> -> memref<64xf32, #tpu.memory_space<hbm>>
      %dma_start3A_417 = arith.constant 0 : i32
      %dma_start3A_418 = tpu.memref_slice %arg7[%dma_start3A_409, %dma_start3A_410, %dma_start3A_417] : memref<2x32x64xf32, #tpu.memory_space<vmem>> -> memref<1x1x64xf32, #tpu.memory_space<vmem>>
      %dma_start3A_419 = tpu.memref_squeeze %dma_start3A_418 : memref<1x1x64xf32, #tpu.memory_space<vmem>> -> memref<64xf32, #tpu.memory_space<vmem>>
      %dma_start3A_420 = arith.constant 0 : i32
      %dma_start3A_421 = tpu.memref_slice %arg3[%squeeze3A_408, %dma_start3A_420] : memref<1000000x64xf32, #tpu.memory_space<hbm>> -> memref<1x64xf32, #tpu.memory_space<hbm>>
      %dma_start3A_422 = tpu.memref_squeeze %dma_start3A_421 : memref<1x64xf32, #tpu.memory_space<hbm>> -> memref<64xf32, #tpu.memory_space<hbm>>
      tpu.enqueue_dma source(%dma_start3A_422 : memref<64xf32, #tpu.memory_space<hbm>>) target(%dma_start3A_419 : memref<64xf32, #tpu.memory_space<vmem>>) target_semaphore(%arg9 : memref<!tpu.dma_semaphore, #tpu.memory_space<semaphore_mem>>)
      %slice3A_423 = vector.extract_strided_slice %gather3A_294 {offsets = [8], sizes = [1], strides = [1]} : vector<16xi32> to vector<1xi32>
      %squeeze3A_424 = vector.extract %slice3A_423[0] : i32 from vector<1xi32>
      %dma_start3A_425 = arith.constant 0 : i32
      %dma_start3A_426 = arith.constant 24 : i32
      %dma_start3A_427 = arith.constant 0 : i32
      %dma_start3A_428 = tpu.memref_slice %arg7[%dma_start3A_425, %dma_start3A_426, %dma_start3A_427] : memref<2x32x64xf32, #tpu.memory_space<vmem>> -> memref<1x1x64xf32, #tpu.memory_space<vmem>>
      %dma_start3A_429 = tpu.memref_squeeze %dma_start3A_428 : memref<1x1x64xf32, #tpu.memory_space<vmem>> -> memref<64xf32, #tpu.memory_space<vmem>>
      %dma_start3A_430 = arith.constant 0 : i32
      %dma_start3A_431 = tpu.memref_slice %arg3[%squeeze3A_424, %dma_start3A_430] : memref<1000000x64xf32, #tpu.memory_space<hbm>> -> memref<1x64xf32, #tpu.memory_space<hbm>>
      %dma_start3A_432 = tpu.memref_squeeze %dma_start3A_431 : memref<1x64xf32, #tpu.memory_space<hbm>> -> memref<64xf32, #tpu.memory_space<hbm>>
      %dma_start3A_433 = arith.constant 0 : i32
      %dma_start3A_434 = tpu.memref_slice %arg7[%dma_start3A_425, %dma_start3A_426, %dma_start3A_433] : memref<2x32x64xf32, #tpu.memory_space<vmem>> -> memref<1x1x64xf32, #tpu.memory_space<vmem>>
      %dma_start3A_435 = tpu.memref_squeeze %dma_start3A_434 : memref<1x1x64xf32, #tpu.memory_space<vmem>> -> memref<64xf32, #tpu.memory_space<vmem>>
      %dma_start3A_436 = arith.constant 0 : i32
      %dma_start3A_437 = tpu.memref_slice %arg3[%squeeze3A_424, %dma_start3A_436] : memref<1000000x64xf32, #tpu.memory_space<hbm>> -> memref<1x64xf32, #tpu.memory_space<hbm>>
      %dma_start3A_438 = tpu.memref_squeeze %dma_start3A_437 : memref<1x64xf32, #tpu.memory_space<hbm>> -> memref<64xf32, #tpu.memory_space<hbm>>
      tpu.enqueue_dma source(%dma_start3A_438 : memref<64xf32, #tpu.memory_space<hbm>>) target(%dma_start3A_435 : memref<64xf32, #tpu.memory_space<vmem>>) target_semaphore(%arg9 : memref<!tpu.dma_semaphore, #tpu.memory_space<semaphore_mem>>)
      %slice3A_439 = vector.extract_strided_slice %gather3A_294 {offsets = [9], sizes = [1], strides = [1]} : vector<16xi32> to vector<1xi32>
      %squeeze3A_440 = vector.extract %slice3A_439[0] : i32 from vector<1xi32>
      %dma_start3A_441 = arith.constant 0 : i32
      %dma_start3A_442 = arith.constant 25 : i32
      %dma_start3A_443 = arith.constant 0 : i32
      %dma_start3A_444 = tpu.memref_slice %arg7[%dma_start3A_441, %dma_start3A_442, %dma_start3A_443] : memref<2x32x64xf32, #tpu.memory_space<vmem>> -> memref<1x1x64xf32, #tpu.memory_space<vmem>>
      %dma_start3A_445 = tpu.memref_squeeze %dma_start3A_444 : memref<1x1x64xf32, #tpu.memory_space<vmem>> -> memref<64xf32, #tpu.memory_space<vmem>>
      %dma_start3A_446 = arith.constant 0 : i32
      %dma_start3A_447 = tpu.memref_slice %arg3[%squeeze3A_440, %dma_start3A_446] : memref<1000000x64xf32, #tpu.memory_space<hbm>> -> memref<1x64xf32, #tpu.memory_space<hbm>>
      %dma_start3A_448 = tpu.memref_squeeze %dma_start3A_447 : memref<1x64xf32, #tpu.memory_space<hbm>> -> memref<64xf32, #tpu.memory_space<hbm>>
      %dma_start3A_449 = arith.constant 0 : i32
      %dma_start3A_450 = tpu.memref_slice %arg7[%dma_start3A_441, %dma_start3A_442, %dma_start3A_449] : memref<2x32x64xf32, #tpu.memory_space<vmem>> -> memref<1x1x64xf32, #tpu.memory_space<vmem>>
      %dma_start3A_451 = tpu.memref_squeeze %dma_start3A_450 : memref<1x1x64xf32, #tpu.memory_space<vmem>> -> memref<64xf32, #tpu.memory_space<vmem>>
      %dma_start3A_452 = arith.constant 0 : i32
      %dma_start3A_453 = tpu.memref_slice %arg3[%squeeze3A_440, %dma_start3A_452] : memref<1000000x64xf32, #tpu.memory_space<hbm>> -> memref<1x64xf32, #tpu.memory_space<hbm>>
      %dma_start3A_454 = tpu.memref_squeeze %dma_start3A_453 : memref<1x64xf32, #tpu.memory_space<hbm>> -> memref<64xf32, #tpu.memory_space<hbm>>
      tpu.enqueue_dma source(%dma_start3A_454 : memref<64xf32, #tpu.memory_space<hbm>>) target(%dma_start3A_451 : memref<64xf32, #tpu.memory_space<vmem>>) target_semaphore(%arg9 : memref<!tpu.dma_semaphore, #tpu.memory_space<semaphore_mem>>)
      %slice3A_455 = vector.extract_strided_slice %gather3A_294 {offsets = [10], sizes = [1], strides = [1]} : vector<16xi32> to vector<1xi32>
      %squeeze3A_456 = vector.extract %slice3A_455[0] : i32 from vector<1xi32>
      %dma_start3A_457 = arith.constant 0 : i32
      %dma_start3A_458 = arith.constant 26 : i32
      %dma_start3A_459 = arith.constant 0 : i32
      %dma_start3A_460 = tpu.memref_slice %arg7[%dma_start3A_457, %dma_start3A_458, %dma_start3A_459] : memref<2x32x64xf32, #tpu.memory_space<vmem>> -> memref<1x1x64xf32, #tpu.memory_space<vmem>>
      %dma_start3A_461 = tpu.memref_squeeze %dma_start3A_460 : memref<1x1x64xf32, #tpu.memory_space<vmem>> -> memref<64xf32, #tpu.memory_space<vmem>>
      %dma_start3A_462 = arith.constant 0 : i32
      %dma_start3A_463 = tpu.memref_slice %arg3[%squeeze3A_456, %dma_start3A_462] : memref<1000000x64xf32, #tpu.memory_space<hbm>> -> memref<1x64xf32, #tpu.memory_space<hbm>>
      %dma_start3A_464 = tpu.memref_squeeze %dma_start3A_463 : memref<1x64xf32, #tpu.memory_space<hbm>> -> memref<64xf32, #tpu.memory_space<hbm>>
      %dma_start3A_465 = arith.constant 0 : i32
      %dma_start3A_466 = tpu.memref_slice %arg7[%dma_start3A_457, %dma_start3A_458, %dma_start3A_465] : memref<2x32x64xf32, #tpu.memory_space<vmem>> -> memref<1x1x64xf32, #tpu.memory_space<vmem>>
      %dma_start3A_467 = tpu.memref_squeeze %dma_start3A_466 : memref<1x1x64xf32, #tpu.memory_space<vmem>> -> memref<64xf32, #tpu.memory_space<vmem>>
      %dma_start3A_468 = arith.constant 0 : i32
      %dma_start3A_469 = tpu.memref_slice %arg3[%squeeze3A_456, %dma_start3A_468] : memref<1000000x64xf32, #tpu.memory_space<hbm>> -> memref<1x64xf32, #tpu.memory_space<hbm>>
      %dma_start3A_470 = tpu.memref_squeeze %dma_start3A_469 : memref<1x64xf32, #tpu.memory_space<hbm>> -> memref<64xf32, #tpu.memory_space<hbm>>
      tpu.enqueue_dma source(%dma_start3A_470 : memref<64xf32, #tpu.memory_space<hbm>>) target(%dma_start3A_467 : memref<64xf32, #tpu.memory_space<vmem>>) target_semaphore(%arg9 : memref<!tpu.dma_semaphore, #tpu.memory_space<semaphore_mem>>)
      %slice3A_471 = vector.extract_strided_slice %gather3A_294 {offsets = [11], sizes = [1], strides = [1]} : vector<16xi32> to vector<1xi32>
      %squeeze3A_472 = vector.extract %slice3A_471[0] : i32 from vector<1xi32>
      %dma_start3A_473 = arith.constant 0 : i32
      %dma_start3A_474 = arith.constant 27 : i32
      %dma_start3A_475 = arith.constant 0 : i32
      %dma_start3A_476 = tpu.memref_slice %arg7[%dma_start3A_473, %dma_start3A_474, %dma_start3A_475] : memref<2x32x64xf32, #tpu.memory_space<vmem>> -> memref<1x1x64xf32, #tpu.memory_space<vmem>>
      %dma_start3A_477 = tpu.memref_squeeze %dma_start3A_476 : memref<1x1x64xf32, #tpu.memory_space<vmem>> -> memref<64xf32, #tpu.memory_space<vmem>>
      %dma_start3A_478 = arith.constant 0 : i32
      %dma_start3A_479 = tpu.memref_slice %arg3[%squeeze3A_472, %dma_start3A_478] : memref<1000000x64xf32, #tpu.memory_space<hbm>> -> memref<1x64xf32, #tpu.memory_space<hbm>>
      %dma_start3A_480 = tpu.memref_squeeze %dma_start3A_479 : memref<1x64xf32, #tpu.memory_space<hbm>> -> memref<64xf32, #tpu.memory_space<hbm>>
      %dma_start3A_481 = arith.constant 0 : i32
      %dma_start3A_482 = tpu.memref_slice %arg7[%dma_start3A_473, %dma_start3A_474, %dma_start3A_481] : memref<2x32x64xf32, #tpu.memory_space<vmem>> -> memref<1x1x64xf32, #tpu.memory_space<vmem>>
      %dma_start3A_483 = tpu.memref_squeeze %dma_start3A_482 : memref<1x1x64xf32, #tpu.memory_space<vmem>> -> memref<64xf32, #tpu.memory_space<vmem>>
      %dma_start3A_484 = arith.constant 0 : i32
      %dma_start3A_485 = tpu.memref_slice %arg3[%squeeze3A_472, %dma_start3A_484] : memref<1000000x64xf32, #tpu.memory_space<hbm>> -> memref<1x64xf32, #tpu.memory_space<hbm>>
      %dma_start3A_486 = tpu.memref_squeeze %dma_start3A_485 : memref<1x64xf32, #tpu.memory_space<hbm>> -> memref<64xf32, #tpu.memory_space<hbm>>
      tpu.enqueue_dma source(%dma_start3A_486 : memref<64xf32, #tpu.memory_space<hbm>>) target(%dma_start3A_483 : memref<64xf32, #tpu.memory_space<vmem>>) target_semaphore(%arg9 : memref<!tpu.dma_semaphore, #tpu.memory_space<semaphore_mem>>)
      %slice3A_487 = vector.extract_strided_slice %gather3A_294 {offsets = [12], sizes = [1], strides = [1]} : vector<16xi32> to vector<1xi32>
      %squeeze3A_488 = vector.extract %slice3A_487[0] : i32 from vector<1xi32>
      %dma_start3A_489 = arith.constant 0 : i32
      %dma_start3A_490 = arith.constant 28 : i32
      %dma_start3A_491 = arith.constant 0 : i32
      %dma_start3A_492 = tpu.memref_slice %arg7[%dma_start3A_489, %dma_start3A_490, %dma_start3A_491] : memref<2x32x64xf32, #tpu.memory_space<vmem>> -> memref<1x1x64xf32, #tpu.memory_space<vmem>>
      %dma_start3A_493 = tpu.memref_squeeze %dma_start3A_492 : memref<1x1x64xf32, #tpu.memory_space<vmem>> -> memref<64xf32, #tpu.memory_space<vmem>>
      %dma_start3A_494 = arith.constant 0 : i32
      %dma_start3A_495 = tpu.memref_slice %arg3[%squeeze3A_488, %dma_start3A_494] : memref<1000000x64xf32, #tpu.memory_space<hbm>> -> memref<1x64xf32, #tpu.memory_space<hbm>>
      %dma_start3A_496 = tpu.memref_squeeze %dma_start3A_495 : memref<1x64xf32, #tpu.memory_space<hbm>> -> memref<64xf32, #tpu.memory_space<hbm>>
      %dma_start3A_497 = arith.constant 0 : i32
      %dma_start3A_498 = tpu.memref_slice %arg7[%dma_start3A_489, %dma_start3A_490, %dma_start3A_497] : memref<2x32x64xf32, #tpu.memory_space<vmem>> -> memref<1x1x64xf32, #tpu.memory_space<vmem>>
      %dma_start3A_499 = tpu.memref_squeeze %dma_start3A_498 : memref<1x1x64xf32, #tpu.memory_space<vmem>> -> memref<64xf32, #tpu.memory_space<vmem>>
      %dma_start3A_500 = arith.constant 0 : i32
      %dma_start3A_501 = tpu.memref_slice %arg3[%squeeze3A_488, %dma_start3A_500] : memref<1000000x64xf32, #tpu.memory_space<hbm>> -> memref<1x64xf32, #tpu.memory_space<hbm>>
      %dma_start3A_502 = tpu.memref_squeeze %dma_start3A_501 : memref<1x64xf32, #tpu.memory_space<hbm>> -> memref<64xf32, #tpu.memory_space<hbm>>
      tpu.enqueue_dma source(%dma_start3A_502 : memref<64xf32, #tpu.memory_space<hbm>>) target(%dma_start3A_499 : memref<64xf32, #tpu.memory_space<vmem>>) target_semaphore(%arg9 : memref<!tpu.dma_semaphore, #tpu.memory_space<semaphore_mem>>)
      %slice3A_503 = vector.extract_strided_slice %gather3A_294 {offsets = [13], sizes = [1], strides = [1]} : vector<16xi32> to vector<1xi32>
      %squeeze3A_504 = vector.extract %slice3A_503[0] : i32 from vector<1xi32>
      %dma_start3A_505 = arith.constant 0 : i32
      %dma_start3A_506 = arith.constant 29 : i32
      %dma_start3A_507 = arith.constant 0 : i32
      %dma_start3A_508 = tpu.memref_slice %arg7[%dma_start3A_505, %dma_start3A_506, %dma_start3A_507] : memref<2x32x64xf32, #tpu.memory_space<vmem>> -> memref<1x1x64xf32, #tpu.memory_space<vmem>>
      %dma_start3A_509 = tpu.memref_squeeze %dma_start3A_508 : memref<1x1x64xf32, #tpu.memory_space<vmem>> -> memref<64xf32, #tpu.memory_space<vmem>>
      %dma_start3A_510 = arith.constant 0 : i32
      %dma_start3A_511 = tpu.memref_slice %arg3[%squeeze3A_504, %dma_start3A_510] : memref<1000000x64xf32, #tpu.memory_space<hbm>> -> memref<1x64xf32, #tpu.memory_space<hbm>>
      %dma_start3A_512 = tpu.memref_squeeze %dma_start3A_511 : memref<1x64xf32, #tpu.memory_space<hbm>> -> memref<64xf32, #tpu.memory_space<hbm>>
      %dma_start3A_513 = arith.constant 0 : i32
      %dma_start3A_514 = tpu.memref_slice %arg7[%dma_start3A_505, %dma_start3A_506, %dma_start3A_513] : memref<2x32x64xf32, #tpu.memory_space<vmem>> -> memref<1x1x64xf32, #tpu.memory_space<vmem>>
      %dma_start3A_515 = tpu.memref_squeeze %dma_start3A_514 : memref<1x1x64xf32, #tpu.memory_space<vmem>> -> memref<64xf32, #tpu.memory_space<vmem>>
      %dma_start3A_516 = arith.constant 0 : i32
      %dma_start3A_517 = tpu.memref_slice %arg3[%squeeze3A_504, %dma_start3A_516] : memref<1000000x64xf32, #tpu.memory_space<hbm>> -> memref<1x64xf32, #tpu.memory_space<hbm>>
      %dma_start3A_518 = tpu.memref_squeeze %dma_start3A_517 : memref<1x64xf32, #tpu.memory_space<hbm>> -> memref<64xf32, #tpu.memory_space<hbm>>
      tpu.enqueue_dma source(%dma_start3A_518 : memref<64xf32, #tpu.memory_space<hbm>>) target(%dma_start3A_515 : memref<64xf32, #tpu.memory_space<vmem>>) target_semaphore(%arg9 : memref<!tpu.dma_semaphore, #tpu.memory_space<semaphore_mem>>)
      %slice3A_519 = vector.extract_strided_slice %gather3A_294 {offsets = [14], sizes = [1], strides = [1]} : vector<16xi32> to vector<1xi32>
      %squeeze3A_520 = vector.extract %slice3A_519[0] : i32 from vector<1xi32>
      %dma_start3A_521 = arith.constant 0 : i32
      %dma_start3A_522 = arith.constant 30 : i32
      %dma_start3A_523 = arith.constant 0 : i32
      %dma_start3A_524 = tpu.memref_slice %arg7[%dma_start3A_521, %dma_start3A_522, %dma_start3A_523] : memref<2x32x64xf32, #tpu.memory_space<vmem>> -> memref<1x1x64xf32, #tpu.memory_space<vmem>>
      %dma_start3A_525 = tpu.memref_squeeze %dma_start3A_524 : memref<1x1x64xf32, #tpu.memory_space<vmem>> -> memref<64xf32, #tpu.memory_space<vmem>>
      %dma_start3A_526 = arith.constant 0 : i32
      %dma_start3A_527 = tpu.memref_slice %arg3[%squeeze3A_520, %dma_start3A_526] : memref<1000000x64xf32, #tpu.memory_space<hbm>> -> memref<1x64xf32, #tpu.memory_space<hbm>>
      %dma_start3A_528 = tpu.memref_squeeze %dma_start3A_527 : memref<1x64xf32, #tpu.memory_space<hbm>> -> memref<64xf32, #tpu.memory_space<hbm>>
      %dma_start3A_529 = arith.constant 0 : i32
      %dma_start3A_530 = tpu.memref_slice %arg7[%dma_start3A_521, %dma_start3A_522, %dma_start3A_529] : memref<2x32x64xf32, #tpu.memory_space<vmem>> -> memref<1x1x64xf32, #tpu.memory_space<vmem>>
      %dma_start3A_531 = tpu.memref_squeeze %dma_start3A_530 : memref<1x1x64xf32, #tpu.memory_space<vmem>> -> memref<64xf32, #tpu.memory_space<vmem>>
      %dma_start3A_532 = arith.constant 0 : i32
      %dma_start3A_533 = tpu.memref_slice %arg3[%squeeze3A_520, %dma_start3A_532] : memref<1000000x64xf32, #tpu.memory_space<hbm>> -> memref<1x64xf32, #tpu.memory_space<hbm>>
      %dma_start3A_534 = tpu.memref_squeeze %dma_start3A_533 : memref<1x64xf32, #tpu.memory_space<hbm>> -> memref<64xf32, #tpu.memory_space<hbm>>
      tpu.enqueue_dma source(%dma_start3A_534 : memref<64xf32, #tpu.memory_space<hbm>>) target(%dma_start3A_531 : memref<64xf32, #tpu.memory_space<vmem>>) target_semaphore(%arg9 : memref<!tpu.dma_semaphore, #tpu.memory_space<semaphore_mem>>)
      %slice3A_535 = vector.extract_strided_slice %gather3A_294 {offsets = [15], sizes = [1], strides = [1]} : vector<16xi32> to vector<1xi32>
      %squeeze3A_536 = vector.extract %slice3A_535[0] : i32 from vector<1xi32>
      %dma_start3A_537 = arith.constant 0 : i32
      %dma_start3A_538 = arith.constant 31 : i32
      %dma_start3A_539 = arith.constant 0 : i32
      %dma_start3A_540 = tpu.memref_slice %arg7[%dma_start3A_537, %dma_start3A_538, %dma_start3A_539] : memref<2x32x64xf32, #tpu.memory_space<vmem>> -> memref<1x1x64xf32, #tpu.memory_space<vmem>>
      %dma_start3A_541 = tpu.memref_squeeze %dma_start3A_540 : memref<1x1x64xf32, #tpu.memory_space<vmem>> -> memref<64xf32, #tpu.memory_space<vmem>>
      %dma_start3A_542 = arith.constant 0 : i32
      %dma_start3A_543 = tpu.memref_slice %arg3[%squeeze3A_536, %dma_start3A_542] : memref<1000000x64xf32, #tpu.memory_space<hbm>> -> memref<1x64xf32, #tpu.memory_space<hbm>>
      %dma_start3A_544 = tpu.memref_squeeze %dma_start3A_543 : memref<1x64xf32, #tpu.memory_space<hbm>> -> memref<64xf32, #tpu.memory_space<hbm>>
      %dma_start3A_545 = arith.constant 0 : i32
      %dma_start3A_546 = tpu.memref_slice %arg7[%dma_start3A_537, %dma_start3A_538, %dma_start3A_545] : memref<2x32x64xf32, #tpu.memory_space<vmem>> -> memref<1x1x64xf32, #tpu.memory_space<vmem>>
      %dma_start3A_547 = tpu.memref_squeeze %dma_start3A_546 : memref<1x1x64xf32, #tpu.memory_space<vmem>> -> memref<64xf32, #tpu.memory_space<vmem>>
      %dma_start3A_548 = arith.constant 0 : i32
      %dma_start3A_549 = tpu.memref_slice %arg3[%squeeze3A_536, %dma_start3A_548] : memref<1000000x64xf32, #tpu.memory_space<hbm>> -> memref<1x64xf32, #tpu.memory_space<hbm>>
      %dma_start3A_550 = tpu.memref_squeeze %dma_start3A_549 : memref<1x64xf32, #tpu.memory_space<hbm>> -> memref<64xf32, #tpu.memory_space<hbm>>
      tpu.enqueue_dma source(%dma_start3A_550 : memref<64xf32, #tpu.memory_space<hbm>>) target(%dma_start3A_547 : memref<64xf32, #tpu.memory_space<vmem>>) target_semaphore(%arg9 : memref<!tpu.dma_semaphore, #tpu.memory_space<semaphore_mem>>)
      %scan3A_551 = arith.constant 0 : i32
      %scan3A_552 = arith.constant 27 : i32
      %scan3A_553 = arith.addi %scan3A_551, %scan3A_552 : i32
      %scan3A_554 = arith.constant 1 : i32
      scf.for %scan3A_556 = %scan3A_551 to %scan3A_553 step %scan3A_554  : i32 {
        %mul3A_557 = arith.constant 1 : i32
        %mul3A_558 = arith.muli %scan3A_556, %mul3A_557 : i32
        %add3A_559 = arith.constant 1 : i32
        %add3A_560 = arith.addi %add3A_559, %mul3A_558 : i32
        %lt3A = arith.constant 27 : i32
        %lt3A_561 = arith.cmpi slt, %add3A_560, %lt3A : i32
        %convert_element_type3A = arith.extui %lt3A_561 : i1 to i32
        %cond3A = arith.constant 0 : i32
        %cond3A_562 = arith.cmpi ne, %convert_element_type3A, %cond3A : i32
        scf.if %cond3A_562 {
          %and3A_2242 = arith.constant 1 : i32
          %and3A_2243 = arith.andi %add3A_560, %and3A_2242 : i32
          %iota3A_2244 = tpu.iota {dimensions = array<i32: 0>} : vector<16xi32>
          %add3A_2245 = arith.constant 0 : i32
          %add3A_2246 = vector.broadcast %add3A_2245 : i32 to vector<16xi32>
          %add3A_2247 = arith.addi %iota3A_2244, %add3A_2246 : vector<16xi32>
          %mul3A_2248 = arith.constant 27 : i32
          %mul3A_2249 = vector.broadcast %mul3A_2248 : i32 to vector<16xi32>
          %mul3A_2250 = arith.muli %add3A_2247, %mul3A_2249 : vector<16xi32>
          %add3A_2251 = vector.broadcast %add3A_560 : i32 to vector<16xi32>
          %add3A_2252 = arith.addi %mul3A_2250, %add3A_2251 : vector<16xi32>
          %gather3A_2253 = tpu.vector_load_idx %arg6[%add3A_2252] : memref<864xi32, #tpu.memory_space<vmem>>[vector<16xi32>], vector<16xi32>,
          %slice3A_2254 = vector.extract_strided_slice %gather3A_2253 {offsets = [0], sizes = [1], strides = [1]} : vector<16xi32> to vector<1xi32>
          %squeeze3A_2255 = vector.extract %slice3A_2254[0] : i32 from vector<1xi32>
          %dma_start3A_2256 = arith.constant 0 : i32
          %dma_start3A_2257 = arith.constant 0 : i32
          %dma_start3A_2258 = tpu.memref_slice %arg7[%and3A_2243, %dma_start3A_2256, %dma_start3A_2257] : memref<2x32x64xf32, #tpu.memory_space<vmem>> -> memref<1x1x64xf32, #tpu.memory_space<vmem>>
          %dma_start3A_2259 = tpu.memref_squeeze %dma_start3A_2258 : memref<1x1x64xf32, #tpu.memory_space<vmem>> -> memref<64xf32, #tpu.memory_space<vmem>>
          %dma_start3A_2260 = arith.constant 0 : i32
          %dma_start3A_2261 = tpu.memref_slice %arg4[%squeeze3A_2255, %dma_start3A_2260] : memref<2600000x64xf32, #tpu.memory_space<hbm>> -> memref<1x64xf32, #tpu.memory_space<hbm>>
          %dma_start3A_2262 = tpu.memref_squeeze %dma_start3A_2261 : memref<1x64xf32, #tpu.memory_space<hbm>> -> memref<64xf32, #tpu.memory_space<hbm>>
          %dma_start3A_2263 = arith.constant 0 : i32
          %dma_start3A_2264 = tpu.memref_slice %arg7[%and3A_2243, %dma_start3A_2256, %dma_start3A_2263] : memref<2x32x64xf32, #tpu.memory_space<vmem>> -> memref<1x1x64xf32, #tpu.memory_space<vmem>>
          %dma_start3A_2265 = tpu.memref_squeeze %dma_start3A_2264 : memref<1x1x64xf32, #tpu.memory_space<vmem>> -> memref<64xf32, #tpu.memory_space<vmem>>
          %dma_start3A_2266 = arith.constant 0 : i32
          %dma_start3A_2267 = tpu.memref_slice %arg4[%squeeze3A_2255, %dma_start3A_2266] : memref<2600000x64xf32, #tpu.memory_space<hbm>> -> memref<1x64xf32, #tpu.memory_space<hbm>>
          %dma_start3A_2268 = tpu.memref_squeeze %dma_start3A_2267 : memref<1x64xf32, #tpu.memory_space<hbm>> -> memref<64xf32, #tpu.memory_space<hbm>>
          tpu.enqueue_dma source(%dma_start3A_2268 : memref<64xf32, #tpu.memory_space<hbm>>) target(%dma_start3A_2265 : memref<64xf32, #tpu.memory_space<vmem>>) target_semaphore(%arg9 : memref<!tpu.dma_semaphore, #tpu.memory_space<semaphore_mem>>)
          %slice3A_2269 = vector.extract_strided_slice %gather3A_2253 {offsets = [1], sizes = [1], strides = [1]} : vector<16xi32> to vector<1xi32>
          %squeeze3A_2270 = vector.extract %slice3A_2269[0] : i32 from vector<1xi32>
          %dma_start3A_2271 = arith.constant 1 : i32
          %dma_start3A_2272 = arith.constant 0 : i32
          %dma_start3A_2273 = tpu.memref_slice %arg7[%and3A_2243, %dma_start3A_2271, %dma_start3A_2272] : memref<2x32x64xf32, #tpu.memory_space<vmem>> -> memref<1x1x64xf32, #tpu.memory_space<vmem>>
          %dma_start3A_2274 = tpu.memref_squeeze %dma_start3A_2273 : memref<1x1x64xf32, #tpu.memory_space<vmem>> -> memref<64xf32, #tpu.memory_space<vmem>>
          %dma_start3A_2275 = arith.constant 0 : i32
          %dma_start3A_2276 = tpu.memref_slice %arg4[%squeeze3A_2270, %dma_start3A_2275] : memref<2600000x64xf32, #tpu.memory_space<hbm>> -> memref<1x64xf32, #tpu.memory_space<hbm>>
          %dma_start3A_2277 = tpu.memref_squeeze %dma_start3A_2276 : memref<1x64xf32, #tpu.memory_space<hbm>> -> memref<64xf32, #tpu.memory_space<hbm>>
          %dma_start3A_2278 = arith.constant 0 : i32
          %dma_start3A_2279 = tpu.memref_slice %arg7[%and3A_2243, %dma_start3A_2271, %dma_start3A_2278] : memref<2x32x64xf32, #tpu.memory_space<vmem>> -> memref<1x1x64xf32, #tpu.memory_space<vmem>>
          %dma_start3A_2280 = tpu.memref_squeeze %dma_start3A_2279 : memref<1x1x64xf32, #tpu.memory_space<vmem>> -> memref<64xf32, #tpu.memory_space<vmem>>
          %dma_start3A_2281 = arith.constant 0 : i32
          %dma_start3A_2282 = tpu.memref_slice %arg4[%squeeze3A_2270, %dma_start3A_2281] : memref<2600000x64xf32, #tpu.memory_space<hbm>> -> memref<1x64xf32, #tpu.memory_space<hbm>>
          %dma_start3A_2283 = tpu.memref_squeeze %dma_start3A_2282 : memref<1x64xf32, #tpu.memory_space<hbm>> -> memref<64xf32, #tpu.memory_space<hbm>>
          tpu.enqueue_dma source(%dma_start3A_2283 : memref<64xf32, #tpu.memory_space<hbm>>) target(%dma_start3A_2280 : memref<64xf32, #tpu.memory_space<vmem>>) target_semaphore(%arg9 : memref<!tpu.dma_semaphore, #tpu.memory_space<semaphore_mem>>)
          %slice3A_2284 = vector.extract_strided_slice %gather3A_2253 {offsets = [2], sizes = [1], strides = [1]} : vector<16xi32> to vector<1xi32>
          %squeeze3A_2285 = vector.extract %slice3A_2284[0] : i32 from vector<1xi32>
          %dma_start3A_2286 = arith.constant 2 : i32
          %dma_start3A_2287 = arith.constant 0 : i32
          %dma_start3A_2288 = tpu.memref_slice %arg7[%and3A_2243, %dma_start3A_2286, %dma_start3A_2287] : memref<2x32x64xf32, #tpu.memory_space<vmem>> -> memref<1x1x64xf32, #tpu.memory_space<vmem>>
          %dma_start3A_2289 = tpu.memref_squeeze %dma_start3A_2288 : memref<1x1x64xf32, #tpu.memory_space<vmem>> -> memref<64xf32, #tpu.memory_space<vmem>>
          %dma_start3A_2290 = arith.constant 0 : i32
          %dma_start3A_2291 = tpu.memref_slice %arg4[%squeeze3A_2285, %dma_start3A_2290] : memref<2600000x64xf32, #tpu.memory_space<hbm>> -> memref<1x64xf32, #tpu.memory_space<hbm>>
          %dma_start3A_2292 = tpu.memref_squeeze %dma_start3A_2291 : memref<1x64xf32, #tpu.memory_space<hbm>> -> memref<64xf32, #tpu.memory_space<hbm>>
          %dma_start3A_2293 = arith.constant 0 : i32
          %dma_start3A_2294 = tpu.memref_slice %arg7[%and3A_2243, %dma_start3A_2286, %dma_start3A_2293] : memref<2x32x64xf32, #tpu.memory_space<vmem>> -> memref<1x1x64xf32, #tpu.memory_space<vmem>>
          %dma_start3A_2295 = tpu.memref_squeeze %dma_start3A_2294 : memref<1x1x64xf32, #tpu.memory_space<vmem>> -> memref<64xf32, #tpu.memory_space<vmem>>
          %dma_start3A_2296 = arith.constant 0 : i32
          %dma_start3A_2297 = tpu.memref_slice %arg4[%squeeze3A_2285, %dma_start3A_2296] : memref<2600000x64xf32, #tpu.memory_space<hbm>> -> memref<1x64xf32, #tpu.memory_space<hbm>>
          %dma_start3A_2298 = tpu.memref_squeeze %dma_start3A_2297 : memref<1x64xf32, #tpu.memory_space<hbm>> -> memref<64xf32, #tpu.memory_space<hbm>>
          tpu.enqueue_dma source(%dma_start3A_2298 : memref<64xf32, #tpu.memory_space<hbm>>) target(%dma_start3A_2295 : memref<64xf32, #tpu.memory_space<vmem>>) target_semaphore(%arg9 : memref<!tpu.dma_semaphore, #tpu.memory_space<semaphore_mem>>)
          %slice3A_2299 = vector.extract_strided_slice %gather3A_2253 {offsets = [3], sizes = [1], strides = [1]} : vector<16xi32> to vector<1xi32>
          %squeeze3A_2300 = vector.extract %slice3A_2299[0] : i32 from vector<1xi32>
          %dma_start3A_2301 = arith.constant 3 : i32
          %dma_start3A_2302 = arith.constant 0 : i32
          %dma_start3A_2303 = tpu.memref_slice %arg7[%and3A_2243, %dma_start3A_2301, %dma_start3A_2302] : memref<2x32x64xf32, #tpu.memory_space<vmem>> -> memref<1x1x64xf32, #tpu.memory_space<vmem>>
          %dma_start3A_2304 = tpu.memref_squeeze %dma_start3A_2303 : memref<1x1x64xf32, #tpu.memory_space<vmem>> -> memref<64xf32, #tpu.memory_space<vmem>>
          %dma_start3A_2305 = arith.constant 0 : i32
          %dma_start3A_2306 = tpu.memref_slice %arg4[%squeeze3A_2300, %dma_start3A_2305] : memref<2600000x64xf32, #tpu.memory_space<hbm>> -> memref<1x64xf32, #tpu.memory_space<hbm>>
          %dma_start3A_2307 = tpu.memref_squeeze %dma_start3A_2306 : memref<1x64xf32, #tpu.memory_space<hbm>> -> memref<64xf32, #tpu.memory_space<hbm>>
          %dma_start3A_2308 = arith.constant 0 : i32
          %dma_start3A_2309 = tpu.memref_slice %arg7[%and3A_2243, %dma_start3A_2301, %dma_start3A_2308] : memref<2x32x64xf32, #tpu.memory_space<vmem>> -> memref<1x1x64xf32, #tpu.memory_space<vmem>>
          %dma_start3A_2310 = tpu.memref_squeeze %dma_start3A_2309 : memref<1x1x64xf32, #tpu.memory_space<vmem>> -> memref<64xf32, #tpu.memory_space<vmem>>
          %dma_start3A_2311 = arith.constant 0 : i32
          %dma_start3A_2312 = tpu.memref_slice %arg4[%squeeze3A_2300, %dma_start3A_2311] : memref<2600000x64xf32, #tpu.memory_space<hbm>> -> memref<1x64xf32, #tpu.memory_space<hbm>>
          %dma_start3A_2313 = tpu.memref_squeeze %dma_start3A_2312 : memref<1x64xf32, #tpu.memory_space<hbm>> -> memref<64xf32, #tpu.memory_space<hbm>>
          tpu.enqueue_dma source(%dma_start3A_2313 : memref<64xf32, #tpu.memory_space<hbm>>) target(%dma_start3A_2310 : memref<64xf32, #tpu.memory_space<vmem>>) target_semaphore(%arg9 : memref<!tpu.dma_semaphore, #tpu.memory_space<semaphore_mem>>)
          %slice3A_2314 = vector.extract_strided_slice %gather3A_2253 {offsets = [4], sizes = [1], strides = [1]} : vector<16xi32> to vector<1xi32>
          %squeeze3A_2315 = vector.extract %slice3A_2314[0] : i32 from vector<1xi32>
          %dma_start3A_2316 = arith.constant 4 : i32
          %dma_start3A_2317 = arith.constant 0 : i32
          %dma_start3A_2318 = tpu.memref_slice %arg7[%and3A_2243, %dma_start3A_2316, %dma_start3A_2317] : memref<2x32x64xf32, #tpu.memory_space<vmem>> -> memref<1x1x64xf32, #tpu.memory_space<vmem>>
          %dma_start3A_2319 = tpu.memref_squeeze %dma_start3A_2318 : memref<1x1x64xf32, #tpu.memory_space<vmem>> -> memref<64xf32, #tpu.memory_space<vmem>>
          %dma_start3A_2320 = arith.constant 0 : i32
          %dma_start3A_2321 = tpu.memref_slice %arg4[%squeeze3A_2315, %dma_start3A_2320] : memref<2600000x64xf32, #tpu.memory_space<hbm>> -> memref<1x64xf32, #tpu.memory_space<hbm>>
          %dma_start3A_2322 = tpu.memref_squeeze %dma_start3A_2321 : memref<1x64xf32, #tpu.memory_space<hbm>> -> memref<64xf32, #tpu.memory_space<hbm>>
          %dma_start3A_2323 = arith.constant 0 : i32
          %dma_start3A_2324 = tpu.memref_slice %arg7[%and3A_2243, %dma_start3A_2316, %dma_start3A_2323] : memref<2x32x64xf32, #tpu.memory_space<vmem>> -> memref<1x1x64xf32, #tpu.memory_space<vmem>>
          %dma_start3A_2325 = tpu.memref_squeeze %dma_start3A_2324 : memref<1x1x64xf32, #tpu.memory_space<vmem>> -> memref<64xf32, #tpu.memory_space<vmem>>
          %dma_start3A_2326 = arith.constant 0 : i32
          %dma_start3A_2327 = tpu.memref_slice %arg4[%squeeze3A_2315, %dma_start3A_2326] : memref<2600000x64xf32, #tpu.memory_space<hbm>> -> memref<1x64xf32, #tpu.memory_space<hbm>>
          %dma_start3A_2328 = tpu.memref_squeeze %dma_start3A_2327 : memref<1x64xf32, #tpu.memory_space<hbm>> -> memref<64xf32, #tpu.memory_space<hbm>>
          tpu.enqueue_dma source(%dma_start3A_2328 : memref<64xf32, #tpu.memory_space<hbm>>) target(%dma_start3A_2325 : memref<64xf32, #tpu.memory_space<vmem>>) target_semaphore(%arg9 : memref<!tpu.dma_semaphore, #tpu.memory_space<semaphore_mem>>)
          %slice3A_2329 = vector.extract_strided_slice %gather3A_2253 {offsets = [5], sizes = [1], strides = [1]} : vector<16xi32> to vector<1xi32>
          %squeeze3A_2330 = vector.extract %slice3A_2329[0] : i32 from vector<1xi32>
          %dma_start3A_2331 = arith.constant 5 : i32
          %dma_start3A_2332 = arith.constant 0 : i32
          %dma_start3A_2333 = tpu.memref_slice %arg7[%and3A_2243, %dma_start3A_2331, %dma_start3A_2332] : memref<2x32x64xf32, #tpu.memory_space<vmem>> -> memref<1x1x64xf32, #tpu.memory_space<vmem>>
          %dma_start3A_2334 = tpu.memref_squeeze %dma_start3A_2333 : memref<1x1x64xf32, #tpu.memory_space<vmem>> -> memref<64xf32, #tpu.memory_space<vmem>>
          %dma_start3A_2335 = arith.constant 0 : i32
          %dma_start3A_2336 = tpu.memref_slice %arg4[%squeeze3A_2330, %dma_start3A_2335] : memref<2600000x64xf32, #tpu.memory_space<hbm>> -> memref<1x64xf32, #tpu.memory_space<hbm>>
          %dma_start3A_2337 = tpu.memref_squeeze %dma_start3A_2336 : memref<1x64xf32, #tpu.memory_space<hbm>> -> memref<64xf32, #tpu.memory_space<hbm>>
          %dma_start3A_2338 = arith.constant 0 : i32
          %dma_start3A_2339 = tpu.memref_slice %arg7[%and3A_2243, %dma_start3A_2331, %dma_start3A_2338] : memref<2x32x64xf32, #tpu.memory_space<vmem>> -> memref<1x1x64xf32, #tpu.memory_space<vmem>>
          %dma_start3A_2340 = tpu.memref_squeeze %dma_start3A_2339 : memref<1x1x64xf32, #tpu.memory_space<vmem>> -> memref<64xf32, #tpu.memory_space<vmem>>
          %dma_start3A_2341 = arith.constant 0 : i32
          %dma_start3A_2342 = tpu.memref_slice %arg4[%squeeze3A_2330, %dma_start3A_2341] : memref<2600000x64xf32, #tpu.memory_space<hbm>> -> memref<1x64xf32, #tpu.memory_space<hbm>>
          %dma_start3A_2343 = tpu.memref_squeeze %dma_start3A_2342 : memref<1x64xf32, #tpu.memory_space<hbm>> -> memref<64xf32, #tpu.memory_space<hbm>>
          tpu.enqueue_dma source(%dma_start3A_2343 : memref<64xf32, #tpu.memory_space<hbm>>) target(%dma_start3A_2340 : memref<64xf32, #tpu.memory_space<vmem>>) target_semaphore(%arg9 : memref<!tpu.dma_semaphore, #tpu.memory_space<semaphore_mem>>)
          %slice3A_2344 = vector.extract_strided_slice %gather3A_2253 {offsets = [6], sizes = [1], strides = [1]} : vector<16xi32> to vector<1xi32>
          %squeeze3A_2345 = vector.extract %slice3A_2344[0] : i32 from vector<1xi32>
          %dma_start3A_2346 = arith.constant 6 : i32
          %dma_start3A_2347 = arith.constant 0 : i32
          %dma_start3A_2348 = tpu.memref_slice %arg7[%and3A_2243, %dma_start3A_2346, %dma_start3A_2347] : memref<2x32x64xf32, #tpu.memory_space<vmem>> -> memref<1x1x64xf32, #tpu.memory_space<vmem>>
          %dma_start3A_2349 = tpu.memref_squeeze %dma_start3A_2348 : memref<1x1x64xf32, #tpu.memory_space<vmem>> -> memref<64xf32, #tpu.memory_space<vmem>>
          %dma_start3A_2350 = arith.constant 0 : i32
          %dma_start3A_2351 = tpu.memref_slice %arg4[%squeeze3A_2345, %dma_start3A_2350] : memref<2600000x64xf32, #tpu.memory_space<hbm>> -> memref<1x64xf32, #tpu.memory_space<hbm>>
          %dma_start3A_2352 = tpu.memref_squeeze %dma_start3A_2351 : memref<1x64xf32, #tpu.memory_space<hbm>> -> memref<64xf32, #tpu.memory_space<hbm>>
          %dma_start3A_2353 = arith.constant 0 : i32
          %dma_start3A_2354 = tpu.memref_slice %arg7[%and3A_2243, %dma_start3A_2346, %dma_start3A_2353] : memref<2x32x64xf32, #tpu.memory_space<vmem>> -> memref<1x1x64xf32, #tpu.memory_space<vmem>>
          %dma_start3A_2355 = tpu.memref_squeeze %dma_start3A_2354 : memref<1x1x64xf32, #tpu.memory_space<vmem>> -> memref<64xf32, #tpu.memory_space<vmem>>
          %dma_start3A_2356 = arith.constant 0 : i32
          %dma_start3A_2357 = tpu.memref_slice %arg4[%squeeze3A_2345, %dma_start3A_2356] : memref<2600000x64xf32, #tpu.memory_space<hbm>> -> memref<1x64xf32, #tpu.memory_space<hbm>>
          %dma_start3A_2358 = tpu.memref_squeeze %dma_start3A_2357 : memref<1x64xf32, #tpu.memory_space<hbm>> -> memref<64xf32, #tpu.memory_space<hbm>>
          tpu.enqueue_dma source(%dma_start3A_2358 : memref<64xf32, #tpu.memory_space<hbm>>) target(%dma_start3A_2355 : memref<64xf32, #tpu.memory_space<vmem>>) target_semaphore(%arg9 : memref<!tpu.dma_semaphore, #tpu.memory_space<semaphore_mem>>)
          %slice3A_2359 = vector.extract_strided_slice %gather3A_2253 {offsets = [7], sizes = [1], strides = [1]} : vector<16xi32> to vector<1xi32>
          %squeeze3A_2360 = vector.extract %slice3A_2359[0] : i32 from vector<1xi32>
          %dma_start3A_2361 = arith.constant 7 : i32
          %dma_start3A_2362 = arith.constant 0 : i32
          %dma_start3A_2363 = tpu.memref_slice %arg7[%and3A_2243, %dma_start3A_2361, %dma_start3A_2362] : memref<2x32x64xf32, #tpu.memory_space<vmem>> -> memref<1x1x64xf32, #tpu.memory_space<vmem>>
          %dma_start3A_2364 = tpu.memref_squeeze %dma_start3A_2363 : memref<1x1x64xf32, #tpu.memory_space<vmem>> -> memref<64xf32, #tpu.memory_space<vmem>>
          %dma_start3A_2365 = arith.constant 0 : i32
          %dma_start3A_2366 = tpu.memref_slice %arg4[%squeeze3A_2360, %dma_start3A_2365] : memref<2600000x64xf32, #tpu.memory_space<hbm>> -> memref<1x64xf32, #tpu.memory_space<hbm>>
          %dma_start3A_2367 = tpu.memref_squeeze %dma_start3A_2366 : memref<1x64xf32, #tpu.memory_space<hbm>> -> memref<64xf32, #tpu.memory_space<hbm>>
          %dma_start3A_2368 = arith.constant 0 : i32
          %dma_start3A_2369 = tpu.memref_slice %arg7[%and3A_2243, %dma_start3A_2361, %dma_start3A_2368] : memref<2x32x64xf32, #tpu.memory_space<vmem>> -> memref<1x1x64xf32, #tpu.memory_space<vmem>>
          %dma_start3A_2370 = tpu.memref_squeeze %dma_start3A_2369 : memref<1x1x64xf32, #tpu.memory_space<vmem>> -> memref<64xf32, #tpu.memory_space<vmem>>
          %dma_start3A_2371 = arith.constant 0 : i32
          %dma_start3A_2372 = tpu.memref_slice %arg4[%squeeze3A_2360, %dma_start3A_2371] : memref<2600000x64xf32, #tpu.memory_space<hbm>> -> memref<1x64xf32, #tpu.memory_space<hbm>>
          %dma_start3A_2373 = tpu.memref_squeeze %dma_start3A_2372 : memref<1x64xf32, #tpu.memory_space<hbm>> -> memref<64xf32, #tpu.memory_space<hbm>>
          tpu.enqueue_dma source(%dma_start3A_2373 : memref<64xf32, #tpu.memory_space<hbm>>) target(%dma_start3A_2370 : memref<64xf32, #tpu.memory_space<vmem>>) target_semaphore(%arg9 : memref<!tpu.dma_semaphore, #tpu.memory_space<semaphore_mem>>)
          %slice3A_2374 = vector.extract_strided_slice %gather3A_2253 {offsets = [8], sizes = [1], strides = [1]} : vector<16xi32> to vector<1xi32>
          %squeeze3A_2375 = vector.extract %slice3A_2374[0] : i32 from vector<1xi32>
          %dma_start3A_2376 = arith.constant 8 : i32
          %dma_start3A_2377 = arith.constant 0 : i32
          %dma_start3A_2378 = tpu.memref_slice %arg7[%and3A_2243, %dma_start3A_2376, %dma_start3A_2377] : memref<2x32x64xf32, #tpu.memory_space<vmem>> -> memref<1x1x64xf32, #tpu.memory_space<vmem>>
          %dma_start3A_2379 = tpu.memref_squeeze %dma_start3A_2378 : memref<1x1x64xf32, #tpu.memory_space<vmem>> -> memref<64xf32, #tpu.memory_space<vmem>>
          %dma_start3A_2380 = arith.constant 0 : i32
          %dma_start3A_2381 = tpu.memref_slice %arg4[%squeeze3A_2375, %dma_start3A_2380] : memref<2600000x64xf32, #tpu.memory_space<hbm>> -> memref<1x64xf32, #tpu.memory_space<hbm>>
          %dma_start3A_2382 = tpu.memref_squeeze %dma_start3A_2381 : memref<1x64xf32, #tpu.memory_space<hbm>> -> memref<64xf32, #tpu.memory_space<hbm>>
          %dma_start3A_2383 = arith.constant 0 : i32
          %dma_start3A_2384 = tpu.memref_slice %arg7[%and3A_2243, %dma_start3A_2376, %dma_start3A_2383] : memref<2x32x64xf32, #tpu.memory_space<vmem>> -> memref<1x1x64xf32, #tpu.memory_space<vmem>>
          %dma_start3A_2385 = tpu.memref_squeeze %dma_start3A_2384 : memref<1x1x64xf32, #tpu.memory_space<vmem>> -> memref<64xf32, #tpu.memory_space<vmem>>
          %dma_start3A_2386 = arith.constant 0 : i32
          %dma_start3A_2387 = tpu.memref_slice %arg4[%squeeze3A_2375, %dma_start3A_2386] : memref<2600000x64xf32, #tpu.memory_space<hbm>> -> memref<1x64xf32, #tpu.memory_space<hbm>>
          %dma_start3A_2388 = tpu.memref_squeeze %dma_start3A_2387 : memref<1x64xf32, #tpu.memory_space<hbm>> -> memref<64xf32, #tpu.memory_space<hbm>>
          tpu.enqueue_dma source(%dma_start3A_2388 : memref<64xf32, #tpu.memory_space<hbm>>) target(%dma_start3A_2385 : memref<64xf32, #tpu.memory_space<vmem>>) target_semaphore(%arg9 : memref<!tpu.dma_semaphore, #tpu.memory_space<semaphore_mem>>)
          %slice3A_2389 = vector.extract_strided_slice %gather3A_2253 {offsets = [9], sizes = [1], strides = [1]} : vector<16xi32> to vector<1xi32>
          %squeeze3A_2390 = vector.extract %slice3A_2389[0] : i32 from vector<1xi32>
          %dma_start3A_2391 = arith.constant 9 : i32
          %dma_start3A_2392 = arith.constant 0 : i32
          %dma_start3A_2393 = tpu.memref_slice %arg7[%and3A_2243, %dma_start3A_2391, %dma_start3A_2392] : memref<2x32x64xf32, #tpu.memory_space<vmem>> -> memref<1x1x64xf32, #tpu.memory_space<vmem>>
          %dma_start3A_2394 = tpu.memref_squeeze %dma_start3A_2393 : memref<1x1x64xf32, #tpu.memory_space<vmem>> -> memref<64xf32, #tpu.memory_space<vmem>>
          %dma_start3A_2395 = arith.constant 0 : i32
          %dma_start3A_2396 = tpu.memref_slice %arg4[%squeeze3A_2390, %dma_start3A_2395] : memref<2600000x64xf32, #tpu.memory_space<hbm>> -> memref<1x64xf32, #tpu.memory_space<hbm>>
          %dma_start3A_2397 = tpu.memref_squeeze %dma_start3A_2396 : memref<1x64xf32, #tpu.memory_space<hbm>> -> memref<64xf32, #tpu.memory_space<hbm>>
          %dma_start3A_2398 = arith.constant 0 : i32
          %dma_start3A_2399 = tpu.memref_slice %arg7[%and3A_2243, %dma_start3A_2391, %dma_start3A_2398] : memref<2x32x64xf32, #tpu.memory_space<vmem>> -> memref<1x1x64xf32, #tpu.memory_space<vmem>>
          %dma_start3A_2400 = tpu.memref_squeeze %dma_start3A_2399 : memref<1x1x64xf32, #tpu.memory_space<vmem>> -> memref<64xf32, #tpu.memory_space<vmem>>
          %dma_start3A_2401 = arith.constant 0 : i32
          %dma_start3A_2402 = tpu.memref_slice %arg4[%squeeze3A_2390, %dma_start3A_2401] : memref<2600000x64xf32, #tpu.memory_space<hbm>> -> memref<1x64xf32, #tpu.memory_space<hbm>>
          %dma_start3A_2403 = tpu.memref_squeeze %dma_start3A_2402 : memref<1x64xf32, #tpu.memory_space<hbm>> -> memref<64xf32, #tpu.memory_space<hbm>>
          tpu.enqueue_dma source(%dma_start3A_2403 : memref<64xf32, #tpu.memory_space<hbm>>) target(%dma_start3A_2400 : memref<64xf32, #tpu.memory_space<vmem>>) target_semaphore(%arg9 : memref<!tpu.dma_semaphore, #tpu.memory_space<semaphore_mem>>)
          %slice3A_2404 = vector.extract_strided_slice %gather3A_2253 {offsets = [10], sizes = [1], strides = [1]} : vector<16xi32> to vector<1xi32>
          %squeeze3A_2405 = vector.extract %slice3A_2404[0] : i32 from vector<1xi32>
          %dma_start3A_2406 = arith.constant 10 : i32
          %dma_start3A_2407 = arith.constant 0 : i32
          %dma_start3A_2408 = tpu.memref_slice %arg7[%and3A_2243, %dma_start3A_2406, %dma_start3A_2407] : memref<2x32x64xf32, #tpu.memory_space<vmem>> -> memref<1x1x64xf32, #tpu.memory_space<vmem>>
          %dma_start3A_2409 = tpu.memref_squeeze %dma_start3A_2408 : memref<1x1x64xf32, #tpu.memory_space<vmem>> -> memref<64xf32, #tpu.memory_space<vmem>>
          %dma_start3A_2410 = arith.constant 0 : i32
          %dma_start3A_2411 = tpu.memref_slice %arg4[%squeeze3A_2405, %dma_start3A_2410] : memref<2600000x64xf32, #tpu.memory_space<hbm>> -> memref<1x64xf32, #tpu.memory_space<hbm>>
          %dma_start3A_2412 = tpu.memref_squeeze %dma_start3A_2411 : memref<1x64xf32, #tpu.memory_space<hbm>> -> memref<64xf32, #tpu.memory_space<hbm>>
          %dma_start3A_2413 = arith.constant 0 : i32
          %dma_start3A_2414 = tpu.memref_slice %arg7[%and3A_2243, %dma_start3A_2406, %dma_start3A_2413] : memref<2x32x64xf32, #tpu.memory_space<vmem>> -> memref<1x1x64xf32, #tpu.memory_space<vmem>>
          %dma_start3A_2415 = tpu.memref_squeeze %dma_start3A_2414 : memref<1x1x64xf32, #tpu.memory_space<vmem>> -> memref<64xf32, #tpu.memory_space<vmem>>
          %dma_start3A_2416 = arith.constant 0 : i32
          %dma_start3A_2417 = tpu.memref_slice %arg4[%squeeze3A_2405, %dma_start3A_2416] : memref<2600000x64xf32, #tpu.memory_space<hbm>> -> memref<1x64xf32, #tpu.memory_space<hbm>>
          %dma_start3A_2418 = tpu.memref_squeeze %dma_start3A_2417 : memref<1x64xf32, #tpu.memory_space<hbm>> -> memref<64xf32, #tpu.memory_space<hbm>>
          tpu.enqueue_dma source(%dma_start3A_2418 : memref<64xf32, #tpu.memory_space<hbm>>) target(%dma_start3A_2415 : memref<64xf32, #tpu.memory_space<vmem>>) target_semaphore(%arg9 : memref<!tpu.dma_semaphore, #tpu.memory_space<semaphore_mem>>)
          %slice3A_2419 = vector.extract_strided_slice %gather3A_2253 {offsets = [11], sizes = [1], strides = [1]} : vector<16xi32> to vector<1xi32>
          %squeeze3A_2420 = vector.extract %slice3A_2419[0] : i32 from vector<1xi32>
          %dma_start3A_2421 = arith.constant 11 : i32
          %dma_start3A_2422 = arith.constant 0 : i32
          %dma_start3A_2423 = tpu.memref_slice %arg7[%and3A_2243, %dma_start3A_2421, %dma_start3A_2422] : memref<2x32x64xf32, #tpu.memory_space<vmem>> -> memref<1x1x64xf32, #tpu.memory_space<vmem>>
          %dma_start3A_2424 = tpu.memref_squeeze %dma_start3A_2423 : memref<1x1x64xf32, #tpu.memory_space<vmem>> -> memref<64xf32, #tpu.memory_space<vmem>>
          %dma_start3A_2425 = arith.constant 0 : i32
          %dma_start3A_2426 = tpu.memref_slice %arg4[%squeeze3A_2420, %dma_start3A_2425] : memref<2600000x64xf32, #tpu.memory_space<hbm>> -> memref<1x64xf32, #tpu.memory_space<hbm>>
          %dma_start3A_2427 = tpu.memref_squeeze %dma_start3A_2426 : memref<1x64xf32, #tpu.memory_space<hbm>> -> memref<64xf32, #tpu.memory_space<hbm>>
          %dma_start3A_2428 = arith.constant 0 : i32
          %dma_start3A_2429 = tpu.memref_slice %arg7[%and3A_2243, %dma_start3A_2421, %dma_start3A_2428] : memref<2x32x64xf32, #tpu.memory_space<vmem>> -> memref<1x1x64xf32, #tpu.memory_space<vmem>>
          %dma_start3A_2430 = tpu.memref_squeeze %dma_start3A_2429 : memref<1x1x64xf32, #tpu.memory_space<vmem>> -> memref<64xf32, #tpu.memory_space<vmem>>
          %dma_start3A_2431 = arith.constant 0 : i32
          %dma_start3A_2432 = tpu.memref_slice %arg4[%squeeze3A_2420, %dma_start3A_2431] : memref<2600000x64xf32, #tpu.memory_space<hbm>> -> memref<1x64xf32, #tpu.memory_space<hbm>>
          %dma_start3A_2433 = tpu.memref_squeeze %dma_start3A_2432 : memref<1x64xf32, #tpu.memory_space<hbm>> -> memref<64xf32, #tpu.memory_space<hbm>>
          tpu.enqueue_dma source(%dma_start3A_2433 : memref<64xf32, #tpu.memory_space<hbm>>) target(%dma_start3A_2430 : memref<64xf32, #tpu.memory_space<vmem>>) target_semaphore(%arg9 : memref<!tpu.dma_semaphore, #tpu.memory_space<semaphore_mem>>)
          %slice3A_2434 = vector.extract_strided_slice %gather3A_2253 {offsets = [12], sizes = [1], strides = [1]} : vector<16xi32> to vector<1xi32>
          %squeeze3A_2435 = vector.extract %slice3A_2434[0] : i32 from vector<1xi32>
          %dma_start3A_2436 = arith.constant 12 : i32
          %dma_start3A_2437 = arith.constant 0 : i32
          %dma_start3A_2438 = tpu.memref_slice %arg7[%and3A_2243, %dma_start3A_2436, %dma_start3A_2437] : memref<2x32x64xf32, #tpu.memory_space<vmem>> -> memref<1x1x64xf32, #tpu.memory_space<vmem>>
          %dma_start3A_2439 = tpu.memref_squeeze %dma_start3A_2438 : memref<1x1x64xf32, #tpu.memory_space<vmem>> -> memref<64xf32, #tpu.memory_space<vmem>>
          %dma_start3A_2440 = arith.constant 0 : i32
          %dma_start3A_2441 = tpu.memref_slice %arg4[%squeeze3A_2435, %dma_start3A_2440] : memref<2600000x64xf32, #tpu.memory_space<hbm>> -> memref<1x64xf32, #tpu.memory_space<hbm>>
          %dma_start3A_2442 = tpu.memref_squeeze %dma_start3A_2441 : memref<1x64xf32, #tpu.memory_space<hbm>> -> memref<64xf32, #tpu.memory_space<hbm>>
          %dma_start3A_2443 = arith.constant 0 : i32
          %dma_start3A_2444 = tpu.memref_slice %arg7[%and3A_2243, %dma_start3A_2436, %dma_start3A_2443] : memref<2x32x64xf32, #tpu.memory_space<vmem>> -> memref<1x1x64xf32, #tpu.memory_space<vmem>>
          %dma_start3A_2445 = tpu.memref_squeeze %dma_start3A_2444 : memref<1x1x64xf32, #tpu.memory_space<vmem>> -> memref<64xf32, #tpu.memory_space<vmem>>
          %dma_start3A_2446 = arith.constant 0 : i32
          %dma_start3A_2447 = tpu.memref_slice %arg4[%squeeze3A_2435, %dma_start3A_2446] : memref<2600000x64xf32, #tpu.memory_space<hbm>> -> memref<1x64xf32, #tpu.memory_space<hbm>>
          %dma_start3A_2448 = tpu.memref_squeeze %dma_start3A_2447 : memref<1x64xf32, #tpu.memory_space<hbm>> -> memref<64xf32, #tpu.memory_space<hbm>>
          tpu.enqueue_dma source(%dma_start3A_2448 : memref<64xf32, #tpu.memory_space<hbm>>) target(%dma_start3A_2445 : memref<64xf32, #tpu.memory_space<vmem>>) target_semaphore(%arg9 : memref<!tpu.dma_semaphore, #tpu.memory_space<semaphore_mem>>)
          %slice3A_2449 = vector.extract_strided_slice %gather3A_2253 {offsets = [13], sizes = [1], strides = [1]} : vector<16xi32> to vector<1xi32>
          %squeeze3A_2450 = vector.extract %slice3A_2449[0] : i32 from vector<1xi32>
          %dma_start3A_2451 = arith.constant 13 : i32
          %dma_start3A_2452 = arith.constant 0 : i32
          %dma_start3A_2453 = tpu.memref_slice %arg7[%and3A_2243, %dma_start3A_2451, %dma_start3A_2452] : memref<2x32x64xf32, #tpu.memory_space<vmem>> -> memref<1x1x64xf32, #tpu.memory_space<vmem>>
          %dma_start3A_2454 = tpu.memref_squeeze %dma_start3A_2453 : memref<1x1x64xf32, #tpu.memory_space<vmem>> -> memref<64xf32, #tpu.memory_space<vmem>>
          %dma_start3A_2455 = arith.constant 0 : i32
          %dma_start3A_2456 = tpu.memref_slice %arg4[%squeeze3A_2450, %dma_start3A_2455] : memref<2600000x64xf32, #tpu.memory_space<hbm>> -> memref<1x64xf32, #tpu.memory_space<hbm>>
          %dma_start3A_2457 = tpu.memref_squeeze %dma_start3A_2456 : memref<1x64xf32, #tpu.memory_space<hbm>> -> memref<64xf32, #tpu.memory_space<hbm>>
          %dma_start3A_2458 = arith.constant 0 : i32
          %dma_start3A_2459 = tpu.memref_slice %arg7[%and3A_2243, %dma_start3A_2451, %dma_start3A_2458] : memref<2x32x64xf32, #tpu.memory_space<vmem>> -> memref<1x1x64xf32, #tpu.memory_space<vmem>>
          %dma_start3A_2460 = tpu.memref_squeeze %dma_start3A_2459 : memref<1x1x64xf32, #tpu.memory_space<vmem>> -> memref<64xf32, #tpu.memory_space<vmem>>
          %dma_start3A_2461 = arith.constant 0 : i32
          %dma_start3A_2462 = tpu.memref_slice %arg4[%squeeze3A_2450, %dma_start3A_2461] : memref<2600000x64xf32, #tpu.memory_space<hbm>> -> memref<1x64xf32, #tpu.memory_space<hbm>>
          %dma_start3A_2463 = tpu.memref_squeeze %dma_start3A_2462 : memref<1x64xf32, #tpu.memory_space<hbm>> -> memref<64xf32, #tpu.memory_space<hbm>>
          tpu.enqueue_dma source(%dma_start3A_2463 : memref<64xf32, #tpu.memory_space<hbm>>) target(%dma_start3A_2460 : memref<64xf32, #tpu.memory_space<vmem>>) target_semaphore(%arg9 : memref<!tpu.dma_semaphore, #tpu.memory_space<semaphore_mem>>)
          %slice3A_2464 = vector.extract_strided_slice %gather3A_2253 {offsets = [14], sizes = [1], strides = [1]} : vector<16xi32> to vector<1xi32>
          %squeeze3A_2465 = vector.extract %slice3A_2464[0] : i32 from vector<1xi32>
          %dma_start3A_2466 = arith.constant 14 : i32
          %dma_start3A_2467 = arith.constant 0 : i32
          %dma_start3A_2468 = tpu.memref_slice %arg7[%and3A_2243, %dma_start3A_2466, %dma_start3A_2467] : memref<2x32x64xf32, #tpu.memory_space<vmem>> -> memref<1x1x64xf32, #tpu.memory_space<vmem>>
          %dma_start3A_2469 = tpu.memref_squeeze %dma_start3A_2468 : memref<1x1x64xf32, #tpu.memory_space<vmem>> -> memref<64xf32, #tpu.memory_space<vmem>>
          %dma_start3A_2470 = arith.constant 0 : i32
          %dma_start3A_2471 = tpu.memref_slice %arg4[%squeeze3A_2465, %dma_start3A_2470] : memref<2600000x64xf32, #tpu.memory_space<hbm>> -> memref<1x64xf32, #tpu.memory_space<hbm>>
          %dma_start3A_2472 = tpu.memref_squeeze %dma_start3A_2471 : memref<1x64xf32, #tpu.memory_space<hbm>> -> memref<64xf32, #tpu.memory_space<hbm>>
          %dma_start3A_2473 = arith.constant 0 : i32
          %dma_start3A_2474 = tpu.memref_slice %arg7[%and3A_2243, %dma_start3A_2466, %dma_start3A_2473] : memref<2x32x64xf32, #tpu.memory_space<vmem>> -> memref<1x1x64xf32, #tpu.memory_space<vmem>>
          %dma_start3A_2475 = tpu.memref_squeeze %dma_start3A_2474 : memref<1x1x64xf32, #tpu.memory_space<vmem>> -> memref<64xf32, #tpu.memory_space<vmem>>
          %dma_start3A_2476 = arith.constant 0 : i32
          %dma_start3A_2477 = tpu.memref_slice %arg4[%squeeze3A_2465, %dma_start3A_2476] : memref<2600000x64xf32, #tpu.memory_space<hbm>> -> memref<1x64xf32, #tpu.memory_space<hbm>>
          %dma_start3A_2478 = tpu.memref_squeeze %dma_start3A_2477 : memref<1x64xf32, #tpu.memory_space<hbm>> -> memref<64xf32, #tpu.memory_space<hbm>>
          tpu.enqueue_dma source(%dma_start3A_2478 : memref<64xf32, #tpu.memory_space<hbm>>) target(%dma_start3A_2475 : memref<64xf32, #tpu.memory_space<vmem>>) target_semaphore(%arg9 : memref<!tpu.dma_semaphore, #tpu.memory_space<semaphore_mem>>)
          %slice3A_2479 = vector.extract_strided_slice %gather3A_2253 {offsets = [15], sizes = [1], strides = [1]} : vector<16xi32> to vector<1xi32>
          %squeeze3A_2480 = vector.extract %slice3A_2479[0] : i32 from vector<1xi32>
          %dma_start3A_2481 = arith.constant 15 : i32
          %dma_start3A_2482 = arith.constant 0 : i32
          %dma_start3A_2483 = tpu.memref_slice %arg7[%and3A_2243, %dma_start3A_2481, %dma_start3A_2482] : memref<2x32x64xf32, #tpu.memory_space<vmem>> -> memref<1x1x64xf32, #tpu.memory_space<vmem>>
          %dma_start3A_2484 = tpu.memref_squeeze %dma_start3A_2483 : memref<1x1x64xf32, #tpu.memory_space<vmem>> -> memref<64xf32, #tpu.memory_space<vmem>>
          %dma_start3A_2485 = arith.constant 0 : i32
          %dma_start3A_2486 = tpu.memref_slice %arg4[%squeeze3A_2480, %dma_start3A_2485] : memref<2600000x64xf32, #tpu.memory_space<hbm>> -> memref<1x64xf32, #tpu.memory_space<hbm>>
          %dma_start3A_2487 = tpu.memref_squeeze %dma_start3A_2486 : memref<1x64xf32, #tpu.memory_space<hbm>> -> memref<64xf32, #tpu.memory_space<hbm>>
          %dma_start3A_2488 = arith.constant 0 : i32
          %dma_start3A_2489 = tpu.memref_slice %arg7[%and3A_2243, %dma_start3A_2481, %dma_start3A_2488] : memref<2x32x64xf32, #tpu.memory_space<vmem>> -> memref<1x1x64xf32, #tpu.memory_space<vmem>>
          %dma_start3A_2490 = tpu.memref_squeeze %dma_start3A_2489 : memref<1x1x64xf32, #tpu.memory_space<vmem>> -> memref<64xf32, #tpu.memory_space<vmem>>
          %dma_start3A_2491 = arith.constant 0 : i32
          %dma_start3A_2492 = tpu.memref_slice %arg4[%squeeze3A_2480, %dma_start3A_2491] : memref<2600000x64xf32, #tpu.memory_space<hbm>> -> memref<1x64xf32, #tpu.memory_space<hbm>>
          %dma_start3A_2493 = tpu.memref_squeeze %dma_start3A_2492 : memref<1x64xf32, #tpu.memory_space<hbm>> -> memref<64xf32, #tpu.memory_space<hbm>>
          tpu.enqueue_dma source(%dma_start3A_2493 : memref<64xf32, #tpu.memory_space<hbm>>) target(%dma_start3A_2490 : memref<64xf32, #tpu.memory_space<vmem>>) target_semaphore(%arg9 : memref<!tpu.dma_semaphore, #tpu.memory_space<semaphore_mem>>)
          %iota3A_2494 = tpu.iota {dimensions = array<i32: 0>} : vector<16xi32>
          %add3A_2495 = arith.constant 16 : i32
          %add3A_2496 = vector.broadcast %add3A_2495 : i32 to vector<16xi32>
          %add3A_2497 = arith.addi %iota3A_2494, %add3A_2496 : vector<16xi32>
          %mul3A_2498 = arith.constant 27 : i32
          %mul3A_2499 = vector.broadcast %mul3A_2498 : i32 to vector<16xi32>
          %mul3A_2500 = arith.muli %add3A_2497, %mul3A_2499 : vector<16xi32>
          %add3A_2501 = vector.broadcast %add3A_560 : i32 to vector<16xi32>
          %add3A_2502 = arith.addi %mul3A_2500, %add3A_2501 : vector<16xi32>
          %gather3A_2503 = tpu.vector_load_idx %arg6[%add3A_2502] : memref<864xi32, #tpu.memory_space<vmem>>[vector<16xi32>], vector<16xi32>,
          %slice3A_2504 = vector.extract_strided_slice %gather3A_2503 {offsets = [0], sizes = [1], strides = [1]} : vector<16xi32> to vector<1xi32>
          %squeeze3A_2505 = vector.extract %slice3A_2504[0] : i32 from vector<1xi32>
          %dma_start3A_2506 = arith.constant 16 : i32
          %dma_start3A_2507 = arith.constant 0 : i32
          %dma_start3A_2508 = tpu.memref_slice %arg7[%and3A_2243, %dma_start3A_2506, %dma_start3A_2507] : memref<2x32x64xf32, #tpu.memory_space<vmem>> -> memref<1x1x64xf32, #tpu.memory_space<vmem>>
          %dma_start3A_2509 = tpu.memref_squeeze %dma_start3A_2508 : memref<1x1x64xf32, #tpu.memory_space<vmem>> -> memref<64xf32, #tpu.memory_space<vmem>>
          %dma_start3A_2510 = arith.constant 0 : i32
          %dma_start3A_2511 = tpu.memref_slice %arg4[%squeeze3A_2505, %dma_start3A_2510] : memref<2600000x64xf32, #tpu.memory_space<hbm>> -> memref<1x64xf32, #tpu.memory_space<hbm>>
          %dma_start3A_2512 = tpu.memref_squeeze %dma_start3A_2511 : memref<1x64xf32, #tpu.memory_space<hbm>> -> memref<64xf32, #tpu.memory_space<hbm>>
          %dma_start3A_2513 = arith.constant 0 : i32
          %dma_start3A_2514 = tpu.memref_slice %arg7[%and3A_2243, %dma_start3A_2506, %dma_start3A_2513] : memref<2x32x64xf32, #tpu.memory_space<vmem>> -> memref<1x1x64xf32, #tpu.memory_space<vmem>>
          %dma_start3A_2515 = tpu.memref_squeeze %dma_start3A_2514 : memref<1x1x64xf32, #tpu.memory_space<vmem>> -> memref<64xf32, #tpu.memory_space<vmem>>
          %dma_start3A_2516 = arith.constant 0 : i32
          %dma_start3A_2517 = tpu.memref_slice %arg4[%squeeze3A_2505, %dma_start3A_2516] : memref<2600000x64xf32, #tpu.memory_space<hbm>> -> memref<1x64xf32, #tpu.memory_space<hbm>>
          %dma_start3A_2518 = tpu.memref_squeeze %dma_start3A_2517 : memref<1x64xf32, #tpu.memory_space<hbm>> -> memref<64xf32, #tpu.memory_space<hbm>>
          tpu.enqueue_dma source(%dma_start3A_2518 : memref<64xf32, #tpu.memory_space<hbm>>) target(%dma_start3A_2515 : memref<64xf32, #tpu.memory_space<vmem>>) target_semaphore(%arg9 : memref<!tpu.dma_semaphore, #tpu.memory_space<semaphore_mem>>)
          %slice3A_2519 = vector.extract_strided_slice %gather3A_2503 {offsets = [1], sizes = [1], strides = [1]} : vector<16xi32> to vector<1xi32>
          %squeeze3A_2520 = vector.extract %slice3A_2519[0] : i32 from vector<1xi32>
          %dma_start3A_2521 = arith.constant 17 : i32
          %dma_start3A_2522 = arith.constant 0 : i32
          %dma_start3A_2523 = tpu.memref_slice %arg7[%and3A_2243, %dma_start3A_2521, %dma_start3A_2522] : memref<2x32x64xf32, #tpu.memory_space<vmem>> -> memref<1x1x64xf32, #tpu.memory_space<vmem>>
          %dma_start3A_2524 = tpu.memref_squeeze %dma_start3A_2523 : memref<1x1x64xf32, #tpu.memory_space<vmem>> -> memref<64xf32, #tpu.memory_space<vmem>>
          %dma_start3A_2525 = arith.constant 0 : i32
          %dma_start3A_2526 = tpu.memref_slice %arg4[%squeeze3A_2520, %dma_start3A_2525] : memref<2600000x64xf32, #tpu.memory_space<hbm>> -> memref<1x64xf32, #tpu.memory_space<hbm>>
          %dma_start3A_2527 = tpu.memref_squeeze %dma_start3A_2526 : memref<1x64xf32, #tpu.memory_space<hbm>> -> memref<64xf32, #tpu.memory_space<hbm>>
          %dma_start3A_2528 = arith.constant 0 : i32
          %dma_start3A_2529 = tpu.memref_slice %arg7[%and3A_2243, %dma_start3A_2521, %dma_start3A_2528] : memref<2x32x64xf32, #tpu.memory_space<vmem>> -> memref<1x1x64xf32, #tpu.memory_space<vmem>>
          %dma_start3A_2530 = tpu.memref_squeeze %dma_start3A_2529 : memref<1x1x64xf32, #tpu.memory_space<vmem>> -> memref<64xf32, #tpu.memory_space<vmem>>
          %dma_start3A_2531 = arith.constant 0 : i32
          %dma_start3A_2532 = tpu.memref_slice %arg4[%squeeze3A_2520, %dma_start3A_2531] : memref<2600000x64xf32, #tpu.memory_space<hbm>> -> memref<1x64xf32, #tpu.memory_space<hbm>>
          %dma_start3A_2533 = tpu.memref_squeeze %dma_start3A_2532 : memref<1x64xf32, #tpu.memory_space<hbm>> -> memref<64xf32, #tpu.memory_space<hbm>>
          tpu.enqueue_dma source(%dma_start3A_2533 : memref<64xf32, #tpu.memory_space<hbm>>) target(%dma_start3A_2530 : memref<64xf32, #tpu.memory_space<vmem>>) target_semaphore(%arg9 : memref<!tpu.dma_semaphore, #tpu.memory_space<semaphore_mem>>)
          %slice3A_2534 = vector.extract_strided_slice %gather3A_2503 {offsets = [2], sizes = [1], strides = [1]} : vector<16xi32> to vector<1xi32>
          %squeeze3A_2535 = vector.extract %slice3A_2534[0] : i32 from vector<1xi32>
          %dma_start3A_2536 = arith.constant 18 : i32
          %dma_start3A_2537 = arith.constant 0 : i32
          %dma_start3A_2538 = tpu.memref_slice %arg7[%and3A_2243, %dma_start3A_2536, %dma_start3A_2537] : memref<2x32x64xf32, #tpu.memory_space<vmem>> -> memref<1x1x64xf32, #tpu.memory_space<vmem>>
          %dma_start3A_2539 = tpu.memref_squeeze %dma_start3A_2538 : memref<1x1x64xf32, #tpu.memory_space<vmem>> -> memref<64xf32, #tpu.memory_space<vmem>>
          %dma_start3A_2540 = arith.constant 0 : i32
          %dma_start3A_2541 = tpu.memref_slice %arg4[%squeeze3A_2535, %dma_start3A_2540] : memref<2600000x64xf32, #tpu.memory_space<hbm>> -> memref<1x64xf32, #tpu.memory_space<hbm>>
          %dma_start3A_2542 = tpu.memref_squeeze %dma_start3A_2541 : memref<1x64xf32, #tpu.memory_space<hbm>> -> memref<64xf32, #tpu.memory_space<hbm>>
          %dma_start3A_2543 = arith.constant 0 : i32
          %dma_start3A_2544 = tpu.memref_slice %arg7[%and3A_2243, %dma_start3A_2536, %dma_start3A_2543] : memref<2x32x64xf32, #tpu.memory_space<vmem>> -> memref<1x1x64xf32, #tpu.memory_space<vmem>>
          %dma_start3A_2545 = tpu.memref_squeeze %dma_start3A_2544 : memref<1x1x64xf32, #tpu.memory_space<vmem>> -> memref<64xf32, #tpu.memory_space<vmem>>
          %dma_start3A_2546 = arith.constant 0 : i32
          %dma_start3A_2547 = tpu.memref_slice %arg4[%squeeze3A_2535, %dma_start3A_2546] : memref<2600000x64xf32, #tpu.memory_space<hbm>> -> memref<1x64xf32, #tpu.memory_space<hbm>>
          %dma_start3A_2548 = tpu.memref_squeeze %dma_start3A_2547 : memref<1x64xf32, #tpu.memory_space<hbm>> -> memref<64xf32, #tpu.memory_space<hbm>>
          tpu.enqueue_dma source(%dma_start3A_2548 : memref<64xf32, #tpu.memory_space<hbm>>) target(%dma_start3A_2545 : memref<64xf32, #tpu.memory_space<vmem>>) target_semaphore(%arg9 : memref<!tpu.dma_semaphore, #tpu.memory_space<semaphore_mem>>)
          %slice3A_2549 = vector.extract_strided_slice %gather3A_2503 {offsets = [3], sizes = [1], strides = [1]} : vector<16xi32> to vector<1xi32>
          %squeeze3A_2550 = vector.extract %slice3A_2549[0] : i32 from vector<1xi32>
          %dma_start3A_2551 = arith.constant 19 : i32
          %dma_start3A_2552 = arith.constant 0 : i32
          %dma_start3A_2553 = tpu.memref_slice %arg7[%and3A_2243, %dma_start3A_2551, %dma_start3A_2552] : memref<2x32x64xf32, #tpu.memory_space<vmem>> -> memref<1x1x64xf32, #tpu.memory_space<vmem>>
          %dma_start3A_2554 = tpu.memref_squeeze %dma_start3A_2553 : memref<1x1x64xf32, #tpu.memory_space<vmem>> -> memref<64xf32, #tpu.memory_space<vmem>>
          %dma_start3A_2555 = arith.constant 0 : i32
          %dma_start3A_2556 = tpu.memref_slice %arg4[%squeeze3A_2550, %dma_start3A_2555] : memref<2600000x64xf32, #tpu.memory_space<hbm>> -> memref<1x64xf32, #tpu.memory_space<hbm>>
          %dma_start3A_2557 = tpu.memref_squeeze %dma_start3A_2556 : memref<1x64xf32, #tpu.memory_space<hbm>> -> memref<64xf32, #tpu.memory_space<hbm>>
          %dma_start3A_2558 = arith.constant 0 : i32
          %dma_start3A_2559 = tpu.memref_slice %arg7[%and3A_2243, %dma_start3A_2551, %dma_start3A_2558] : memref<2x32x64xf32, #tpu.memory_space<vmem>> -> memref<1x1x64xf32, #tpu.memory_space<vmem>>
          %dma_start3A_2560 = tpu.memref_squeeze %dma_start3A_2559 : memref<1x1x64xf32, #tpu.memory_space<vmem>> -> memref<64xf32, #tpu.memory_space<vmem>>
          %dma_start3A_2561 = arith.constant 0 : i32
          %dma_start3A_2562 = tpu.memref_slice %arg4[%squeeze3A_2550, %dma_start3A_2561] : memref<2600000x64xf32, #tpu.memory_space<hbm>> -> memref<1x64xf32, #tpu.memory_space<hbm>>
          %dma_start3A_2563 = tpu.memref_squeeze %dma_start3A_2562 : memref<1x64xf32, #tpu.memory_space<hbm>> -> memref<64xf32, #tpu.memory_space<hbm>>
          tpu.enqueue_dma source(%dma_start3A_2563 : memref<64xf32, #tpu.memory_space<hbm>>) target(%dma_start3A_2560 : memref<64xf32, #tpu.memory_space<vmem>>) target_semaphore(%arg9 : memref<!tpu.dma_semaphore, #tpu.memory_space<semaphore_mem>>)
          %slice3A_2564 = vector.extract_strided_slice %gather3A_2503 {offsets = [4], sizes = [1], strides = [1]} : vector<16xi32> to vector<1xi32>
          %squeeze3A_2565 = vector.extract %slice3A_2564[0] : i32 from vector<1xi32>
          %dma_start3A_2566 = arith.constant 20 : i32
          %dma_start3A_2567 = arith.constant 0 : i32
          %dma_start3A_2568 = tpu.memref_slice %arg7[%and3A_2243, %dma_start3A_2566, %dma_start3A_2567] : memref<2x32x64xf32, #tpu.memory_space<vmem>> -> memref<1x1x64xf32, #tpu.memory_space<vmem>>
          %dma_start3A_2569 = tpu.memref_squeeze %dma_start3A_2568 : memref<1x1x64xf32, #tpu.memory_space<vmem>> -> memref<64xf32, #tpu.memory_space<vmem>>
          %dma_start3A_2570 = arith.constant 0 : i32
          %dma_start3A_2571 = tpu.memref_slice %arg4[%squeeze3A_2565, %dma_start3A_2570] : memref<2600000x64xf32, #tpu.memory_space<hbm>> -> memref<1x64xf32, #tpu.memory_space<hbm>>
          %dma_start3A_2572 = tpu.memref_squeeze %dma_start3A_2571 : memref<1x64xf32, #tpu.memory_space<hbm>> -> memref<64xf32, #tpu.memory_space<hbm>>
          %dma_start3A_2573 = arith.constant 0 : i32
          %dma_start3A_2574 = tpu.memref_slice %arg7[%and3A_2243, %dma_start3A_2566, %dma_start3A_2573] : memref<2x32x64xf32, #tpu.memory_space<vmem>> -> memref<1x1x64xf32, #tpu.memory_space<vmem>>
          %dma_start3A_2575 = tpu.memref_squeeze %dma_start3A_2574 : memref<1x1x64xf32, #tpu.memory_space<vmem>> -> memref<64xf32, #tpu.memory_space<vmem>>
          %dma_start3A_2576 = arith.constant 0 : i32
          %dma_start3A_2577 = tpu.memref_slice %arg4[%squeeze3A_2565, %dma_start3A_2576] : memref<2600000x64xf32, #tpu.memory_space<hbm>> -> memref<1x64xf32, #tpu.memory_space<hbm>>
          %dma_start3A_2578 = tpu.memref_squeeze %dma_start3A_2577 : memref<1x64xf32, #tpu.memory_space<hbm>> -> memref<64xf32, #tpu.memory_space<hbm>>
          tpu.enqueue_dma source(%dma_start3A_2578 : memref<64xf32, #tpu.memory_space<hbm>>) target(%dma_start3A_2575 : memref<64xf32, #tpu.memory_space<vmem>>) target_semaphore(%arg9 : memref<!tpu.dma_semaphore, #tpu.memory_space<semaphore_mem>>)
          %slice3A_2579 = vector.extract_strided_slice %gather3A_2503 {offsets = [5], sizes = [1], strides = [1]} : vector<16xi32> to vector<1xi32>
          %squeeze3A_2580 = vector.extract %slice3A_2579[0] : i32 from vector<1xi32>
          %dma_start3A_2581 = arith.constant 21 : i32
          %dma_start3A_2582 = arith.constant 0 : i32
          %dma_start3A_2583 = tpu.memref_slice %arg7[%and3A_2243, %dma_start3A_2581, %dma_start3A_2582] : memref<2x32x64xf32, #tpu.memory_space<vmem>> -> memref<1x1x64xf32, #tpu.memory_space<vmem>>
          %dma_start3A_2584 = tpu.memref_squeeze %dma_start3A_2583 : memref<1x1x64xf32, #tpu.memory_space<vmem>> -> memref<64xf32, #tpu.memory_space<vmem>>
          %dma_start3A_2585 = arith.constant 0 : i32
          %dma_start3A_2586 = tpu.memref_slice %arg4[%squeeze3A_2580, %dma_start3A_2585] : memref<2600000x64xf32, #tpu.memory_space<hbm>> -> memref<1x64xf32, #tpu.memory_space<hbm>>
          %dma_start3A_2587 = tpu.memref_squeeze %dma_start3A_2586 : memref<1x64xf32, #tpu.memory_space<hbm>> -> memref<64xf32, #tpu.memory_space<hbm>>
          %dma_start3A_2588 = arith.constant 0 : i32
          %dma_start3A_2589 = tpu.memref_slice %arg7[%and3A_2243, %dma_start3A_2581, %dma_start3A_2588] : memref<2x32x64xf32, #tpu.memory_space<vmem>> -> memref<1x1x64xf32, #tpu.memory_space<vmem>>
          %dma_start3A_2590 = tpu.memref_squeeze %dma_start3A_2589 : memref<1x1x64xf32, #tpu.memory_space<vmem>> -> memref<64xf32, #tpu.memory_space<vmem>>
          %dma_start3A_2591 = arith.constant 0 : i32
          %dma_start3A_2592 = tpu.memref_slice %arg4[%squeeze3A_2580, %dma_start3A_2591] : memref<2600000x64xf32, #tpu.memory_space<hbm>> -> memref<1x64xf32, #tpu.memory_space<hbm>>
          %dma_start3A_2593 = tpu.memref_squeeze %dma_start3A_2592 : memref<1x64xf32, #tpu.memory_space<hbm>> -> memref<64xf32, #tpu.memory_space<hbm>>
          tpu.enqueue_dma source(%dma_start3A_2593 : memref<64xf32, #tpu.memory_space<hbm>>) target(%dma_start3A_2590 : memref<64xf32, #tpu.memory_space<vmem>>) target_semaphore(%arg9 : memref<!tpu.dma_semaphore, #tpu.memory_space<semaphore_mem>>)
          %slice3A_2594 = vector.extract_strided_slice %gather3A_2503 {offsets = [6], sizes = [1], strides = [1]} : vector<16xi32> to vector<1xi32>
          %squeeze3A_2595 = vector.extract %slice3A_2594[0] : i32 from vector<1xi32>
          %dma_start3A_2596 = arith.constant 22 : i32
          %dma_start3A_2597 = arith.constant 0 : i32
          %dma_start3A_2598 = tpu.memref_slice %arg7[%and3A_2243, %dma_start3A_2596, %dma_start3A_2597] : memref<2x32x64xf32, #tpu.memory_space<vmem>> -> memref<1x1x64xf32, #tpu.memory_space<vmem>>
          %dma_start3A_2599 = tpu.memref_squeeze %dma_start3A_2598 : memref<1x1x64xf32, #tpu.memory_space<vmem>> -> memref<64xf32, #tpu.memory_space<vmem>>
          %dma_start3A_2600 = arith.constant 0 : i32
          %dma_start3A_2601 = tpu.memref_slice %arg4[%squeeze3A_2595, %dma_start3A_2600] : memref<2600000x64xf32, #tpu.memory_space<hbm>> -> memref<1x64xf32, #tpu.memory_space<hbm>>
          %dma_start3A_2602 = tpu.memref_squeeze %dma_start3A_2601 : memref<1x64xf32, #tpu.memory_space<hbm>> -> memref<64xf32, #tpu.memory_space<hbm>>
          %dma_start3A_2603 = arith.constant 0 : i32
          %dma_start3A_2604 = tpu.memref_slice %arg7[%and3A_2243, %dma_start3A_2596, %dma_start3A_2603] : memref<2x32x64xf32, #tpu.memory_space<vmem>> -> memref<1x1x64xf32, #tpu.memory_space<vmem>>
          %dma_start3A_2605 = tpu.memref_squeeze %dma_start3A_2604 : memref<1x1x64xf32, #tpu.memory_space<vmem>> -> memref<64xf32, #tpu.memory_space<vmem>>
          %dma_start3A_2606 = arith.constant 0 : i32
          %dma_start3A_2607 = tpu.memref_slice %arg4[%squeeze3A_2595, %dma_start3A_2606] : memref<2600000x64xf32, #tpu.memory_space<hbm>> -> memref<1x64xf32, #tpu.memory_space<hbm>>
          %dma_start3A_2608 = tpu.memref_squeeze %dma_start3A_2607 : memref<1x64xf32, #tpu.memory_space<hbm>> -> memref<64xf32, #tpu.memory_space<hbm>>
          tpu.enqueue_dma source(%dma_start3A_2608 : memref<64xf32, #tpu.memory_space<hbm>>) target(%dma_start3A_2605 : memref<64xf32, #tpu.memory_space<vmem>>) target_semaphore(%arg9 : memref<!tpu.dma_semaphore, #tpu.memory_space<semaphore_mem>>)
          %slice3A_2609 = vector.extract_strided_slice %gather3A_2503 {offsets = [7], sizes = [1], strides = [1]} : vector<16xi32> to vector<1xi32>
          %squeeze3A_2610 = vector.extract %slice3A_2609[0] : i32 from vector<1xi32>
          %dma_start3A_2611 = arith.constant 23 : i32
          %dma_start3A_2612 = arith.constant 0 : i32
          %dma_start3A_2613 = tpu.memref_slice %arg7[%and3A_2243, %dma_start3A_2611, %dma_start3A_2612] : memref<2x32x64xf32, #tpu.memory_space<vmem>> -> memref<1x1x64xf32, #tpu.memory_space<vmem>>
          %dma_start3A_2614 = tpu.memref_squeeze %dma_start3A_2613 : memref<1x1x64xf32, #tpu.memory_space<vmem>> -> memref<64xf32, #tpu.memory_space<vmem>>
          %dma_start3A_2615 = arith.constant 0 : i32
          %dma_start3A_2616 = tpu.memref_slice %arg4[%squeeze3A_2610, %dma_start3A_2615] : memref<2600000x64xf32, #tpu.memory_space<hbm>> -> memref<1x64xf32, #tpu.memory_space<hbm>>
          %dma_start3A_2617 = tpu.memref_squeeze %dma_start3A_2616 : memref<1x64xf32, #tpu.memory_space<hbm>> -> memref<64xf32, #tpu.memory_space<hbm>>
          %dma_start3A_2618 = arith.constant 0 : i32
          %dma_start3A_2619 = tpu.memref_slice %arg7[%and3A_2243, %dma_start3A_2611, %dma_start3A_2618] : memref<2x32x64xf32, #tpu.memory_space<vmem>> -> memref<1x1x64xf32, #tpu.memory_space<vmem>>
          %dma_start3A_2620 = tpu.memref_squeeze %dma_start3A_2619 : memref<1x1x64xf32, #tpu.memory_space<vmem>> -> memref<64xf32, #tpu.memory_space<vmem>>
          %dma_start3A_2621 = arith.constant 0 : i32
          %dma_start3A_2622 = tpu.memref_slice %arg4[%squeeze3A_2610, %dma_start3A_2621] : memref<2600000x64xf32, #tpu.memory_space<hbm>> -> memref<1x64xf32, #tpu.memory_space<hbm>>
          %dma_start3A_2623 = tpu.memref_squeeze %dma_start3A_2622 : memref<1x64xf32, #tpu.memory_space<hbm>> -> memref<64xf32, #tpu.memory_space<hbm>>
          tpu.enqueue_dma source(%dma_start3A_2623 : memref<64xf32, #tpu.memory_space<hbm>>) target(%dma_start3A_2620 : memref<64xf32, #tpu.memory_space<vmem>>) target_semaphore(%arg9 : memref<!tpu.dma_semaphore, #tpu.memory_space<semaphore_mem>>)
          %slice3A_2624 = vector.extract_strided_slice %gather3A_2503 {offsets = [8], sizes = [1], strides = [1]} : vector<16xi32> to vector<1xi32>
          %squeeze3A_2625 = vector.extract %slice3A_2624[0] : i32 from vector<1xi32>
          %dma_start3A_2626 = arith.constant 24 : i32
          %dma_start3A_2627 = arith.constant 0 : i32
          %dma_start3A_2628 = tpu.memref_slice %arg7[%and3A_2243, %dma_start3A_2626, %dma_start3A_2627] : memref<2x32x64xf32, #tpu.memory_space<vmem>> -> memref<1x1x64xf32, #tpu.memory_space<vmem>>
          %dma_start3A_2629 = tpu.memref_squeeze %dma_start3A_2628 : memref<1x1x64xf32, #tpu.memory_space<vmem>> -> memref<64xf32, #tpu.memory_space<vmem>>
          %dma_start3A_2630 = arith.constant 0 : i32
          %dma_start3A_2631 = tpu.memref_slice %arg4[%squeeze3A_2625, %dma_start3A_2630] : memref<2600000x64xf32, #tpu.memory_space<hbm>> -> memref<1x64xf32, #tpu.memory_space<hbm>>
          %dma_start3A_2632 = tpu.memref_squeeze %dma_start3A_2631 : memref<1x64xf32, #tpu.memory_space<hbm>> -> memref<64xf32, #tpu.memory_space<hbm>>
          %dma_start3A_2633 = arith.constant 0 : i32
          %dma_start3A_2634 = tpu.memref_slice %arg7[%and3A_2243, %dma_start3A_2626, %dma_start3A_2633] : memref<2x32x64xf32, #tpu.memory_space<vmem>> -> memref<1x1x64xf32, #tpu.memory_space<vmem>>
          %dma_start3A_2635 = tpu.memref_squeeze %dma_start3A_2634 : memref<1x1x64xf32, #tpu.memory_space<vmem>> -> memref<64xf32, #tpu.memory_space<vmem>>
          %dma_start3A_2636 = arith.constant 0 : i32
          %dma_start3A_2637 = tpu.memref_slice %arg4[%squeeze3A_2625, %dma_start3A_2636] : memref<2600000x64xf32, #tpu.memory_space<hbm>> -> memref<1x64xf32, #tpu.memory_space<hbm>>
          %dma_start3A_2638 = tpu.memref_squeeze %dma_start3A_2637 : memref<1x64xf32, #tpu.memory_space<hbm>> -> memref<64xf32, #tpu.memory_space<hbm>>
          tpu.enqueue_dma source(%dma_start3A_2638 : memref<64xf32, #tpu.memory_space<hbm>>) target(%dma_start3A_2635 : memref<64xf32, #tpu.memory_space<vmem>>) target_semaphore(%arg9 : memref<!tpu.dma_semaphore, #tpu.memory_space<semaphore_mem>>)
          %slice3A_2639 = vector.extract_strided_slice %gather3A_2503 {offsets = [9], sizes = [1], strides = [1]} : vector<16xi32> to vector<1xi32>
          %squeeze3A_2640 = vector.extract %slice3A_2639[0] : i32 from vector<1xi32>
          %dma_start3A_2641 = arith.constant 25 : i32
          %dma_start3A_2642 = arith.constant 0 : i32
          %dma_start3A_2643 = tpu.memref_slice %arg7[%and3A_2243, %dma_start3A_2641, %dma_start3A_2642] : memref<2x32x64xf32, #tpu.memory_space<vmem>> -> memref<1x1x64xf32, #tpu.memory_space<vmem>>
          %dma_start3A_2644 = tpu.memref_squeeze %dma_start3A_2643 : memref<1x1x64xf32, #tpu.memory_space<vmem>> -> memref<64xf32, #tpu.memory_space<vmem>>
          %dma_start3A_2645 = arith.constant 0 : i32
          %dma_start3A_2646 = tpu.memref_slice %arg4[%squeeze3A_2640, %dma_start3A_2645] : memref<2600000x64xf32, #tpu.memory_space<hbm>> -> memref<1x64xf32, #tpu.memory_space<hbm>>
          %dma_start3A_2647 = tpu.memref_squeeze %dma_start3A_2646 : memref<1x64xf32, #tpu.memory_space<hbm>> -> memref<64xf32, #tpu.memory_space<hbm>>
          %dma_start3A_2648 = arith.constant 0 : i32
          %dma_start3A_2649 = tpu.memref_slice %arg7[%and3A_2243, %dma_start3A_2641, %dma_start3A_2648] : memref<2x32x64xf32, #tpu.memory_space<vmem>> -> memref<1x1x64xf32, #tpu.memory_space<vmem>>
          %dma_start3A_2650 = tpu.memref_squeeze %dma_start3A_2649 : memref<1x1x64xf32, #tpu.memory_space<vmem>> -> memref<64xf32, #tpu.memory_space<vmem>>
          %dma_start3A_2651 = arith.constant 0 : i32
          %dma_start3A_2652 = tpu.memref_slice %arg4[%squeeze3A_2640, %dma_start3A_2651] : memref<2600000x64xf32, #tpu.memory_space<hbm>> -> memref<1x64xf32, #tpu.memory_space<hbm>>
          %dma_start3A_2653 = tpu.memref_squeeze %dma_start3A_2652 : memref<1x64xf32, #tpu.memory_space<hbm>> -> memref<64xf32, #tpu.memory_space<hbm>>
          tpu.enqueue_dma source(%dma_start3A_2653 : memref<64xf32, #tpu.memory_space<hbm>>) target(%dma_start3A_2650 : memref<64xf32, #tpu.memory_space<vmem>>) target_semaphore(%arg9 : memref<!tpu.dma_semaphore, #tpu.memory_space<semaphore_mem>>)
          %slice3A_2654 = vector.extract_strided_slice %gather3A_2503 {offsets = [10], sizes = [1], strides = [1]} : vector<16xi32> to vector<1xi32>
          %squeeze3A_2655 = vector.extract %slice3A_2654[0] : i32 from vector<1xi32>
          %dma_start3A_2656 = arith.constant 26 : i32
          %dma_start3A_2657 = arith.constant 0 : i32
          %dma_start3A_2658 = tpu.memref_slice %arg7[%and3A_2243, %dma_start3A_2656, %dma_start3A_2657] : memref<2x32x64xf32, #tpu.memory_space<vmem>> -> memref<1x1x64xf32, #tpu.memory_space<vmem>>
          %dma_start3A_2659 = tpu.memref_squeeze %dma_start3A_2658 : memref<1x1x64xf32, #tpu.memory_space<vmem>> -> memref<64xf32, #tpu.memory_space<vmem>>
          %dma_start3A_2660 = arith.constant 0 : i32
          %dma_start3A_2661 = tpu.memref_slice %arg4[%squeeze3A_2655, %dma_start3A_2660] : memref<2600000x64xf32, #tpu.memory_space<hbm>> -> memref<1x64xf32, #tpu.memory_space<hbm>>
          %dma_start3A_2662 = tpu.memref_squeeze %dma_start3A_2661 : memref<1x64xf32, #tpu.memory_space<hbm>> -> memref<64xf32, #tpu.memory_space<hbm>>
          %dma_start3A_2663 = arith.constant 0 : i32
          %dma_start3A_2664 = tpu.memref_slice %arg7[%and3A_2243, %dma_start3A_2656, %dma_start3A_2663] : memref<2x32x64xf32, #tpu.memory_space<vmem>> -> memref<1x1x64xf32, #tpu.memory_space<vmem>>
          %dma_start3A_2665 = tpu.memref_squeeze %dma_start3A_2664 : memref<1x1x64xf32, #tpu.memory_space<vmem>> -> memref<64xf32, #tpu.memory_space<vmem>>
          %dma_start3A_2666 = arith.constant 0 : i32
          %dma_start3A_2667 = tpu.memref_slice %arg4[%squeeze3A_2655, %dma_start3A_2666] : memref<2600000x64xf32, #tpu.memory_space<hbm>> -> memref<1x64xf32, #tpu.memory_space<hbm>>
          %dma_start3A_2668 = tpu.memref_squeeze %dma_start3A_2667 : memref<1x64xf32, #tpu.memory_space<hbm>> -> memref<64xf32, #tpu.memory_space<hbm>>
          tpu.enqueue_dma source(%dma_start3A_2668 : memref<64xf32, #tpu.memory_space<hbm>>) target(%dma_start3A_2665 : memref<64xf32, #tpu.memory_space<vmem>>) target_semaphore(%arg9 : memref<!tpu.dma_semaphore, #tpu.memory_space<semaphore_mem>>)
          %slice3A_2669 = vector.extract_strided_slice %gather3A_2503 {offsets = [11], sizes = [1], strides = [1]} : vector<16xi32> to vector<1xi32>
          %squeeze3A_2670 = vector.extract %slice3A_2669[0] : i32 from vector<1xi32>
          %dma_start3A_2671 = arith.constant 27 : i32
          %dma_start3A_2672 = arith.constant 0 : i32
          %dma_start3A_2673 = tpu.memref_slice %arg7[%and3A_2243, %dma_start3A_2671, %dma_start3A_2672] : memref<2x32x64xf32, #tpu.memory_space<vmem>> -> memref<1x1x64xf32, #tpu.memory_space<vmem>>
          %dma_start3A_2674 = tpu.memref_squeeze %dma_start3A_2673 : memref<1x1x64xf32, #tpu.memory_space<vmem>> -> memref<64xf32, #tpu.memory_space<vmem>>
          %dma_start3A_2675 = arith.constant 0 : i32
          %dma_start3A_2676 = tpu.memref_slice %arg4[%squeeze3A_2670, %dma_start3A_2675] : memref<2600000x64xf32, #tpu.memory_space<hbm>> -> memref<1x64xf32, #tpu.memory_space<hbm>>
          %dma_start3A_2677 = tpu.memref_squeeze %dma_start3A_2676 : memref<1x64xf32, #tpu.memory_space<hbm>> -> memref<64xf32, #tpu.memory_space<hbm>>
          %dma_start3A_2678 = arith.constant 0 : i32
          %dma_start3A_2679 = tpu.memref_slice %arg7[%and3A_2243, %dma_start3A_2671, %dma_start3A_2678] : memref<2x32x64xf32, #tpu.memory_space<vmem>> -> memref<1x1x64xf32, #tpu.memory_space<vmem>>
          %dma_start3A_2680 = tpu.memref_squeeze %dma_start3A_2679 : memref<1x1x64xf32, #tpu.memory_space<vmem>> -> memref<64xf32, #tpu.memory_space<vmem>>
          %dma_start3A_2681 = arith.constant 0 : i32
          %dma_start3A_2682 = tpu.memref_slice %arg4[%squeeze3A_2670, %dma_start3A_2681] : memref<2600000x64xf32, #tpu.memory_space<hbm>> -> memref<1x64xf32, #tpu.memory_space<hbm>>
          %dma_start3A_2683 = tpu.memref_squeeze %dma_start3A_2682 : memref<1x64xf32, #tpu.memory_space<hbm>> -> memref<64xf32, #tpu.memory_space<hbm>>
          tpu.enqueue_dma source(%dma_start3A_2683 : memref<64xf32, #tpu.memory_space<hbm>>) target(%dma_start3A_2680 : memref<64xf32, #tpu.memory_space<vmem>>) target_semaphore(%arg9 : memref<!tpu.dma_semaphore, #tpu.memory_space<semaphore_mem>>)
          %slice3A_2684 = vector.extract_strided_slice %gather3A_2503 {offsets = [12], sizes = [1], strides = [1]} : vector<16xi32> to vector<1xi32>
          %squeeze3A_2685 = vector.extract %slice3A_2684[0] : i32 from vector<1xi32>
          %dma_start3A_2686 = arith.constant 28 : i32
          %dma_start3A_2687 = arith.constant 0 : i32
          %dma_start3A_2688 = tpu.memref_slice %arg7[%and3A_2243, %dma_start3A_2686, %dma_start3A_2687] : memref<2x32x64xf32, #tpu.memory_space<vmem>> -> memref<1x1x64xf32, #tpu.memory_space<vmem>>
          %dma_start3A_2689 = tpu.memref_squeeze %dma_start3A_2688 : memref<1x1x64xf32, #tpu.memory_space<vmem>> -> memref<64xf32, #tpu.memory_space<vmem>>
          %dma_start3A_2690 = arith.constant 0 : i32
          %dma_start3A_2691 = tpu.memref_slice %arg4[%squeeze3A_2685, %dma_start3A_2690] : memref<2600000x64xf32, #tpu.memory_space<hbm>> -> memref<1x64xf32, #tpu.memory_space<hbm>>
          %dma_start3A_2692 = tpu.memref_squeeze %dma_start3A_2691 : memref<1x64xf32, #tpu.memory_space<hbm>> -> memref<64xf32, #tpu.memory_space<hbm>>
          %dma_start3A_2693 = arith.constant 0 : i32
          %dma_start3A_2694 = tpu.memref_slice %arg7[%and3A_2243, %dma_start3A_2686, %dma_start3A_2693] : memref<2x32x64xf32, #tpu.memory_space<vmem>> -> memref<1x1x64xf32, #tpu.memory_space<vmem>>
          %dma_start3A_2695 = tpu.memref_squeeze %dma_start3A_2694 : memref<1x1x64xf32, #tpu.memory_space<vmem>> -> memref<64xf32, #tpu.memory_space<vmem>>
          %dma_start3A_2696 = arith.constant 0 : i32
          %dma_start3A_2697 = tpu.memref_slice %arg4[%squeeze3A_2685, %dma_start3A_2696] : memref<2600000x64xf32, #tpu.memory_space<hbm>> -> memref<1x64xf32, #tpu.memory_space<hbm>>
          %dma_start3A_2698 = tpu.memref_squeeze %dma_start3A_2697 : memref<1x64xf32, #tpu.memory_space<hbm>> -> memref<64xf32, #tpu.memory_space<hbm>>
          tpu.enqueue_dma source(%dma_start3A_2698 : memref<64xf32, #tpu.memory_space<hbm>>) target(%dma_start3A_2695 : memref<64xf32, #tpu.memory_space<vmem>>) target_semaphore(%arg9 : memref<!tpu.dma_semaphore, #tpu.memory_space<semaphore_mem>>)
          %slice3A_2699 = vector.extract_strided_slice %gather3A_2503 {offsets = [13], sizes = [1], strides = [1]} : vector<16xi32> to vector<1xi32>
          %squeeze3A_2700 = vector.extract %slice3A_2699[0] : i32 from vector<1xi32>
          %dma_start3A_2701 = arith.constant 29 : i32
          %dma_start3A_2702 = arith.constant 0 : i32
          %dma_start3A_2703 = tpu.memref_slice %arg7[%and3A_2243, %dma_start3A_2701, %dma_start3A_2702] : memref<2x32x64xf32, #tpu.memory_space<vmem>> -> memref<1x1x64xf32, #tpu.memory_space<vmem>>
          %dma_start3A_2704 = tpu.memref_squeeze %dma_start3A_2703 : memref<1x1x64xf32, #tpu.memory_space<vmem>> -> memref<64xf32, #tpu.memory_space<vmem>>
          %dma_start3A_2705 = arith.constant 0 : i32
          %dma_start3A_2706 = tpu.memref_slice %arg4[%squeeze3A_2700, %dma_start3A_2705] : memref<2600000x64xf32, #tpu.memory_space<hbm>> -> memref<1x64xf32, #tpu.memory_space<hbm>>
          %dma_start3A_2707 = tpu.memref_squeeze %dma_start3A_2706 : memref<1x64xf32, #tpu.memory_space<hbm>> -> memref<64xf32, #tpu.memory_space<hbm>>
          %dma_start3A_2708 = arith.constant 0 : i32
          %dma_start3A_2709 = tpu.memref_slice %arg7[%and3A_2243, %dma_start3A_2701, %dma_start3A_2708] : memref<2x32x64xf32, #tpu.memory_space<vmem>> -> memref<1x1x64xf32, #tpu.memory_space<vmem>>
          %dma_start3A_2710 = tpu.memref_squeeze %dma_start3A_2709 : memref<1x1x64xf32, #tpu.memory_space<vmem>> -> memref<64xf32, #tpu.memory_space<vmem>>
          %dma_start3A_2711 = arith.constant 0 : i32
          %dma_start3A_2712 = tpu.memref_slice %arg4[%squeeze3A_2700, %dma_start3A_2711] : memref<2600000x64xf32, #tpu.memory_space<hbm>> -> memref<1x64xf32, #tpu.memory_space<hbm>>
          %dma_start3A_2713 = tpu.memref_squeeze %dma_start3A_2712 : memref<1x64xf32, #tpu.memory_space<hbm>> -> memref<64xf32, #tpu.memory_space<hbm>>
          tpu.enqueue_dma source(%dma_start3A_2713 : memref<64xf32, #tpu.memory_space<hbm>>) target(%dma_start3A_2710 : memref<64xf32, #tpu.memory_space<vmem>>) target_semaphore(%arg9 : memref<!tpu.dma_semaphore, #tpu.memory_space<semaphore_mem>>)
          %slice3A_2714 = vector.extract_strided_slice %gather3A_2503 {offsets = [14], sizes = [1], strides = [1]} : vector<16xi32> to vector<1xi32>
          %squeeze3A_2715 = vector.extract %slice3A_2714[0] : i32 from vector<1xi32>
          %dma_start3A_2716 = arith.constant 30 : i32
          %dma_start3A_2717 = arith.constant 0 : i32
          %dma_start3A_2718 = tpu.memref_slice %arg7[%and3A_2243, %dma_start3A_2716, %dma_start3A_2717] : memref<2x32x64xf32, #tpu.memory_space<vmem>> -> memref<1x1x64xf32, #tpu.memory_space<vmem>>
          %dma_start3A_2719 = tpu.memref_squeeze %dma_start3A_2718 : memref<1x1x64xf32, #tpu.memory_space<vmem>> -> memref<64xf32, #tpu.memory_space<vmem>>
          %dma_start3A_2720 = arith.constant 0 : i32
          %dma_start3A_2721 = tpu.memref_slice %arg4[%squeeze3A_2715, %dma_start3A_2720] : memref<2600000x64xf32, #tpu.memory_space<hbm>> -> memref<1x64xf32, #tpu.memory_space<hbm>>
          %dma_start3A_2722 = tpu.memref_squeeze %dma_start3A_2721 : memref<1x64xf32, #tpu.memory_space<hbm>> -> memref<64xf32, #tpu.memory_space<hbm>>
          %dma_start3A_2723 = arith.constant 0 : i32
          %dma_start3A_2724 = tpu.memref_slice %arg7[%and3A_2243, %dma_start3A_2716, %dma_start3A_2723] : memref<2x32x64xf32, #tpu.memory_space<vmem>> -> memref<1x1x64xf32, #tpu.memory_space<vmem>>
          %dma_start3A_2725 = tpu.memref_squeeze %dma_start3A_2724 : memref<1x1x64xf32, #tpu.memory_space<vmem>> -> memref<64xf32, #tpu.memory_space<vmem>>
          %dma_start3A_2726 = arith.constant 0 : i32
          %dma_start3A_2727 = tpu.memref_slice %arg4[%squeeze3A_2715, %dma_start3A_2726] : memref<2600000x64xf32, #tpu.memory_space<hbm>> -> memref<1x64xf32, #tpu.memory_space<hbm>>
          %dma_start3A_2728 = tpu.memref_squeeze %dma_start3A_2727 : memref<1x64xf32, #tpu.memory_space<hbm>> -> memref<64xf32, #tpu.memory_space<hbm>>
          tpu.enqueue_dma source(%dma_start3A_2728 : memref<64xf32, #tpu.memory_space<hbm>>) target(%dma_start3A_2725 : memref<64xf32, #tpu.memory_space<vmem>>) target_semaphore(%arg9 : memref<!tpu.dma_semaphore, #tpu.memory_space<semaphore_mem>>)
          %slice3A_2729 = vector.extract_strided_slice %gather3A_2503 {offsets = [15], sizes = [1], strides = [1]} : vector<16xi32> to vector<1xi32>
          %squeeze3A_2730 = vector.extract %slice3A_2729[0] : i32 from vector<1xi32>
          %dma_start3A_2731 = arith.constant 31 : i32
          %dma_start3A_2732 = arith.constant 0 : i32
          %dma_start3A_2733 = tpu.memref_slice %arg7[%and3A_2243, %dma_start3A_2731, %dma_start3A_2732] : memref<2x32x64xf32, #tpu.memory_space<vmem>> -> memref<1x1x64xf32, #tpu.memory_space<vmem>>
          %dma_start3A_2734 = tpu.memref_squeeze %dma_start3A_2733 : memref<1x1x64xf32, #tpu.memory_space<vmem>> -> memref<64xf32, #tpu.memory_space<vmem>>
          %dma_start3A_2735 = arith.constant 0 : i32
          %dma_start3A_2736 = tpu.memref_slice %arg4[%squeeze3A_2730, %dma_start3A_2735] : memref<2600000x64xf32, #tpu.memory_space<hbm>> -> memref<1x64xf32, #tpu.memory_space<hbm>>
          %dma_start3A_2737 = tpu.memref_squeeze %dma_start3A_2736 : memref<1x64xf32, #tpu.memory_space<hbm>> -> memref<64xf32, #tpu.memory_space<hbm>>
          %dma_start3A_2738 = arith.constant 0 : i32
          %dma_start3A_2739 = tpu.memref_slice %arg7[%and3A_2243, %dma_start3A_2731, %dma_start3A_2738] : memref<2x32x64xf32, #tpu.memory_space<vmem>> -> memref<1x1x64xf32, #tpu.memory_space<vmem>>
          %dma_start3A_2740 = tpu.memref_squeeze %dma_start3A_2739 : memref<1x1x64xf32, #tpu.memory_space<vmem>> -> memref<64xf32, #tpu.memory_space<vmem>>
          %dma_start3A_2741 = arith.constant 0 : i32
          %dma_start3A_2742 = tpu.memref_slice %arg4[%squeeze3A_2730, %dma_start3A_2741] : memref<2600000x64xf32, #tpu.memory_space<hbm>> -> memref<1x64xf32, #tpu.memory_space<hbm>>
          %dma_start3A_2743 = tpu.memref_squeeze %dma_start3A_2742 : memref<1x64xf32, #tpu.memory_space<hbm>> -> memref<64xf32, #tpu.memory_space<hbm>>
          tpu.enqueue_dma source(%dma_start3A_2743 : memref<64xf32, #tpu.memory_space<hbm>>) target(%dma_start3A_2740 : memref<64xf32, #tpu.memory_space<vmem>>) target_semaphore(%arg9 : memref<!tpu.dma_semaphore, #tpu.memory_space<semaphore_mem>>)
        } else {
        }
        %sub3A = arith.constant 1 : i32
        %sub3A_563 = arith.subi %add3A_560, %sub3A : i32
        %sub3A_564 = arith.constant 1 : i32
        %sub3A_565 = arith.subi %add3A_560, %sub3A_564 : i32
        %and3A = arith.constant 1 : i32
        %and3A_566 = arith.andi %sub3A_565, %and3A : i32
        %dma_wait3A = arith.constant 0 : i32
        %dma_wait3A_567 = arith.constant 0 : i32
        %dma_wait3A_568 = tpu.memref_slice %arg7[%and3A_566, %dma_wait3A, %dma_wait3A_567] : memref<2x32x64xf32, #tpu.memory_space<vmem>> -> memref<1x32x64xf32, #tpu.memory_space<vmem>>
        %dma_wait3A_569 = tpu.memref_squeeze %dma_wait3A_568 : memref<1x32x64xf32, #tpu.memory_space<vmem>> -> memref<32x64xf32, #tpu.memory_space<vmem>>
        %dma_wait3A_570 = arith.constant 0 : i32
        %dma_wait3A_571 = arith.constant 0 : i32
        %dma_wait3A_572 = tpu.memref_slice %arg4[%dma_wait3A_570, %dma_wait3A_571] : memref<2600000x64xf32, #tpu.memory_space<hbm>> -> memref<32x64xf32, #tpu.memory_space<hbm>>
        %dma_wait3A_573 = arith.constant 0 : i32
        %dma_wait3A_574 = arith.constant 0 : i32
        %dma_wait3A_575 = tpu.memref_slice %arg7[%and3A_566, %dma_wait3A_573, %dma_wait3A_574] : memref<2x32x64xf32, #tpu.memory_space<vmem>> -> memref<1x32x64xf32, #tpu.memory_space<vmem>>
        %dma_wait3A_576 = tpu.memref_squeeze %dma_wait3A_575 : memref<1x32x64xf32, #tpu.memory_space<vmem>> -> memref<32x64xf32, #tpu.memory_space<vmem>>
        %dma_wait3A_577 = arith.constant 0 : i32
        %dma_wait3A_578 = arith.constant 0 : i32
        %dma_wait3A_579 = tpu.memref_slice %arg4[%dma_wait3A_577, %dma_wait3A_578] : memref<2600000x64xf32, #tpu.memory_space<hbm>> -> memref<32x64xf32, #tpu.memory_space<hbm>>
        tpu.wait_dma2 semaphore(%arg9 : memref<!tpu.dma_semaphore, #tpu.memory_space<semaphore_mem>>) src(%dma_wait3A_579 : memref<32x64xf32, #tpu.memory_space<hbm>>) dst(%dma_wait3A_576 : memref<32x64xf32, #tpu.memory_space<vmem>>)
        %get3A = arith.constant 0 : i32
        %get3A_580 = arith.index_cast %and3A_566 : i32 to index
        %get3A_581 = arith.index_cast %get3A : i32 to index
        %get3A_582 = arith.constant 0 : index
        %get3A_583 = tpu.vector_load %arg7[%get3A_580, %get3A_581, %get3A_582] {strides = array<i32>} : memref<2x32x64xf32, #tpu.memory_space<vmem>>, vector<16xf32>,
        %mul3A_584 = arith.constant 64 : i32
        %mul3A_585 = arith.muli %sub3A_563, %mul3A_584 : i32
        %add3A_586 = arith.constant 0 : i32
        %add3A_587 = arith.addi %mul3A_585, %add3A_586 : i32
        %swap3A = arith.constant 0 : i32
        %swap3A_588 = arith.index_cast %swap3A : i32 to index
        %swap3A_589 = arith.index_cast %add3A_587 : i32 to index
        %swap3A_590 = tpu.vector_load %arg8[%swap3A_588, %swap3A_589] {strides = array<i32>} : memref<32x1792xf32, #tpu.memory_space<vmem>>, vector<16xf32>,
        tpu.vector_store %arg8[%swap3A_588, %swap3A_589], %get3A_583 {strides = array<i32>} : memref<32x1792xf32, #tpu.memory_space<vmem>>, vector<16xf32>,
        %get3A_591 = arith.constant 0 : i32
        %get3A_592 = arith.index_cast %and3A_566 : i32 to index
        %get3A_593 = arith.index_cast %get3A_591 : i32 to index
        %get3A_594 = arith.constant 16 : index
        %get3A_595 = tpu.vector_load %arg7[%get3A_592, %get3A_593, %get3A_594] {strides = array<i32>} : memref<2x32x64xf32, #tpu.memory_space<vmem>>, vector<16xf32>,
        %mul3A_596 = arith.constant 64 : i32
        %mul3A_597 = arith.muli %sub3A_563, %mul3A_596 : i32
        %add3A_598 = arith.constant 16 : i32
        %add3A_599 = arith.addi %mul3A_597, %add3A_598 : i32
        %swap3A_600 = arith.constant 0 : i32
        %swap3A_601 = arith.index_cast %swap3A_600 : i32 to index
        %swap3A_602 = arith.index_cast %add3A_599 : i32 to index
        %swap3A_603 = tpu.vector_load %arg8[%swap3A_601, %swap3A_602] {strides = array<i32>} : memref<32x1792xf32, #tpu.memory_space<vmem>>, vector<16xf32>,
        tpu.vector_store %arg8[%swap3A_601, %swap3A_602], %get3A_595 {strides = array<i32>} : memref<32x1792xf32, #tpu.memory_space<vmem>>, vector<16xf32>,
        %get3A_604 = arith.constant 0 : i32
        %get3A_605 = arith.index_cast %and3A_566 : i32 to index
        %get3A_606 = arith.index_cast %get3A_604 : i32 to index
        %get3A_607 = arith.constant 32 : index
        %get3A_608 = tpu.vector_load %arg7[%get3A_605, %get3A_606, %get3A_607] {strides = array<i32>} : memref<2x32x64xf32, #tpu.memory_space<vmem>>, vector<16xf32>,
        %mul3A_609 = arith.constant 64 : i32
        %mul3A_610 = arith.muli %sub3A_563, %mul3A_609 : i32
        %add3A_611 = arith.constant 32 : i32
        %add3A_612 = arith.addi %mul3A_610, %add3A_611 : i32
        %swap3A_613 = arith.constant 0 : i32
        %swap3A_614 = arith.index_cast %swap3A_613 : i32 to index
        %swap3A_615 = arith.index_cast %add3A_612 : i32 to index
        %swap3A_616 = tpu.vector_load %arg8[%swap3A_614, %swap3A_615] {strides = array<i32>} : memref<32x1792xf32, #tpu.memory_space<vmem>>, vector<16xf32>,
        tpu.vector_store %arg8[%swap3A_614, %swap3A_615], %get3A_608 {strides = array<i32>} : memref<32x1792xf32, #tpu.memory_space<vmem>>, vector<16xf32>,
        %get3A_617 = arith.constant 0 : i32
        %get3A_618 = arith.index_cast %and3A_566 : i32 to index
        %get3A_619 = arith.index_cast %get3A_617 : i32 to index
        %get3A_620 = arith.constant 48 : index
        %get3A_621 = tpu.vector_load %arg7[%get3A_618, %get3A_619, %get3A_620] {strides = array<i32>} : memref<2x32x64xf32, #tpu.memory_space<vmem>>, vector<16xf32>,
        %mul3A_622 = arith.constant 64 : i32
        %mul3A_623 = arith.muli %sub3A_563, %mul3A_622 : i32
        %add3A_624 = arith.constant 48 : i32
        %add3A_625 = arith.addi %mul3A_623, %add3A_624 : i32
        %swap3A_626 = arith.constant 0 : i32
        %swap3A_627 = arith.index_cast %swap3A_626 : i32 to index
        %swap3A_628 = arith.index_cast %add3A_625 : i32 to index
        %swap3A_629 = tpu.vector_load %arg8[%swap3A_627, %swap3A_628] {strides = array<i32>} : memref<32x1792xf32, #tpu.memory_space<vmem>>, vector<16xf32>,
        tpu.vector_store %arg8[%swap3A_627, %swap3A_628], %get3A_621 {strides = array<i32>} : memref<32x1792xf32, #tpu.memory_space<vmem>>, vector<16xf32>,
        %get3A_630 = arith.constant 1 : i32
        %get3A_631 = arith.index_cast %and3A_566 : i32 to index
        %get3A_632 = arith.index_cast %get3A_630 : i32 to index
        %get3A_633 = arith.constant 0 : index
        %get3A_634 = tpu.vector_load %arg7[%get3A_631, %get3A_632, %get3A_633] {strides = array<i32>} : memref<2x32x64xf32, #tpu.memory_space<vmem>>, vector<16xf32>,
        %mul3A_635 = arith.constant 64 : i32
        %mul3A_636 = arith.muli %sub3A_563, %mul3A_635 : i32
        %add3A_637 = arith.constant 0 : i32
        %add3A_638 = arith.addi %mul3A_636, %add3A_637 : i32
        %swap3A_639 = arith.constant 1 : i32
        %swap3A_640 = arith.index_cast %swap3A_639 : i32 to index
        %swap3A_641 = arith.index_cast %add3A_638 : i32 to index
        %swap3A_642 = tpu.vector_load %arg8[%swap3A_640, %swap3A_641] {strides = array<i32>} : memref<32x1792xf32, #tpu.memory_space<vmem>>, vector<16xf32>,
        tpu.vector_store %arg8[%swap3A_640, %swap3A_641], %get3A_634 {strides = array<i32>} : memref<32x1792xf32, #tpu.memory_space<vmem>>, vector<16xf32>,
        %get3A_643 = arith.constant 1 : i32
        %get3A_644 = arith.index_cast %and3A_566 : i32 to index
        %get3A_645 = arith.index_cast %get3A_643 : i32 to index
        %get3A_646 = arith.constant 16 : index
        %get3A_647 = tpu.vector_load %arg7[%get3A_644, %get3A_645, %get3A_646] {strides = array<i32>} : memref<2x32x64xf32, #tpu.memory_space<vmem>>, vector<16xf32>,
        %mul3A_648 = arith.constant 64 : i32
        %mul3A_649 = arith.muli %sub3A_563, %mul3A_648 : i32
        %add3A_650 = arith.constant 16 : i32
        %add3A_651 = arith.addi %mul3A_649, %add3A_650 : i32
        %swap3A_652 = arith.constant 1 : i32
        %swap3A_653 = arith.index_cast %swap3A_652 : i32 to index
        %swap3A_654 = arith.index_cast %add3A_651 : i32 to index
        %swap3A_655 = tpu.vector_load %arg8[%swap3A_653, %swap3A_654] {strides = array<i32>} : memref<32x1792xf32, #tpu.memory_space<vmem>>, vector<16xf32>,
        tpu.vector_store %arg8[%swap3A_653, %swap3A_654], %get3A_647 {strides = array<i32>} : memref<32x1792xf32, #tpu.memory_space<vmem>>, vector<16xf32>,
        %get3A_656 = arith.constant 1 : i32
        %get3A_657 = arith.index_cast %and3A_566 : i32 to index
        %get3A_658 = arith.index_cast %get3A_656 : i32 to index
        %get3A_659 = arith.constant 32 : index
        %get3A_660 = tpu.vector_load %arg7[%get3A_657, %get3A_658, %get3A_659] {strides = array<i32>} : memref<2x32x64xf32, #tpu.memory_space<vmem>>, vector<16xf32>,
        %mul3A_661 = arith.constant 64 : i32
        %mul3A_662 = arith.muli %sub3A_563, %mul3A_661 : i32
        %add3A_663 = arith.constant 32 : i32
        %add3A_664 = arith.addi %mul3A_662, %add3A_663 : i32
        %swap3A_665 = arith.constant 1 : i32
        %swap3A_666 = arith.index_cast %swap3A_665 : i32 to index
        %swap3A_667 = arith.index_cast %add3A_664 : i32 to index
        %swap3A_668 = tpu.vector_load %arg8[%swap3A_666, %swap3A_667] {strides = array<i32>} : memref<32x1792xf32, #tpu.memory_space<vmem>>, vector<16xf32>,
        tpu.vector_store %arg8[%swap3A_666, %swap3A_667], %get3A_660 {strides = array<i32>} : memref<32x1792xf32, #tpu.memory_space<vmem>>, vector<16xf32>,
        %get3A_669 = arith.constant 1 : i32
        %get3A_670 = arith.index_cast %and3A_566 : i32 to index
        %get3A_671 = arith.index_cast %get3A_669 : i32 to index
        %get3A_672 = arith.constant 48 : index
        %get3A_673 = tpu.vector_load %arg7[%get3A_670, %get3A_671, %get3A_672] {strides = array<i32>} : memref<2x32x64xf32, #tpu.memory_space<vmem>>, vector<16xf32>,
        %mul3A_674 = arith.constant 64 : i32
        %mul3A_675 = arith.muli %sub3A_563, %mul3A_674 : i32
        %add3A_676 = arith.constant 48 : i32
        %add3A_677 = arith.addi %mul3A_675, %add3A_676 : i32
        %swap3A_678 = arith.constant 1 : i32
        %swap3A_679 = arith.index_cast %swap3A_678 : i32 to index
        %swap3A_680 = arith.index_cast %add3A_677 : i32 to index
        %swap3A_681 = tpu.vector_load %arg8[%swap3A_679, %swap3A_680] {strides = array<i32>} : memref<32x1792xf32, #tpu.memory_space<vmem>>, vector<16xf32>,
        tpu.vector_store %arg8[%swap3A_679, %swap3A_680], %get3A_673 {strides = array<i32>} : memref<32x1792xf32, #tpu.memory_space<vmem>>, vector<16xf32>,
        %get3A_682 = arith.constant 2 : i32
        %get3A_683 = arith.index_cast %and3A_566 : i32 to index
        %get3A_684 = arith.index_cast %get3A_682 : i32 to index
        %get3A_685 = arith.constant 0 : index
        %get3A_686 = tpu.vector_load %arg7[%get3A_683, %get3A_684, %get3A_685] {strides = array<i32>} : memref<2x32x64xf32, #tpu.memory_space<vmem>>, vector<16xf32>,
        %mul3A_687 = arith.constant 64 : i32
        %mul3A_688 = arith.muli %sub3A_563, %mul3A_687 : i32
        %add3A_689 = arith.constant 0 : i32
        %add3A_690 = arith.addi %mul3A_688, %add3A_689 : i32
        %swap3A_691 = arith.constant 2 : i32
        %swap3A_692 = arith.index_cast %swap3A_691 : i32 to index
        %swap3A_693 = arith.index_cast %add3A_690 : i32 to index
        %swap3A_694 = tpu.vector_load %arg8[%swap3A_692, %swap3A_693] {strides = array<i32>} : memref<32x1792xf32, #tpu.memory_space<vmem>>, vector<16xf32>,
        tpu.vector_store %arg8[%swap3A_692, %swap3A_693], %get3A_686 {strides = array<i32>} : memref<32x1792xf32, #tpu.memory_space<vmem>>, vector<16xf32>,
        %get3A_695 = arith.constant 2 : i32
        %get3A_696 = arith.index_cast %and3A_566 : i32 to index
        %get3A_697 = arith.index_cast %get3A_695 : i32 to index
        %get3A_698 = arith.constant 16 : index
        %get3A_699 = tpu.vector_load %arg7[%get3A_696, %get3A_697, %get3A_698] {strides = array<i32>} : memref<2x32x64xf32, #tpu.memory_space<vmem>>, vector<16xf32>,
        %mul3A_700 = arith.constant 64 : i32
        %mul3A_701 = arith.muli %sub3A_563, %mul3A_700 : i32
        %add3A_702 = arith.constant 16 : i32
        %add3A_703 = arith.addi %mul3A_701, %add3A_702 : i32
        %swap3A_704 = arith.constant 2 : i32
        %swap3A_705 = arith.index_cast %swap3A_704 : i32 to index
        %swap3A_706 = arith.index_cast %add3A_703 : i32 to index
        %swap3A_707 = tpu.vector_load %arg8[%swap3A_705, %swap3A_706] {strides = array<i32>} : memref<32x1792xf32, #tpu.memory_space<vmem>>, vector<16xf32>,
        tpu.vector_store %arg8[%swap3A_705, %swap3A_706], %get3A_699 {strides = array<i32>} : memref<32x1792xf32, #tpu.memory_space<vmem>>, vector<16xf32>,
        %get3A_708 = arith.constant 2 : i32
        %get3A_709 = arith.index_cast %and3A_566 : i32 to index
        %get3A_710 = arith.index_cast %get3A_708 : i32 to index
        %get3A_711 = arith.constant 32 : index
        %get3A_712 = tpu.vector_load %arg7[%get3A_709, %get3A_710, %get3A_711] {strides = array<i32>} : memref<2x32x64xf32, #tpu.memory_space<vmem>>, vector<16xf32>,
        %mul3A_713 = arith.constant 64 : i32
        %mul3A_714 = arith.muli %sub3A_563, %mul3A_713 : i32
        %add3A_715 = arith.constant 32 : i32
        %add3A_716 = arith.addi %mul3A_714, %add3A_715 : i32
        %swap3A_717 = arith.constant 2 : i32
        %swap3A_718 = arith.index_cast %swap3A_717 : i32 to index
        %swap3A_719 = arith.index_cast %add3A_716 : i32 to index
        %swap3A_720 = tpu.vector_load %arg8[%swap3A_718, %swap3A_719] {strides = array<i32>} : memref<32x1792xf32, #tpu.memory_space<vmem>>, vector<16xf32>,
        tpu.vector_store %arg8[%swap3A_718, %swap3A_719], %get3A_712 {strides = array<i32>} : memref<32x1792xf32, #tpu.memory_space<vmem>>, vector<16xf32>,
        %get3A_721 = arith.constant 2 : i32
        %get3A_722 = arith.index_cast %and3A_566 : i32 to index
        %get3A_723 = arith.index_cast %get3A_721 : i32 to index
        %get3A_724 = arith.constant 48 : index
        %get3A_725 = tpu.vector_load %arg7[%get3A_722, %get3A_723, %get3A_724] {strides = array<i32>} : memref<2x32x64xf32, #tpu.memory_space<vmem>>, vector<16xf32>,
        %mul3A_726 = arith.constant 64 : i32
        %mul3A_727 = arith.muli %sub3A_563, %mul3A_726 : i32
        %add3A_728 = arith.constant 48 : i32
        %add3A_729 = arith.addi %mul3A_727, %add3A_728 : i32
        %swap3A_730 = arith.constant 2 : i32
        %swap3A_731 = arith.index_cast %swap3A_730 : i32 to index
        %swap3A_732 = arith.index_cast %add3A_729 : i32 to index
        %swap3A_733 = tpu.vector_load %arg8[%swap3A_731, %swap3A_732] {strides = array<i32>} : memref<32x1792xf32, #tpu.memory_space<vmem>>, vector<16xf32>,
        tpu.vector_store %arg8[%swap3A_731, %swap3A_732], %get3A_725 {strides = array<i32>} : memref<32x1792xf32, #tpu.memory_space<vmem>>, vector<16xf32>,
        %get3A_734 = arith.constant 3 : i32
        %get3A_735 = arith.index_cast %and3A_566 : i32 to index
        %get3A_736 = arith.index_cast %get3A_734 : i32 to index
        %get3A_737 = arith.constant 0 : index
        %get3A_738 = tpu.vector_load %arg7[%get3A_735, %get3A_736, %get3A_737] {strides = array<i32>} : memref<2x32x64xf32, #tpu.memory_space<vmem>>, vector<16xf32>,
        %mul3A_739 = arith.constant 64 : i32
        %mul3A_740 = arith.muli %sub3A_563, %mul3A_739 : i32
        %add3A_741 = arith.constant 0 : i32
        %add3A_742 = arith.addi %mul3A_740, %add3A_741 : i32
        %swap3A_743 = arith.constant 3 : i32
        %swap3A_744 = arith.index_cast %swap3A_743 : i32 to index
        %swap3A_745 = arith.index_cast %add3A_742 : i32 to index
        %swap3A_746 = tpu.vector_load %arg8[%swap3A_744, %swap3A_745] {strides = array<i32>} : memref<32x1792xf32, #tpu.memory_space<vmem>>, vector<16xf32>,
        tpu.vector_store %arg8[%swap3A_744, %swap3A_745], %get3A_738 {strides = array<i32>} : memref<32x1792xf32, #tpu.memory_space<vmem>>, vector<16xf32>,
        %get3A_747 = arith.constant 3 : i32
        %get3A_748 = arith.index_cast %and3A_566 : i32 to index
        %get3A_749 = arith.index_cast %get3A_747 : i32 to index
        %get3A_750 = arith.constant 16 : index
        %get3A_751 = tpu.vector_load %arg7[%get3A_748, %get3A_749, %get3A_750] {strides = array<i32>} : memref<2x32x64xf32, #tpu.memory_space<vmem>>, vector<16xf32>,
        %mul3A_752 = arith.constant 64 : i32
        %mul3A_753 = arith.muli %sub3A_563, %mul3A_752 : i32
        %add3A_754 = arith.constant 16 : i32
        %add3A_755 = arith.addi %mul3A_753, %add3A_754 : i32
        %swap3A_756 = arith.constant 3 : i32
        %swap3A_757 = arith.index_cast %swap3A_756 : i32 to index
        %swap3A_758 = arith.index_cast %add3A_755 : i32 to index
        %swap3A_759 = tpu.vector_load %arg8[%swap3A_757, %swap3A_758] {strides = array<i32>} : memref<32x1792xf32, #tpu.memory_space<vmem>>, vector<16xf32>,
        tpu.vector_store %arg8[%swap3A_757, %swap3A_758], %get3A_751 {strides = array<i32>} : memref<32x1792xf32, #tpu.memory_space<vmem>>, vector<16xf32>,
        %get3A_760 = arith.constant 3 : i32
        %get3A_761 = arith.index_cast %and3A_566 : i32 to index
        %get3A_762 = arith.index_cast %get3A_760 : i32 to index
        %get3A_763 = arith.constant 32 : index
        %get3A_764 = tpu.vector_load %arg7[%get3A_761, %get3A_762, %get3A_763] {strides = array<i32>} : memref<2x32x64xf32, #tpu.memory_space<vmem>>, vector<16xf32>,
        %mul3A_765 = arith.constant 64 : i32
        %mul3A_766 = arith.muli %sub3A_563, %mul3A_765 : i32
        %add3A_767 = arith.constant 32 : i32
        %add3A_768 = arith.addi %mul3A_766, %add3A_767 : i32
        %swap3A_769 = arith.constant 3 : i32
        %swap3A_770 = arith.index_cast %swap3A_769 : i32 to index
        %swap3A_771 = arith.index_cast %add3A_768 : i32 to index
        %swap3A_772 = tpu.vector_load %arg8[%swap3A_770, %swap3A_771] {strides = array<i32>} : memref<32x1792xf32, #tpu.memory_space<vmem>>, vector<16xf32>,
        tpu.vector_store %arg8[%swap3A_770, %swap3A_771], %get3A_764 {strides = array<i32>} : memref<32x1792xf32, #tpu.memory_space<vmem>>, vector<16xf32>,
        %get3A_773 = arith.constant 3 : i32
        %get3A_774 = arith.index_cast %and3A_566 : i32 to index
        %get3A_775 = arith.index_cast %get3A_773 : i32 to index
        %get3A_776 = arith.constant 48 : index
        %get3A_777 = tpu.vector_load %arg7[%get3A_774, %get3A_775, %get3A_776] {strides = array<i32>} : memref<2x32x64xf32, #tpu.memory_space<vmem>>, vector<16xf32>,
        %mul3A_778 = arith.constant 64 : i32
        %mul3A_779 = arith.muli %sub3A_563, %mul3A_778 : i32
        %add3A_780 = arith.constant 48 : i32
        %add3A_781 = arith.addi %mul3A_779, %add3A_780 : i32
        %swap3A_782 = arith.constant 3 : i32
        %swap3A_783 = arith.index_cast %swap3A_782 : i32 to index
        %swap3A_784 = arith.index_cast %add3A_781 : i32 to index
        %swap3A_785 = tpu.vector_load %arg8[%swap3A_783, %swap3A_784] {strides = array<i32>} : memref<32x1792xf32, #tpu.memory_space<vmem>>, vector<16xf32>,
        tpu.vector_store %arg8[%swap3A_783, %swap3A_784], %get3A_777 {strides = array<i32>} : memref<32x1792xf32, #tpu.memory_space<vmem>>, vector<16xf32>,
        %get3A_786 = arith.constant 4 : i32
        %get3A_787 = arith.index_cast %and3A_566 : i32 to index
        %get3A_788 = arith.index_cast %get3A_786 : i32 to index
        %get3A_789 = arith.constant 0 : index
        %get3A_790 = tpu.vector_load %arg7[%get3A_787, %get3A_788, %get3A_789] {strides = array<i32>} : memref<2x32x64xf32, #tpu.memory_space<vmem>>, vector<16xf32>,
        %mul3A_791 = arith.constant 64 : i32
        %mul3A_792 = arith.muli %sub3A_563, %mul3A_791 : i32
        %add3A_793 = arith.constant 0 : i32
        %add3A_794 = arith.addi %mul3A_792, %add3A_793 : i32
        %swap3A_795 = arith.constant 4 : i32
        %swap3A_796 = arith.index_cast %swap3A_795 : i32 to index
        %swap3A_797 = arith.index_cast %add3A_794 : i32 to index
        %swap3A_798 = tpu.vector_load %arg8[%swap3A_796, %swap3A_797] {strides = array<i32>} : memref<32x1792xf32, #tpu.memory_space<vmem>>, vector<16xf32>,
        tpu.vector_store %arg8[%swap3A_796, %swap3A_797], %get3A_790 {strides = array<i32>} : memref<32x1792xf32, #tpu.memory_space<vmem>>, vector<16xf32>,
        %get3A_799 = arith.constant 4 : i32
        %get3A_800 = arith.index_cast %and3A_566 : i32 to index
        %get3A_801 = arith.index_cast %get3A_799 : i32 to index
        %get3A_802 = arith.constant 16 : index
        %get3A_803 = tpu.vector_load %arg7[%get3A_800, %get3A_801, %get3A_802] {strides = array<i32>} : memref<2x32x64xf32, #tpu.memory_space<vmem>>, vector<16xf32>,
        %mul3A_804 = arith.constant 64 : i32
        %mul3A_805 = arith.muli %sub3A_563, %mul3A_804 : i32
        %add3A_806 = arith.constant 16 : i32
        %add3A_807 = arith.addi %mul3A_805, %add3A_806 : i32
        %swap3A_808 = arith.constant 4 : i32
        %swap3A_809 = arith.index_cast %swap3A_808 : i32 to index
        %swap3A_810 = arith.index_cast %add3A_807 : i32 to index
        %swap3A_811 = tpu.vector_load %arg8[%swap3A_809, %swap3A_810] {strides = array<i32>} : memref<32x1792xf32, #tpu.memory_space<vmem>>, vector<16xf32>,
        tpu.vector_store %arg8[%swap3A_809, %swap3A_810], %get3A_803 {strides = array<i32>} : memref<32x1792xf32, #tpu.memory_space<vmem>>, vector<16xf32>,
        %get3A_812 = arith.constant 4 : i32
        %get3A_813 = arith.index_cast %and3A_566 : i32 to index
        %get3A_814 = arith.index_cast %get3A_812 : i32 to index
        %get3A_815 = arith.constant 32 : index
        %get3A_816 = tpu.vector_load %arg7[%get3A_813, %get3A_814, %get3A_815] {strides = array<i32>} : memref<2x32x64xf32, #tpu.memory_space<vmem>>, vector<16xf32>,
        %mul3A_817 = arith.constant 64 : i32
        %mul3A_818 = arith.muli %sub3A_563, %mul3A_817 : i32
        %add3A_819 = arith.constant 32 : i32
        %add3A_820 = arith.addi %mul3A_818, %add3A_819 : i32
        %swap3A_821 = arith.constant 4 : i32
        %swap3A_822 = arith.index_cast %swap3A_821 : i32 to index
        %swap3A_823 = arith.index_cast %add3A_820 : i32 to index
        %swap3A_824 = tpu.vector_load %arg8[%swap3A_822, %swap3A_823] {strides = array<i32>} : memref<32x1792xf32, #tpu.memory_space<vmem>>, vector<16xf32>,
        tpu.vector_store %arg8[%swap3A_822, %swap3A_823], %get3A_816 {strides = array<i32>} : memref<32x1792xf32, #tpu.memory_space<vmem>>, vector<16xf32>,
        %get3A_825 = arith.constant 4 : i32
        %get3A_826 = arith.index_cast %and3A_566 : i32 to index
        %get3A_827 = arith.index_cast %get3A_825 : i32 to index
        %get3A_828 = arith.constant 48 : index
        %get3A_829 = tpu.vector_load %arg7[%get3A_826, %get3A_827, %get3A_828] {strides = array<i32>} : memref<2x32x64xf32, #tpu.memory_space<vmem>>, vector<16xf32>,
        %mul3A_830 = arith.constant 64 : i32
        %mul3A_831 = arith.muli %sub3A_563, %mul3A_830 : i32
        %add3A_832 = arith.constant 48 : i32
        %add3A_833 = arith.addi %mul3A_831, %add3A_832 : i32
        %swap3A_834 = arith.constant 4 : i32
        %swap3A_835 = arith.index_cast %swap3A_834 : i32 to index
        %swap3A_836 = arith.index_cast %add3A_833 : i32 to index
        %swap3A_837 = tpu.vector_load %arg8[%swap3A_835, %swap3A_836] {strides = array<i32>} : memref<32x1792xf32, #tpu.memory_space<vmem>>, vector<16xf32>,
        tpu.vector_store %arg8[%swap3A_835, %swap3A_836], %get3A_829 {strides = array<i32>} : memref<32x1792xf32, #tpu.memory_space<vmem>>, vector<16xf32>,
        %get3A_838 = arith.constant 5 : i32
        %get3A_839 = arith.index_cast %and3A_566 : i32 to index
        %get3A_840 = arith.index_cast %get3A_838 : i32 to index
        %get3A_841 = arith.constant 0 : index
        %get3A_842 = tpu.vector_load %arg7[%get3A_839, %get3A_840, %get3A_841] {strides = array<i32>} : memref<2x32x64xf32, #tpu.memory_space<vmem>>, vector<16xf32>,
        %mul3A_843 = arith.constant 64 : i32
        %mul3A_844 = arith.muli %sub3A_563, %mul3A_843 : i32
        %add3A_845 = arith.constant 0 : i32
        %add3A_846 = arith.addi %mul3A_844, %add3A_845 : i32
        %swap3A_847 = arith.constant 5 : i32
        %swap3A_848 = arith.index_cast %swap3A_847 : i32 to index
        %swap3A_849 = arith.index_cast %add3A_846 : i32 to index
        %swap3A_850 = tpu.vector_load %arg8[%swap3A_848, %swap3A_849] {strides = array<i32>} : memref<32x1792xf32, #tpu.memory_space<vmem>>, vector<16xf32>,
        tpu.vector_store %arg8[%swap3A_848, %swap3A_849], %get3A_842 {strides = array<i32>} : memref<32x1792xf32, #tpu.memory_space<vmem>>, vector<16xf32>,
        %get3A_851 = arith.constant 5 : i32
        %get3A_852 = arith.index_cast %and3A_566 : i32 to index
        %get3A_853 = arith.index_cast %get3A_851 : i32 to index
        %get3A_854 = arith.constant 16 : index
        %get3A_855 = tpu.vector_load %arg7[%get3A_852, %get3A_853, %get3A_854] {strides = array<i32>} : memref<2x32x64xf32, #tpu.memory_space<vmem>>, vector<16xf32>,
        %mul3A_856 = arith.constant 64 : i32
        %mul3A_857 = arith.muli %sub3A_563, %mul3A_856 : i32
        %add3A_858 = arith.constant 16 : i32
        %add3A_859 = arith.addi %mul3A_857, %add3A_858 : i32
        %swap3A_860 = arith.constant 5 : i32
        %swap3A_861 = arith.index_cast %swap3A_860 : i32 to index
        %swap3A_862 = arith.index_cast %add3A_859 : i32 to index
        %swap3A_863 = tpu.vector_load %arg8[%swap3A_861, %swap3A_862] {strides = array<i32>} : memref<32x1792xf32, #tpu.memory_space<vmem>>, vector<16xf32>,
        tpu.vector_store %arg8[%swap3A_861, %swap3A_862], %get3A_855 {strides = array<i32>} : memref<32x1792xf32, #tpu.memory_space<vmem>>, vector<16xf32>,
        %get3A_864 = arith.constant 5 : i32
        %get3A_865 = arith.index_cast %and3A_566 : i32 to index
        %get3A_866 = arith.index_cast %get3A_864 : i32 to index
        %get3A_867 = arith.constant 32 : index
        %get3A_868 = tpu.vector_load %arg7[%get3A_865, %get3A_866, %get3A_867] {strides = array<i32>} : memref<2x32x64xf32, #tpu.memory_space<vmem>>, vector<16xf32>,
        %mul3A_869 = arith.constant 64 : i32
        %mul3A_870 = arith.muli %sub3A_563, %mul3A_869 : i32
        %add3A_871 = arith.constant 32 : i32
        %add3A_872 = arith.addi %mul3A_870, %add3A_871 : i32
        %swap3A_873 = arith.constant 5 : i32
        %swap3A_874 = arith.index_cast %swap3A_873 : i32 to index
        %swap3A_875 = arith.index_cast %add3A_872 : i32 to index
        %swap3A_876 = tpu.vector_load %arg8[%swap3A_874, %swap3A_875] {strides = array<i32>} : memref<32x1792xf32, #tpu.memory_space<vmem>>, vector<16xf32>,
        tpu.vector_store %arg8[%swap3A_874, %swap3A_875], %get3A_868 {strides = array<i32>} : memref<32x1792xf32, #tpu.memory_space<vmem>>, vector<16xf32>,
        %get3A_877 = arith.constant 5 : i32
        %get3A_878 = arith.index_cast %and3A_566 : i32 to index
        %get3A_879 = arith.index_cast %get3A_877 : i32 to index
        %get3A_880 = arith.constant 48 : index
        %get3A_881 = tpu.vector_load %arg7[%get3A_878, %get3A_879, %get3A_880] {strides = array<i32>} : memref<2x32x64xf32, #tpu.memory_space<vmem>>, vector<16xf32>,
        %mul3A_882 = arith.constant 64 : i32
        %mul3A_883 = arith.muli %sub3A_563, %mul3A_882 : i32
        %add3A_884 = arith.constant 48 : i32
        %add3A_885 = arith.addi %mul3A_883, %add3A_884 : i32
        %swap3A_886 = arith.constant 5 : i32
        %swap3A_887 = arith.index_cast %swap3A_886 : i32 to index
        %swap3A_888 = arith.index_cast %add3A_885 : i32 to index
        %swap3A_889 = tpu.vector_load %arg8[%swap3A_887, %swap3A_888] {strides = array<i32>} : memref<32x1792xf32, #tpu.memory_space<vmem>>, vector<16xf32>,
        tpu.vector_store %arg8[%swap3A_887, %swap3A_888], %get3A_881 {strides = array<i32>} : memref<32x1792xf32, #tpu.memory_space<vmem>>, vector<16xf32>,
        %get3A_890 = arith.constant 6 : i32
        %get3A_891 = arith.index_cast %and3A_566 : i32 to index
        %get3A_892 = arith.index_cast %get3A_890 : i32 to index
        %get3A_893 = arith.constant 0 : index
        %get3A_894 = tpu.vector_load %arg7[%get3A_891, %get3A_892, %get3A_893] {strides = array<i32>} : memref<2x32x64xf32, #tpu.memory_space<vmem>>, vector<16xf32>,
        %mul3A_895 = arith.constant 64 : i32
        %mul3A_896 = arith.muli %sub3A_563, %mul3A_895 : i32
        %add3A_897 = arith.constant 0 : i32
        %add3A_898 = arith.addi %mul3A_896, %add3A_897 : i32
        %swap3A_899 = arith.constant 6 : i32
        %swap3A_900 = arith.index_cast %swap3A_899 : i32 to index
        %swap3A_901 = arith.index_cast %add3A_898 : i32 to index
        %swap3A_902 = tpu.vector_load %arg8[%swap3A_900, %swap3A_901] {strides = array<i32>} : memref<32x1792xf32, #tpu.memory_space<vmem>>, vector<16xf32>,
        tpu.vector_store %arg8[%swap3A_900, %swap3A_901], %get3A_894 {strides = array<i32>} : memref<32x1792xf32, #tpu.memory_space<vmem>>, vector<16xf32>,
        %get3A_903 = arith.constant 6 : i32
        %get3A_904 = arith.index_cast %and3A_566 : i32 to index
        %get3A_905 = arith.index_cast %get3A_903 : i32 to index
        %get3A_906 = arith.constant 16 : index
        %get3A_907 = tpu.vector_load %arg7[%get3A_904, %get3A_905, %get3A_906] {strides = array<i32>} : memref<2x32x64xf32, #tpu.memory_space<vmem>>, vector<16xf32>,
        %mul3A_908 = arith.constant 64 : i32
        %mul3A_909 = arith.muli %sub3A_563, %mul3A_908 : i32
        %add3A_910 = arith.constant 16 : i32
        %add3A_911 = arith.addi %mul3A_909, %add3A_910 : i32
        %swap3A_912 = arith.constant 6 : i32
        %swap3A_913 = arith.index_cast %swap3A_912 : i32 to index
        %swap3A_914 = arith.index_cast %add3A_911 : i32 to index
        %swap3A_915 = tpu.vector_load %arg8[%swap3A_913, %swap3A_914] {strides = array<i32>} : memref<32x1792xf32, #tpu.memory_space<vmem>>, vector<16xf32>,
        tpu.vector_store %arg8[%swap3A_913, %swap3A_914], %get3A_907 {strides = array<i32>} : memref<32x1792xf32, #tpu.memory_space<vmem>>, vector<16xf32>,
        %get3A_916 = arith.constant 6 : i32
        %get3A_917 = arith.index_cast %and3A_566 : i32 to index
        %get3A_918 = arith.index_cast %get3A_916 : i32 to index
        %get3A_919 = arith.constant 32 : index
        %get3A_920 = tpu.vector_load %arg7[%get3A_917, %get3A_918, %get3A_919] {strides = array<i32>} : memref<2x32x64xf32, #tpu.memory_space<vmem>>, vector<16xf32>,
        %mul3A_921 = arith.constant 64 : i32
        %mul3A_922 = arith.muli %sub3A_563, %mul3A_921 : i32
        %add3A_923 = arith.constant 32 : i32
        %add3A_924 = arith.addi %mul3A_922, %add3A_923 : i32
        %swap3A_925 = arith.constant 6 : i32
        %swap3A_926 = arith.index_cast %swap3A_925 : i32 to index
        %swap3A_927 = arith.index_cast %add3A_924 : i32 to index
        %swap3A_928 = tpu.vector_load %arg8[%swap3A_926, %swap3A_927] {strides = array<i32>} : memref<32x1792xf32, #tpu.memory_space<vmem>>, vector<16xf32>,
        tpu.vector_store %arg8[%swap3A_926, %swap3A_927], %get3A_920 {strides = array<i32>} : memref<32x1792xf32, #tpu.memory_space<vmem>>, vector<16xf32>,
        %get3A_929 = arith.constant 6 : i32
        %get3A_930 = arith.index_cast %and3A_566 : i32 to index
        %get3A_931 = arith.index_cast %get3A_929 : i32 to index
        %get3A_932 = arith.constant 48 : index
        %get3A_933 = tpu.vector_load %arg7[%get3A_930, %get3A_931, %get3A_932] {strides = array<i32>} : memref<2x32x64xf32, #tpu.memory_space<vmem>>, vector<16xf32>,
        %mul3A_934 = arith.constant 64 : i32
        %mul3A_935 = arith.muli %sub3A_563, %mul3A_934 : i32
        %add3A_936 = arith.constant 48 : i32
        %add3A_937 = arith.addi %mul3A_935, %add3A_936 : i32
        %swap3A_938 = arith.constant 6 : i32
        %swap3A_939 = arith.index_cast %swap3A_938 : i32 to index
        %swap3A_940 = arith.index_cast %add3A_937 : i32 to index
        %swap3A_941 = tpu.vector_load %arg8[%swap3A_939, %swap3A_940] {strides = array<i32>} : memref<32x1792xf32, #tpu.memory_space<vmem>>, vector<16xf32>,
        tpu.vector_store %arg8[%swap3A_939, %swap3A_940], %get3A_933 {strides = array<i32>} : memref<32x1792xf32, #tpu.memory_space<vmem>>, vector<16xf32>,
        %get3A_942 = arith.constant 7 : i32
        %get3A_943 = arith.index_cast %and3A_566 : i32 to index
        %get3A_944 = arith.index_cast %get3A_942 : i32 to index
        %get3A_945 = arith.constant 0 : index
        %get3A_946 = tpu.vector_load %arg7[%get3A_943, %get3A_944, %get3A_945] {strides = array<i32>} : memref<2x32x64xf32, #tpu.memory_space<vmem>>, vector<16xf32>,
        %mul3A_947 = arith.constant 64 : i32
        %mul3A_948 = arith.muli %sub3A_563, %mul3A_947 : i32
        %add3A_949 = arith.constant 0 : i32
        %add3A_950 = arith.addi %mul3A_948, %add3A_949 : i32
        %swap3A_951 = arith.constant 7 : i32
        %swap3A_952 = arith.index_cast %swap3A_951 : i32 to index
        %swap3A_953 = arith.index_cast %add3A_950 : i32 to index
        %swap3A_954 = tpu.vector_load %arg8[%swap3A_952, %swap3A_953] {strides = array<i32>} : memref<32x1792xf32, #tpu.memory_space<vmem>>, vector<16xf32>,
        tpu.vector_store %arg8[%swap3A_952, %swap3A_953], %get3A_946 {strides = array<i32>} : memref<32x1792xf32, #tpu.memory_space<vmem>>, vector<16xf32>,
        %get3A_955 = arith.constant 7 : i32
        %get3A_956 = arith.index_cast %and3A_566 : i32 to index
        %get3A_957 = arith.index_cast %get3A_955 : i32 to index
        %get3A_958 = arith.constant 16 : index
        %get3A_959 = tpu.vector_load %arg7[%get3A_956, %get3A_957, %get3A_958] {strides = array<i32>} : memref<2x32x64xf32, #tpu.memory_space<vmem>>, vector<16xf32>,
        %mul3A_960 = arith.constant 64 : i32
        %mul3A_961 = arith.muli %sub3A_563, %mul3A_960 : i32
        %add3A_962 = arith.constant 16 : i32
        %add3A_963 = arith.addi %mul3A_961, %add3A_962 : i32
        %swap3A_964 = arith.constant 7 : i32
        %swap3A_965 = arith.index_cast %swap3A_964 : i32 to index
        %swap3A_966 = arith.index_cast %add3A_963 : i32 to index
        %swap3A_967 = tpu.vector_load %arg8[%swap3A_965, %swap3A_966] {strides = array<i32>} : memref<32x1792xf32, #tpu.memory_space<vmem>>, vector<16xf32>,
        tpu.vector_store %arg8[%swap3A_965, %swap3A_966], %get3A_959 {strides = array<i32>} : memref<32x1792xf32, #tpu.memory_space<vmem>>, vector<16xf32>,
        %get3A_968 = arith.constant 7 : i32
        %get3A_969 = arith.index_cast %and3A_566 : i32 to index
        %get3A_970 = arith.index_cast %get3A_968 : i32 to index
        %get3A_971 = arith.constant 32 : index
        %get3A_972 = tpu.vector_load %arg7[%get3A_969, %get3A_970, %get3A_971] {strides = array<i32>} : memref<2x32x64xf32, #tpu.memory_space<vmem>>, vector<16xf32>,
        %mul3A_973 = arith.constant 64 : i32
        %mul3A_974 = arith.muli %sub3A_563, %mul3A_973 : i32
        %add3A_975 = arith.constant 32 : i32
        %add3A_976 = arith.addi %mul3A_974, %add3A_975 : i32
        %swap3A_977 = arith.constant 7 : i32
        %swap3A_978 = arith.index_cast %swap3A_977 : i32 to index
        %swap3A_979 = arith.index_cast %add3A_976 : i32 to index
        %swap3A_980 = tpu.vector_load %arg8[%swap3A_978, %swap3A_979] {strides = array<i32>} : memref<32x1792xf32, #tpu.memory_space<vmem>>, vector<16xf32>,
        tpu.vector_store %arg8[%swap3A_978, %swap3A_979], %get3A_972 {strides = array<i32>} : memref<32x1792xf32, #tpu.memory_space<vmem>>, vector<16xf32>,
        %get3A_981 = arith.constant 7 : i32
        %get3A_982 = arith.index_cast %and3A_566 : i32 to index
        %get3A_983 = arith.index_cast %get3A_981 : i32 to index
        %get3A_984 = arith.constant 48 : index
        %get3A_985 = tpu.vector_load %arg7[%get3A_982, %get3A_983, %get3A_984] {strides = array<i32>} : memref<2x32x64xf32, #tpu.memory_space<vmem>>, vector<16xf32>,
        %mul3A_986 = arith.constant 64 : i32
        %mul3A_987 = arith.muli %sub3A_563, %mul3A_986 : i32
        %add3A_988 = arith.constant 48 : i32
        %add3A_989 = arith.addi %mul3A_987, %add3A_988 : i32
        %swap3A_990 = arith.constant 7 : i32
        %swap3A_991 = arith.index_cast %swap3A_990 : i32 to index
        %swap3A_992 = arith.index_cast %add3A_989 : i32 to index
        %swap3A_993 = tpu.vector_load %arg8[%swap3A_991, %swap3A_992] {strides = array<i32>} : memref<32x1792xf32, #tpu.memory_space<vmem>>, vector<16xf32>,
        tpu.vector_store %arg8[%swap3A_991, %swap3A_992], %get3A_985 {strides = array<i32>} : memref<32x1792xf32, #tpu.memory_space<vmem>>, vector<16xf32>,
        %get3A_994 = arith.constant 8 : i32
        %get3A_995 = arith.index_cast %and3A_566 : i32 to index
        %get3A_996 = arith.index_cast %get3A_994 : i32 to index
        %get3A_997 = arith.constant 0 : index
        %get3A_998 = tpu.vector_load %arg7[%get3A_995, %get3A_996, %get3A_997] {strides = array<i32>} : memref<2x32x64xf32, #tpu.memory_space<vmem>>, vector<16xf32>,
        %mul3A_999 = arith.constant 64 : i32
        %mul3A_1000 = arith.muli %sub3A_563, %mul3A_999 : i32
        %add3A_1001 = arith.constant 0 : i32
        %add3A_1002 = arith.addi %mul3A_1000, %add3A_1001 : i32
        %swap3A_1003 = arith.constant 8 : i32
        %swap3A_1004 = arith.index_cast %swap3A_1003 : i32 to index
        %swap3A_1005 = arith.index_cast %add3A_1002 : i32 to index
        %swap3A_1006 = tpu.vector_load %arg8[%swap3A_1004, %swap3A_1005] {strides = array<i32>} : memref<32x1792xf32, #tpu.memory_space<vmem>>, vector<16xf32>,
        tpu.vector_store %arg8[%swap3A_1004, %swap3A_1005], %get3A_998 {strides = array<i32>} : memref<32x1792xf32, #tpu.memory_space<vmem>>, vector<16xf32>,
        %get3A_1007 = arith.constant 8 : i32
        %get3A_1008 = arith.index_cast %and3A_566 : i32 to index
        %get3A_1009 = arith.index_cast %get3A_1007 : i32 to index
        %get3A_1010 = arith.constant 16 : index
        %get3A_1011 = tpu.vector_load %arg7[%get3A_1008, %get3A_1009, %get3A_1010] {strides = array<i32>} : memref<2x32x64xf32, #tpu.memory_space<vmem>>, vector<16xf32>,
        %mul3A_1012 = arith.constant 64 : i32
        %mul3A_1013 = arith.muli %sub3A_563, %mul3A_1012 : i32
        %add3A_1014 = arith.constant 16 : i32
        %add3A_1015 = arith.addi %mul3A_1013, %add3A_1014 : i32
        %swap3A_1016 = arith.constant 8 : i32
        %swap3A_1017 = arith.index_cast %swap3A_1016 : i32 to index
        %swap3A_1018 = arith.index_cast %add3A_1015 : i32 to index
        %swap3A_1019 = tpu.vector_load %arg8[%swap3A_1017, %swap3A_1018] {strides = array<i32>} : memref<32x1792xf32, #tpu.memory_space<vmem>>, vector<16xf32>,
        tpu.vector_store %arg8[%swap3A_1017, %swap3A_1018], %get3A_1011 {strides = array<i32>} : memref<32x1792xf32, #tpu.memory_space<vmem>>, vector<16xf32>,
        %get3A_1020 = arith.constant 8 : i32
        %get3A_1021 = arith.index_cast %and3A_566 : i32 to index
        %get3A_1022 = arith.index_cast %get3A_1020 : i32 to index
        %get3A_1023 = arith.constant 32 : index
        %get3A_1024 = tpu.vector_load %arg7[%get3A_1021, %get3A_1022, %get3A_1023] {strides = array<i32>} : memref<2x32x64xf32, #tpu.memory_space<vmem>>, vector<16xf32>,
        %mul3A_1025 = arith.constant 64 : i32
        %mul3A_1026 = arith.muli %sub3A_563, %mul3A_1025 : i32
        %add3A_1027 = arith.constant 32 : i32
        %add3A_1028 = arith.addi %mul3A_1026, %add3A_1027 : i32
        %swap3A_1029 = arith.constant 8 : i32
        %swap3A_1030 = arith.index_cast %swap3A_1029 : i32 to index
        %swap3A_1031 = arith.index_cast %add3A_1028 : i32 to index
        %swap3A_1032 = tpu.vector_load %arg8[%swap3A_1030, %swap3A_1031] {strides = array<i32>} : memref<32x1792xf32, #tpu.memory_space<vmem>>, vector<16xf32>,
        tpu.vector_store %arg8[%swap3A_1030, %swap3A_1031], %get3A_1024 {strides = array<i32>} : memref<32x1792xf32, #tpu.memory_space<vmem>>, vector<16xf32>,
        %get3A_1033 = arith.constant 8 : i32
        %get3A_1034 = arith.index_cast %and3A_566 : i32 to index
        %get3A_1035 = arith.index_cast %get3A_1033 : i32 to index
        %get3A_1036 = arith.constant 48 : index
        %get3A_1037 = tpu.vector_load %arg7[%get3A_1034, %get3A_1035, %get3A_1036] {strides = array<i32>} : memref<2x32x64xf32, #tpu.memory_space<vmem>>, vector<16xf32>,
        %mul3A_1038 = arith.constant 64 : i32
        %mul3A_1039 = arith.muli %sub3A_563, %mul3A_1038 : i32
        %add3A_1040 = arith.constant 48 : i32
        %add3A_1041 = arith.addi %mul3A_1039, %add3A_1040 : i32
        %swap3A_1042 = arith.constant 8 : i32
        %swap3A_1043 = arith.index_cast %swap3A_1042 : i32 to index
        %swap3A_1044 = arith.index_cast %add3A_1041 : i32 to index
        %swap3A_1045 = tpu.vector_load %arg8[%swap3A_1043, %swap3A_1044] {strides = array<i32>} : memref<32x1792xf32, #tpu.memory_space<vmem>>, vector<16xf32>,
        tpu.vector_store %arg8[%swap3A_1043, %swap3A_1044], %get3A_1037 {strides = array<i32>} : memref<32x1792xf32, #tpu.memory_space<vmem>>, vector<16xf32>,
        %get3A_1046 = arith.constant 9 : i32
        %get3A_1047 = arith.index_cast %and3A_566 : i32 to index
        %get3A_1048 = arith.index_cast %get3A_1046 : i32 to index
        %get3A_1049 = arith.constant 0 : index
        %get3A_1050 = tpu.vector_load %arg7[%get3A_1047, %get3A_1048, %get3A_1049] {strides = array<i32>} : memref<2x32x64xf32, #tpu.memory_space<vmem>>, vector<16xf32>,
        %mul3A_1051 = arith.constant 64 : i32
        %mul3A_1052 = arith.muli %sub3A_563, %mul3A_1051 : i32
        %add3A_1053 = arith.constant 0 : i32
        %add3A_1054 = arith.addi %mul3A_1052, %add3A_1053 : i32
        %swap3A_1055 = arith.constant 9 : i32
        %swap3A_1056 = arith.index_cast %swap3A_1055 : i32 to index
        %swap3A_1057 = arith.index_cast %add3A_1054 : i32 to index
        %swap3A_1058 = tpu.vector_load %arg8[%swap3A_1056, %swap3A_1057] {strides = array<i32>} : memref<32x1792xf32, #tpu.memory_space<vmem>>, vector<16xf32>,
        tpu.vector_store %arg8[%swap3A_1056, %swap3A_1057], %get3A_1050 {strides = array<i32>} : memref<32x1792xf32, #tpu.memory_space<vmem>>, vector<16xf32>,
        %get3A_1059 = arith.constant 9 : i32
        %get3A_1060 = arith.index_cast %and3A_566 : i32 to index
        %get3A_1061 = arith.index_cast %get3A_1059 : i32 to index
        %get3A_1062 = arith.constant 16 : index
        %get3A_1063 = tpu.vector_load %arg7[%get3A_1060, %get3A_1061, %get3A_1062] {strides = array<i32>} : memref<2x32x64xf32, #tpu.memory_space<vmem>>, vector<16xf32>,
        %mul3A_1064 = arith.constant 64 : i32
        %mul3A_1065 = arith.muli %sub3A_563, %mul3A_1064 : i32
        %add3A_1066 = arith.constant 16 : i32
        %add3A_1067 = arith.addi %mul3A_1065, %add3A_1066 : i32
        %swap3A_1068 = arith.constant 9 : i32
        %swap3A_1069 = arith.index_cast %swap3A_1068 : i32 to index
        %swap3A_1070 = arith.index_cast %add3A_1067 : i32 to index
        %swap3A_1071 = tpu.vector_load %arg8[%swap3A_1069, %swap3A_1070] {strides = array<i32>} : memref<32x1792xf32, #tpu.memory_space<vmem>>, vector<16xf32>,
        tpu.vector_store %arg8[%swap3A_1069, %swap3A_1070], %get3A_1063 {strides = array<i32>} : memref<32x1792xf32, #tpu.memory_space<vmem>>, vector<16xf32>,
        %get3A_1072 = arith.constant 9 : i32
        %get3A_1073 = arith.index_cast %and3A_566 : i32 to index
        %get3A_1074 = arith.index_cast %get3A_1072 : i32 to index
        %get3A_1075 = arith.constant 32 : index
        %get3A_1076 = tpu.vector_load %arg7[%get3A_1073, %get3A_1074, %get3A_1075] {strides = array<i32>} : memref<2x32x64xf32, #tpu.memory_space<vmem>>, vector<16xf32>,
        %mul3A_1077 = arith.constant 64 : i32
        %mul3A_1078 = arith.muli %sub3A_563, %mul3A_1077 : i32
        %add3A_1079 = arith.constant 32 : i32
        %add3A_1080 = arith.addi %mul3A_1078, %add3A_1079 : i32
        %swap3A_1081 = arith.constant 9 : i32
        %swap3A_1082 = arith.index_cast %swap3A_1081 : i32 to index
        %swap3A_1083 = arith.index_cast %add3A_1080 : i32 to index
        %swap3A_1084 = tpu.vector_load %arg8[%swap3A_1082, %swap3A_1083] {strides = array<i32>} : memref<32x1792xf32, #tpu.memory_space<vmem>>, vector<16xf32>,
        tpu.vector_store %arg8[%swap3A_1082, %swap3A_1083], %get3A_1076 {strides = array<i32>} : memref<32x1792xf32, #tpu.memory_space<vmem>>, vector<16xf32>,
        %get3A_1085 = arith.constant 9 : i32
        %get3A_1086 = arith.index_cast %and3A_566 : i32 to index
        %get3A_1087 = arith.index_cast %get3A_1085 : i32 to index
        %get3A_1088 = arith.constant 48 : index
        %get3A_1089 = tpu.vector_load %arg7[%get3A_1086, %get3A_1087, %get3A_1088] {strides = array<i32>} : memref<2x32x64xf32, #tpu.memory_space<vmem>>, vector<16xf32>,
        %mul3A_1090 = arith.constant 64 : i32
        %mul3A_1091 = arith.muli %sub3A_563, %mul3A_1090 : i32
        %add3A_1092 = arith.constant 48 : i32
        %add3A_1093 = arith.addi %mul3A_1091, %add3A_1092 : i32
        %swap3A_1094 = arith.constant 9 : i32
        %swap3A_1095 = arith.index_cast %swap3A_1094 : i32 to index
        %swap3A_1096 = arith.index_cast %add3A_1093 : i32 to index
        %swap3A_1097 = tpu.vector_load %arg8[%swap3A_1095, %swap3A_1096] {strides = array<i32>} : memref<32x1792xf32, #tpu.memory_space<vmem>>, vector<16xf32>,
        tpu.vector_store %arg8[%swap3A_1095, %swap3A_1096], %get3A_1089 {strides = array<i32>} : memref<32x1792xf32, #tpu.memory_space<vmem>>, vector<16xf32>,
        %get3A_1098 = arith.constant 10 : i32
        %get3A_1099 = arith.index_cast %and3A_566 : i32 to index
        %get3A_1100 = arith.index_cast %get3A_1098 : i32 to index
        %get3A_1101 = arith.constant 0 : index
        %get3A_1102 = tpu.vector_load %arg7[%get3A_1099, %get3A_1100, %get3A_1101] {strides = array<i32>} : memref<2x32x64xf32, #tpu.memory_space<vmem>>, vector<16xf32>,
        %mul3A_1103 = arith.constant 64 : i32
        %mul3A_1104 = arith.muli %sub3A_563, %mul3A_1103 : i32
        %add3A_1105 = arith.constant 0 : i32
        %add3A_1106 = arith.addi %mul3A_1104, %add3A_1105 : i32
        %swap3A_1107 = arith.constant 10 : i32
        %swap3A_1108 = arith.index_cast %swap3A_1107 : i32 to index
        %swap3A_1109 = arith.index_cast %add3A_1106 : i32 to index
        %swap3A_1110 = tpu.vector_load %arg8[%swap3A_1108, %swap3A_1109] {strides = array<i32>} : memref<32x1792xf32, #tpu.memory_space<vmem>>, vector<16xf32>,
        tpu.vector_store %arg8[%swap3A_1108, %swap3A_1109], %get3A_1102 {strides = array<i32>} : memref<32x1792xf32, #tpu.memory_space<vmem>>, vector<16xf32>,
        %get3A_1111 = arith.constant 10 : i32
        %get3A_1112 = arith.index_cast %and3A_566 : i32 to index
        %get3A_1113 = arith.index_cast %get3A_1111 : i32 to index
        %get3A_1114 = arith.constant 16 : index
        %get3A_1115 = tpu.vector_load %arg7[%get3A_1112, %get3A_1113, %get3A_1114] {strides = array<i32>} : memref<2x32x64xf32, #tpu.memory_space<vmem>>, vector<16xf32>,
        %mul3A_1116 = arith.constant 64 : i32
        %mul3A_1117 = arith.muli %sub3A_563, %mul3A_1116 : i32
        %add3A_1118 = arith.constant 16 : i32
        %add3A_1119 = arith.addi %mul3A_1117, %add3A_1118 : i32
        %swap3A_1120 = arith.constant 10 : i32
        %swap3A_1121 = arith.index_cast %swap3A_1120 : i32 to index
        %swap3A_1122 = arith.index_cast %add3A_1119 : i32 to index
        %swap3A_1123 = tpu.vector_load %arg8[%swap3A_1121, %swap3A_1122] {strides = array<i32>} : memref<32x1792xf32, #tpu.memory_space<vmem>>, vector<16xf32>,
        tpu.vector_store %arg8[%swap3A_1121, %swap3A_1122], %get3A_1115 {strides = array<i32>} : memref<32x1792xf32, #tpu.memory_space<vmem>>, vector<16xf32>,
        %get3A_1124 = arith.constant 10 : i32
        %get3A_1125 = arith.index_cast %and3A_566 : i32 to index
        %get3A_1126 = arith.index_cast %get3A_1124 : i32 to index
        %get3A_1127 = arith.constant 32 : index
        %get3A_1128 = tpu.vector_load %arg7[%get3A_1125, %get3A_1126, %get3A_1127] {strides = array<i32>} : memref<2x32x64xf32, #tpu.memory_space<vmem>>, vector<16xf32>,
        %mul3A_1129 = arith.constant 64 : i32
        %mul3A_1130 = arith.muli %sub3A_563, %mul3A_1129 : i32
        %add3A_1131 = arith.constant 32 : i32
        %add3A_1132 = arith.addi %mul3A_1130, %add3A_1131 : i32
        %swap3A_1133 = arith.constant 10 : i32
        %swap3A_1134 = arith.index_cast %swap3A_1133 : i32 to index
        %swap3A_1135 = arith.index_cast %add3A_1132 : i32 to index
        %swap3A_1136 = tpu.vector_load %arg8[%swap3A_1134, %swap3A_1135] {strides = array<i32>} : memref<32x1792xf32, #tpu.memory_space<vmem>>, vector<16xf32>,
        tpu.vector_store %arg8[%swap3A_1134, %swap3A_1135], %get3A_1128 {strides = array<i32>} : memref<32x1792xf32, #tpu.memory_space<vmem>>, vector<16xf32>,
        %get3A_1137 = arith.constant 10 : i32
        %get3A_1138 = arith.index_cast %and3A_566 : i32 to index
        %get3A_1139 = arith.index_cast %get3A_1137 : i32 to index
        %get3A_1140 = arith.constant 48 : index
        %get3A_1141 = tpu.vector_load %arg7[%get3A_1138, %get3A_1139, %get3A_1140] {strides = array<i32>} : memref<2x32x64xf32, #tpu.memory_space<vmem>>, vector<16xf32>,
        %mul3A_1142 = arith.constant 64 : i32
        %mul3A_1143 = arith.muli %sub3A_563, %mul3A_1142 : i32
        %add3A_1144 = arith.constant 48 : i32
        %add3A_1145 = arith.addi %mul3A_1143, %add3A_1144 : i32
        %swap3A_1146 = arith.constant 10 : i32
        %swap3A_1147 = arith.index_cast %swap3A_1146 : i32 to index
        %swap3A_1148 = arith.index_cast %add3A_1145 : i32 to index
        %swap3A_1149 = tpu.vector_load %arg8[%swap3A_1147, %swap3A_1148] {strides = array<i32>} : memref<32x1792xf32, #tpu.memory_space<vmem>>, vector<16xf32>,
        tpu.vector_store %arg8[%swap3A_1147, %swap3A_1148], %get3A_1141 {strides = array<i32>} : memref<32x1792xf32, #tpu.memory_space<vmem>>, vector<16xf32>,
        %get3A_1150 = arith.constant 11 : i32
        %get3A_1151 = arith.index_cast %and3A_566 : i32 to index
        %get3A_1152 = arith.index_cast %get3A_1150 : i32 to index
        %get3A_1153 = arith.constant 0 : index
        %get3A_1154 = tpu.vector_load %arg7[%get3A_1151, %get3A_1152, %get3A_1153] {strides = array<i32>} : memref<2x32x64xf32, #tpu.memory_space<vmem>>, vector<16xf32>,
        %mul3A_1155 = arith.constant 64 : i32
        %mul3A_1156 = arith.muli %sub3A_563, %mul3A_1155 : i32
        %add3A_1157 = arith.constant 0 : i32
        %add3A_1158 = arith.addi %mul3A_1156, %add3A_1157 : i32
        %swap3A_1159 = arith.constant 11 : i32
        %swap3A_1160 = arith.index_cast %swap3A_1159 : i32 to index
        %swap3A_1161 = arith.index_cast %add3A_1158 : i32 to index
        %swap3A_1162 = tpu.vector_load %arg8[%swap3A_1160, %swap3A_1161] {strides = array<i32>} : memref<32x1792xf32, #tpu.memory_space<vmem>>, vector<16xf32>,
        tpu.vector_store %arg8[%swap3A_1160, %swap3A_1161], %get3A_1154 {strides = array<i32>} : memref<32x1792xf32, #tpu.memory_space<vmem>>, vector<16xf32>,
        %get3A_1163 = arith.constant 11 : i32
        %get3A_1164 = arith.index_cast %and3A_566 : i32 to index
        %get3A_1165 = arith.index_cast %get3A_1163 : i32 to index
        %get3A_1166 = arith.constant 16 : index
        %get3A_1167 = tpu.vector_load %arg7[%get3A_1164, %get3A_1165, %get3A_1166] {strides = array<i32>} : memref<2x32x64xf32, #tpu.memory_space<vmem>>, vector<16xf32>,
        %mul3A_1168 = arith.constant 64 : i32
        %mul3A_1169 = arith.muli %sub3A_563, %mul3A_1168 : i32
        %add3A_1170 = arith.constant 16 : i32
        %add3A_1171 = arith.addi %mul3A_1169, %add3A_1170 : i32
        %swap3A_1172 = arith.constant 11 : i32
        %swap3A_1173 = arith.index_cast %swap3A_1172 : i32 to index
        %swap3A_1174 = arith.index_cast %add3A_1171 : i32 to index
        %swap3A_1175 = tpu.vector_load %arg8[%swap3A_1173, %swap3A_1174] {strides = array<i32>} : memref<32x1792xf32, #tpu.memory_space<vmem>>, vector<16xf32>,
        tpu.vector_store %arg8[%swap3A_1173, %swap3A_1174], %get3A_1167 {strides = array<i32>} : memref<32x1792xf32, #tpu.memory_space<vmem>>, vector<16xf32>,
        %get3A_1176 = arith.constant 11 : i32
        %get3A_1177 = arith.index_cast %and3A_566 : i32 to index
        %get3A_1178 = arith.index_cast %get3A_1176 : i32 to index
        %get3A_1179 = arith.constant 32 : index
        %get3A_1180 = tpu.vector_load %arg7[%get3A_1177, %get3A_1178, %get3A_1179] {strides = array<i32>} : memref<2x32x64xf32, #tpu.memory_space<vmem>>, vector<16xf32>,
        %mul3A_1181 = arith.constant 64 : i32
        %mul3A_1182 = arith.muli %sub3A_563, %mul3A_1181 : i32
        %add3A_1183 = arith.constant 32 : i32
        %add3A_1184 = arith.addi %mul3A_1182, %add3A_1183 : i32
        %swap3A_1185 = arith.constant 11 : i32
        %swap3A_1186 = arith.index_cast %swap3A_1185 : i32 to index
        %swap3A_1187 = arith.index_cast %add3A_1184 : i32 to index
        %swap3A_1188 = tpu.vector_load %arg8[%swap3A_1186, %swap3A_1187] {strides = array<i32>} : memref<32x1792xf32, #tpu.memory_space<vmem>>, vector<16xf32>,
        tpu.vector_store %arg8[%swap3A_1186, %swap3A_1187], %get3A_1180 {strides = array<i32>} : memref<32x1792xf32, #tpu.memory_space<vmem>>, vector<16xf32>,
        %get3A_1189 = arith.constant 11 : i32
        %get3A_1190 = arith.index_cast %and3A_566 : i32 to index
        %get3A_1191 = arith.index_cast %get3A_1189 : i32 to index
        %get3A_1192 = arith.constant 48 : index
        %get3A_1193 = tpu.vector_load %arg7[%get3A_1190, %get3A_1191, %get3A_1192] {strides = array<i32>} : memref<2x32x64xf32, #tpu.memory_space<vmem>>, vector<16xf32>,
        %mul3A_1194 = arith.constant 64 : i32
        %mul3A_1195 = arith.muli %sub3A_563, %mul3A_1194 : i32
        %add3A_1196 = arith.constant 48 : i32
        %add3A_1197 = arith.addi %mul3A_1195, %add3A_1196 : i32
        %swap3A_1198 = arith.constant 11 : i32
        %swap3A_1199 = arith.index_cast %swap3A_1198 : i32 to index
        %swap3A_1200 = arith.index_cast %add3A_1197 : i32 to index
        %swap3A_1201 = tpu.vector_load %arg8[%swap3A_1199, %swap3A_1200] {strides = array<i32>} : memref<32x1792xf32, #tpu.memory_space<vmem>>, vector<16xf32>,
        tpu.vector_store %arg8[%swap3A_1199, %swap3A_1200], %get3A_1193 {strides = array<i32>} : memref<32x1792xf32, #tpu.memory_space<vmem>>, vector<16xf32>,
        %get3A_1202 = arith.constant 12 : i32
        %get3A_1203 = arith.index_cast %and3A_566 : i32 to index
        %get3A_1204 = arith.index_cast %get3A_1202 : i32 to index
        %get3A_1205 = arith.constant 0 : index
        %get3A_1206 = tpu.vector_load %arg7[%get3A_1203, %get3A_1204, %get3A_1205] {strides = array<i32>} : memref<2x32x64xf32, #tpu.memory_space<vmem>>, vector<16xf32>,
        %mul3A_1207 = arith.constant 64 : i32
        %mul3A_1208 = arith.muli %sub3A_563, %mul3A_1207 : i32
        %add3A_1209 = arith.constant 0 : i32
        %add3A_1210 = arith.addi %mul3A_1208, %add3A_1209 : i32
        %swap3A_1211 = arith.constant 12 : i32
        %swap3A_1212 = arith.index_cast %swap3A_1211 : i32 to index
        %swap3A_1213 = arith.index_cast %add3A_1210 : i32 to index
        %swap3A_1214 = tpu.vector_load %arg8[%swap3A_1212, %swap3A_1213] {strides = array<i32>} : memref<32x1792xf32, #tpu.memory_space<vmem>>, vector<16xf32>,
        tpu.vector_store %arg8[%swap3A_1212, %swap3A_1213], %get3A_1206 {strides = array<i32>} : memref<32x1792xf32, #tpu.memory_space<vmem>>, vector<16xf32>,
        %get3A_1215 = arith.constant 12 : i32
        %get3A_1216 = arith.index_cast %and3A_566 : i32 to index
        %get3A_1217 = arith.index_cast %get3A_1215 : i32 to index
        %get3A_1218 = arith.constant 16 : index
        %get3A_1219 = tpu.vector_load %arg7[%get3A_1216, %get3A_1217, %get3A_1218] {strides = array<i32>} : memref<2x32x64xf32, #tpu.memory_space<vmem>>, vector<16xf32>,
        %mul3A_1220 = arith.constant 64 : i32
        %mul3A_1221 = arith.muli %sub3A_563, %mul3A_1220 : i32
        %add3A_1222 = arith.constant 16 : i32
        %add3A_1223 = arith.addi %mul3A_1221, %add3A_1222 : i32
        %swap3A_1224 = arith.constant 12 : i32
        %swap3A_1225 = arith.index_cast %swap3A_1224 : i32 to index
        %swap3A_1226 = arith.index_cast %add3A_1223 : i32 to index
        %swap3A_1227 = tpu.vector_load %arg8[%swap3A_1225, %swap3A_1226] {strides = array<i32>} : memref<32x1792xf32, #tpu.memory_space<vmem>>, vector<16xf32>,
        tpu.vector_store %arg8[%swap3A_1225, %swap3A_1226], %get3A_1219 {strides = array<i32>} : memref<32x1792xf32, #tpu.memory_space<vmem>>, vector<16xf32>,
        %get3A_1228 = arith.constant 12 : i32
        %get3A_1229 = arith.index_cast %and3A_566 : i32 to index
        %get3A_1230 = arith.index_cast %get3A_1228 : i32 to index
        %get3A_1231 = arith.constant 32 : index
        %get3A_1232 = tpu.vector_load %arg7[%get3A_1229, %get3A_1230, %get3A_1231] {strides = array<i32>} : memref<2x32x64xf32, #tpu.memory_space<vmem>>, vector<16xf32>,
        %mul3A_1233 = arith.constant 64 : i32
        %mul3A_1234 = arith.muli %sub3A_563, %mul3A_1233 : i32
        %add3A_1235 = arith.constant 32 : i32
        %add3A_1236 = arith.addi %mul3A_1234, %add3A_1235 : i32
        %swap3A_1237 = arith.constant 12 : i32
        %swap3A_1238 = arith.index_cast %swap3A_1237 : i32 to index
        %swap3A_1239 = arith.index_cast %add3A_1236 : i32 to index
        %swap3A_1240 = tpu.vector_load %arg8[%swap3A_1238, %swap3A_1239] {strides = array<i32>} : memref<32x1792xf32, #tpu.memory_space<vmem>>, vector<16xf32>,
        tpu.vector_store %arg8[%swap3A_1238, %swap3A_1239], %get3A_1232 {strides = array<i32>} : memref<32x1792xf32, #tpu.memory_space<vmem>>, vector<16xf32>,
        %get3A_1241 = arith.constant 12 : i32
        %get3A_1242 = arith.index_cast %and3A_566 : i32 to index
        %get3A_1243 = arith.index_cast %get3A_1241 : i32 to index
        %get3A_1244 = arith.constant 48 : index
        %get3A_1245 = tpu.vector_load %arg7[%get3A_1242, %get3A_1243, %get3A_1244] {strides = array<i32>} : memref<2x32x64xf32, #tpu.memory_space<vmem>>, vector<16xf32>,
        %mul3A_1246 = arith.constant 64 : i32
        %mul3A_1247 = arith.muli %sub3A_563, %mul3A_1246 : i32
        %add3A_1248 = arith.constant 48 : i32
        %add3A_1249 = arith.addi %mul3A_1247, %add3A_1248 : i32
        %swap3A_1250 = arith.constant 12 : i32
        %swap3A_1251 = arith.index_cast %swap3A_1250 : i32 to index
        %swap3A_1252 = arith.index_cast %add3A_1249 : i32 to index
        %swap3A_1253 = tpu.vector_load %arg8[%swap3A_1251, %swap3A_1252] {strides = array<i32>} : memref<32x1792xf32, #tpu.memory_space<vmem>>, vector<16xf32>,
        tpu.vector_store %arg8[%swap3A_1251, %swap3A_1252], %get3A_1245 {strides = array<i32>} : memref<32x1792xf32, #tpu.memory_space<vmem>>, vector<16xf32>,
        %get3A_1254 = arith.constant 13 : i32
        %get3A_1255 = arith.index_cast %and3A_566 : i32 to index
        %get3A_1256 = arith.index_cast %get3A_1254 : i32 to index
        %get3A_1257 = arith.constant 0 : index
        %get3A_1258 = tpu.vector_load %arg7[%get3A_1255, %get3A_1256, %get3A_1257] {strides = array<i32>} : memref<2x32x64xf32, #tpu.memory_space<vmem>>, vector<16xf32>,
        %mul3A_1259 = arith.constant 64 : i32
        %mul3A_1260 = arith.muli %sub3A_563, %mul3A_1259 : i32
        %add3A_1261 = arith.constant 0 : i32
        %add3A_1262 = arith.addi %mul3A_1260, %add3A_1261 : i32
        %swap3A_1263 = arith.constant 13 : i32
        %swap3A_1264 = arith.index_cast %swap3A_1263 : i32 to index
        %swap3A_1265 = arith.index_cast %add3A_1262 : i32 to index
        %swap3A_1266 = tpu.vector_load %arg8[%swap3A_1264, %swap3A_1265] {strides = array<i32>} : memref<32x1792xf32, #tpu.memory_space<vmem>>, vector<16xf32>,
        tpu.vector_store %arg8[%swap3A_1264, %swap3A_1265], %get3A_1258 {strides = array<i32>} : memref<32x1792xf32, #tpu.memory_space<vmem>>, vector<16xf32>,
        %get3A_1267 = arith.constant 13 : i32
        %get3A_1268 = arith.index_cast %and3A_566 : i32 to index
        %get3A_1269 = arith.index_cast %get3A_1267 : i32 to index
        %get3A_1270 = arith.constant 16 : index
        %get3A_1271 = tpu.vector_load %arg7[%get3A_1268, %get3A_1269, %get3A_1270] {strides = array<i32>} : memref<2x32x64xf32, #tpu.memory_space<vmem>>, vector<16xf32>,
        %mul3A_1272 = arith.constant 64 : i32
        %mul3A_1273 = arith.muli %sub3A_563, %mul3A_1272 : i32
        %add3A_1274 = arith.constant 16 : i32
        %add3A_1275 = arith.addi %mul3A_1273, %add3A_1274 : i32
        %swap3A_1276 = arith.constant 13 : i32
        %swap3A_1277 = arith.index_cast %swap3A_1276 : i32 to index
        %swap3A_1278 = arith.index_cast %add3A_1275 : i32 to index
        %swap3A_1279 = tpu.vector_load %arg8[%swap3A_1277, %swap3A_1278] {strides = array<i32>} : memref<32x1792xf32, #tpu.memory_space<vmem>>, vector<16xf32>,
        tpu.vector_store %arg8[%swap3A_1277, %swap3A_1278], %get3A_1271 {strides = array<i32>} : memref<32x1792xf32, #tpu.memory_space<vmem>>, vector<16xf32>,
        %get3A_1280 = arith.constant 13 : i32
        %get3A_1281 = arith.index_cast %and3A_566 : i32 to index
        %get3A_1282 = arith.index_cast %get3A_1280 : i32 to index
        %get3A_1283 = arith.constant 32 : index
        %get3A_1284 = tpu.vector_load %arg7[%get3A_1281, %get3A_1282, %get3A_1283] {strides = array<i32>} : memref<2x32x64xf32, #tpu.memory_space<vmem>>, vector<16xf32>,
        %mul3A_1285 = arith.constant 64 : i32
        %mul3A_1286 = arith.muli %sub3A_563, %mul3A_1285 : i32
        %add3A_1287 = arith.constant 32 : i32
        %add3A_1288 = arith.addi %mul3A_1286, %add3A_1287 : i32
        %swap3A_1289 = arith.constant 13 : i32
        %swap3A_1290 = arith.index_cast %swap3A_1289 : i32 to index
        %swap3A_1291 = arith.index_cast %add3A_1288 : i32 to index
        %swap3A_1292 = tpu.vector_load %arg8[%swap3A_1290, %swap3A_1291] {strides = array<i32>} : memref<32x1792xf32, #tpu.memory_space<vmem>>, vector<16xf32>,
        tpu.vector_store %arg8[%swap3A_1290, %swap3A_1291], %get3A_1284 {strides = array<i32>} : memref<32x1792xf32, #tpu.memory_space<vmem>>, vector<16xf32>,
        %get3A_1293 = arith.constant 13 : i32
        %get3A_1294 = arith.index_cast %and3A_566 : i32 to index
        %get3A_1295 = arith.index_cast %get3A_1293 : i32 to index
        %get3A_1296 = arith.constant 48 : index
        %get3A_1297 = tpu.vector_load %arg7[%get3A_1294, %get3A_1295, %get3A_1296] {strides = array<i32>} : memref<2x32x64xf32, #tpu.memory_space<vmem>>, vector<16xf32>,
        %mul3A_1298 = arith.constant 64 : i32
        %mul3A_1299 = arith.muli %sub3A_563, %mul3A_1298 : i32
        %add3A_1300 = arith.constant 48 : i32
        %add3A_1301 = arith.addi %mul3A_1299, %add3A_1300 : i32
        %swap3A_1302 = arith.constant 13 : i32
        %swap3A_1303 = arith.index_cast %swap3A_1302 : i32 to index
        %swap3A_1304 = arith.index_cast %add3A_1301 : i32 to index
        %swap3A_1305 = tpu.vector_load %arg8[%swap3A_1303, %swap3A_1304] {strides = array<i32>} : memref<32x1792xf32, #tpu.memory_space<vmem>>, vector<16xf32>,
        tpu.vector_store %arg8[%swap3A_1303, %swap3A_1304], %get3A_1297 {strides = array<i32>} : memref<32x1792xf32, #tpu.memory_space<vmem>>, vector<16xf32>,
        %get3A_1306 = arith.constant 14 : i32
        %get3A_1307 = arith.index_cast %and3A_566 : i32 to index
        %get3A_1308 = arith.index_cast %get3A_1306 : i32 to index
        %get3A_1309 = arith.constant 0 : index
        %get3A_1310 = tpu.vector_load %arg7[%get3A_1307, %get3A_1308, %get3A_1309] {strides = array<i32>} : memref<2x32x64xf32, #tpu.memory_space<vmem>>, vector<16xf32>,
        %mul3A_1311 = arith.constant 64 : i32
        %mul3A_1312 = arith.muli %sub3A_563, %mul3A_1311 : i32
        %add3A_1313 = arith.constant 0 : i32
        %add3A_1314 = arith.addi %mul3A_1312, %add3A_1313 : i32
        %swap3A_1315 = arith.constant 14 : i32
        %swap3A_1316 = arith.index_cast %swap3A_1315 : i32 to index
        %swap3A_1317 = arith.index_cast %add3A_1314 : i32 to index
        %swap3A_1318 = tpu.vector_load %arg8[%swap3A_1316, %swap3A_1317] {strides = array<i32>} : memref<32x1792xf32, #tpu.memory_space<vmem>>, vector<16xf32>,
        tpu.vector_store %arg8[%swap3A_1316, %swap3A_1317], %get3A_1310 {strides = array<i32>} : memref<32x1792xf32, #tpu.memory_space<vmem>>, vector<16xf32>,
        %get3A_1319 = arith.constant 14 : i32
        %get3A_1320 = arith.index_cast %and3A_566 : i32 to index
        %get3A_1321 = arith.index_cast %get3A_1319 : i32 to index
        %get3A_1322 = arith.constant 16 : index
        %get3A_1323 = tpu.vector_load %arg7[%get3A_1320, %get3A_1321, %get3A_1322] {strides = array<i32>} : memref<2x32x64xf32, #tpu.memory_space<vmem>>, vector<16xf32>,
        %mul3A_1324 = arith.constant 64 : i32
        %mul3A_1325 = arith.muli %sub3A_563, %mul3A_1324 : i32
        %add3A_1326 = arith.constant 16 : i32
        %add3A_1327 = arith.addi %mul3A_1325, %add3A_1326 : i32
        %swap3A_1328 = arith.constant 14 : i32
        %swap3A_1329 = arith.index_cast %swap3A_1328 : i32 to index
        %swap3A_1330 = arith.index_cast %add3A_1327 : i32 to index
        %swap3A_1331 = tpu.vector_load %arg8[%swap3A_1329, %swap3A_1330] {strides = array<i32>} : memref<32x1792xf32, #tpu.memory_space<vmem>>, vector<16xf32>,
        tpu.vector_store %arg8[%swap3A_1329, %swap3A_1330], %get3A_1323 {strides = array<i32>} : memref<32x1792xf32, #tpu.memory_space<vmem>>, vector<16xf32>,
        %get3A_1332 = arith.constant 14 : i32
        %get3A_1333 = arith.index_cast %and3A_566 : i32 to index
        %get3A_1334 = arith.index_cast %get3A_1332 : i32 to index
        %get3A_1335 = arith.constant 32 : index
        %get3A_1336 = tpu.vector_load %arg7[%get3A_1333, %get3A_1334, %get3A_1335] {strides = array<i32>} : memref<2x32x64xf32, #tpu.memory_space<vmem>>, vector<16xf32>,
        %mul3A_1337 = arith.constant 64 : i32
        %mul3A_1338 = arith.muli %sub3A_563, %mul3A_1337 : i32
        %add3A_1339 = arith.constant 32 : i32
        %add3A_1340 = arith.addi %mul3A_1338, %add3A_1339 : i32
        %swap3A_1341 = arith.constant 14 : i32
        %swap3A_1342 = arith.index_cast %swap3A_1341 : i32 to index
        %swap3A_1343 = arith.index_cast %add3A_1340 : i32 to index
        %swap3A_1344 = tpu.vector_load %arg8[%swap3A_1342, %swap3A_1343] {strides = array<i32>} : memref<32x1792xf32, #tpu.memory_space<vmem>>, vector<16xf32>,
        tpu.vector_store %arg8[%swap3A_1342, %swap3A_1343], %get3A_1336 {strides = array<i32>} : memref<32x1792xf32, #tpu.memory_space<vmem>>, vector<16xf32>,
        %get3A_1345 = arith.constant 14 : i32
        %get3A_1346 = arith.index_cast %and3A_566 : i32 to index
        %get3A_1347 = arith.index_cast %get3A_1345 : i32 to index
        %get3A_1348 = arith.constant 48 : index
        %get3A_1349 = tpu.vector_load %arg7[%get3A_1346, %get3A_1347, %get3A_1348] {strides = array<i32>} : memref<2x32x64xf32, #tpu.memory_space<vmem>>, vector<16xf32>,
        %mul3A_1350 = arith.constant 64 : i32
        %mul3A_1351 = arith.muli %sub3A_563, %mul3A_1350 : i32
        %add3A_1352 = arith.constant 48 : i32
        %add3A_1353 = arith.addi %mul3A_1351, %add3A_1352 : i32
        %swap3A_1354 = arith.constant 14 : i32
        %swap3A_1355 = arith.index_cast %swap3A_1354 : i32 to index
        %swap3A_1356 = arith.index_cast %add3A_1353 : i32 to index
        %swap3A_1357 = tpu.vector_load %arg8[%swap3A_1355, %swap3A_1356] {strides = array<i32>} : memref<32x1792xf32, #tpu.memory_space<vmem>>, vector<16xf32>,
        tpu.vector_store %arg8[%swap3A_1355, %swap3A_1356], %get3A_1349 {strides = array<i32>} : memref<32x1792xf32, #tpu.memory_space<vmem>>, vector<16xf32>,
        %get3A_1358 = arith.constant 15 : i32
        %get3A_1359 = arith.index_cast %and3A_566 : i32 to index
        %get3A_1360 = arith.index_cast %get3A_1358 : i32 to index
        %get3A_1361 = arith.constant 0 : index
        %get3A_1362 = tpu.vector_load %arg7[%get3A_1359, %get3A_1360, %get3A_1361] {strides = array<i32>} : memref<2x32x64xf32, #tpu.memory_space<vmem>>, vector<16xf32>,
        %mul3A_1363 = arith.constant 64 : i32
        %mul3A_1364 = arith.muli %sub3A_563, %mul3A_1363 : i32
        %add3A_1365 = arith.constant 0 : i32
        %add3A_1366 = arith.addi %mul3A_1364, %add3A_1365 : i32
        %swap3A_1367 = arith.constant 15 : i32
        %swap3A_1368 = arith.index_cast %swap3A_1367 : i32 to index
        %swap3A_1369 = arith.index_cast %add3A_1366 : i32 to index
        %swap3A_1370 = tpu.vector_load %arg8[%swap3A_1368, %swap3A_1369] {strides = array<i32>} : memref<32x1792xf32, #tpu.memory_space<vmem>>, vector<16xf32>,
        tpu.vector_store %arg8[%swap3A_1368, %swap3A_1369], %get3A_1362 {strides = array<i32>} : memref<32x1792xf32, #tpu.memory_space<vmem>>, vector<16xf32>,
        %get3A_1371 = arith.constant 15 : i32
        %get3A_1372 = arith.index_cast %and3A_566 : i32 to index
        %get3A_1373 = arith.index_cast %get3A_1371 : i32 to index
        %get3A_1374 = arith.constant 16 : index
        %get3A_1375 = tpu.vector_load %arg7[%get3A_1372, %get3A_1373, %get3A_1374] {strides = array<i32>} : memref<2x32x64xf32, #tpu.memory_space<vmem>>, vector<16xf32>,
        %mul3A_1376 = arith.constant 64 : i32
        %mul3A_1377 = arith.muli %sub3A_563, %mul3A_1376 : i32
        %add3A_1378 = arith.constant 16 : i32
        %add3A_1379 = arith.addi %mul3A_1377, %add3A_1378 : i32
        %swap3A_1380 = arith.constant 15 : i32
        %swap3A_1381 = arith.index_cast %swap3A_1380 : i32 to index
        %swap3A_1382 = arith.index_cast %add3A_1379 : i32 to index
        %swap3A_1383 = tpu.vector_load %arg8[%swap3A_1381, %swap3A_1382] {strides = array<i32>} : memref<32x1792xf32, #tpu.memory_space<vmem>>, vector<16xf32>,
        tpu.vector_store %arg8[%swap3A_1381, %swap3A_1382], %get3A_1375 {strides = array<i32>} : memref<32x1792xf32, #tpu.memory_space<vmem>>, vector<16xf32>,
        %get3A_1384 = arith.constant 15 : i32
        %get3A_1385 = arith.index_cast %and3A_566 : i32 to index
        %get3A_1386 = arith.index_cast %get3A_1384 : i32 to index
        %get3A_1387 = arith.constant 32 : index
        %get3A_1388 = tpu.vector_load %arg7[%get3A_1385, %get3A_1386, %get3A_1387] {strides = array<i32>} : memref<2x32x64xf32, #tpu.memory_space<vmem>>, vector<16xf32>,
        %mul3A_1389 = arith.constant 64 : i32
        %mul3A_1390 = arith.muli %sub3A_563, %mul3A_1389 : i32
        %add3A_1391 = arith.constant 32 : i32
        %add3A_1392 = arith.addi %mul3A_1390, %add3A_1391 : i32
        %swap3A_1393 = arith.constant 15 : i32
        %swap3A_1394 = arith.index_cast %swap3A_1393 : i32 to index
        %swap3A_1395 = arith.index_cast %add3A_1392 : i32 to index
        %swap3A_1396 = tpu.vector_load %arg8[%swap3A_1394, %swap3A_1395] {strides = array<i32>} : memref<32x1792xf32, #tpu.memory_space<vmem>>, vector<16xf32>,
        tpu.vector_store %arg8[%swap3A_1394, %swap3A_1395], %get3A_1388 {strides = array<i32>} : memref<32x1792xf32, #tpu.memory_space<vmem>>, vector<16xf32>,
        %get3A_1397 = arith.constant 15 : i32
        %get3A_1398 = arith.index_cast %and3A_566 : i32 to index
        %get3A_1399 = arith.index_cast %get3A_1397 : i32 to index
        %get3A_1400 = arith.constant 48 : index
        %get3A_1401 = tpu.vector_load %arg7[%get3A_1398, %get3A_1399, %get3A_1400] {strides = array<i32>} : memref<2x32x64xf32, #tpu.memory_space<vmem>>, vector<16xf32>,
        %mul3A_1402 = arith.constant 64 : i32
        %mul3A_1403 = arith.muli %sub3A_563, %mul3A_1402 : i32
        %add3A_1404 = arith.constant 48 : i32
        %add3A_1405 = arith.addi %mul3A_1403, %add3A_1404 : i32
        %swap3A_1406 = arith.constant 15 : i32
        %swap3A_1407 = arith.index_cast %swap3A_1406 : i32 to index
        %swap3A_1408 = arith.index_cast %add3A_1405 : i32 to index
        %swap3A_1409 = tpu.vector_load %arg8[%swap3A_1407, %swap3A_1408] {strides = array<i32>} : memref<32x1792xf32, #tpu.memory_space<vmem>>, vector<16xf32>,
        tpu.vector_store %arg8[%swap3A_1407, %swap3A_1408], %get3A_1401 {strides = array<i32>} : memref<32x1792xf32, #tpu.memory_space<vmem>>, vector<16xf32>,
        %get3A_1410 = arith.constant 16 : i32
        %get3A_1411 = arith.index_cast %and3A_566 : i32 to index
        %get3A_1412 = arith.index_cast %get3A_1410 : i32 to index
        %get3A_1413 = arith.constant 0 : index
        %get3A_1414 = tpu.vector_load %arg7[%get3A_1411, %get3A_1412, %get3A_1413] {strides = array<i32>} : memref<2x32x64xf32, #tpu.memory_space<vmem>>, vector<16xf32>,
        %mul3A_1415 = arith.constant 64 : i32
        %mul3A_1416 = arith.muli %sub3A_563, %mul3A_1415 : i32
        %add3A_1417 = arith.constant 0 : i32
        %add3A_1418 = arith.addi %mul3A_1416, %add3A_1417 : i32
        %swap3A_1419 = arith.constant 16 : i32
        %swap3A_1420 = arith.index_cast %swap3A_1419 : i32 to index
        %swap3A_1421 = arith.index_cast %add3A_1418 : i32 to index
        %swap3A_1422 = tpu.vector_load %arg8[%swap3A_1420, %swap3A_1421] {strides = array<i32>} : memref<32x1792xf32, #tpu.memory_space<vmem>>, vector<16xf32>,
        tpu.vector_store %arg8[%swap3A_1420, %swap3A_1421], %get3A_1414 {strides = array<i32>} : memref<32x1792xf32, #tpu.memory_space<vmem>>, vector<16xf32>,
        %get3A_1423 = arith.constant 16 : i32
        %get3A_1424 = arith.index_cast %and3A_566 : i32 to index
        %get3A_1425 = arith.index_cast %get3A_1423 : i32 to index
        %get3A_1426 = arith.constant 16 : index
        %get3A_1427 = tpu.vector_load %arg7[%get3A_1424, %get3A_1425, %get3A_1426] {strides = array<i32>} : memref<2x32x64xf32, #tpu.memory_space<vmem>>, vector<16xf32>,
        %mul3A_1428 = arith.constant 64 : i32
        %mul3A_1429 = arith.muli %sub3A_563, %mul3A_1428 : i32
        %add3A_1430 = arith.constant 16 : i32
        %add3A_1431 = arith.addi %mul3A_1429, %add3A_1430 : i32
        %swap3A_1432 = arith.constant 16 : i32
        %swap3A_1433 = arith.index_cast %swap3A_1432 : i32 to index
        %swap3A_1434 = arith.index_cast %add3A_1431 : i32 to index
        %swap3A_1435 = tpu.vector_load %arg8[%swap3A_1433, %swap3A_1434] {strides = array<i32>} : memref<32x1792xf32, #tpu.memory_space<vmem>>, vector<16xf32>,
        tpu.vector_store %arg8[%swap3A_1433, %swap3A_1434], %get3A_1427 {strides = array<i32>} : memref<32x1792xf32, #tpu.memory_space<vmem>>, vector<16xf32>,
        %get3A_1436 = arith.constant 16 : i32
        %get3A_1437 = arith.index_cast %and3A_566 : i32 to index
        %get3A_1438 = arith.index_cast %get3A_1436 : i32 to index
        %get3A_1439 = arith.constant 32 : index
        %get3A_1440 = tpu.vector_load %arg7[%get3A_1437, %get3A_1438, %get3A_1439] {strides = array<i32>} : memref<2x32x64xf32, #tpu.memory_space<vmem>>, vector<16xf32>,
        %mul3A_1441 = arith.constant 64 : i32
        %mul3A_1442 = arith.muli %sub3A_563, %mul3A_1441 : i32
        %add3A_1443 = arith.constant 32 : i32
        %add3A_1444 = arith.addi %mul3A_1442, %add3A_1443 : i32
        %swap3A_1445 = arith.constant 16 : i32
        %swap3A_1446 = arith.index_cast %swap3A_1445 : i32 to index
        %swap3A_1447 = arith.index_cast %add3A_1444 : i32 to index
        %swap3A_1448 = tpu.vector_load %arg8[%swap3A_1446, %swap3A_1447] {strides = array<i32>} : memref<32x1792xf32, #tpu.memory_space<vmem>>, vector<16xf32>,
        tpu.vector_store %arg8[%swap3A_1446, %swap3A_1447], %get3A_1440 {strides = array<i32>} : memref<32x1792xf32, #tpu.memory_space<vmem>>, vector<16xf32>,
        %get3A_1449 = arith.constant 16 : i32
        %get3A_1450 = arith.index_cast %and3A_566 : i32 to index
        %get3A_1451 = arith.index_cast %get3A_1449 : i32 to index
        %get3A_1452 = arith.constant 48 : index
        %get3A_1453 = tpu.vector_load %arg7[%get3A_1450, %get3A_1451, %get3A_1452] {strides = array<i32>} : memref<2x32x64xf32, #tpu.memory_space<vmem>>, vector<16xf32>,
        %mul3A_1454 = arith.constant 64 : i32
        %mul3A_1455 = arith.muli %sub3A_563, %mul3A_1454 : i32
        %add3A_1456 = arith.constant 48 : i32
        %add3A_1457 = arith.addi %mul3A_1455, %add3A_1456 : i32
        %swap3A_1458 = arith.constant 16 : i32
        %swap3A_1459 = arith.index_cast %swap3A_1458 : i32 to index
        %swap3A_1460 = arith.index_cast %add3A_1457 : i32 to index
        %swap3A_1461 = tpu.vector_load %arg8[%swap3A_1459, %swap3A_1460] {strides = array<i32>} : memref<32x1792xf32, #tpu.memory_space<vmem>>, vector<16xf32>,
        tpu.vector_store %arg8[%swap3A_1459, %swap3A_1460], %get3A_1453 {strides = array<i32>} : memref<32x1792xf32, #tpu.memory_space<vmem>>, vector<16xf32>,
        %get3A_1462 = arith.constant 17 : i32
        %get3A_1463 = arith.index_cast %and3A_566 : i32 to index
        %get3A_1464 = arith.index_cast %get3A_1462 : i32 to index
        %get3A_1465 = arith.constant 0 : index
        %get3A_1466 = tpu.vector_load %arg7[%get3A_1463, %get3A_1464, %get3A_1465] {strides = array<i32>} : memref<2x32x64xf32, #tpu.memory_space<vmem>>, vector<16xf32>,
        %mul3A_1467 = arith.constant 64 : i32
        %mul3A_1468 = arith.muli %sub3A_563, %mul3A_1467 : i32
        %add3A_1469 = arith.constant 0 : i32
        %add3A_1470 = arith.addi %mul3A_1468, %add3A_1469 : i32
        %swap3A_1471 = arith.constant 17 : i32
        %swap3A_1472 = arith.index_cast %swap3A_1471 : i32 to index
        %swap3A_1473 = arith.index_cast %add3A_1470 : i32 to index
        %swap3A_1474 = tpu.vector_load %arg8[%swap3A_1472, %swap3A_1473] {strides = array<i32>} : memref<32x1792xf32, #tpu.memory_space<vmem>>, vector<16xf32>,
        tpu.vector_store %arg8[%swap3A_1472, %swap3A_1473], %get3A_1466 {strides = array<i32>} : memref<32x1792xf32, #tpu.memory_space<vmem>>, vector<16xf32>,
        %get3A_1475 = arith.constant 17 : i32
        %get3A_1476 = arith.index_cast %and3A_566 : i32 to index
        %get3A_1477 = arith.index_cast %get3A_1475 : i32 to index
        %get3A_1478 = arith.constant 16 : index
        %get3A_1479 = tpu.vector_load %arg7[%get3A_1476, %get3A_1477, %get3A_1478] {strides = array<i32>} : memref<2x32x64xf32, #tpu.memory_space<vmem>>, vector<16xf32>,
        %mul3A_1480 = arith.constant 64 : i32
        %mul3A_1481 = arith.muli %sub3A_563, %mul3A_1480 : i32
        %add3A_1482 = arith.constant 16 : i32
        %add3A_1483 = arith.addi %mul3A_1481, %add3A_1482 : i32
        %swap3A_1484 = arith.constant 17 : i32
        %swap3A_1485 = arith.index_cast %swap3A_1484 : i32 to index
        %swap3A_1486 = arith.index_cast %add3A_1483 : i32 to index
        %swap3A_1487 = tpu.vector_load %arg8[%swap3A_1485, %swap3A_1486] {strides = array<i32>} : memref<32x1792xf32, #tpu.memory_space<vmem>>, vector<16xf32>,
        tpu.vector_store %arg8[%swap3A_1485, %swap3A_1486], %get3A_1479 {strides = array<i32>} : memref<32x1792xf32, #tpu.memory_space<vmem>>, vector<16xf32>,
        %get3A_1488 = arith.constant 17 : i32
        %get3A_1489 = arith.index_cast %and3A_566 : i32 to index
        %get3A_1490 = arith.index_cast %get3A_1488 : i32 to index
        %get3A_1491 = arith.constant 32 : index
        %get3A_1492 = tpu.vector_load %arg7[%get3A_1489, %get3A_1490, %get3A_1491] {strides = array<i32>} : memref<2x32x64xf32, #tpu.memory_space<vmem>>, vector<16xf32>,
        %mul3A_1493 = arith.constant 64 : i32
        %mul3A_1494 = arith.muli %sub3A_563, %mul3A_1493 : i32
        %add3A_1495 = arith.constant 32 : i32
        %add3A_1496 = arith.addi %mul3A_1494, %add3A_1495 : i32
        %swap3A_1497 = arith.constant 17 : i32
        %swap3A_1498 = arith.index_cast %swap3A_1497 : i32 to index
        %swap3A_1499 = arith.index_cast %add3A_1496 : i32 to index
        %swap3A_1500 = tpu.vector_load %arg8[%swap3A_1498, %swap3A_1499] {strides = array<i32>} : memref<32x1792xf32, #tpu.memory_space<vmem>>, vector<16xf32>,
        tpu.vector_store %arg8[%swap3A_1498, %swap3A_1499], %get3A_1492 {strides = array<i32>} : memref<32x1792xf32, #tpu.memory_space<vmem>>, vector<16xf32>,
        %get3A_1501 = arith.constant 17 : i32
        %get3A_1502 = arith.index_cast %and3A_566 : i32 to index
        %get3A_1503 = arith.index_cast %get3A_1501 : i32 to index
        %get3A_1504 = arith.constant 48 : index
        %get3A_1505 = tpu.vector_load %arg7[%get3A_1502, %get3A_1503, %get3A_1504] {strides = array<i32>} : memref<2x32x64xf32, #tpu.memory_space<vmem>>, vector<16xf32>,
        %mul3A_1506 = arith.constant 64 : i32
        %mul3A_1507 = arith.muli %sub3A_563, %mul3A_1506 : i32
        %add3A_1508 = arith.constant 48 : i32
        %add3A_1509 = arith.addi %mul3A_1507, %add3A_1508 : i32
        %swap3A_1510 = arith.constant 17 : i32
        %swap3A_1511 = arith.index_cast %swap3A_1510 : i32 to index
        %swap3A_1512 = arith.index_cast %add3A_1509 : i32 to index
        %swap3A_1513 = tpu.vector_load %arg8[%swap3A_1511, %swap3A_1512] {strides = array<i32>} : memref<32x1792xf32, #tpu.memory_space<vmem>>, vector<16xf32>,
        tpu.vector_store %arg8[%swap3A_1511, %swap3A_1512], %get3A_1505 {strides = array<i32>} : memref<32x1792xf32, #tpu.memory_space<vmem>>, vector<16xf32>,
        %get3A_1514 = arith.constant 18 : i32
        %get3A_1515 = arith.index_cast %and3A_566 : i32 to index
        %get3A_1516 = arith.index_cast %get3A_1514 : i32 to index
        %get3A_1517 = arith.constant 0 : index
        %get3A_1518 = tpu.vector_load %arg7[%get3A_1515, %get3A_1516, %get3A_1517] {strides = array<i32>} : memref<2x32x64xf32, #tpu.memory_space<vmem>>, vector<16xf32>,
        %mul3A_1519 = arith.constant 64 : i32
        %mul3A_1520 = arith.muli %sub3A_563, %mul3A_1519 : i32
        %add3A_1521 = arith.constant 0 : i32
        %add3A_1522 = arith.addi %mul3A_1520, %add3A_1521 : i32
        %swap3A_1523 = arith.constant 18 : i32
        %swap3A_1524 = arith.index_cast %swap3A_1523 : i32 to index
        %swap3A_1525 = arith.index_cast %add3A_1522 : i32 to index
        %swap3A_1526 = tpu.vector_load %arg8[%swap3A_1524, %swap3A_1525] {strides = array<i32>} : memref<32x1792xf32, #tpu.memory_space<vmem>>, vector<16xf32>,
        tpu.vector_store %arg8[%swap3A_1524, %swap3A_1525], %get3A_1518 {strides = array<i32>} : memref<32x1792xf32, #tpu.memory_space<vmem>>, vector<16xf32>,
        %get3A_1527 = arith.constant 18 : i32
        %get3A_1528 = arith.index_cast %and3A_566 : i32 to index
        %get3A_1529 = arith.index_cast %get3A_1527 : i32 to index
        %get3A_1530 = arith.constant 16 : index
        %get3A_1531 = tpu.vector_load %arg7[%get3A_1528, %get3A_1529, %get3A_1530] {strides = array<i32>} : memref<2x32x64xf32, #tpu.memory_space<vmem>>, vector<16xf32>,
        %mul3A_1532 = arith.constant 64 : i32
        %mul3A_1533 = arith.muli %sub3A_563, %mul3A_1532 : i32
        %add3A_1534 = arith.constant 16 : i32
        %add3A_1535 = arith.addi %mul3A_1533, %add3A_1534 : i32
        %swap3A_1536 = arith.constant 18 : i32
        %swap3A_1537 = arith.index_cast %swap3A_1536 : i32 to index
        %swap3A_1538 = arith.index_cast %add3A_1535 : i32 to index
        %swap3A_1539 = tpu.vector_load %arg8[%swap3A_1537, %swap3A_1538] {strides = array<i32>} : memref<32x1792xf32, #tpu.memory_space<vmem>>, vector<16xf32>,
        tpu.vector_store %arg8[%swap3A_1537, %swap3A_1538], %get3A_1531 {strides = array<i32>} : memref<32x1792xf32, #tpu.memory_space<vmem>>, vector<16xf32>,
        %get3A_1540 = arith.constant 18 : i32
        %get3A_1541 = arith.index_cast %and3A_566 : i32 to index
        %get3A_1542 = arith.index_cast %get3A_1540 : i32 to index
        %get3A_1543 = arith.constant 32 : index
        %get3A_1544 = tpu.vector_load %arg7[%get3A_1541, %get3A_1542, %get3A_1543] {strides = array<i32>} : memref<2x32x64xf32, #tpu.memory_space<vmem>>, vector<16xf32>,
        %mul3A_1545 = arith.constant 64 : i32
        %mul3A_1546 = arith.muli %sub3A_563, %mul3A_1545 : i32
        %add3A_1547 = arith.constant 32 : i32
        %add3A_1548 = arith.addi %mul3A_1546, %add3A_1547 : i32
        %swap3A_1549 = arith.constant 18 : i32
        %swap3A_1550 = arith.index_cast %swap3A_1549 : i32 to index
        %swap3A_1551 = arith.index_cast %add3A_1548 : i32 to index
        %swap3A_1552 = tpu.vector_load %arg8[%swap3A_1550, %swap3A_1551] {strides = array<i32>} : memref<32x1792xf32, #tpu.memory_space<vmem>>, vector<16xf32>,
        tpu.vector_store %arg8[%swap3A_1550, %swap3A_1551], %get3A_1544 {strides = array<i32>} : memref<32x1792xf32, #tpu.memory_space<vmem>>, vector<16xf32>,
        %get3A_1553 = arith.constant 18 : i32
        %get3A_1554 = arith.index_cast %and3A_566 : i32 to index
        %get3A_1555 = arith.index_cast %get3A_1553 : i32 to index
        %get3A_1556 = arith.constant 48 : index
        %get3A_1557 = tpu.vector_load %arg7[%get3A_1554, %get3A_1555, %get3A_1556] {strides = array<i32>} : memref<2x32x64xf32, #tpu.memory_space<vmem>>, vector<16xf32>,
        %mul3A_1558 = arith.constant 64 : i32
        %mul3A_1559 = arith.muli %sub3A_563, %mul3A_1558 : i32
        %add3A_1560 = arith.constant 48 : i32
        %add3A_1561 = arith.addi %mul3A_1559, %add3A_1560 : i32
        %swap3A_1562 = arith.constant 18 : i32
        %swap3A_1563 = arith.index_cast %swap3A_1562 : i32 to index
        %swap3A_1564 = arith.index_cast %add3A_1561 : i32 to index
        %swap3A_1565 = tpu.vector_load %arg8[%swap3A_1563, %swap3A_1564] {strides = array<i32>} : memref<32x1792xf32, #tpu.memory_space<vmem>>, vector<16xf32>,
        tpu.vector_store %arg8[%swap3A_1563, %swap3A_1564], %get3A_1557 {strides = array<i32>} : memref<32x1792xf32, #tpu.memory_space<vmem>>, vector<16xf32>,
        %get3A_1566 = arith.constant 19 : i32
        %get3A_1567 = arith.index_cast %and3A_566 : i32 to index
        %get3A_1568 = arith.index_cast %get3A_1566 : i32 to index
        %get3A_1569 = arith.constant 0 : index
        %get3A_1570 = tpu.vector_load %arg7[%get3A_1567, %get3A_1568, %get3A_1569] {strides = array<i32>} : memref<2x32x64xf32, #tpu.memory_space<vmem>>, vector<16xf32>,
        %mul3A_1571 = arith.constant 64 : i32
        %mul3A_1572 = arith.muli %sub3A_563, %mul3A_1571 : i32
        %add3A_1573 = arith.constant 0 : i32
        %add3A_1574 = arith.addi %mul3A_1572, %add3A_1573 : i32
        %swap3A_1575 = arith.constant 19 : i32
        %swap3A_1576 = arith.index_cast %swap3A_1575 : i32 to index
        %swap3A_1577 = arith.index_cast %add3A_1574 : i32 to index
        %swap3A_1578 = tpu.vector_load %arg8[%swap3A_1576, %swap3A_1577] {strides = array<i32>} : memref<32x1792xf32, #tpu.memory_space<vmem>>, vector<16xf32>,
        tpu.vector_store %arg8[%swap3A_1576, %swap3A_1577], %get3A_1570 {strides = array<i32>} : memref<32x1792xf32, #tpu.memory_space<vmem>>, vector<16xf32>,
        %get3A_1579 = arith.constant 19 : i32
        %get3A_1580 = arith.index_cast %and3A_566 : i32 to index
        %get3A_1581 = arith.index_cast %get3A_1579 : i32 to index
        %get3A_1582 = arith.constant 16 : index
        %get3A_1583 = tpu.vector_load %arg7[%get3A_1580, %get3A_1581, %get3A_1582] {strides = array<i32>} : memref<2x32x64xf32, #tpu.memory_space<vmem>>, vector<16xf32>,
        %mul3A_1584 = arith.constant 64 : i32
        %mul3A_1585 = arith.muli %sub3A_563, %mul3A_1584 : i32
        %add3A_1586 = arith.constant 16 : i32
        %add3A_1587 = arith.addi %mul3A_1585, %add3A_1586 : i32
        %swap3A_1588 = arith.constant 19 : i32
        %swap3A_1589 = arith.index_cast %swap3A_1588 : i32 to index
        %swap3A_1590 = arith.index_cast %add3A_1587 : i32 to index
        %swap3A_1591 = tpu.vector_load %arg8[%swap3A_1589, %swap3A_1590] {strides = array<i32>} : memref<32x1792xf32, #tpu.memory_space<vmem>>, vector<16xf32>,
        tpu.vector_store %arg8[%swap3A_1589, %swap3A_1590], %get3A_1583 {strides = array<i32>} : memref<32x1792xf32, #tpu.memory_space<vmem>>, vector<16xf32>,
        %get3A_1592 = arith.constant 19 : i32
        %get3A_1593 = arith.index_cast %and3A_566 : i32 to index
        %get3A_1594 = arith.index_cast %get3A_1592 : i32 to index
        %get3A_1595 = arith.constant 32 : index
        %get3A_1596 = tpu.vector_load %arg7[%get3A_1593, %get3A_1594, %get3A_1595] {strides = array<i32>} : memref<2x32x64xf32, #tpu.memory_space<vmem>>, vector<16xf32>,
        %mul3A_1597 = arith.constant 64 : i32
        %mul3A_1598 = arith.muli %sub3A_563, %mul3A_1597 : i32
        %add3A_1599 = arith.constant 32 : i32
        %add3A_1600 = arith.addi %mul3A_1598, %add3A_1599 : i32
        %swap3A_1601 = arith.constant 19 : i32
        %swap3A_1602 = arith.index_cast %swap3A_1601 : i32 to index
        %swap3A_1603 = arith.index_cast %add3A_1600 : i32 to index
        %swap3A_1604 = tpu.vector_load %arg8[%swap3A_1602, %swap3A_1603] {strides = array<i32>} : memref<32x1792xf32, #tpu.memory_space<vmem>>, vector<16xf32>,
        tpu.vector_store %arg8[%swap3A_1602, %swap3A_1603], %get3A_1596 {strides = array<i32>} : memref<32x1792xf32, #tpu.memory_space<vmem>>, vector<16xf32>,
        %get3A_1605 = arith.constant 19 : i32
        %get3A_1606 = arith.index_cast %and3A_566 : i32 to index
        %get3A_1607 = arith.index_cast %get3A_1605 : i32 to index
        %get3A_1608 = arith.constant 48 : index
        %get3A_1609 = tpu.vector_load %arg7[%get3A_1606, %get3A_1607, %get3A_1608] {strides = array<i32>} : memref<2x32x64xf32, #tpu.memory_space<vmem>>, vector<16xf32>,
        %mul3A_1610 = arith.constant 64 : i32
        %mul3A_1611 = arith.muli %sub3A_563, %mul3A_1610 : i32
        %add3A_1612 = arith.constant 48 : i32
        %add3A_1613 = arith.addi %mul3A_1611, %add3A_1612 : i32
        %swap3A_1614 = arith.constant 19 : i32
        %swap3A_1615 = arith.index_cast %swap3A_1614 : i32 to index
        %swap3A_1616 = arith.index_cast %add3A_1613 : i32 to index
        %swap3A_1617 = tpu.vector_load %arg8[%swap3A_1615, %swap3A_1616] {strides = array<i32>} : memref<32x1792xf32, #tpu.memory_space<vmem>>, vector<16xf32>,
        tpu.vector_store %arg8[%swap3A_1615, %swap3A_1616], %get3A_1609 {strides = array<i32>} : memref<32x1792xf32, #tpu.memory_space<vmem>>, vector<16xf32>,
        %get3A_1618 = arith.constant 20 : i32
        %get3A_1619 = arith.index_cast %and3A_566 : i32 to index
        %get3A_1620 = arith.index_cast %get3A_1618 : i32 to index
        %get3A_1621 = arith.constant 0 : index
        %get3A_1622 = tpu.vector_load %arg7[%get3A_1619, %get3A_1620, %get3A_1621] {strides = array<i32>} : memref<2x32x64xf32, #tpu.memory_space<vmem>>, vector<16xf32>,
        %mul3A_1623 = arith.constant 64 : i32
        %mul3A_1624 = arith.muli %sub3A_563, %mul3A_1623 : i32
        %add3A_1625 = arith.constant 0 : i32
        %add3A_1626 = arith.addi %mul3A_1624, %add3A_1625 : i32
        %swap3A_1627 = arith.constant 20 : i32
        %swap3A_1628 = arith.index_cast %swap3A_1627 : i32 to index
        %swap3A_1629 = arith.index_cast %add3A_1626 : i32 to index
        %swap3A_1630 = tpu.vector_load %arg8[%swap3A_1628, %swap3A_1629] {strides = array<i32>} : memref<32x1792xf32, #tpu.memory_space<vmem>>, vector<16xf32>,
        tpu.vector_store %arg8[%swap3A_1628, %swap3A_1629], %get3A_1622 {strides = array<i32>} : memref<32x1792xf32, #tpu.memory_space<vmem>>, vector<16xf32>,
        %get3A_1631 = arith.constant 20 : i32
        %get3A_1632 = arith.index_cast %and3A_566 : i32 to index
        %get3A_1633 = arith.index_cast %get3A_1631 : i32 to index
        %get3A_1634 = arith.constant 16 : index
        %get3A_1635 = tpu.vector_load %arg7[%get3A_1632, %get3A_1633, %get3A_1634] {strides = array<i32>} : memref<2x32x64xf32, #tpu.memory_space<vmem>>, vector<16xf32>,
        %mul3A_1636 = arith.constant 64 : i32
        %mul3A_1637 = arith.muli %sub3A_563, %mul3A_1636 : i32
        %add3A_1638 = arith.constant 16 : i32
        %add3A_1639 = arith.addi %mul3A_1637, %add3A_1638 : i32
        %swap3A_1640 = arith.constant 20 : i32
        %swap3A_1641 = arith.index_cast %swap3A_1640 : i32 to index
        %swap3A_1642 = arith.index_cast %add3A_1639 : i32 to index
        %swap3A_1643 = tpu.vector_load %arg8[%swap3A_1641, %swap3A_1642] {strides = array<i32>} : memref<32x1792xf32, #tpu.memory_space<vmem>>, vector<16xf32>,
        tpu.vector_store %arg8[%swap3A_1641, %swap3A_1642], %get3A_1635 {strides = array<i32>} : memref<32x1792xf32, #tpu.memory_space<vmem>>, vector<16xf32>,
        %get3A_1644 = arith.constant 20 : i32
        %get3A_1645 = arith.index_cast %and3A_566 : i32 to index
        %get3A_1646 = arith.index_cast %get3A_1644 : i32 to index
        %get3A_1647 = arith.constant 32 : index
        %get3A_1648 = tpu.vector_load %arg7[%get3A_1645, %get3A_1646, %get3A_1647] {strides = array<i32>} : memref<2x32x64xf32, #tpu.memory_space<vmem>>, vector<16xf32>,
        %mul3A_1649 = arith.constant 64 : i32
        %mul3A_1650 = arith.muli %sub3A_563, %mul3A_1649 : i32
        %add3A_1651 = arith.constant 32 : i32
        %add3A_1652 = arith.addi %mul3A_1650, %add3A_1651 : i32
        %swap3A_1653 = arith.constant 20 : i32
        %swap3A_1654 = arith.index_cast %swap3A_1653 : i32 to index
        %swap3A_1655 = arith.index_cast %add3A_1652 : i32 to index
        %swap3A_1656 = tpu.vector_load %arg8[%swap3A_1654, %swap3A_1655] {strides = array<i32>} : memref<32x1792xf32, #tpu.memory_space<vmem>>, vector<16xf32>,
        tpu.vector_store %arg8[%swap3A_1654, %swap3A_1655], %get3A_1648 {strides = array<i32>} : memref<32x1792xf32, #tpu.memory_space<vmem>>, vector<16xf32>,
        %get3A_1657 = arith.constant 20 : i32
        %get3A_1658 = arith.index_cast %and3A_566 : i32 to index
        %get3A_1659 = arith.index_cast %get3A_1657 : i32 to index
        %get3A_1660 = arith.constant 48 : index
        %get3A_1661 = tpu.vector_load %arg7[%get3A_1658, %get3A_1659, %get3A_1660] {strides = array<i32>} : memref<2x32x64xf32, #tpu.memory_space<vmem>>, vector<16xf32>,
        %mul3A_1662 = arith.constant 64 : i32
        %mul3A_1663 = arith.muli %sub3A_563, %mul3A_1662 : i32
        %add3A_1664 = arith.constant 48 : i32
        %add3A_1665 = arith.addi %mul3A_1663, %add3A_1664 : i32
        %swap3A_1666 = arith.constant 20 : i32
        %swap3A_1667 = arith.index_cast %swap3A_1666 : i32 to index
        %swap3A_1668 = arith.index_cast %add3A_1665 : i32 to index
        %swap3A_1669 = tpu.vector_load %arg8[%swap3A_1667, %swap3A_1668] {strides = array<i32>} : memref<32x1792xf32, #tpu.memory_space<vmem>>, vector<16xf32>,
        tpu.vector_store %arg8[%swap3A_1667, %swap3A_1668], %get3A_1661 {strides = array<i32>} : memref<32x1792xf32, #tpu.memory_space<vmem>>, vector<16xf32>,
        %get3A_1670 = arith.constant 21 : i32
        %get3A_1671 = arith.index_cast %and3A_566 : i32 to index
        %get3A_1672 = arith.index_cast %get3A_1670 : i32 to index
        %get3A_1673 = arith.constant 0 : index
        %get3A_1674 = tpu.vector_load %arg7[%get3A_1671, %get3A_1672, %get3A_1673] {strides = array<i32>} : memref<2x32x64xf32, #tpu.memory_space<vmem>>, vector<16xf32>,
        %mul3A_1675 = arith.constant 64 : i32
        %mul3A_1676 = arith.muli %sub3A_563, %mul3A_1675 : i32
        %add3A_1677 = arith.constant 0 : i32
        %add3A_1678 = arith.addi %mul3A_1676, %add3A_1677 : i32
        %swap3A_1679 = arith.constant 21 : i32
        %swap3A_1680 = arith.index_cast %swap3A_1679 : i32 to index
        %swap3A_1681 = arith.index_cast %add3A_1678 : i32 to index
        %swap3A_1682 = tpu.vector_load %arg8[%swap3A_1680, %swap3A_1681] {strides = array<i32>} : memref<32x1792xf32, #tpu.memory_space<vmem>>, vector<16xf32>,
        tpu.vector_store %arg8[%swap3A_1680, %swap3A_1681], %get3A_1674 {strides = array<i32>} : memref<32x1792xf32, #tpu.memory_space<vmem>>, vector<16xf32>,
        %get3A_1683 = arith.constant 21 : i32
        %get3A_1684 = arith.index_cast %and3A_566 : i32 to index
        %get3A_1685 = arith.index_cast %get3A_1683 : i32 to index
        %get3A_1686 = arith.constant 16 : index
        %get3A_1687 = tpu.vector_load %arg7[%get3A_1684, %get3A_1685, %get3A_1686] {strides = array<i32>} : memref<2x32x64xf32, #tpu.memory_space<vmem>>, vector<16xf32>,
        %mul3A_1688 = arith.constant 64 : i32
        %mul3A_1689 = arith.muli %sub3A_563, %mul3A_1688 : i32
        %add3A_1690 = arith.constant 16 : i32
        %add3A_1691 = arith.addi %mul3A_1689, %add3A_1690 : i32
        %swap3A_1692 = arith.constant 21 : i32
        %swap3A_1693 = arith.index_cast %swap3A_1692 : i32 to index
        %swap3A_1694 = arith.index_cast %add3A_1691 : i32 to index
        %swap3A_1695 = tpu.vector_load %arg8[%swap3A_1693, %swap3A_1694] {strides = array<i32>} : memref<32x1792xf32, #tpu.memory_space<vmem>>, vector<16xf32>,
        tpu.vector_store %arg8[%swap3A_1693, %swap3A_1694], %get3A_1687 {strides = array<i32>} : memref<32x1792xf32, #tpu.memory_space<vmem>>, vector<16xf32>,
        %get3A_1696 = arith.constant 21 : i32
        %get3A_1697 = arith.index_cast %and3A_566 : i32 to index
        %get3A_1698 = arith.index_cast %get3A_1696 : i32 to index
        %get3A_1699 = arith.constant 32 : index
        %get3A_1700 = tpu.vector_load %arg7[%get3A_1697, %get3A_1698, %get3A_1699] {strides = array<i32>} : memref<2x32x64xf32, #tpu.memory_space<vmem>>, vector<16xf32>,
        %mul3A_1701 = arith.constant 64 : i32
        %mul3A_1702 = arith.muli %sub3A_563, %mul3A_1701 : i32
        %add3A_1703 = arith.constant 32 : i32
        %add3A_1704 = arith.addi %mul3A_1702, %add3A_1703 : i32
        %swap3A_1705 = arith.constant 21 : i32
        %swap3A_1706 = arith.index_cast %swap3A_1705 : i32 to index
        %swap3A_1707 = arith.index_cast %add3A_1704 : i32 to index
        %swap3A_1708 = tpu.vector_load %arg8[%swap3A_1706, %swap3A_1707] {strides = array<i32>} : memref<32x1792xf32, #tpu.memory_space<vmem>>, vector<16xf32>,
        tpu.vector_store %arg8[%swap3A_1706, %swap3A_1707], %get3A_1700 {strides = array<i32>} : memref<32x1792xf32, #tpu.memory_space<vmem>>, vector<16xf32>,
        %get3A_1709 = arith.constant 21 : i32
        %get3A_1710 = arith.index_cast %and3A_566 : i32 to index
        %get3A_1711 = arith.index_cast %get3A_1709 : i32 to index
        %get3A_1712 = arith.constant 48 : index
        %get3A_1713 = tpu.vector_load %arg7[%get3A_1710, %get3A_1711, %get3A_1712] {strides = array<i32>} : memref<2x32x64xf32, #tpu.memory_space<vmem>>, vector<16xf32>,
        %mul3A_1714 = arith.constant 64 : i32
        %mul3A_1715 = arith.muli %sub3A_563, %mul3A_1714 : i32
        %add3A_1716 = arith.constant 48 : i32
        %add3A_1717 = arith.addi %mul3A_1715, %add3A_1716 : i32
        %swap3A_1718 = arith.constant 21 : i32
        %swap3A_1719 = arith.index_cast %swap3A_1718 : i32 to index
        %swap3A_1720 = arith.index_cast %add3A_1717 : i32 to index
        %swap3A_1721 = tpu.vector_load %arg8[%swap3A_1719, %swap3A_1720] {strides = array<i32>} : memref<32x1792xf32, #tpu.memory_space<vmem>>, vector<16xf32>,
        tpu.vector_store %arg8[%swap3A_1719, %swap3A_1720], %get3A_1713 {strides = array<i32>} : memref<32x1792xf32, #tpu.memory_space<vmem>>, vector<16xf32>,
        %get3A_1722 = arith.constant 22 : i32
        %get3A_1723 = arith.index_cast %and3A_566 : i32 to index
        %get3A_1724 = arith.index_cast %get3A_1722 : i32 to index
        %get3A_1725 = arith.constant 0 : index
        %get3A_1726 = tpu.vector_load %arg7[%get3A_1723, %get3A_1724, %get3A_1725] {strides = array<i32>} : memref<2x32x64xf32, #tpu.memory_space<vmem>>, vector<16xf32>,
        %mul3A_1727 = arith.constant 64 : i32
        %mul3A_1728 = arith.muli %sub3A_563, %mul3A_1727 : i32
        %add3A_1729 = arith.constant 0 : i32
        %add3A_1730 = arith.addi %mul3A_1728, %add3A_1729 : i32
        %swap3A_1731 = arith.constant 22 : i32
        %swap3A_1732 = arith.index_cast %swap3A_1731 : i32 to index
        %swap3A_1733 = arith.index_cast %add3A_1730 : i32 to index
        %swap3A_1734 = tpu.vector_load %arg8[%swap3A_1732, %swap3A_1733] {strides = array<i32>} : memref<32x1792xf32, #tpu.memory_space<vmem>>, vector<16xf32>,
        tpu.vector_store %arg8[%swap3A_1732, %swap3A_1733], %get3A_1726 {strides = array<i32>} : memref<32x1792xf32, #tpu.memory_space<vmem>>, vector<16xf32>,
        %get3A_1735 = arith.constant 22 : i32
        %get3A_1736 = arith.index_cast %and3A_566 : i32 to index
        %get3A_1737 = arith.index_cast %get3A_1735 : i32 to index
        %get3A_1738 = arith.constant 16 : index
        %get3A_1739 = tpu.vector_load %arg7[%get3A_1736, %get3A_1737, %get3A_1738] {strides = array<i32>} : memref<2x32x64xf32, #tpu.memory_space<vmem>>, vector<16xf32>,
        %mul3A_1740 = arith.constant 64 : i32
        %mul3A_1741 = arith.muli %sub3A_563, %mul3A_1740 : i32
        %add3A_1742 = arith.constant 16 : i32
        %add3A_1743 = arith.addi %mul3A_1741, %add3A_1742 : i32
        %swap3A_1744 = arith.constant 22 : i32
        %swap3A_1745 = arith.index_cast %swap3A_1744 : i32 to index
        %swap3A_1746 = arith.index_cast %add3A_1743 : i32 to index
        %swap3A_1747 = tpu.vector_load %arg8[%swap3A_1745, %swap3A_1746] {strides = array<i32>} : memref<32x1792xf32, #tpu.memory_space<vmem>>, vector<16xf32>,
        tpu.vector_store %arg8[%swap3A_1745, %swap3A_1746], %get3A_1739 {strides = array<i32>} : memref<32x1792xf32, #tpu.memory_space<vmem>>, vector<16xf32>,
        %get3A_1748 = arith.constant 22 : i32
        %get3A_1749 = arith.index_cast %and3A_566 : i32 to index
        %get3A_1750 = arith.index_cast %get3A_1748 : i32 to index
        %get3A_1751 = arith.constant 32 : index
        %get3A_1752 = tpu.vector_load %arg7[%get3A_1749, %get3A_1750, %get3A_1751] {strides = array<i32>} : memref<2x32x64xf32, #tpu.memory_space<vmem>>, vector<16xf32>,
        %mul3A_1753 = arith.constant 64 : i32
        %mul3A_1754 = arith.muli %sub3A_563, %mul3A_1753 : i32
        %add3A_1755 = arith.constant 32 : i32
        %add3A_1756 = arith.addi %mul3A_1754, %add3A_1755 : i32
        %swap3A_1757 = arith.constant 22 : i32
        %swap3A_1758 = arith.index_cast %swap3A_1757 : i32 to index
        %swap3A_1759 = arith.index_cast %add3A_1756 : i32 to index
        %swap3A_1760 = tpu.vector_load %arg8[%swap3A_1758, %swap3A_1759] {strides = array<i32>} : memref<32x1792xf32, #tpu.memory_space<vmem>>, vector<16xf32>,
        tpu.vector_store %arg8[%swap3A_1758, %swap3A_1759], %get3A_1752 {strides = array<i32>} : memref<32x1792xf32, #tpu.memory_space<vmem>>, vector<16xf32>,
        %get3A_1761 = arith.constant 22 : i32
        %get3A_1762 = arith.index_cast %and3A_566 : i32 to index
        %get3A_1763 = arith.index_cast %get3A_1761 : i32 to index
        %get3A_1764 = arith.constant 48 : index
        %get3A_1765 = tpu.vector_load %arg7[%get3A_1762, %get3A_1763, %get3A_1764] {strides = array<i32>} : memref<2x32x64xf32, #tpu.memory_space<vmem>>, vector<16xf32>,
        %mul3A_1766 = arith.constant 64 : i32
        %mul3A_1767 = arith.muli %sub3A_563, %mul3A_1766 : i32
        %add3A_1768 = arith.constant 48 : i32
        %add3A_1769 = arith.addi %mul3A_1767, %add3A_1768 : i32
        %swap3A_1770 = arith.constant 22 : i32
        %swap3A_1771 = arith.index_cast %swap3A_1770 : i32 to index
        %swap3A_1772 = arith.index_cast %add3A_1769 : i32 to index
        %swap3A_1773 = tpu.vector_load %arg8[%swap3A_1771, %swap3A_1772] {strides = array<i32>} : memref<32x1792xf32, #tpu.memory_space<vmem>>, vector<16xf32>,
        tpu.vector_store %arg8[%swap3A_1771, %swap3A_1772], %get3A_1765 {strides = array<i32>} : memref<32x1792xf32, #tpu.memory_space<vmem>>, vector<16xf32>,
        %get3A_1774 = arith.constant 23 : i32
        %get3A_1775 = arith.index_cast %and3A_566 : i32 to index
        %get3A_1776 = arith.index_cast %get3A_1774 : i32 to index
        %get3A_1777 = arith.constant 0 : index
        %get3A_1778 = tpu.vector_load %arg7[%get3A_1775, %get3A_1776, %get3A_1777] {strides = array<i32>} : memref<2x32x64xf32, #tpu.memory_space<vmem>>, vector<16xf32>,
        %mul3A_1779 = arith.constant 64 : i32
        %mul3A_1780 = arith.muli %sub3A_563, %mul3A_1779 : i32
        %add3A_1781 = arith.constant 0 : i32
        %add3A_1782 = arith.addi %mul3A_1780, %add3A_1781 : i32
        %swap3A_1783 = arith.constant 23 : i32
        %swap3A_1784 = arith.index_cast %swap3A_1783 : i32 to index
        %swap3A_1785 = arith.index_cast %add3A_1782 : i32 to index
        %swap3A_1786 = tpu.vector_load %arg8[%swap3A_1784, %swap3A_1785] {strides = array<i32>} : memref<32x1792xf32, #tpu.memory_space<vmem>>, vector<16xf32>,
        tpu.vector_store %arg8[%swap3A_1784, %swap3A_1785], %get3A_1778 {strides = array<i32>} : memref<32x1792xf32, #tpu.memory_space<vmem>>, vector<16xf32>,
        %get3A_1787 = arith.constant 23 : i32
        %get3A_1788 = arith.index_cast %and3A_566 : i32 to index
        %get3A_1789 = arith.index_cast %get3A_1787 : i32 to index
        %get3A_1790 = arith.constant 16 : index
        %get3A_1791 = tpu.vector_load %arg7[%get3A_1788, %get3A_1789, %get3A_1790] {strides = array<i32>} : memref<2x32x64xf32, #tpu.memory_space<vmem>>, vector<16xf32>,
        %mul3A_1792 = arith.constant 64 : i32
        %mul3A_1793 = arith.muli %sub3A_563, %mul3A_1792 : i32
        %add3A_1794 = arith.constant 16 : i32
        %add3A_1795 = arith.addi %mul3A_1793, %add3A_1794 : i32
        %swap3A_1796 = arith.constant 23 : i32
        %swap3A_1797 = arith.index_cast %swap3A_1796 : i32 to index
        %swap3A_1798 = arith.index_cast %add3A_1795 : i32 to index
        %swap3A_1799 = tpu.vector_load %arg8[%swap3A_1797, %swap3A_1798] {strides = array<i32>} : memref<32x1792xf32, #tpu.memory_space<vmem>>, vector<16xf32>,
        tpu.vector_store %arg8[%swap3A_1797, %swap3A_1798], %get3A_1791 {strides = array<i32>} : memref<32x1792xf32, #tpu.memory_space<vmem>>, vector<16xf32>,
        %get3A_1800 = arith.constant 23 : i32
        %get3A_1801 = arith.index_cast %and3A_566 : i32 to index
        %get3A_1802 = arith.index_cast %get3A_1800 : i32 to index
        %get3A_1803 = arith.constant 32 : index
        %get3A_1804 = tpu.vector_load %arg7[%get3A_1801, %get3A_1802, %get3A_1803] {strides = array<i32>} : memref<2x32x64xf32, #tpu.memory_space<vmem>>, vector<16xf32>,
        %mul3A_1805 = arith.constant 64 : i32
        %mul3A_1806 = arith.muli %sub3A_563, %mul3A_1805 : i32
        %add3A_1807 = arith.constant 32 : i32
        %add3A_1808 = arith.addi %mul3A_1806, %add3A_1807 : i32
        %swap3A_1809 = arith.constant 23 : i32
        %swap3A_1810 = arith.index_cast %swap3A_1809 : i32 to index
        %swap3A_1811 = arith.index_cast %add3A_1808 : i32 to index
        %swap3A_1812 = tpu.vector_load %arg8[%swap3A_1810, %swap3A_1811] {strides = array<i32>} : memref<32x1792xf32, #tpu.memory_space<vmem>>, vector<16xf32>,
        tpu.vector_store %arg8[%swap3A_1810, %swap3A_1811], %get3A_1804 {strides = array<i32>} : memref<32x1792xf32, #tpu.memory_space<vmem>>, vector<16xf32>,
        %get3A_1813 = arith.constant 23 : i32
        %get3A_1814 = arith.index_cast %and3A_566 : i32 to index
        %get3A_1815 = arith.index_cast %get3A_1813 : i32 to index
        %get3A_1816 = arith.constant 48 : index
        %get3A_1817 = tpu.vector_load %arg7[%get3A_1814, %get3A_1815, %get3A_1816] {strides = array<i32>} : memref<2x32x64xf32, #tpu.memory_space<vmem>>, vector<16xf32>,
        %mul3A_1818 = arith.constant 64 : i32
        %mul3A_1819 = arith.muli %sub3A_563, %mul3A_1818 : i32
        %add3A_1820 = arith.constant 48 : i32
        %add3A_1821 = arith.addi %mul3A_1819, %add3A_1820 : i32
        %swap3A_1822 = arith.constant 23 : i32
        %swap3A_1823 = arith.index_cast %swap3A_1822 : i32 to index
        %swap3A_1824 = arith.index_cast %add3A_1821 : i32 to index
        %swap3A_1825 = tpu.vector_load %arg8[%swap3A_1823, %swap3A_1824] {strides = array<i32>} : memref<32x1792xf32, #tpu.memory_space<vmem>>, vector<16xf32>,
        tpu.vector_store %arg8[%swap3A_1823, %swap3A_1824], %get3A_1817 {strides = array<i32>} : memref<32x1792xf32, #tpu.memory_space<vmem>>, vector<16xf32>,
        %get3A_1826 = arith.constant 24 : i32
        %get3A_1827 = arith.index_cast %and3A_566 : i32 to index
        %get3A_1828 = arith.index_cast %get3A_1826 : i32 to index
        %get3A_1829 = arith.constant 0 : index
        %get3A_1830 = tpu.vector_load %arg7[%get3A_1827, %get3A_1828, %get3A_1829] {strides = array<i32>} : memref<2x32x64xf32, #tpu.memory_space<vmem>>, vector<16xf32>,
        %mul3A_1831 = arith.constant 64 : i32
        %mul3A_1832 = arith.muli %sub3A_563, %mul3A_1831 : i32
        %add3A_1833 = arith.constant 0 : i32
        %add3A_1834 = arith.addi %mul3A_1832, %add3A_1833 : i32
        %swap3A_1835 = arith.constant 24 : i32
        %swap3A_1836 = arith.index_cast %swap3A_1835 : i32 to index
        %swap3A_1837 = arith.index_cast %add3A_1834 : i32 to index
        %swap3A_1838 = tpu.vector_load %arg8[%swap3A_1836, %swap3A_1837] {strides = array<i32>} : memref<32x1792xf32, #tpu.memory_space<vmem>>, vector<16xf32>,
        tpu.vector_store %arg8[%swap3A_1836, %swap3A_1837], %get3A_1830 {strides = array<i32>} : memref<32x1792xf32, #tpu.memory_space<vmem>>, vector<16xf32>,
        %get3A_1839 = arith.constant 24 : i32
        %get3A_1840 = arith.index_cast %and3A_566 : i32 to index
        %get3A_1841 = arith.index_cast %get3A_1839 : i32 to index
        %get3A_1842 = arith.constant 16 : index
        %get3A_1843 = tpu.vector_load %arg7[%get3A_1840, %get3A_1841, %get3A_1842] {strides = array<i32>} : memref<2x32x64xf32, #tpu.memory_space<vmem>>, vector<16xf32>,
        %mul3A_1844 = arith.constant 64 : i32
        %mul3A_1845 = arith.muli %sub3A_563, %mul3A_1844 : i32
        %add3A_1846 = arith.constant 16 : i32
        %add3A_1847 = arith.addi %mul3A_1845, %add3A_1846 : i32
        %swap3A_1848 = arith.constant 24 : i32
        %swap3A_1849 = arith.index_cast %swap3A_1848 : i32 to index
        %swap3A_1850 = arith.index_cast %add3A_1847 : i32 to index
        %swap3A_1851 = tpu.vector_load %arg8[%swap3A_1849, %swap3A_1850] {strides = array<i32>} : memref<32x1792xf32, #tpu.memory_space<vmem>>, vector<16xf32>,
        tpu.vector_store %arg8[%swap3A_1849, %swap3A_1850], %get3A_1843 {strides = array<i32>} : memref<32x1792xf32, #tpu.memory_space<vmem>>, vector<16xf32>,
        %get3A_1852 = arith.constant 24 : i32
        %get3A_1853 = arith.index_cast %and3A_566 : i32 to index
        %get3A_1854 = arith.index_cast %get3A_1852 : i32 to index
        %get3A_1855 = arith.constant 32 : index
        %get3A_1856 = tpu.vector_load %arg7[%get3A_1853, %get3A_1854, %get3A_1855] {strides = array<i32>} : memref<2x32x64xf32, #tpu.memory_space<vmem>>, vector<16xf32>,
        %mul3A_1857 = arith.constant 64 : i32
        %mul3A_1858 = arith.muli %sub3A_563, %mul3A_1857 : i32
        %add3A_1859 = arith.constant 32 : i32
        %add3A_1860 = arith.addi %mul3A_1858, %add3A_1859 : i32
        %swap3A_1861 = arith.constant 24 : i32
        %swap3A_1862 = arith.index_cast %swap3A_1861 : i32 to index
        %swap3A_1863 = arith.index_cast %add3A_1860 : i32 to index
        %swap3A_1864 = tpu.vector_load %arg8[%swap3A_1862, %swap3A_1863] {strides = array<i32>} : memref<32x1792xf32, #tpu.memory_space<vmem>>, vector<16xf32>,
        tpu.vector_store %arg8[%swap3A_1862, %swap3A_1863], %get3A_1856 {strides = array<i32>} : memref<32x1792xf32, #tpu.memory_space<vmem>>, vector<16xf32>,
        %get3A_1865 = arith.constant 24 : i32
        %get3A_1866 = arith.index_cast %and3A_566 : i32 to index
        %get3A_1867 = arith.index_cast %get3A_1865 : i32 to index
        %get3A_1868 = arith.constant 48 : index
        %get3A_1869 = tpu.vector_load %arg7[%get3A_1866, %get3A_1867, %get3A_1868] {strides = array<i32>} : memref<2x32x64xf32, #tpu.memory_space<vmem>>, vector<16xf32>,
        %mul3A_1870 = arith.constant 64 : i32
        %mul3A_1871 = arith.muli %sub3A_563, %mul3A_1870 : i32
        %add3A_1872 = arith.constant 48 : i32
        %add3A_1873 = arith.addi %mul3A_1871, %add3A_1872 : i32
        %swap3A_1874 = arith.constant 24 : i32
        %swap3A_1875 = arith.index_cast %swap3A_1874 : i32 to index
        %swap3A_1876 = arith.index_cast %add3A_1873 : i32 to index
        %swap3A_1877 = tpu.vector_load %arg8[%swap3A_1875, %swap3A_1876] {strides = array<i32>} : memref<32x1792xf32, #tpu.memory_space<vmem>>, vector<16xf32>,
        tpu.vector_store %arg8[%swap3A_1875, %swap3A_1876], %get3A_1869 {strides = array<i32>} : memref<32x1792xf32, #tpu.memory_space<vmem>>, vector<16xf32>,
        %get3A_1878 = arith.constant 25 : i32
        %get3A_1879 = arith.index_cast %and3A_566 : i32 to index
        %get3A_1880 = arith.index_cast %get3A_1878 : i32 to index
        %get3A_1881 = arith.constant 0 : index
        %get3A_1882 = tpu.vector_load %arg7[%get3A_1879, %get3A_1880, %get3A_1881] {strides = array<i32>} : memref<2x32x64xf32, #tpu.memory_space<vmem>>, vector<16xf32>,
        %mul3A_1883 = arith.constant 64 : i32
        %mul3A_1884 = arith.muli %sub3A_563, %mul3A_1883 : i32
        %add3A_1885 = arith.constant 0 : i32
        %add3A_1886 = arith.addi %mul3A_1884, %add3A_1885 : i32
        %swap3A_1887 = arith.constant 25 : i32
        %swap3A_1888 = arith.index_cast %swap3A_1887 : i32 to index
        %swap3A_1889 = arith.index_cast %add3A_1886 : i32 to index
        %swap3A_1890 = tpu.vector_load %arg8[%swap3A_1888, %swap3A_1889] {strides = array<i32>} : memref<32x1792xf32, #tpu.memory_space<vmem>>, vector<16xf32>,
        tpu.vector_store %arg8[%swap3A_1888, %swap3A_1889], %get3A_1882 {strides = array<i32>} : memref<32x1792xf32, #tpu.memory_space<vmem>>, vector<16xf32>,
        %get3A_1891 = arith.constant 25 : i32
        %get3A_1892 = arith.index_cast %and3A_566 : i32 to index
        %get3A_1893 = arith.index_cast %get3A_1891 : i32 to index
        %get3A_1894 = arith.constant 16 : index
        %get3A_1895 = tpu.vector_load %arg7[%get3A_1892, %get3A_1893, %get3A_1894] {strides = array<i32>} : memref<2x32x64xf32, #tpu.memory_space<vmem>>, vector<16xf32>,
        %mul3A_1896 = arith.constant 64 : i32
        %mul3A_1897 = arith.muli %sub3A_563, %mul3A_1896 : i32
        %add3A_1898 = arith.constant 16 : i32
        %add3A_1899 = arith.addi %mul3A_1897, %add3A_1898 : i32
        %swap3A_1900 = arith.constant 25 : i32
        %swap3A_1901 = arith.index_cast %swap3A_1900 : i32 to index
        %swap3A_1902 = arith.index_cast %add3A_1899 : i32 to index
        %swap3A_1903 = tpu.vector_load %arg8[%swap3A_1901, %swap3A_1902] {strides = array<i32>} : memref<32x1792xf32, #tpu.memory_space<vmem>>, vector<16xf32>,
        tpu.vector_store %arg8[%swap3A_1901, %swap3A_1902], %get3A_1895 {strides = array<i32>} : memref<32x1792xf32, #tpu.memory_space<vmem>>, vector<16xf32>,
        %get3A_1904 = arith.constant 25 : i32
        %get3A_1905 = arith.index_cast %and3A_566 : i32 to index
        %get3A_1906 = arith.index_cast %get3A_1904 : i32 to index
        %get3A_1907 = arith.constant 32 : index
        %get3A_1908 = tpu.vector_load %arg7[%get3A_1905, %get3A_1906, %get3A_1907] {strides = array<i32>} : memref<2x32x64xf32, #tpu.memory_space<vmem>>, vector<16xf32>,
        %mul3A_1909 = arith.constant 64 : i32
        %mul3A_1910 = arith.muli %sub3A_563, %mul3A_1909 : i32
        %add3A_1911 = arith.constant 32 : i32
        %add3A_1912 = arith.addi %mul3A_1910, %add3A_1911 : i32
        %swap3A_1913 = arith.constant 25 : i32
        %swap3A_1914 = arith.index_cast %swap3A_1913 : i32 to index
        %swap3A_1915 = arith.index_cast %add3A_1912 : i32 to index
        %swap3A_1916 = tpu.vector_load %arg8[%swap3A_1914, %swap3A_1915] {strides = array<i32>} : memref<32x1792xf32, #tpu.memory_space<vmem>>, vector<16xf32>,
        tpu.vector_store %arg8[%swap3A_1914, %swap3A_1915], %get3A_1908 {strides = array<i32>} : memref<32x1792xf32, #tpu.memory_space<vmem>>, vector<16xf32>,
        %get3A_1917 = arith.constant 25 : i32
        %get3A_1918 = arith.index_cast %and3A_566 : i32 to index
        %get3A_1919 = arith.index_cast %get3A_1917 : i32 to index
        %get3A_1920 = arith.constant 48 : index
        %get3A_1921 = tpu.vector_load %arg7[%get3A_1918, %get3A_1919, %get3A_1920] {strides = array<i32>} : memref<2x32x64xf32, #tpu.memory_space<vmem>>, vector<16xf32>,
        %mul3A_1922 = arith.constant 64 : i32
        %mul3A_1923 = arith.muli %sub3A_563, %mul3A_1922 : i32
        %add3A_1924 = arith.constant 48 : i32
        %add3A_1925 = arith.addi %mul3A_1923, %add3A_1924 : i32
        %swap3A_1926 = arith.constant 25 : i32
        %swap3A_1927 = arith.index_cast %swap3A_1926 : i32 to index
        %swap3A_1928 = arith.index_cast %add3A_1925 : i32 to index
        %swap3A_1929 = tpu.vector_load %arg8[%swap3A_1927, %swap3A_1928] {strides = array<i32>} : memref<32x1792xf32, #tpu.memory_space<vmem>>, vector<16xf32>,
        tpu.vector_store %arg8[%swap3A_1927, %swap3A_1928], %get3A_1921 {strides = array<i32>} : memref<32x1792xf32, #tpu.memory_space<vmem>>, vector<16xf32>,
        %get3A_1930 = arith.constant 26 : i32
        %get3A_1931 = arith.index_cast %and3A_566 : i32 to index
        %get3A_1932 = arith.index_cast %get3A_1930 : i32 to index
        %get3A_1933 = arith.constant 0 : index
        %get3A_1934 = tpu.vector_load %arg7[%get3A_1931, %get3A_1932, %get3A_1933] {strides = array<i32>} : memref<2x32x64xf32, #tpu.memory_space<vmem>>, vector<16xf32>,
        %mul3A_1935 = arith.constant 64 : i32
        %mul3A_1936 = arith.muli %sub3A_563, %mul3A_1935 : i32
        %add3A_1937 = arith.constant 0 : i32
        %add3A_1938 = arith.addi %mul3A_1936, %add3A_1937 : i32
        %swap3A_1939 = arith.constant 26 : i32
        %swap3A_1940 = arith.index_cast %swap3A_1939 : i32 to index
        %swap3A_1941 = arith.index_cast %add3A_1938 : i32 to index
        %swap3A_1942 = tpu.vector_load %arg8[%swap3A_1940, %swap3A_1941] {strides = array<i32>} : memref<32x1792xf32, #tpu.memory_space<vmem>>, vector<16xf32>,
        tpu.vector_store %arg8[%swap3A_1940, %swap3A_1941], %get3A_1934 {strides = array<i32>} : memref<32x1792xf32, #tpu.memory_space<vmem>>, vector<16xf32>,
        %get3A_1943 = arith.constant 26 : i32
        %get3A_1944 = arith.index_cast %and3A_566 : i32 to index
        %get3A_1945 = arith.index_cast %get3A_1943 : i32 to index
        %get3A_1946 = arith.constant 16 : index
        %get3A_1947 = tpu.vector_load %arg7[%get3A_1944, %get3A_1945, %get3A_1946] {strides = array<i32>} : memref<2x32x64xf32, #tpu.memory_space<vmem>>, vector<16xf32>,
        %mul3A_1948 = arith.constant 64 : i32
        %mul3A_1949 = arith.muli %sub3A_563, %mul3A_1948 : i32
        %add3A_1950 = arith.constant 16 : i32
        %add3A_1951 = arith.addi %mul3A_1949, %add3A_1950 : i32
        %swap3A_1952 = arith.constant 26 : i32
        %swap3A_1953 = arith.index_cast %swap3A_1952 : i32 to index
        %swap3A_1954 = arith.index_cast %add3A_1951 : i32 to index
        %swap3A_1955 = tpu.vector_load %arg8[%swap3A_1953, %swap3A_1954] {strides = array<i32>} : memref<32x1792xf32, #tpu.memory_space<vmem>>, vector<16xf32>,
        tpu.vector_store %arg8[%swap3A_1953, %swap3A_1954], %get3A_1947 {strides = array<i32>} : memref<32x1792xf32, #tpu.memory_space<vmem>>, vector<16xf32>,
        %get3A_1956 = arith.constant 26 : i32
        %get3A_1957 = arith.index_cast %and3A_566 : i32 to index
        %get3A_1958 = arith.index_cast %get3A_1956 : i32 to index
        %get3A_1959 = arith.constant 32 : index
        %get3A_1960 = tpu.vector_load %arg7[%get3A_1957, %get3A_1958, %get3A_1959] {strides = array<i32>} : memref<2x32x64xf32, #tpu.memory_space<vmem>>, vector<16xf32>,
        %mul3A_1961 = arith.constant 64 : i32
        %mul3A_1962 = arith.muli %sub3A_563, %mul3A_1961 : i32
        %add3A_1963 = arith.constant 32 : i32
        %add3A_1964 = arith.addi %mul3A_1962, %add3A_1963 : i32
        %swap3A_1965 = arith.constant 26 : i32
        %swap3A_1966 = arith.index_cast %swap3A_1965 : i32 to index
        %swap3A_1967 = arith.index_cast %add3A_1964 : i32 to index
        %swap3A_1968 = tpu.vector_load %arg8[%swap3A_1966, %swap3A_1967] {strides = array<i32>} : memref<32x1792xf32, #tpu.memory_space<vmem>>, vector<16xf32>,
        tpu.vector_store %arg8[%swap3A_1966, %swap3A_1967], %get3A_1960 {strides = array<i32>} : memref<32x1792xf32, #tpu.memory_space<vmem>>, vector<16xf32>,
        %get3A_1969 = arith.constant 26 : i32
        %get3A_1970 = arith.index_cast %and3A_566 : i32 to index
        %get3A_1971 = arith.index_cast %get3A_1969 : i32 to index
        %get3A_1972 = arith.constant 48 : index
        %get3A_1973 = tpu.vector_load %arg7[%get3A_1970, %get3A_1971, %get3A_1972] {strides = array<i32>} : memref<2x32x64xf32, #tpu.memory_space<vmem>>, vector<16xf32>,
        %mul3A_1974 = arith.constant 64 : i32
        %mul3A_1975 = arith.muli %sub3A_563, %mul3A_1974 : i32
        %add3A_1976 = arith.constant 48 : i32
        %add3A_1977 = arith.addi %mul3A_1975, %add3A_1976 : i32
        %swap3A_1978 = arith.constant 26 : i32
        %swap3A_1979 = arith.index_cast %swap3A_1978 : i32 to index
        %swap3A_1980 = arith.index_cast %add3A_1977 : i32 to index
        %swap3A_1981 = tpu.vector_load %arg8[%swap3A_1979, %swap3A_1980] {strides = array<i32>} : memref<32x1792xf32, #tpu.memory_space<vmem>>, vector<16xf32>,
        tpu.vector_store %arg8[%swap3A_1979, %swap3A_1980], %get3A_1973 {strides = array<i32>} : memref<32x1792xf32, #tpu.memory_space<vmem>>, vector<16xf32>,
        %get3A_1982 = arith.constant 27 : i32
        %get3A_1983 = arith.index_cast %and3A_566 : i32 to index
        %get3A_1984 = arith.index_cast %get3A_1982 : i32 to index
        %get3A_1985 = arith.constant 0 : index
        %get3A_1986 = tpu.vector_load %arg7[%get3A_1983, %get3A_1984, %get3A_1985] {strides = array<i32>} : memref<2x32x64xf32, #tpu.memory_space<vmem>>, vector<16xf32>,
        %mul3A_1987 = arith.constant 64 : i32
        %mul3A_1988 = arith.muli %sub3A_563, %mul3A_1987 : i32
        %add3A_1989 = arith.constant 0 : i32
        %add3A_1990 = arith.addi %mul3A_1988, %add3A_1989 : i32
        %swap3A_1991 = arith.constant 27 : i32
        %swap3A_1992 = arith.index_cast %swap3A_1991 : i32 to index
        %swap3A_1993 = arith.index_cast %add3A_1990 : i32 to index
        %swap3A_1994 = tpu.vector_load %arg8[%swap3A_1992, %swap3A_1993] {strides = array<i32>} : memref<32x1792xf32, #tpu.memory_space<vmem>>, vector<16xf32>,
        tpu.vector_store %arg8[%swap3A_1992, %swap3A_1993], %get3A_1986 {strides = array<i32>} : memref<32x1792xf32, #tpu.memory_space<vmem>>, vector<16xf32>,
        %get3A_1995 = arith.constant 27 : i32
        %get3A_1996 = arith.index_cast %and3A_566 : i32 to index
        %get3A_1997 = arith.index_cast %get3A_1995 : i32 to index
        %get3A_1998 = arith.constant 16 : index
        %get3A_1999 = tpu.vector_load %arg7[%get3A_1996, %get3A_1997, %get3A_1998] {strides = array<i32>} : memref<2x32x64xf32, #tpu.memory_space<vmem>>, vector<16xf32>,
        %mul3A_2000 = arith.constant 64 : i32
        %mul3A_2001 = arith.muli %sub3A_563, %mul3A_2000 : i32
        %add3A_2002 = arith.constant 16 : i32
        %add3A_2003 = arith.addi %mul3A_2001, %add3A_2002 : i32
        %swap3A_2004 = arith.constant 27 : i32
        %swap3A_2005 = arith.index_cast %swap3A_2004 : i32 to index
        %swap3A_2006 = arith.index_cast %add3A_2003 : i32 to index
        %swap3A_2007 = tpu.vector_load %arg8[%swap3A_2005, %swap3A_2006] {strides = array<i32>} : memref<32x1792xf32, #tpu.memory_space<vmem>>, vector<16xf32>,
        tpu.vector_store %arg8[%swap3A_2005, %swap3A_2006], %get3A_1999 {strides = array<i32>} : memref<32x1792xf32, #tpu.memory_space<vmem>>, vector<16xf32>,
        %get3A_2008 = arith.constant 27 : i32
        %get3A_2009 = arith.index_cast %and3A_566 : i32 to index
        %get3A_2010 = arith.index_cast %get3A_2008 : i32 to index
        %get3A_2011 = arith.constant 32 : index
        %get3A_2012 = tpu.vector_load %arg7[%get3A_2009, %get3A_2010, %get3A_2011] {strides = array<i32>} : memref<2x32x64xf32, #tpu.memory_space<vmem>>, vector<16xf32>,
        %mul3A_2013 = arith.constant 64 : i32
        %mul3A_2014 = arith.muli %sub3A_563, %mul3A_2013 : i32
        %add3A_2015 = arith.constant 32 : i32
        %add3A_2016 = arith.addi %mul3A_2014, %add3A_2015 : i32
        %swap3A_2017 = arith.constant 27 : i32
        %swap3A_2018 = arith.index_cast %swap3A_2017 : i32 to index
        %swap3A_2019 = arith.index_cast %add3A_2016 : i32 to index
        %swap3A_2020 = tpu.vector_load %arg8[%swap3A_2018, %swap3A_2019] {strides = array<i32>} : memref<32x1792xf32, #tpu.memory_space<vmem>>, vector<16xf32>,
        tpu.vector_store %arg8[%swap3A_2018, %swap3A_2019], %get3A_2012 {strides = array<i32>} : memref<32x1792xf32, #tpu.memory_space<vmem>>, vector<16xf32>,
        %get3A_2021 = arith.constant 27 : i32
        %get3A_2022 = arith.index_cast %and3A_566 : i32 to index
        %get3A_2023 = arith.index_cast %get3A_2021 : i32 to index
        %get3A_2024 = arith.constant 48 : index
        %get3A_2025 = tpu.vector_load %arg7[%get3A_2022, %get3A_2023, %get3A_2024] {strides = array<i32>} : memref<2x32x64xf32, #tpu.memory_space<vmem>>, vector<16xf32>,
        %mul3A_2026 = arith.constant 64 : i32
        %mul3A_2027 = arith.muli %sub3A_563, %mul3A_2026 : i32
        %add3A_2028 = arith.constant 48 : i32
        %add3A_2029 = arith.addi %mul3A_2027, %add3A_2028 : i32
        %swap3A_2030 = arith.constant 27 : i32
        %swap3A_2031 = arith.index_cast %swap3A_2030 : i32 to index
        %swap3A_2032 = arith.index_cast %add3A_2029 : i32 to index
        %swap3A_2033 = tpu.vector_load %arg8[%swap3A_2031, %swap3A_2032] {strides = array<i32>} : memref<32x1792xf32, #tpu.memory_space<vmem>>, vector<16xf32>,
        tpu.vector_store %arg8[%swap3A_2031, %swap3A_2032], %get3A_2025 {strides = array<i32>} : memref<32x1792xf32, #tpu.memory_space<vmem>>, vector<16xf32>,
        %get3A_2034 = arith.constant 28 : i32
        %get3A_2035 = arith.index_cast %and3A_566 : i32 to index
        %get3A_2036 = arith.index_cast %get3A_2034 : i32 to index
        %get3A_2037 = arith.constant 0 : index
        %get3A_2038 = tpu.vector_load %arg7[%get3A_2035, %get3A_2036, %get3A_2037] {strides = array<i32>} : memref<2x32x64xf32, #tpu.memory_space<vmem>>, vector<16xf32>,
        %mul3A_2039 = arith.constant 64 : i32
        %mul3A_2040 = arith.muli %sub3A_563, %mul3A_2039 : i32
        %add3A_2041 = arith.constant 0 : i32
        %add3A_2042 = arith.addi %mul3A_2040, %add3A_2041 : i32
        %swap3A_2043 = arith.constant 28 : i32
        %swap3A_2044 = arith.index_cast %swap3A_2043 : i32 to index
        %swap3A_2045 = arith.index_cast %add3A_2042 : i32 to index
        %swap3A_2046 = tpu.vector_load %arg8[%swap3A_2044, %swap3A_2045] {strides = array<i32>} : memref<32x1792xf32, #tpu.memory_space<vmem>>, vector<16xf32>,
        tpu.vector_store %arg8[%swap3A_2044, %swap3A_2045], %get3A_2038 {strides = array<i32>} : memref<32x1792xf32, #tpu.memory_space<vmem>>, vector<16xf32>,
        %get3A_2047 = arith.constant 28 : i32
        %get3A_2048 = arith.index_cast %and3A_566 : i32 to index
        %get3A_2049 = arith.index_cast %get3A_2047 : i32 to index
        %get3A_2050 = arith.constant 16 : index
        %get3A_2051 = tpu.vector_load %arg7[%get3A_2048, %get3A_2049, %get3A_2050] {strides = array<i32>} : memref<2x32x64xf32, #tpu.memory_space<vmem>>, vector<16xf32>,
        %mul3A_2052 = arith.constant 64 : i32
        %mul3A_2053 = arith.muli %sub3A_563, %mul3A_2052 : i32
        %add3A_2054 = arith.constant 16 : i32
        %add3A_2055 = arith.addi %mul3A_2053, %add3A_2054 : i32
        %swap3A_2056 = arith.constant 28 : i32
        %swap3A_2057 = arith.index_cast %swap3A_2056 : i32 to index
        %swap3A_2058 = arith.index_cast %add3A_2055 : i32 to index
        %swap3A_2059 = tpu.vector_load %arg8[%swap3A_2057, %swap3A_2058] {strides = array<i32>} : memref<32x1792xf32, #tpu.memory_space<vmem>>, vector<16xf32>,
        tpu.vector_store %arg8[%swap3A_2057, %swap3A_2058], %get3A_2051 {strides = array<i32>} : memref<32x1792xf32, #tpu.memory_space<vmem>>, vector<16xf32>,
        %get3A_2060 = arith.constant 28 : i32
        %get3A_2061 = arith.index_cast %and3A_566 : i32 to index
        %get3A_2062 = arith.index_cast %get3A_2060 : i32 to index
        %get3A_2063 = arith.constant 32 : index
        %get3A_2064 = tpu.vector_load %arg7[%get3A_2061, %get3A_2062, %get3A_2063] {strides = array<i32>} : memref<2x32x64xf32, #tpu.memory_space<vmem>>, vector<16xf32>,
        %mul3A_2065 = arith.constant 64 : i32
        %mul3A_2066 = arith.muli %sub3A_563, %mul3A_2065 : i32
        %add3A_2067 = arith.constant 32 : i32
        %add3A_2068 = arith.addi %mul3A_2066, %add3A_2067 : i32
        %swap3A_2069 = arith.constant 28 : i32
        %swap3A_2070 = arith.index_cast %swap3A_2069 : i32 to index
        %swap3A_2071 = arith.index_cast %add3A_2068 : i32 to index
        %swap3A_2072 = tpu.vector_load %arg8[%swap3A_2070, %swap3A_2071] {strides = array<i32>} : memref<32x1792xf32, #tpu.memory_space<vmem>>, vector<16xf32>,
        tpu.vector_store %arg8[%swap3A_2070, %swap3A_2071], %get3A_2064 {strides = array<i32>} : memref<32x1792xf32, #tpu.memory_space<vmem>>, vector<16xf32>,
        %get3A_2073 = arith.constant 28 : i32
        %get3A_2074 = arith.index_cast %and3A_566 : i32 to index
        %get3A_2075 = arith.index_cast %get3A_2073 : i32 to index
        %get3A_2076 = arith.constant 48 : index
        %get3A_2077 = tpu.vector_load %arg7[%get3A_2074, %get3A_2075, %get3A_2076] {strides = array<i32>} : memref<2x32x64xf32, #tpu.memory_space<vmem>>, vector<16xf32>,
        %mul3A_2078 = arith.constant 64 : i32
        %mul3A_2079 = arith.muli %sub3A_563, %mul3A_2078 : i32
        %add3A_2080 = arith.constant 48 : i32
        %add3A_2081 = arith.addi %mul3A_2079, %add3A_2080 : i32
        %swap3A_2082 = arith.constant 28 : i32
        %swap3A_2083 = arith.index_cast %swap3A_2082 : i32 to index
        %swap3A_2084 = arith.index_cast %add3A_2081 : i32 to index
        %swap3A_2085 = tpu.vector_load %arg8[%swap3A_2083, %swap3A_2084] {strides = array<i32>} : memref<32x1792xf32, #tpu.memory_space<vmem>>, vector<16xf32>,
        tpu.vector_store %arg8[%swap3A_2083, %swap3A_2084], %get3A_2077 {strides = array<i32>} : memref<32x1792xf32, #tpu.memory_space<vmem>>, vector<16xf32>,
        %get3A_2086 = arith.constant 29 : i32
        %get3A_2087 = arith.index_cast %and3A_566 : i32 to index
        %get3A_2088 = arith.index_cast %get3A_2086 : i32 to index
        %get3A_2089 = arith.constant 0 : index
        %get3A_2090 = tpu.vector_load %arg7[%get3A_2087, %get3A_2088, %get3A_2089] {strides = array<i32>} : memref<2x32x64xf32, #tpu.memory_space<vmem>>, vector<16xf32>,
        %mul3A_2091 = arith.constant 64 : i32
        %mul3A_2092 = arith.muli %sub3A_563, %mul3A_2091 : i32
        %add3A_2093 = arith.constant 0 : i32
        %add3A_2094 = arith.addi %mul3A_2092, %add3A_2093 : i32
        %swap3A_2095 = arith.constant 29 : i32
        %swap3A_2096 = arith.index_cast %swap3A_2095 : i32 to index
        %swap3A_2097 = arith.index_cast %add3A_2094 : i32 to index
        %swap3A_2098 = tpu.vector_load %arg8[%swap3A_2096, %swap3A_2097] {strides = array<i32>} : memref<32x1792xf32, #tpu.memory_space<vmem>>, vector<16xf32>,
        tpu.vector_store %arg8[%swap3A_2096, %swap3A_2097], %get3A_2090 {strides = array<i32>} : memref<32x1792xf32, #tpu.memory_space<vmem>>, vector<16xf32>,
        %get3A_2099 = arith.constant 29 : i32
        %get3A_2100 = arith.index_cast %and3A_566 : i32 to index
        %get3A_2101 = arith.index_cast %get3A_2099 : i32 to index
        %get3A_2102 = arith.constant 16 : index
        %get3A_2103 = tpu.vector_load %arg7[%get3A_2100, %get3A_2101, %get3A_2102] {strides = array<i32>} : memref<2x32x64xf32, #tpu.memory_space<vmem>>, vector<16xf32>,
        %mul3A_2104 = arith.constant 64 : i32
        %mul3A_2105 = arith.muli %sub3A_563, %mul3A_2104 : i32
        %add3A_2106 = arith.constant 16 : i32
        %add3A_2107 = arith.addi %mul3A_2105, %add3A_2106 : i32
        %swap3A_2108 = arith.constant 29 : i32
        %swap3A_2109 = arith.index_cast %swap3A_2108 : i32 to index
        %swap3A_2110 = arith.index_cast %add3A_2107 : i32 to index
        %swap3A_2111 = tpu.vector_load %arg8[%swap3A_2109, %swap3A_2110] {strides = array<i32>} : memref<32x1792xf32, #tpu.memory_space<vmem>>, vector<16xf32>,
        tpu.vector_store %arg8[%swap3A_2109, %swap3A_2110], %get3A_2103 {strides = array<i32>} : memref<32x1792xf32, #tpu.memory_space<vmem>>, vector<16xf32>,
        %get3A_2112 = arith.constant 29 : i32
        %get3A_2113 = arith.index_cast %and3A_566 : i32 to index
        %get3A_2114 = arith.index_cast %get3A_2112 : i32 to index
        %get3A_2115 = arith.constant 32 : index
        %get3A_2116 = tpu.vector_load %arg7[%get3A_2113, %get3A_2114, %get3A_2115] {strides = array<i32>} : memref<2x32x64xf32, #tpu.memory_space<vmem>>, vector<16xf32>,
        %mul3A_2117 = arith.constant 64 : i32
        %mul3A_2118 = arith.muli %sub3A_563, %mul3A_2117 : i32
        %add3A_2119 = arith.constant 32 : i32
        %add3A_2120 = arith.addi %mul3A_2118, %add3A_2119 : i32
        %swap3A_2121 = arith.constant 29 : i32
        %swap3A_2122 = arith.index_cast %swap3A_2121 : i32 to index
        %swap3A_2123 = arith.index_cast %add3A_2120 : i32 to index
        %swap3A_2124 = tpu.vector_load %arg8[%swap3A_2122, %swap3A_2123] {strides = array<i32>} : memref<32x1792xf32, #tpu.memory_space<vmem>>, vector<16xf32>,
        tpu.vector_store %arg8[%swap3A_2122, %swap3A_2123], %get3A_2116 {strides = array<i32>} : memref<32x1792xf32, #tpu.memory_space<vmem>>, vector<16xf32>,
        %get3A_2125 = arith.constant 29 : i32
        %get3A_2126 = arith.index_cast %and3A_566 : i32 to index
        %get3A_2127 = arith.index_cast %get3A_2125 : i32 to index
        %get3A_2128 = arith.constant 48 : index
        %get3A_2129 = tpu.vector_load %arg7[%get3A_2126, %get3A_2127, %get3A_2128] {strides = array<i32>} : memref<2x32x64xf32, #tpu.memory_space<vmem>>, vector<16xf32>,
        %mul3A_2130 = arith.constant 64 : i32
        %mul3A_2131 = arith.muli %sub3A_563, %mul3A_2130 : i32
        %add3A_2132 = arith.constant 48 : i32
        %add3A_2133 = arith.addi %mul3A_2131, %add3A_2132 : i32
        %swap3A_2134 = arith.constant 29 : i32
        %swap3A_2135 = arith.index_cast %swap3A_2134 : i32 to index
        %swap3A_2136 = arith.index_cast %add3A_2133 : i32 to index
        %swap3A_2137 = tpu.vector_load %arg8[%swap3A_2135, %swap3A_2136] {strides = array<i32>} : memref<32x1792xf32, #tpu.memory_space<vmem>>, vector<16xf32>,
        tpu.vector_store %arg8[%swap3A_2135, %swap3A_2136], %get3A_2129 {strides = array<i32>} : memref<32x1792xf32, #tpu.memory_space<vmem>>, vector<16xf32>,
        %get3A_2138 = arith.constant 30 : i32
        %get3A_2139 = arith.index_cast %and3A_566 : i32 to index
        %get3A_2140 = arith.index_cast %get3A_2138 : i32 to index
        %get3A_2141 = arith.constant 0 : index
        %get3A_2142 = tpu.vector_load %arg7[%get3A_2139, %get3A_2140, %get3A_2141] {strides = array<i32>} : memref<2x32x64xf32, #tpu.memory_space<vmem>>, vector<16xf32>,
        %mul3A_2143 = arith.constant 64 : i32
        %mul3A_2144 = arith.muli %sub3A_563, %mul3A_2143 : i32
        %add3A_2145 = arith.constant 0 : i32
        %add3A_2146 = arith.addi %mul3A_2144, %add3A_2145 : i32
        %swap3A_2147 = arith.constant 30 : i32
        %swap3A_2148 = arith.index_cast %swap3A_2147 : i32 to index
        %swap3A_2149 = arith.index_cast %add3A_2146 : i32 to index
        %swap3A_2150 = tpu.vector_load %arg8[%swap3A_2148, %swap3A_2149] {strides = array<i32>} : memref<32x1792xf32, #tpu.memory_space<vmem>>, vector<16xf32>,
        tpu.vector_store %arg8[%swap3A_2148, %swap3A_2149], %get3A_2142 {strides = array<i32>} : memref<32x1792xf32, #tpu.memory_space<vmem>>, vector<16xf32>,
        %get3A_2151 = arith.constant 30 : i32
        %get3A_2152 = arith.index_cast %and3A_566 : i32 to index
        %get3A_2153 = arith.index_cast %get3A_2151 : i32 to index
        %get3A_2154 = arith.constant 16 : index
        %get3A_2155 = tpu.vector_load %arg7[%get3A_2152, %get3A_2153, %get3A_2154] {strides = array<i32>} : memref<2x32x64xf32, #tpu.memory_space<vmem>>, vector<16xf32>,
        %mul3A_2156 = arith.constant 64 : i32
        %mul3A_2157 = arith.muli %sub3A_563, %mul3A_2156 : i32
        %add3A_2158 = arith.constant 16 : i32
        %add3A_2159 = arith.addi %mul3A_2157, %add3A_2158 : i32
        %swap3A_2160 = arith.constant 30 : i32
        %swap3A_2161 = arith.index_cast %swap3A_2160 : i32 to index
        %swap3A_2162 = arith.index_cast %add3A_2159 : i32 to index
        %swap3A_2163 = tpu.vector_load %arg8[%swap3A_2161, %swap3A_2162] {strides = array<i32>} : memref<32x1792xf32, #tpu.memory_space<vmem>>, vector<16xf32>,
        tpu.vector_store %arg8[%swap3A_2161, %swap3A_2162], %get3A_2155 {strides = array<i32>} : memref<32x1792xf32, #tpu.memory_space<vmem>>, vector<16xf32>,
        %get3A_2164 = arith.constant 30 : i32
        %get3A_2165 = arith.index_cast %and3A_566 : i32 to index
        %get3A_2166 = arith.index_cast %get3A_2164 : i32 to index
        %get3A_2167 = arith.constant 32 : index
        %get3A_2168 = tpu.vector_load %arg7[%get3A_2165, %get3A_2166, %get3A_2167] {strides = array<i32>} : memref<2x32x64xf32, #tpu.memory_space<vmem>>, vector<16xf32>,
        %mul3A_2169 = arith.constant 64 : i32
        %mul3A_2170 = arith.muli %sub3A_563, %mul3A_2169 : i32
        %add3A_2171 = arith.constant 32 : i32
        %add3A_2172 = arith.addi %mul3A_2170, %add3A_2171 : i32
        %swap3A_2173 = arith.constant 30 : i32
        %swap3A_2174 = arith.index_cast %swap3A_2173 : i32 to index
        %swap3A_2175 = arith.index_cast %add3A_2172 : i32 to index
        %swap3A_2176 = tpu.vector_load %arg8[%swap3A_2174, %swap3A_2175] {strides = array<i32>} : memref<32x1792xf32, #tpu.memory_space<vmem>>, vector<16xf32>,
        tpu.vector_store %arg8[%swap3A_2174, %swap3A_2175], %get3A_2168 {strides = array<i32>} : memref<32x1792xf32, #tpu.memory_space<vmem>>, vector<16xf32>,
        %get3A_2177 = arith.constant 30 : i32
        %get3A_2178 = arith.index_cast %and3A_566 : i32 to index
        %get3A_2179 = arith.index_cast %get3A_2177 : i32 to index
        %get3A_2180 = arith.constant 48 : index
        %get3A_2181 = tpu.vector_load %arg7[%get3A_2178, %get3A_2179, %get3A_2180] {strides = array<i32>} : memref<2x32x64xf32, #tpu.memory_space<vmem>>, vector<16xf32>,
        %mul3A_2182 = arith.constant 64 : i32
        %mul3A_2183 = arith.muli %sub3A_563, %mul3A_2182 : i32
        %add3A_2184 = arith.constant 48 : i32
        %add3A_2185 = arith.addi %mul3A_2183, %add3A_2184 : i32
        %swap3A_2186 = arith.constant 30 : i32
        %swap3A_2187 = arith.index_cast %swap3A_2186 : i32 to index
        %swap3A_2188 = arith.index_cast %add3A_2185 : i32 to index
        %swap3A_2189 = tpu.vector_load %arg8[%swap3A_2187, %swap3A_2188] {strides = array<i32>} : memref<32x1792xf32, #tpu.memory_space<vmem>>, vector<16xf32>,
        tpu.vector_store %arg8[%swap3A_2187, %swap3A_2188], %get3A_2181 {strides = array<i32>} : memref<32x1792xf32, #tpu.memory_space<vmem>>, vector<16xf32>,
        %get3A_2190 = arith.constant 31 : i32
        %get3A_2191 = arith.index_cast %and3A_566 : i32 to index
        %get3A_2192 = arith.index_cast %get3A_2190 : i32 to index
        %get3A_2193 = arith.constant 0 : index
        %get3A_2194 = tpu.vector_load %arg7[%get3A_2191, %get3A_2192, %get3A_2193] {strides = array<i32>} : memref<2x32x64xf32, #tpu.memory_space<vmem>>, vector<16xf32>,
        %mul3A_2195 = arith.constant 64 : i32
        %mul3A_2196 = arith.muli %sub3A_563, %mul3A_2195 : i32
        %add3A_2197 = arith.constant 0 : i32
        %add3A_2198 = arith.addi %mul3A_2196, %add3A_2197 : i32
        %swap3A_2199 = arith.constant 31 : i32
        %swap3A_2200 = arith.index_cast %swap3A_2199 : i32 to index
        %swap3A_2201 = arith.index_cast %add3A_2198 : i32 to index
        %swap3A_2202 = tpu.vector_load %arg8[%swap3A_2200, %swap3A_2201] {strides = array<i32>} : memref<32x1792xf32, #tpu.memory_space<vmem>>, vector<16xf32>,
        tpu.vector_store %arg8[%swap3A_2200, %swap3A_2201], %get3A_2194 {strides = array<i32>} : memref<32x1792xf32, #tpu.memory_space<vmem>>, vector<16xf32>,
        %get3A_2203 = arith.constant 31 : i32
        %get3A_2204 = arith.index_cast %and3A_566 : i32 to index
        %get3A_2205 = arith.index_cast %get3A_2203 : i32 to index
        %get3A_2206 = arith.constant 16 : index
        %get3A_2207 = tpu.vector_load %arg7[%get3A_2204, %get3A_2205, %get3A_2206] {strides = array<i32>} : memref<2x32x64xf32, #tpu.memory_space<vmem>>, vector<16xf32>,
        %mul3A_2208 = arith.constant 64 : i32
        %mul3A_2209 = arith.muli %sub3A_563, %mul3A_2208 : i32
        %add3A_2210 = arith.constant 16 : i32
        %add3A_2211 = arith.addi %mul3A_2209, %add3A_2210 : i32
        %swap3A_2212 = arith.constant 31 : i32
        %swap3A_2213 = arith.index_cast %swap3A_2212 : i32 to index
        %swap3A_2214 = arith.index_cast %add3A_2211 : i32 to index
        %swap3A_2215 = tpu.vector_load %arg8[%swap3A_2213, %swap3A_2214] {strides = array<i32>} : memref<32x1792xf32, #tpu.memory_space<vmem>>, vector<16xf32>,
        tpu.vector_store %arg8[%swap3A_2213, %swap3A_2214], %get3A_2207 {strides = array<i32>} : memref<32x1792xf32, #tpu.memory_space<vmem>>, vector<16xf32>,
        %get3A_2216 = arith.constant 31 : i32
        %get3A_2217 = arith.index_cast %and3A_566 : i32 to index
        %get3A_2218 = arith.index_cast %get3A_2216 : i32 to index
        %get3A_2219 = arith.constant 32 : index
        %get3A_2220 = tpu.vector_load %arg7[%get3A_2217, %get3A_2218, %get3A_2219] {strides = array<i32>} : memref<2x32x64xf32, #tpu.memory_space<vmem>>, vector<16xf32>,
        %mul3A_2221 = arith.constant 64 : i32
        %mul3A_2222 = arith.muli %sub3A_563, %mul3A_2221 : i32
        %add3A_2223 = arith.constant 32 : i32
        %add3A_2224 = arith.addi %mul3A_2222, %add3A_2223 : i32
        %swap3A_2225 = arith.constant 31 : i32
        %swap3A_2226 = arith.index_cast %swap3A_2225 : i32 to index
        %swap3A_2227 = arith.index_cast %add3A_2224 : i32 to index
        %swap3A_2228 = tpu.vector_load %arg8[%swap3A_2226, %swap3A_2227] {strides = array<i32>} : memref<32x1792xf32, #tpu.memory_space<vmem>>, vector<16xf32>,
        tpu.vector_store %arg8[%swap3A_2226, %swap3A_2227], %get3A_2220 {strides = array<i32>} : memref<32x1792xf32, #tpu.memory_space<vmem>>, vector<16xf32>,
        %get3A_2229 = arith.constant 31 : i32
        %get3A_2230 = arith.index_cast %and3A_566 : i32 to index
        %get3A_2231 = arith.index_cast %get3A_2229 : i32 to index
        %get3A_2232 = arith.constant 48 : index
        %get3A_2233 = tpu.vector_load %arg7[%get3A_2230, %get3A_2231, %get3A_2232] {strides = array<i32>} : memref<2x32x64xf32, #tpu.memory_space<vmem>>, vector<16xf32>,
        %mul3A_2234 = arith.constant 64 : i32
        %mul3A_2235 = arith.muli %sub3A_563, %mul3A_2234 : i32
        %add3A_2236 = arith.constant 48 : i32
        %add3A_2237 = arith.addi %mul3A_2235, %add3A_2236 : i32
        %swap3A_2238 = arith.constant 31 : i32
        %swap3A_2239 = arith.index_cast %swap3A_2238 : i32 to index
        %swap3A_2240 = arith.index_cast %add3A_2237 : i32 to index
        %swap3A_2241 = tpu.vector_load %arg8[%swap3A_2239, %swap3A_2240] {strides = array<i32>} : memref<32x1792xf32, #tpu.memory_space<vmem>>, vector<16xf32>,
        tpu.vector_store %arg8[%swap3A_2239, %swap3A_2240], %get3A_2233 {strides = array<i32>} : memref<32x1792xf32, #tpu.memory_space<vmem>>, vector<16xf32>,
      }
      %scan3A_555 = arith.constant 27 : i32
      "tpu.region"() ({
        %run_scoped3A = tpu.sem_alloc : memref<!tpu.dma_semaphore, #tpu.memory_space<semaphore_mem>>
        %dma_start3A_556 = arith.constant 0 : i32
        %dma_start3A_557 = tpu.memref_slice %arg5[%add3A_14, %dma_start3A_556] : memref<4096x1792xf32, #tpu.memory_space<hbm>> -> memref<32x1792xf32, #tpu.memory_space<hbm>>
        %dma_start3A_558 = arith.constant 0 : i32
        %dma_start3A_559 = tpu.memref_slice %arg5[%add3A_14, %dma_start3A_558] : memref<4096x1792xf32, #tpu.memory_space<hbm>> -> memref<32x1792xf32, #tpu.memory_space<hbm>>
        tpu.enqueue_dma source(%arg8 : memref<32x1792xf32, #tpu.memory_space<vmem>>) target(%dma_start3A_559 : memref<32x1792xf32, #tpu.memory_space<hbm>>) target_semaphore(%run_scoped3A : memref<!tpu.dma_semaphore, #tpu.memory_space<semaphore_mem>>)
        %dma_wait3A = arith.constant 0 : i32
        %dma_wait3A_560 = tpu.memref_slice %arg5[%add3A_14, %dma_wait3A] : memref<4096x1792xf32, #tpu.memory_space<hbm>> -> memref<32x1792xf32, #tpu.memory_space<hbm>>
        %dma_wait3A_561 = arith.constant 0 : i32
        %dma_wait3A_562 = tpu.memref_slice %arg5[%add3A_14, %dma_wait3A_561] : memref<4096x1792xf32, #tpu.memory_space<hbm>> -> memref<32x1792xf32, #tpu.memory_space<hbm>>
        tpu.wait_dma2 semaphore(%run_scoped3A : memref<!tpu.dma_semaphore, #tpu.memory_space<semaphore_mem>>) src(%arg8 : memref<32x1792xf32, #tpu.memory_space<vmem>>) dst(%dma_wait3A_562 : memref<32x1792xf32, #tpu.memory_space<hbm>>)
        tpu.yield
      }) : () -> ()
    }
    %scan3A_6 = arith.constant 4 : i32
    return
  }
}

module attributes {stable_mosaic.version = 14 : i64} {
  func.func @_mlp_body(%arg0: i32, %arg1: memref<256x1792xf32, #tpu.memory_space<vmem>>, %arg2: memref<1792x512xf32, #tpu.memory_space<vmem>>, %arg3: memref<1x512xf32, #tpu.memory_space<vmem>>, %arg4: memref<512x512xf32, #tpu.memory_space<vmem>>, %arg5: memref<1x512xf32, #tpu.memory_space<vmem>>, %arg6: memref<256x512xf32, #tpu.memory_space<vmem>>) attributes {dimension_semantics = [#tpu.dimension_semantics<arbitrary>], iteration_bounds = array<i64: 16>, scalar_prefetch = 0 : i64, scratch_operands = 0 : i64, tpu.core_type = #tpu.core_type<tc>, window_params = [{transform_indices = @transform_0, window_bounds = array<i64: 256, 1792>}, {pipeline_mode = #tpu.pipeline_mode<synchronous>, transform_indices = @transform_1, window_bounds = array<i64: 1792, 512>}, {pipeline_mode = #tpu.pipeline_mode<synchronous>, transform_indices = @transform_2, window_bounds = array<i64: 1, 512>}, {pipeline_mode = #tpu.pipeline_mode<synchronous>, transform_indices = @transform_3, window_bounds = array<i64: 512, 512>}, {pipeline_mode = #tpu.pipeline_mode<synchronous>, transform_indices = @transform_4, window_bounds = array<i64: 1, 512>}, {transform_indices = @transform_5, window_bounds = array<i64: 256, 512>}]} {
    %get3A = arith.constant 0 : index
    %get3A_0 = arith.constant 0 : index
    %get3A_1 = vector.load %arg1[%get3A, %get3A_0] : memref<256x1792xf32, #tpu.memory_space<vmem>>, vector<256x1792xf32>
    %get3A_2 = arith.constant 0 : index
    %get3A_3 = arith.constant 0 : index
    %get3A_4 = vector.load %arg2[%get3A_2, %get3A_3] : memref<1792x512xf32, #tpu.memory_space<vmem>>, vector<1792x512xf32>
    %dot_general3A = arith.constant dense<0.000000e+00> : vector<256x512xf32>
    %dot_general3A_5 = tpu.matmul %get3A_1, %get3A_4, %dot_general3A {dimension_numbers = #tpu.dot_dimension_numbers<[1], [0], [0], [1], [0, 0, 1, 1], [], []>, transpose_lhs_hint = false} : vector<256x1792xf32>, vector<1792x512xf32>, vector<256x512xf32> -> vector<256x512xf32>
    %get3A_6 = arith.constant 0 : index
    %get3A_7 = arith.constant 0 : index
    %get3A_8 = vector.load %arg3[%get3A_6, %get3A_7] : memref<1x512xf32, #tpu.memory_space<vmem>>, vector<1x512xf32>
    %add3A = vector.broadcast %get3A_8 : vector<1x512xf32> to vector<256x512xf32>
    %add3A_9 = arith.addf %dot_general3A_5, %add3A : vector<256x512xf32>
    %ge3A = arith.constant 0.000000e+00 : f32
    %ge3A_10 = vector.broadcast %ge3A : f32 to vector<256x512xf32>
    %ge3A_11 = arith.cmpf oge, %add3A_9, %ge3A_10 : vector<256x512xf32>
    %mul3A = arith.constant 0.00999999977 : f32
    %mul3A_12 = vector.broadcast %mul3A : f32 to vector<256x512xf32>
    %mul3A_13 = arith.mulf %mul3A_12, %add3A_9 : vector<256x512xf32>
    %select_n3A = arith.select %ge3A_11, %add3A_9, %mul3A_13 : vector<256x512xi1>, vector<256x512xf32>
    %get3A_14 = arith.constant 0 : index
    %get3A_15 = arith.constant 0 : index
    %get3A_16 = vector.load %arg4[%get3A_14, %get3A_15] : memref<512x512xf32, #tpu.memory_space<vmem>>, vector<512x512xf32>
    %dot_general3A_17 = arith.constant dense<0.000000e+00> : vector<256x512xf32>
    %dot_general3A_18 = tpu.matmul %select_n3A, %get3A_16, %dot_general3A_17 {dimension_numbers = #tpu.dot_dimension_numbers<[1], [0], [0], [1], [0, 0, 1, 1], [], []>, transpose_lhs_hint = false} : vector<256x512xf32>, vector<512x512xf32>, vector<256x512xf32> -> vector<256x512xf32>
    %get3A_19 = arith.constant 0 : index
    %get3A_20 = arith.constant 0 : index
    %get3A_21 = vector.load %arg5[%get3A_19, %get3A_20] : memref<1x512xf32, #tpu.memory_space<vmem>>, vector<1x512xf32>
    %add3A_22 = vector.broadcast %get3A_21 : vector<1x512xf32> to vector<256x512xf32>
    %add3A_23 = arith.addf %dot_general3A_18, %add3A_22 : vector<256x512xf32>
    %swap3A = arith.constant 0 : index
    %swap3A_24 = arith.constant 0 : index
    %swap3A_25 = vector.load %arg6[%swap3A, %swap3A_24] : memref<256x512xf32, #tpu.memory_space<vmem>>, vector<256x512xf32>
    tpu.vector_store %arg6[%swap3A, %swap3A_24], %add3A_23 {strides = array<i32>} : memref<256x512xf32, #tpu.memory_space<vmem>>, vector<256x512xf32>,
    return
  }
  func.func @transform_0(%arg0: i32) -> (i32, i32) {
    %c0_i32 = arith.constant 0 : i32
    %c0_i32_0 = arith.constant 0 : i32
    return %arg0, %c0_i32 : i32, i32
  }
  func.func @transform_1(%arg0: i32) -> (i32, i32) {
    %c0_i32 = arith.constant 0 : i32
    %c0_i32_0 = arith.constant 0 : i32
    %c0_i32_1 = arith.constant 0 : i32
    return %c0_i32, %c0_i32_0 : i32, i32
  }
  func.func @transform_2(%arg0: i32) -> (i32, i32) {
    %c0_i32 = arith.constant 0 : i32
    %c0_i32_0 = arith.constant 0 : i32
    %c0_i32_1 = arith.constant 0 : i32
    return %c0_i32, %c0_i32_0 : i32, i32
  }
  func.func @transform_3(%arg0: i32) -> (i32, i32) {
    %c0_i32 = arith.constant 0 : i32
    %c0_i32_0 = arith.constant 0 : i32
    %c0_i32_1 = arith.constant 0 : i32
    return %c0_i32, %c0_i32_0 : i32, i32
  }
  func.func @transform_4(%arg0: i32) -> (i32, i32) {
    %c0_i32 = arith.constant 0 : i32
    %c0_i32_0 = arith.constant 0 : i32
    %c0_i32_1 = arith.constant 0 : i32
    return %c0_i32, %c0_i32_0 : i32, i32
  }
  func.func @transform_5(%arg0: i32) -> (i32, i32) {
    %c0_i32 = arith.constant 0 : i32
    %c0_i32_0 = arith.constant 0 : i32
    return %arg0, %c0_i32 : i32, i32
  }
}

</mosaic_0001>

<sc_bundles>
// kernel: kernel.4.cloned.1.call-start
scs
__scs_entry_jumppad:
0x0: {  	(pc) =	sbr.rel $0x88, $3  }
0x1: {  	(tag) =	ssettag $0x0;
	lr =	simm.s32 $0x1  }
0x2: {  	[smem:$0x3F99] =	sst lr;
	_ =	strace $0xD0000000  }
0x3: {  	_ = 	snop  }
0x4: {  	_ = 	snop  }
0x5: {  	_ = 	snop  }
0x6: {  	_ = 	snop  }
0x7: {  	_ = 	snop  }
__scs_overlays_trampoline_lowered:
0x8: {  	[smem:$0x3FA8] =	sst s0  }
0x9: {  	[smem:$0x3FA9] =	sst s1  }
0xa: {  	[smem:$0x3FAA] =	sst s2  }
0xb: {  	[smem:$0x3FAB] =	sst s3  }
0xc: {  	[smem:$0x3FAC] =	sst s4  }
0xd: {  	[smem:$0x3FAD] =	sst s5  }
0xe: {  	[smem:$0x3FAE] =	sst s6  }
0xf: {  	[smem:$0x3FAF] =	sst s7  }
0x10: {  	[smem:$0x3FB0] =	sst s8  }
0x11: {  	[smem:$0x3FB1] =	sst s9;
	s0 =	simm.s32 @!p0 $0x0  }
0x12: {  	s1 =	sld [smem:$0x3F97];
	s0 =	simm.s32 @p0 $0x1  }
0x13: {  	[smem:$0x3FB2] =	sst s0;
	s0 =	simm.s32 @!p1 $0x0  }
0x14: {  	s2 =	sld [smem:$0x3F96];
	s0 =	simm.s32 @p1 $0x1  }
0x15: {  	[smem:$0x3FB3] =	sst s0;
	s0 =	simm.s32 @!p2 $0x0  }
0x16: {  	s3 =	sld [smem:$0x3FDB];
	s0 =	simm.s32 @p2 $0x1  }
0x17: {  	s4 =	simm.s32 $0x1BF5;
	[smem:$0x3FB5] =	sst s0  }
0x18: {  	s0 =	sld [smem:$0x3F98];
	_ =	swait.ge [sflag:s4], $0x0  }
0x19: {  	s7 =	sld [smem:$0x3F99]  }
0x1a: {  	s8 =	sadd.s32 $0xFFFFE003, lr  }
0x1b: {  	s9 =	sadd.s32 $0xFFFFFEF7, lr;
	s5 =	simm.s32 $0xFFFFFFFF;
	p2 =	slt.u32 s8, $0xFFFFF086  }
0x1c: {  	p1 =	slt.u32 s9, $0xF7A;
	s5 =	simm.s32 @!p2 $0x0  }
0x1d: {  	s5 =	simm.s32 @p1 $0x1;
	p0 =	seq.s32 s7, s2  }
0x1e: {  	s7 =	smul.u32 @!p0 $0xF7A, s2;
	p2 =	seq.s32 @!p0 s5, $0x0  }
0x1f: {  	s9 =	smul.u32 $0xF7A, s1;
	s8 =	simm.s32 @!p0 $0x1BF5;
	p2 =	por !p2, p0  }
0x20: {  	[sflag:s8] =	ssyncset.s32 @!p0 $0xFFFFF086;
	s6 =	sadd.s32 @!p0 s3, s7;
	s7 =	simm.s32 @!p0 $0x108  }
0x21: {  	s3 =	sadd.s32 s3, s9;
	s6 =	sadd.s32 @!p0 $0x88, s6;
	s7 =	simm.s32 @p2 $0x1082  }
0x22: {  	[simem:s7], [sflag:s8] =	dma.local @!p0 [hbm:s6], $0xF7A  }
0x23: {  	s9 =	sor.u32 $0xD0000000, s2;
	s6 =	simm.s32 $0x108;
	_ =	swait.ge @!p0 [sflag:s8], $0x0  }
0x24: {  	s3 =	sadd.s32 $0x88, s3;
	s6 =	simm.s32 @!p1 $0x1082;
	[sflag:s4] =	ssyncset.s32 $0xFFFFF086  }
0x25: {  	[simem:s6], [sflag:s4] =	dma.local [hbm:s3], $0xF7A  }
0x26: {  	[smem:$0x3F99] =	sst s1;
	(tag) =	ssettag s2;
	_ =	strace s9  }
0x27: {  	s1 =	sld [smem:$0x3FA9]  }
0x28: {  	s2 =	sld [smem:$0x3FAA]  }
0x29: {  	s4 =	sld [smem:$0x3FAC]  }
0x2a: {  	p0 =	seq.s32 s5, $0x0;
	s5 =	sld [smem:$0x3FAD]  }
0x2b: {  	s6 =	sld [smem:$0x3FAE]  }
0x2c: {  	s7 =	sld [smem:$0x3FAF]  }
0x2d: {  	s3 =	simm.s32 $0x108;
	s8 =	sld [smem:$0x3FB0]  }
0x2e: {  	s3 =	simm.s32 @!p0 $0x1082;
	s9 =	sld [smem:$0x3FB1]  }
0x2f: {  	lr =	sadd.s32 s0, s3;
	s0 =	sld [smem:$0x3FA8]  }
0x30: {  	s3 =	sld [smem:$0x3FAB]  }
0x31: {  	[smem:$0x3FB4] =	sst s10  }
0x32: {  	s10 =	sld [smem:$0x3FB2];
	_ =	sdelay $0x3  }
0x33: {  	p0 =	seq.s32 s10, $0x1;
	s10 =	sld [smem:$0x3FB4];
	_ =	sdelay $0x3  }
0x34: {  	[smem:$0x3FB4] =	sst s10  }
0x35: {  	s10 =	sld [smem:$0x3FB3];
	_ =	sdelay $0x3  }
0x36: {  	p1 =	seq.s32 s10, $0x1;
	s10 =	sld [smem:$0x3FB4];
	_ =	sdelay $0x3  }
0x37: {  	[smem:$0x3FB4] =	sst s10  }
0x38: {  	s10 =	sld [smem:$0x3FB5]  }
0x39: {  	_ = 	snop;
	(pc) =	sbr.ind lr, $3  }
0x3a: {  	_ = 	snop  }
0x3b: {  	_ = 	snop  }
0x3c: {  	p2 =	seq.s32 s10, $0x1;
	s10 =	sld [smem:$0x3FB4]  }
0x3d: {  	_ =	shalt  }
0x3e: {  	_ =	shalt  }
0x3f: {  	_ =	shalt  }
0x40: {  	_ =	shalt  }
0x41: {  	_ =	shalt  }
0x42: {  	_ =	shalt  }
0x43: {  	_ =	shalt  }
0x44: {  	_ =	shalt  }
0x45: {  	_ =	shalt  }
0x46: {  	_ =	shalt  }
0x47: {  	_ =	shalt  }
0x48: {  	_ =	shalt  }
0x49: {  	_ =	shalt  }
0x4a: {  	_ =	shalt  }
0x4b: {  	_ =	shalt  }
0x4c: {  	_ =	shalt  }
0x4d: {  	_ =	shalt  }
0x4e: {  	_ =	shalt  }
0x4f: {  	_ =	shalt  }
0x50: {  	_ =	shalt  }
0x51: {  	_ =	shalt  }
0x52: {  	_ =	shalt  }
0x53: {  	_ =	shalt  }
0x54: {  	_ =	shalt  }
0x55: {  	_ =	shalt  }
0x56: {  	_ =	shalt  }
0x57: {  	_ =	shalt  }
0x58: {  	_ =	shalt  }
0x59: {  	_ =	shalt  }
0x5a: {  	_ =	shalt  }
0x5b: {  	_ =	shalt  }
0x5c: {  	_ =	shalt  }
0x5d: {  	_ =	shalt  }
0x5e: {  	_ =	shalt  }
0x5f: {  	_ =	shalt  }
0x60: {  	_ =	shalt  }
0x61: {  	_ =	shalt  }
0x62: {  	_ =	shalt  }
0x63: {  	_ =	shalt  }
0x64: {  	_ =	shalt  }
0x65: {  	_ =	shalt  }
0x66: {  	_ =	shalt  }
0x67: {  	_ =	shalt  }
0x68: {  	_ =	shalt  }
0x69: {  	_ =	shalt  }
0x6a: {  	_ =	shalt  }
0x6b: {  	_ =	shalt  }
0x6c: {  	_ =	shalt  }
0x6d: {  	_ =	shalt  }
0x6e: {  	_ =	shalt  }
0x6f: {  	_ =	shalt  }
0x70: {  	_ =	shalt  }
0x71: {  	_ =	shalt  }
0x72: {  	_ =	shalt  }
0x73: {  	_ =	shalt  }
0x74: {  	_ =	shalt  }
0x75: {  	_ =	shalt  }
0x76: {  	_ =	shalt  }
0x77: {  	_ =	shalt  }
0x78: {  	_ =	shalt  }
0x79: {  	_ =	shalt  }
0x7a: {  	_ =	shalt  }
0x7b: {  	_ =	shalt  }
0x7c: {  	_ =	shalt  }
0x7d: {  	_ =	shalt  }
0x7e: {  	_ =	shalt  }
0x7f: {  	_ =	shalt  }
0x80: {  	_ =	shalt  }
0x81: {  	_ =	shalt  }
0x82: {  	_ =	shalt  }
0x83: {  	_ =	shalt  }
0x84: {  	_ =	shalt  }
0x85: {  	_ =	shalt  }
0x86: {  	_ =	shalt  }
0x87: {  	_ =	shalt  }
.Lfunc_end0:
.L_simem_size_0:
called_computation_lowered:
.L_overlay_start_0:
0x88: {  	s2 =	sld [smem:$0x3FD9]  }
0x89: {  	s3 =	sld [smem:$0x3FFE];
	_ =	sdelay $0x1  }
0x8a: {  	s1 =	srdreg.scid  }
0x8b: {  	s0 =	sand.u32 $0x1, s1  }
0x8c: {  	s17 =	sshll.u32 s0, $0xA;
	s2 =	sadd.s32 s3, s2  }
0x8d: {  	s2 =	sadd.s32 s2, s17  }
0x8e: {  	[smem:$0x3FC0] =	sst s2  }
0x8f: {  	_ = 	snop  }
0x90: {  	s2 =	sld [smem:$0x3FD0];
	(tm) =	ssettm $0x1  }
0x91: {  	s18 =	sld [smem:$0x3FFB];
	_ =	sdelay $0x3  }
0x92: {  	_ =	strace s18  }
0x93: {  	s3 =	sld [smem:$0x3FFC];
	_ =	sdelay $0x3  }
0x94: {  	_ =	strace s3  }
0x95: {  	s3 =	sld [smem:$0x3FFD];
	_ =	sdelay $0x3  }
0x96: {  	_ =	strace s3  }
0x97: {  	_ =	strace $0x8FFFFFFF  }
0x98: {  	s19 =	sld [smem:$0x3FDB];
	_ =	sdelay $0x1  }
0x99: {  	s4 =	simm.s32 $_scs_section_size  }
0x9a: {  	s5 =	simm.s32 $_size__tile_overlayer_lowered;
	s6 =	simm.s32 $_tile_overlayer_lowered  }
0x9b: {  	s22 =	simm.s32 $0x1BFF;
	s21 =	sshll.u32 s6, $0x1;
	s3 =	sadd.s32 s4, s19  }
0x9c: {  	s7 =	simm.s32 $0x0;
	s20 =	sshll.u32 s5, $0x1;
	s5 =	sadd.s32 s21, s3  }
0x9d: {  	[timem:s7], [sflag:s22] =	dma.local [hbm:s5], s20  }
0x9e: {  	_ =	swait.ge [sflag:s22], s20  }
0x9f: {  	s4 =	ssub.s32 $0x0, s20;
	[sflag:s22] =	ssyncset.done $0x0  }
0xa0: {  	[sflag:s22] =	ssyncadd.s32 s4;
	_ =	sdelay $0x1  }
0xa1: {  	s23 =	simm.s32 $0x1B8B  }
0xa2: {  	_ =	swait.ge [sflag:s23], $0x1  }
0xa3: {  	[sflag:s23] =	ssyncset.done $0x0  }
0xa4: {  	s25 =	simm.s32 $0x1B8E;
	s24 =	sld [smem:$0x3FFE];
	[sflag:s23] =	ssyncadd.s32 $0xFFFFFFFF  }
0xa5: {  	s26 =	simm.s32 $execute0_lowered;
	[smem:$0x3FD2] =	sst s25  }
0xa6: {  	s5 =	sshll.u32 s26, $0x1;
	_ =	strace $0x80000046;
	[dreg:$0x1] =	wrdreg $0xFFFFFFFF  }
0xa7: {  	s28 =	simm.s32 $_size_execute0_lowered;
	s3 =	sadd.s32 s3, s5;
	[dreg:$0x0] =	wrdreg $0x0  }
0xa8: {  	s5 =	sshll.u32 s28, $0x1;
	[dreg:$0x2] =	wrdreg s3  }
0xa9: {  	[dreg:$0x3] =	wrdreg s5  }
0xaa: {  	[dreg:$0x4] =	wrdreg $0xC0  }
0xab: {  	_ =	task [dreg:s7], $0x5FFFF  }
0xac: {  	[dreg:$0x1] =	wrdreg $0xFFFFFFFF  }
0xad: {  	[dreg:$0x0] =	wrdreg $0x60  }
0xae: {  	[dreg:$0x2] =	wrdreg s2  }
0xaf: {  	[dreg:$0x3] =	wrdreg s24  }
0xb0: {  	[dreg:$0x4] =	wrdreg $0x9  }
0xb1: {  	_ =	task.clear_ibuf [dreg:s7], $0x5FFFF;
	_ =	strace $0x90000046  }
0xb2: {  	s29 =	simm.s32 $0x9;
	_ =	strace $0x80000048  }
0xb3: {  	_ =	swait.ge [sflag:s29], $0x1  }
0xb4: {  	[sflag:s29] =	ssyncadd.s32 $0xFFFFFFFF  }
0xb5: {  	_ =	strace $0x90000048  }
0xb6: {  	_ =	sfence  }
0xb7: {  	s30 =	sld [smem:$0x0];
	_ =	sdelay $0x2  }
0xb8: {  	s31 =	sshll.u32 s1, $0xD;
	s1 =	sshrl.u32 s1, $0x2  }
0xb9: {  	s3 =	sand.u32 $0x4000, s31;
	s1 =	sadd.s32 s1, s30  }
0xba: {  	s0 =	sor.u32 s3, s0;
	s1 =	sshll.u32 s1, $0x11  }
0xbb: {  	s0 =	sor.u32 s1, s0  }
0xbc: {  	s0 =	sadd.s32 $0x8F2B, s0  }
0xbd: {  	[sflag:s0] =	ssyncadd.remote.s32 $0x1  }
0xbe: {  	_ =	sfence.sel $0xFFFF  }
0xbf: {  	[dreg:$0x0] =	wrdreg $0xFFFFFFFF;
	(pc) =	sbr.abs _section_cstart, $3  }
0xc0: {  	[dreg:$0x1] =	wrdreg $0xFFFFFFFF  }
0xc1: {  	_ =	task.clear_ibuf [dreg:s7], $0x2FFFF;
	_ =	strace $0x9FFFFFFF  }
0xc2: {  	(tm) =	ssettm $0x7FFFFFFF  }
0xc3: {  	_ =	shalt  }
tec
execute0_lowered:
.L_overlay_start_1:
0x0: {  	(tag) =	ssettag $0x1  }
0x1: {  	s0 =	rddreg [dreg:$0x1];
	s2 =	simm.s32 $0x0  }
0x2: {  	s1 =	srdreg.scid;
	s7 =	stileid.u32;
	s9 =	simm.s32 $0x2  }
0x3: {  	s11 =	simm.s32 $0x1080;
	s12 =	simm.s32 $0x1100;
	s13 =	simm.s32 $0x1180  }
0x4: {  	s14 =	simm.s32 $0x1200;
	s15 =	simm.s32 $0x1280;
	s16 =	simm.s32 $0x1300  }
0x5: {  	s17 =	simm.s32 $0x1;
	s18 =	simm.s32 $0x2380;
	s1 =	sand.u32 $0x1, s1  }
.Ltmp0:
0x6: {  	[smem:$0x7FF] =	sst s2;
	s3 =	ssub.s32 $0x2, s1;
	(pc) =	sbr.rel .LBB2_1-.Ltmp0, $4  }
0x7: {  	v0 =	vlaneseq.u32;
	s4 =	sadd.s32 $0x27AD600, s0;
	s5 =	sadd.s32 $0x1200, s0;
	s6 =	sshrl.u32 s3, $0x1  }
0x8: {  	s7 =	sshll.u32 s7, $0x8;
	v0 =	vmul.u32 $0x1B, v0;
	s1 =	sshll.u32 s1, $0x7;
	s3 =	ssub.s32 s3, s6  }
0x9: {  	_ =	strace $0x80000047;
	s7 =	sor.u32 s1, s7;
	s31 =	smax.u32 s3, $0x1  }
0xa: {  	v1 =	vimm.f32 $0.0e+00;
	v2 =	vadd.s32 $0x1B0, v0;
	s1 =	simm.s32 $0x0;
	s6 =	sadd.s32 $0x36EFA00, s0;
	[dreg:$0x3] =	wrdreg s31  }
.LBB2_9:
0xb: {  	s1 =	rddreg [dreg:$0x4]  }
0xc: {  	s0 =	rddreg [dreg:$0x3];
	s1 =	sadd.s32 $0x1, s1  }
0xd: {  	p0 =	sne.s32 s1, s0  }
.Ltmp1:
0xe: {  	_ = 	snop;
	(pc) =	sbr.rel @!p0 .LBB2_10-.Ltmp1, $1  }
0xf: {  	_ =	sdelay $0x3  }
.LBB2_1:
.Ltmp2:
0x10: {  	(pc) =	sbr.rel .LBB2_2-.Ltmp2, $2  }
0x11: {  	_ =	sdelay $0x2  }
0x12: {  	[dreg:$0x4] =	wrdreg s1;
	s19 =	simm.s32 $0x0  }
.LBB2_8:
0x13: {  	s0 =	sshrl.u32 s20, $0x3  }
0x14: {  	s19 =	sadd.s32 $0x1, s19;
	s0 =	smul.u32 $0x700, s0  }
0x15: {  	p0 =	sne.s32 s19, $0x4  }
.Ltmp3:
0x16: {  	s0 =	sadd.s32 s6, s0;
	(pc) =	sbr.rel @!p0 .LBB2_9-.Ltmp3, $4  }
0x17: {  	[hbm4b:s0+s2] =	stream.linear.scatter [tilespmem:s18], [sflag:$0x2], $0xE000, $0x38;
	[tilespmem:$0x10380] =	vst v63  }
0x18: {  	_ =	swait.ge [sflag:s9], $0xE000  }
0x19: {  	[sflag:s9] =	ssyncset.done $0x0  }
0x1a: {  	[sflag:s9] =	ssyncadd.s32 $0xFFFF2000  }
.LBB2_2:
0x1b: {  	s20 =	sshll.u32 s19, $0x5  }
0x1c: {  	s20 =	sadd.s32 s7, s20  }
0x1d: {  	s21 =	smul.u32 $0x1B, s20;
	_ =	sdelay $0x1  }
0x1e: {  	s0 =	rddreg [dreg:$0x0];
	s21 =	sshrl.u32 s21, $0x3  }
0x1f: {  	s31 =	simm.s32 $0x0;
	s22 =	sadd.s32 s0, s21;
	s21 =	simm.s32 $0x0  }
0x20: {  	[tilespmem:s21], [sflag:$0x2] =	stream.linear.gather [hbm4b:s22+s21], $0x360, $0x38;
	[tilespmem:$0x10380] =	vst v63  }
0x21: {  	s22 =	smul.u32 $0xE000, s31  }
0x22: {  	_ =	swait.ge [sflag:s9], $0x360  }
0x23: {  	s23 =	sand.u32 $0x380, s21;
	[sflag:s9] =	ssyncset.done $0x0;
	s22 =	sshra.s32 s22, $0x2  }
0x24: {  	[sflag:s9] =	ssyncadd.s32 $0xFFFFFCA0;
	s23 =	sor.u32 s23, s22  }
0x25: {  	s22 =	simm.s32 $0x1;
	[tilespmem:s23+$0x57F0] =	vst v1  }
.LBB2_3:
0x26: {  	s24 =	sshrl.u32 s22, $0x3  }
0x27: {  	p0 =	sne.s32 s22, $0x1F;
	s22 =	sadd.s32 $0x1, s22;
	[tilespmem:s23+$0x57C0] =	vst v1;
	s24 =	smul.u32 $0xE000, s24  }
.Ltmp4:
0x28: {  	[tilespmem:s23+$0x57D0] =	vst v1;
	(pc) =	sbr.rel @p0 .LBB2_3-.Ltmp4, $4  }
0x29: {  	s21 =	sadd.s32 $0x80, s21;
	[tilespmem:s23+$0x57E0] =	vst v1  }
0x2a: {  	s23 =	sand.u32 $0x380, s21;
	s24 =	sshra.s32 s24, $0x2  }
0x2b: {  	s23 =	sor.u32 s23, s24  }
0x2c: {  	[tilespmem:s23+$0x57F0] =	vst v1  }
0x2d: {  	_ = 	snop  }
0x2e: {  	[tilespmem:s23+$0x57C0] =	vst v1  }
0x2f: {  	[tilespmem:s23+$0x57D0] =	vst v1  }
0x30: {  	[tilespmem:s23+$0x57E0] =	vst v1;
	s21 =	simm.s32 $0x0  }
0x31: {  	v3 =	vld.idx.msk [tilespmem:v0+s21+$0x0], $0xffff;
	_ =	sdelay $0x4  }
0x32: {  	v3 =	vshll.u32 v3, $0x4  }
0x33: {  	(v2sf) =	vpush v3, $0x0;
	_ =	sdelay $0x1  }
0x34: {  	(v2sf) =	vpush v3, $0x1;
	_ =	sdelay $0x1  }
0x35: {  	(v2sf) =	vpush v3, $0x2;
	_ =	sdelay $0x8  }
0x36: {  	(v2sf) =	vpush v3, $0x3;
	_ =	sdelay $0x1  }
0x37: {  	s22 =	spop (v2sf);
	(v2sf) =	vpush v3, $0x4;
	_ =	sdelay $0x1  }
0x38: {  	s1 =	spop (v2sf);
	(v2sf) =	vpush v3, $0x5;
	_ =	sdelay $0x1  }
0x39: {  	s8 =	spop (v2sf);
	(v2sf) =	vpush v3, $0x6;
	_ =	sdelay $0x1  }
0x3a: {  	s22 =	sand.u32 $0x1FFFFFF0, s22  }
0x3b: {  	s0 =	simm.s32 $0x380;
	s22 =	sadd.s32 s4, s22;
	(v2sf) =	vpush v3, $0x7  }
0x3c: {  	[tilespmem:s0], [sflag:$0x1] =	stream.linear.gather [hbm4b:s22+s21], $0x80, $0x38;
	[tilespmem:$0x10380] =	vst v63  }
0x3d: {  	s22 =	sand.u32 $0x1FFFFFF0, s1  }
0x3e: {  	s3 =	simm.s32 $0x400;
	s22 =	sadd.s32 s4, s22  }
0x3f: {  	[tilespmem:s3], [sflag:$0x1] =	stream.linear.gather [hbm4b:s22+s21], $0x80, $0x38;
	[tilespmem:$0x10380] =	vst v63  }
0x40: {  	s22 =	sand.u32 $0x1FFFFFF0, s8  }
0x41: {  	s10 =	simm.s32 $0x480;
	s23 =	spop (v2sf);
	s22 =	sadd.s32 s4, s22  }
0x42: {  	[tilespmem:s10], [sflag:$0x1] =	stream.linear.gather [hbm4b:s22+s21], $0x80, $0x38;
	[tilespmem:$0x10380] =	vst v63  }
0x43: {  	s25 =	spop (v2sf);
	(v2sf) =	vpush v3, $0x8  }
0x44: {  	s22 =	sand.u32 $0x1FFFFFF0, s23  }
0x45: {  	s24 =	simm.s32 $0x500;
	s22 =	sadd.s32 s4, s22;
	s28 =	spop (v2sf);
	(v2sf) =	vpush v3, $0x9  }
0x46: {  	[tilespmem:s24], [sflag:$0x1] =	stream.linear.gather [hbm4b:s22+s21], $0x80, $0x38;
	[tilespmem:$0x10380] =	vst v63  }
0x47: {  	s22 =	sand.u32 $0x1FFFFFF0, s25;
	s30 =	spop (v2sf);
	(v2sf) =	vpush v3, $0xA  }
0x48: {  	s26 =	simm.s32 $0x580;
	s22 =	sadd.s32 s4, s22  }
0x49: {  	[tilespmem:s26], [sflag:$0x1] =	stream.linear.gather [hbm4b:s22+s21], $0x80, $0x38;
	[tilespmem:$0x10380] =	vst v63  }
0x4a: {  	s1 =	spop (v2sf);
	(v2sf) =	vpush v3, $0xB  }
0x4b: {  	s22 =	sand.u32 $0x1FFFFFF0, s28  }
0x4c: {  	s29 =	simm.s32 $0x600;
	s22 =	sadd.s32 s4, s22  }
0x4d: {  	[tilespmem:s29], [sflag:$0x1] =	stream.linear.gather [hbm4b:s22+s21], $0x80, $0x38;
	[tilespmem:$0x10380] =	vst v63  }
0x4e: {  	s22 =	sand.u32 $0x1FFFFFF0, s30  }
0x4f: {  	s31 =	simm.s32 $0x680;
	s22 =	sadd.s32 s4, s22  }
0x50: {  	[tilespmem:s31], [sflag:$0x1] =	stream.linear.gather [hbm4b:s22+s21], $0x80, $0x38;
	[tilespmem:$0x10380] =	vst v63  }
0x51: {  	s22 =	sand.u32 $0x1FFFFFF0, s1  }
0x52: {  	s3 =	simm.s32 $0x700;
	s22 =	sadd.s32 s4, s22;
	s8 =	spop (v2sf);
	(v2sf) =	vpush v3, $0xC  }
0x53: {  	[tilespmem:s3], [sflag:$0x1] =	stream.linear.gather [hbm4b:s22+s21], $0x80, $0x38;
	[tilespmem:$0x10380] =	vst v63  }
0x54: {  	s23 =	spop (v2sf);
	(v2sf) =	vpush v3, $0xD  }
0x55: {  	s22 =	sand.u32 $0x1FFFFFF0, s8  }
0x56: {  	s10 =	simm.s32 $0x780;
	s22 =	sadd.s32 s4, s22;
	s25 =	spop (v2sf)  }
0x57: {  	(v2sf) =	vpush v3, $0xE;
	[tilespmem:s10], [sflag:$0x1] =	stream.linear.gather [hbm4b:s22+s21], $0x80, $0x38;
	[tilespmem:$0x10380] =	vst v63  }
0x58: {  	s22 =	sand.u32 $0x1FFFFFF0, s23  }
0x59: {  	s24 =	simm.s32 $0x800;
	s28 =	spop (v2sf);
	s22 =	sadd.s32 s4, s22  }
0x5a: {  	(v2sf) =	vpush v3, $0xF;
	[tilespmem:s24], [sflag:$0x1] =	stream.linear.gather [hbm4b:s22+s21], $0x80, $0x38;
	[tilespmem:$0x10380] =	vst v63  }
0x5b: {  	s22 =	sand.u32 $0x1FFFFFF0, s25  }
0x5c: {  	s26 =	simm.s32 $0x880;
	s22 =	sadd.s32 s4, s22  }
0x5d: {  	[tilespmem:s26], [sflag:$0x1] =	stream.linear.gather [hbm4b:s22+s21], $0x80, $0x38;
	[tilespmem:$0x10380] =	vst v63  }
0x5e: {  	s22 =	sand.u32 $0x1FFFFFF0, s28  }
0x5f: {  	s29 =	simm.s32 $0x900;
	s22 =	sadd.s32 s4, s22  }
0x60: {  	[tilespmem:s29], [sflag:$0x1] =	stream.linear.gather [hbm4b:s22+s21], $0x80, $0x38;
	[tilespmem:$0x10380] =	vst v63  }
0x61: {  	s30 =	spop (v2sf)  }
0x62: {  	s22 =	sand.u32 $0x1FFFFFF0, s30  }
0x63: {  	s31 =	simm.s32 $0x980;
	s1 =	spop (v2sf);
	s22 =	sadd.s32 s4, s22  }
0x64: {  	[tilespmem:s31], [sflag:$0x1] =	stream.linear.gather [hbm4b:s22+s21], $0x80, $0x38;
	[tilespmem:$0x10380] =	vst v63  }
0x65: {  	s22 =	sand.u32 $0x1FFFFFF0, s1  }
0x66: {  	s3 =	simm.s32 $0xA00;
	s8 =	spop (v2sf);
	s22 =	sadd.s32 s4, s22  }
0x67: {  	[tilespmem:s3], [sflag:$0x1] =	stream.linear.gather [hbm4b:s22+s21], $0x80, $0x38;
	[tilespmem:$0x10380] =	vst v63  }
0x68: {  	s22 =	sand.u32 $0x1FFFFFF0, s8  }
0x69: {  	s10 =	simm.s32 $0xA80;
	s23 =	spop (v2sf);
	s22 =	sadd.s32 s4, s22  }
0x6a: {  	[tilespmem:s10], [sflag:$0x1] =	stream.linear.gather [hbm4b:s22+s21], $0x80, $0x38;
	[tilespmem:$0x10380] =	vst v63  }
0x6b: {  	s22 =	sand.u32 $0x1FFFFFF0, s23  }
0x6c: {  	s24 =	simm.s32 $0xB00;
	s22 =	sadd.s32 s4, s22  }
0x6d: {  	[tilespmem:s24], [sflag:$0x1] =	stream.linear.gather [hbm4b:s22+s21], $0x80, $0x38;
	[tilespmem:$0x10380] =	vst v63  }
0x6e: {  	v3 =	vld.idx.msk [tilespmem:v2+s21+$0x0], $0xffff;
	_ =	sdelay $0x4  }
0x6f: {  	v3 =	vshll.u32 v3, $0x4  }
0x70: {  	(v2sf) =	vpush v3, $0x0;
	_ =	sdelay $0x4  }
0x71: {  	(v2sf) =	vpush v3, $0x1  }
0x72: {  	(v2sf) =	vpush v3, $0x2  }
0x73: {  	(v2sf) =	vpush v3, $0x3;
	_ =	sdelay $0x1  }
0x74: {  	(v2sf) =	vpush v3, $0x4;
	_ =	sdelay $0x5  }
0x75: {  	s25 =	spop (v2sf);
	(v2sf) =	vpush v3, $0x5;
	_ =	sdelay $0x4  }
0x76: {  	s28 =	spop (v2sf)  }
0x77: {  	s22 =	sand.u32 $0x1FFFFFF0, s25;
	s30 =	spop (v2sf);
	(v2sf) =	vpush v3, $0x6  }
0x78: {  	s26 =	simm.s32 $0xB80;
	s22 =	sadd.s32 s4, s22;
	s1 =	spop (v2sf);
	(v2sf) =	vpush v3, $0x7  }
0x79: {  	[tilespmem:s26], [sflag:$0x1] =	stream.linear.gather [hbm4b:s22+s21], $0x80, $0x38;
	[tilespmem:$0x10380] =	vst v63  }
0x7a: {  	s22 =	sand.u32 $0x1FFFFFF0, s28;
	s8 =	spop (v2sf);
	(v2sf) =	vpush v3, $0x8  }
0x7b: {  	s29 =	simm.s32 $0xC00;
	s22 =	sadd.s32 s4, s22  }
0x7c: {  	[tilespmem:s29], [sflag:$0x1] =	stream.linear.gather [hbm4b:s22+s21], $0x80, $0x38;
	[tilespmem:$0x10380] =	vst v63  }
0x7d: {  	s22 =	sand.u32 $0x1FFFFFF0, s30  }
0x7e: {  	s31 =	simm.s32 $0xC80;
	s22 =	sadd.s32 s4, s22  }
0x7f: {  	[tilespmem:s31], [sflag:$0x1] =	stream.linear.gather [hbm4b:s22+s21], $0x80, $0x38;
	[tilespmem:$0x10380] =	vst v63  }
0x80: {  	s22 =	sand.u32 $0x1FFFFFF0, s1;
	s23 =	spop (v2sf);
	(v2sf) =	vpush v3, $0x9  }
0x81: {  	s3 =	simm.s32 $0xD00;
	s22 =	sadd.s32 s4, s22  }
0x82: {  	[tilespmem:s3], [sflag:$0x1] =	stream.linear.gather [hbm4b:s22+s21], $0x80, $0x38;
	[tilespmem:$0x10380] =	vst v63  }
0x83: {  	s22 =	sand.u32 $0x1FFFFFF0, s8  }
0x84: {  	s10 =	simm.s32 $0xD80;
	s22 =	sadd.s32 s4, s22;
	(v2sf) =	vpush v3, $0xA  }
0x85: {  	[tilespmem:s10], [sflag:$0x1] =	stream.linear.gather [hbm4b:s22+s21], $0x80, $0x38;
	[tilespmem:$0x10380] =	vst v63  }
0x86: {  	s22 =	sand.u32 $0x1FFFFFF0, s23;
	s25 =	spop (v2sf);
	(v2sf) =	vpush v3, $0xB  }
0x87: {  	s24 =	simm.s32 $0xE00;
	s22 =	sadd.s32 s4, s22;
	s28 =	spop (v2sf);
	(v2sf) =	vpush v3, $0xC  }
0x88: {  	[tilespmem:s24], [sflag:$0x1] =	stream.linear.gather [hbm4b:s22+s21], $0x80, $0x38;
	[tilespmem:$0x10380] =	vst v63  }
0x89: {  	s22 =	sand.u32 $0x1FFFFFF0, s25;
	s30 =	spop (v2sf);
	(v2sf) =	vpush v3, $0xD  }
0x8a: {  	s26 =	simm.s32 $0xE80;
	s22 =	sadd.s32 s4, s22  }
0x8b: {  	[tilespmem:s26], [sflag:$0x1] =	stream.linear.gather [hbm4b:s22+s21], $0x80, $0x38;
	[tilespmem:$0x10380] =	vst v63  }
0x8c: {  	s22 =	sand.u32 $0x1FFFFFF0, s28  }
0x8d: {  	s29 =	simm.s32 $0xF00;
	s22 =	sadd.s32 s4, s22  }
0x8e: {  	[tilespmem:s29], [sflag:$0x1] =	stream.linear.gather [hbm4b:s22+s21], $0x80, $0x38;
	[tilespmem:$0x10380] =	vst v63  }
0x8f: {  	s22 =	sand.u32 $0x1FFFFFF0, s30;
	s1 =	spop (v2sf);
	(v2sf) =	vpush v3, $0xE  }
0x90: {  	s31 =	simm.s32 $0xF80;
	s22 =	sadd.s32 s4, s22  }
0x91: {  	[tilespmem:s31], [sflag:$0x1] =	stream.linear.gather [hbm4b:s22+s21], $0x80, $0x38;
	[tilespmem:$0x10380] =	vst v63  }
0x92: {  	s22 =	sand.u32 $0x1FFFFFF0, s1  }
0x93: {  	s3 =	simm.s32 $0x1000;
	s8 =	spop (v2sf);
	(v2sf) =	vpush v3, $0xF;
	s22 =	sadd.s32 s4, s22  }
0x94: {  	[tilespmem:s3], [sflag:$0x1] =	stream.linear.gather [hbm4b:s22+s21], $0x80, $0x38;
	[tilespmem:$0x10380] =	vst v63  }
0x95: {  	s10 =	spop (v2sf);
	s22 =	sand.u32 $0x1FFFFFF0, s8  }
0x96: {  	s23 =	sand.u32 $0x1FFFFFF0, s10;
	s24 =	spop (v2sf);
	s22 =	sadd.s32 s4, s22  }
0x97: {  	[tilespmem:s11], [sflag:$0x1] =	stream.linear.gather [hbm4b:s22+s21], $0x80, $0x38;
	[tilespmem:$0x10380] =	vst v63  }
0x98: {  	s25 =	sand.u32 $0x1FFFFFF0, s24;
	s26 =	spop (v2sf);
	s22 =	sadd.s32 s4, s23  }
0x99: {  	[tilespmem:s12], [sflag:$0x1] =	stream.linear.gather [hbm4b:s22+s21], $0x80, $0x38;
	[tilespmem:$0x10380] =	vst v63  }
0x9a: {  	s28 =	sand.u32 $0x1FFFFFF0, s26;
	s22 =	sadd.s32 s4, s25  }
0x9b: {  	[tilespmem:s13], [sflag:$0x1] =	stream.linear.gather [hbm4b:s22+s21], $0x80, $0x38;
	[tilespmem:$0x10380] =	vst v63  }
0x9c: {  	s22 =	sadd.s32 s4, s28  }
0x9d: {  	[tilespmem:s14], [sflag:$0x1] =	stream.linear.gather [hbm4b:s22+s21], $0x80, $0x38;
	[tilespmem:$0x10380] =	vst v63  }
0x9e: {  	s29 =	spop (v2sf)  }
0x9f: {  	s30 =	sand.u32 $0x1FFFFFF0, s29  }
0xa0: {  	s22 =	sadd.s32 s4, s30  }
0xa1: {  	[tilespmem:s15], [sflag:$0x1] =	stream.linear.gather [hbm4b:s22+s21], $0x80, $0x38;
	[tilespmem:$0x10380] =	vst v63  }
.Ltmp5:
0xa2: {  	s31 =	spop (v2sf);
	(pc) =	sbr.rel .LBB2_5-.Ltmp5, $4  }
0xa3: {  	s22 =	sand.u32 $0x1FFFFFF0, s31  }
0xa4: {  	p0 =	por $0x0, $0x0;
	s22 =	sadd.s32 s4, s22  }
0xa5: {  	[tilespmem:s16], [sflag:$0x1] =	stream.linear.gather [hbm4b:s22+s21], $0x80, $0x38;
	[tilespmem:$0x10380] =	vst v63  }
0xa6: {  	s24 =	simm.s32 $0x0;
	s23 =	simm.s32 $0x0;
	s22 =	simm.s32 $0x1  }
.LBB2_7:
0xa7: {  	_ =	swait.ge [sflag:s17], $0x1000  }
0xa8: {  	[sflag:s17] =	ssyncset.done $0x0  }
0xa9: {  	s25 =	sand.u32 $0x1000, s21;
	[sflag:s17] =	ssyncadd.s32 $0xFFFFF000  }
0xaa: {  	v3 =	vld [tilespmem:s25+$0x380];
	_ =	sdelay $0x1  }
0xab: {  	s28 =	sand.u32 $0x3C00, s24  }
0xac: {  	s26 =	sand.u32 $0x40, s23;
	s0 =	sadd.s32 $0x2380, s28  }
0xad: {  	s3 =	sor.u32 s26, s0  }
0xae: {  	[tilespmem:s3+$0x0] =	vst v3  }
0xaf: {  	v3 =	vld [tilespmem:s25+$0x390];
	_ =	sdelay $0x2  }
0xb0: {  	s29 =	sor.u32 $0x10, s26  }
0xb1: {  	s8 =	sor.u32 s29, s0  }
0xb2: {  	[tilespmem:s8+$0x0] =	vst v3  }
0xb3: {  	v3 =	vld [tilespmem:s25+$0x3A0];
	_ =	sdelay $0x2  }
0xb4: {  	s30 =	sor.u32 $0x20, s26  }
0xb5: {  	s1 =	sor.u32 s30, s0  }
0xb6: {  	[tilespmem:s1+$0x0] =	vst v3  }
0xb7: {  	v3 =	vld [tilespmem:s25+$0x3B0];
	_ =	sdelay $0x2  }
0xb8: {  	s31 =	sor.u32 $0x30, s26  }
0xb9: {  	s0 =	sor.u32 s31, s0  }
0xba: {  	[tilespmem:s0+$0x0] =	vst v3  }
0xbb: {  	v3 =	vld [tilespmem:s25+$0x400];
	_ =	sdelay $0x4  }
0xbc: {  	[tilespmem:s3+$0x80] =	vst v3  }
0xbd: {  	v3 =	vld [tilespmem:s25+$0x410];
	_ =	sdelay $0x4  }
0xbe: {  	[tilespmem:s8+$0x80] =	vst v3  }
0xbf: {  	v3 =	vld [tilespmem:s25+$0x420];
	_ =	sdelay $0x4  }
0xc0: {  	[tilespmem:s1+$0x80] =	vst v3  }
0xc1: {  	v3 =	vld [tilespmem:s25+$0x430];
	_ =	sdelay $0x4  }
0xc2: {  	[tilespmem:s0+$0x80] =	vst v3  }
0xc3: {  	v3 =	vld [tilespmem:s25+$0x480];
	_ =	sdelay $0x4  }
0xc4: {  	[tilespmem:s3+$0x100] =	vst v3  }
0xc5: {  	v3 =	vld [tilespmem:s25+$0x490];
	_ =	sdelay $0x4  }
0xc6: {  	[tilespmem:s8+$0x100] =	vst v3  }
0xc7: {  	v3 =	vld [tilespmem:s25+$0x4A0];
	_ =	sdelay $0x4  }
0xc8: {  	[tilespmem:s1+$0x100] =	vst v3  }
0xc9: {  	v3 =	vld [tilespmem:s25+$0x4B0];
	_ =	sdelay $0x4  }
0xca: {  	[tilespmem:s0+$0x100] =	vst v3  }
0xcb: {  	v3 =	vld [tilespmem:s25+$0x500];
	_ =	sdelay $0x4  }
0xcc: {  	[tilespmem:s3+$0x180] =	vst v3  }
0xcd: {  	v3 =	vld [tilespmem:s25+$0x510];
	_ =	sdelay $0x4  }
0xce: {  	[tilespmem:s8+$0x180] =	vst v3  }
0xcf: {  	v3 =	vld [tilespmem:s25+$0x520];
	_ =	sdelay $0x4  }
0xd0: {  	[tilespmem:s1+$0x180] =	vst v3  }
0xd1: {  	v3 =	vld [tilespmem:s25+$0x530];
	_ =	sdelay $0x4  }
0xd2: {  	[tilespmem:s0+$0x180] =	vst v3  }
0xd3: {  	s0 =	simm.s32 $0x1;
	v3 =	vld [tilespmem:s25+$0x580]  }
0xd4: {  	s0 =	simm.s32 @!p0 $0x0  }
0xd5: {  	s0 =	sshll.u32 s0, $0x6  }
0xd6: {  	s1 =	sadd.s32 s0, s24  }
0xd7: {  	s8 =	sor.u32 $0x200, s1  }
0xd8: {  	[tilespmem:s8+$0x2380] =	vst v3  }
0xd9: {  	v3 =	vld [tilespmem:s25+$0x590];
	_ =	sdelay $0x2  }
0xda: {  	s3 =	sadd.s32 $0x10, s1  }
0xdb: {  	s10 =	sor.u32 $0x200, s3  }
0xdc: {  	[tilespmem:s10+$0x2380] =	vst v3  }
0xdd: {  	v3 =	vld [tilespmem:s25+$0x5A0];
	_ =	sdelay $0x2  }
0xde: {  	s8 =	sadd.s32 $0x20, s1  }
0xdf: {  	s10 =	sor.u32 $0x200, s8  }
0xe0: {  	[tilespmem:s10+$0x2380] =	vst v3  }
0xe1: {  	v3 =	vld [tilespmem:s25+$0x5B0];
	_ =	sdelay $0x1  }
0xe2: {  	s0 =	sor.u32 $0x30, s0  }
0xe3: {  	s0 =	sadd.s32 s0, s24  }
0xe4: {  	s10 =	sor.u32 $0x200, s0  }
0xe5: {  	[tilespmem:s10+$0x2380] =	vst v3  }
0xe6: {  	v3 =	vld [tilespmem:s25+$0x600];
	_ =	sdelay $0x3  }
0xe7: {  	s10 =	sor.u32 $0x280, s1  }
0xe8: {  	[tilespmem:s10+$0x2380] =	vst v3  }
0xe9: {  	v3 =	vld [tilespmem:s25+$0x610];
	_ =	sdelay $0x3  }
0xea: {  	s10 =	sor.u32 $0x280, s3  }
0xeb: {  	[tilespmem:s10+$0x2380] =	vst v3  }
0xec: {  	v3 =	vld [tilespmem:s25+$0x620];
	_ =	sdelay $0x3  }
0xed: {  	s10 =	sor.u32 $0x280, s8  }
0xee: {  	[tilespmem:s10+$0x2380] =	vst v3  }
0xef: {  	v3 =	vld [tilespmem:s25+$0x630];
	_ =	sdelay $0x3  }
0xf0: {  	s10 =	sor.u32 $0x280, s0  }
0xf1: {  	[tilespmem:s10+$0x2380] =	vst v3  }
0xf2: {  	v3 =	vld [tilespmem:s25+$0x680];
	_ =	sdelay $0x3  }
0xf3: {  	s10 =	sor.u32 $0x300, s1  }
0xf4: {  	[tilespmem:s10+$0x2380] =	vst v3  }
0xf5: {  	v3 =	vld [tilespmem:s25+$0x690];
	_ =	sdelay $0x3  }
0xf6: {  	s10 =	sor.u32 $0x300, s3  }
0xf7: {  	[tilespmem:s10+$0x2380] =	vst v3  }
0xf8: {  	v3 =	vld [tilespmem:s25+$0x6A0];
	_ =	sdelay $0x3  }
0xf9: {  	s10 =	sor.u32 $0x300, s8  }
0xfa: {  	[tilespmem:s10+$0x2380] =	vst v3  }
0xfb: {  	v3 =	vld [tilespmem:s25+$0x6B0];
	_ =	sdelay $0x3  }
0xfc: {  	s10 =	sor.u32 $0x300, s0  }
0xfd: {  	[tilespmem:s10+$0x2380] =	vst v3  }
0xfe: {  	v3 =	vld [tilespmem:s25+$0x700];
	_ =	sdelay $0x3  }
0xff: {  	s1 =	sor.u32 $0x380, s1  }
0x100: {  	[tilespmem:s1+$0x2380] =	vst v3  }
0x101: {  	v3 =	vld [tilespmem:s25+$0x710];
	_ =	sdelay $0x3  }
0x102: {  	s3 =	sor.u32 $0x380, s3  }
0x103: {  	[tilespmem:s3+$0x2380] =	vst v3  }
0x104: {  	v3 =	vld [tilespmem:s25+$0x720];
	_ =	sdelay $0x3  }
0x105: {  	s8 =	sor.u32 $0x380, s8  }
0x106: {  	[tilespmem:s8+$0x2380] =	vst v3  }
0x107: {  	v3 =	vld [tilespmem:s25+$0x730];
	_ =	sdelay $0x3  }
0x108: {  	s0 =	sor.u32 $0x380, s0  }
0x109: {  	[tilespmem:s0+$0x2380] =	vst v3  }
0x10a: {  	v3 =	vld [tilespmem:s25+$0x780];
	_ =	sdelay $0x2  }
0x10b: {  	s0 =	sadd.s32 $0x5B80, s28  }
0x10c: {  	s10 =	sor.u32 s26, s0  }
0x10d: {  	[tilespmem:s10+$0x0] =	vst v3  }
0x10e: {  	v3 =	vld [tilespmem:s25+$0x790];
	_ =	sdelay $0x3  }
0x10f: {  	s3 =	sor.u32 s29, s0  }
0x110: {  	[tilespmem:s3+$0x0] =	vst v3  }
0x111: {  	v3 =	vld [tilespmem:s25+$0x7A0];
	_ =	sdelay $0x3  }
0x112: {  	s8 =	sor.u32 s30, s0  }
0x113: {  	[tilespmem:s8+$0x0] =	vst v3  }
0x114: {  	v3 =	vld [tilespmem:s25+$0x7B0];
	_ =	sdelay $0x3  }
0x115: {  	s0 =	sor.u32 s31, s0  }
0x116: {  	[tilespmem:s0+$0x0] =	vst v3  }
0x117: {  	v3 =	vld [tilespmem:s25+$0x800];
	_ =	sdelay $0x2  }
0x118: {  	s0 =	sadd.s32 $0x5C00, s28  }
0x119: {  	s10 =	sor.u32 s26, s0  }
0x11a: {  	[tilespmem:s10+$0x0] =	vst v3  }
0x11b: {  	v3 =	vld [tilespmem:s25+$0x810];
	_ =	sdelay $0x3  }
0x11c: {  	s3 =	sor.u32 s29, s0  }
0x11d: {  	[tilespmem:s3+$0x0] =	vst v3  }
0x11e: {  	v3 =	vld [tilespmem:s25+$0x820];
	_ =	sdelay $0x3  }
0x11f: {  	s8 =	sor.u32 s30, s0  }
0x120: {  	[tilespmem:s8+$0x0] =	vst v3  }
0x121: {  	v3 =	vld [tilespmem:s25+$0x830];
	_ =	sdelay $0x3  }
0x122: {  	s0 =	sor.u32 s31, s0  }
0x123: {  	[tilespmem:s0+$0x0] =	vst v3  }
0x124: {  	v3 =	vld [tilespmem:s25+$0x880];
	_ =	sdelay $0x2  }
0x125: {  	s0 =	sadd.s32 $0x5C80, s28  }
0x126: {  	s10 =	sor.u32 s26, s0  }
0x127: {  	[tilespmem:s10+$0x0] =	vst v3  }
0x128: {  	v3 =	vld [tilespmem:s25+$0x890];
	_ =	sdelay $0x3  }
0x129: {  	s3 =	sor.u32 s29, s0  }
0x12a: {  	[tilespmem:s3+$0x0] =	vst v3  }
0x12b: {  	v3 =	vld [tilespmem:s25+$0x8A0];
	_ =	sdelay $0x3  }
0x12c: {  	s8 =	sor.u32 s30, s0  }
0x12d: {  	[tilespmem:s8+$0x0] =	vst v3  }
0x12e: {  	v3 =	vld [tilespmem:s25+$0x8B0];
	_ =	sdelay $0x3  }
0x12f: {  	s0 =	sor.u32 s31, s0  }
0x130: {  	[tilespmem:s0+$0x0] =	vst v3  }
0x131: {  	v3 =	vld [tilespmem:s25+$0x900];
	_ =	sdelay $0x2  }
0x132: {  	s0 =	sadd.s32 $0x5D00, s28  }
0x133: {  	s10 =	sor.u32 s26, s0  }
0x134: {  	[tilespmem:s10+$0x0] =	vst v3  }
0x135: {  	v3 =	vld [tilespmem:s25+$0x910];
	_ =	sdelay $0x3  }
0x136: {  	s3 =	sor.u32 s29, s0  }
0x137: {  	[tilespmem:s3+$0x0] =	vst v3  }
0x138: {  	v3 =	vld [tilespmem:s25+$0x920];
	_ =	sdelay $0x3  }
0x139: {  	s8 =	sor.u32 s30, s0  }
0x13a: {  	[tilespmem:s8+$0x0] =	vst v3  }
0x13b: {  	v3 =	vld [tilespmem:s25+$0x930];
	_ =	sdelay $0x3  }
0x13c: {  	s0 =	sor.u32 s31, s0  }
0x13d: {  	[tilespmem:s0+$0x0] =	vst v3  }
0x13e: {  	v3 =	vld [tilespmem:s25+$0x980];
	_ =	sdelay $0x2  }
0x13f: {  	s0 =	sadd.s32 $0x5D80, s28  }
0x140: {  	s10 =	sor.u32 s26, s0  }
0x141: {  	[tilespmem:s10+$0x0] =	vst v3  }
0x142: {  	v3 =	vld [tilespmem:s25+$0x990];
	_ =	sdelay $0x3  }
0x143: {  	s3 =	sor.u32 s29, s0  }
0x144: {  	[tilespmem:s3+$0x0] =	vst v3  }
0x145: {  	v3 =	vld [tilespmem:s25+$0x9A0];
	_ =	sdelay $0x3  }
0x146: {  	s8 =	sor.u32 s30, s0  }
0x147: {  	[tilespmem:s8+$0x0] =	vst v3  }
0x148: {  	v3 =	vld [tilespmem:s25+$0x9B0];
	_ =	sdelay $0x3  }
0x149: {  	s0 =	sor.u32 s31, s0  }
0x14a: {  	[tilespmem:s0+$0x0] =	vst v3  }
0x14b: {  	v3 =	vld [tilespmem:s25+$0xA00];
	_ =	sdelay $0x2  }
0x14c: {  	s0 =	sadd.s32 $0x5E00, s28  }
0x14d: {  	s10 =	sor.u32 s26, s0  }
0x14e: {  	[tilespmem:s10+$0x0] =	vst v3  }
0x14f: {  	v3 =	vld [tilespmem:s25+$0xA10];
	_ =	sdelay $0x3  }
0x150: {  	s3 =	sor.u32 s29, s0  }
0x151: {  	[tilespmem:s3+$0x0] =	vst v3  }
0x152: {  	v3 =	vld [tilespmem:s25+$0xA20];
	_ =	sdelay $0x3  }
0x153: {  	s8 =	sor.u32 s30, s0  }
0x154: {  	[tilespmem:s8+$0x0] =	vst v3  }
0x155: {  	v3 =	vld [tilespmem:s25+$0xA30];
	_ =	sdelay $0x3  }
0x156: {  	s0 =	sor.u32 s31, s0  }
0x157: {  	[tilespmem:s0+$0x0] =	vst v3  }
0x158: {  	v3 =	vld [tilespmem:s25+$0xA80];
	_ =	sdelay $0x2  }
0x159: {  	s0 =	sadd.s32 $0x5E80, s28  }
0x15a: {  	s10 =	sor.u32 s26, s0  }
0x15b: {  	[tilespmem:s10+$0x0] =	vst v3  }
0x15c: {  	v3 =	vld [tilespmem:s25+$0xA90];
	_ =	sdelay $0x3  }
0x15d: {  	s3 =	sor.u32 s29, s0  }
0x15e: {  	[tilespmem:s3+$0x0] =	vst v3  }
0x15f: {  	v3 =	vld [tilespmem:s25+$0xAA0];
	_ =	sdelay $0x3  }
0x160: {  	s8 =	sor.u32 s30, s0  }
0x161: {  	[tilespmem:s8+$0x0] =	vst v3  }
0x162: {  	v3 =	vld [tilespmem:s25+$0xAB0];
	_ =	sdelay $0x3  }
0x163: {  	s0 =	sor.u32 s31, s0  }
0x164: {  	[tilespmem:s0+$0x0] =	vst v3  }
0x165: {  	v3 =	vld [tilespmem:s25+$0xB00];
	_ =	sdelay $0x2  }
0x166: {  	s0 =	sadd.s32 $0x5F00, s28  }
0x167: {  	s10 =	sor.u32 s26, s0  }
0x168: {  	[tilespmem:s10+$0x0] =	vst v3  }
0x169: {  	v3 =	vld [tilespmem:s25+$0xB10];
	_ =	sdelay $0x3  }
0x16a: {  	s3 =	sor.u32 s29, s0  }
0x16b: {  	[tilespmem:s3+$0x0] =	vst v3  }
0x16c: {  	v3 =	vld [tilespmem:s25+$0xB20];
	_ =	sdelay $0x3  }
0x16d: {  	s8 =	sor.u32 s30, s0  }
0x16e: {  	[tilespmem:s8+$0x0] =	vst v3  }
0x16f: {  	v3 =	vld [tilespmem:s25+$0xB30];
	_ =	sdelay $0x3  }
0x170: {  	s0 =	sor.u32 s31, s0  }
0x171: {  	[tilespmem:s0+$0x0] =	vst v3  }
0x172: {  	v3 =	vld [tilespmem:s25+$0xB80];
	_ =	sdelay $0x2  }
0x173: {  	s0 =	sadd.s32 $0x9380, s28  }
0x174: {  	s10 =	sor.u32 s26, s0  }
0x175: {  	[tilespmem:s10+$0x0] =	vst v3  }
0x176: {  	v3 =	vld [tilespmem:s25+$0xB90];
	_ =	sdelay $0x3  }
0x177: {  	s3 =	sor.u32 s29, s0  }
0x178: {  	[tilespmem:s3+$0x0] =	vst v3  }
0x179: {  	v3 =	vld [tilespmem:s25+$0xBA0];
	_ =	sdelay $0x3  }
0x17a: {  	s8 =	sor.u32 s30, s0  }
0x17b: {  	[tilespmem:s8+$0x0] =	vst v3  }
0x17c: {  	v3 =	vld [tilespmem:s25+$0xBB0];
	_ =	sdelay $0x3  }
0x17d: {  	s0 =	sor.u32 s31, s0  }
0x17e: {  	[tilespmem:s0+$0x0] =	vst v3  }
0x17f: {  	v3 =	vld [tilespmem:s25+$0xC00];
	_ =	sdelay $0x2  }
0x180: {  	s0 =	sadd.s32 $0x9400, s28  }
0x181: {  	s10 =	sor.u32 s26, s0  }
0x182: {  	[tilespmem:s10+$0x0] =	vst v3  }
0x183: {  	v3 =	vld [tilespmem:s25+$0xC10];
	_ =	sdelay $0x3  }
0x184: {  	s3 =	sor.u32 s29, s0  }
0x185: {  	[tilespmem:s3+$0x0] =	vst v3  }
0x186: {  	v3 =	vld [tilespmem:s25+$0xC20];
	_ =	sdelay $0x3  }
0x187: {  	s8 =	sor.u32 s30, s0  }
0x188: {  	[tilespmem:s8+$0x0] =	vst v3  }
0x189: {  	v3 =	vld [tilespmem:s25+$0xC30];
	_ =	sdelay $0x3  }
0x18a: {  	s0 =	sor.u32 s31, s0  }
0x18b: {  	[tilespmem:s0+$0x0] =	vst v3  }
0x18c: {  	v3 =	vld [tilespmem:s25+$0xC80];
	_ =	sdelay $0x2  }
0x18d: {  	s0 =	sadd.s32 $0x9480, s28  }
0x18e: {  	s10 =	sor.u32 s26, s0  }
0x18f: {  	[tilespmem:s10+$0x0] =	vst v3  }
0x190: {  	v3 =	vld [tilespmem:s25+$0xC90];
	_ =	sdelay $0x3  }
0x191: {  	s3 =	sor.u32 s29, s0  }
0x192: {  	[tilespmem:s3+$0x0] =	vst v3  }
0x193: {  	v3 =	vld [tilespmem:s25+$0xCA0];
	_ =	sdelay $0x3  }
0x194: {  	s8 =	sor.u32 s30, s0  }
0x195: {  	[tilespmem:s8+$0x0] =	vst v3  }
0x196: {  	v3 =	vld [tilespmem:s25+$0xCB0];
	_ =	sdelay $0x3  }
0x197: {  	s0 =	sor.u32 s31, s0  }
0x198: {  	[tilespmem:s0+$0x0] =	vst v3  }
0x199: {  	v3 =	vld [tilespmem:s25+$0xD00];
	_ =	sdelay $0x2  }
0x19a: {  	s0 =	sadd.s32 $0x9500, s28  }
0x19b: {  	s10 =	sor.u32 s26, s0  }
0x19c: {  	[tilespmem:s10+$0x0] =	vst v3  }
0x19d: {  	v3 =	vld [tilespmem:s25+$0xD10];
	_ =	sdelay $0x3  }
0x19e: {  	s3 =	sor.u32 s29, s0  }
0x19f: {  	[tilespmem:s3+$0x0] =	vst v3  }
0x1a0: {  	v3 =	vld [tilespmem:s25+$0xD20];
	_ =	sdelay $0x3  }
0x1a1: {  	s8 =	sor.u32 s30, s0  }
0x1a2: {  	[tilespmem:s8+$0x0] =	vst v3  }
0x1a3: {  	v3 =	vld [tilespmem:s25+$0xD30];
	_ =	sdelay $0x3  }
0x1a4: {  	s0 =	sor.u32 s31, s0  }
0x1a5: {  	[tilespmem:s0+$0x0] =	vst v3  }
0x1a6: {  	v3 =	vld [tilespmem:s25+$0xD80];
	_ =	sdelay $0x2  }
0x1a7: {  	s0 =	sadd.s32 $0x9580, s28  }
0x1a8: {  	s10 =	sor.u32 s26, s0  }
0x1a9: {  	[tilespmem:s10+$0x0] =	vst v3  }
0x1aa: {  	v3 =	vld [tilespmem:s25+$0xD90];
	_ =	sdelay $0x3  }
0x1ab: {  	s3 =	sor.u32 s29, s0  }
0x1ac: {  	[tilespmem:s3+$0x0] =	vst v3  }
0x1ad: {  	v3 =	vld [tilespmem:s25+$0xDA0];
	_ =	sdelay $0x3  }
0x1ae: {  	s8 =	sor.u32 s30, s0  }
0x1af: {  	[tilespmem:s8+$0x0] =	vst v3  }
0x1b0: {  	v3 =	vld [tilespmem:s25+$0xDB0];
	_ =	sdelay $0x3  }
0x1b1: {  	s0 =	sor.u32 s31, s0  }
0x1b2: {  	[tilespmem:s0+$0x0] =	vst v3  }
0x1b3: {  	v3 =	vld [tilespmem:s25+$0xE00];
	_ =	sdelay $0x2  }
0x1b4: {  	s0 =	sadd.s32 $0x9600, s28  }
0x1b5: {  	s10 =	sor.u32 s26, s0  }
0x1b6: {  	[tilespmem:s10+$0x0] =	vst v3  }
0x1b7: {  	v3 =	vld [tilespmem:s25+$0xE10];
	_ =	sdelay $0x3  }
0x1b8: {  	s3 =	sor.u32 s29, s0  }
0x1b9: {  	[tilespmem:s3+$0x0] =	vst v3  }
0x1ba: {  	v3 =	vld [tilespmem:s25+$0xE20];
	_ =	sdelay $0x3  }
0x1bb: {  	s8 =	sor.u32 s30, s0  }
0x1bc: {  	[tilespmem:s8+$0x0] =	vst v3  }
0x1bd: {  	v3 =	vld [tilespmem:s25+$0xE30];
	_ =	sdelay $0x3  }
0x1be: {  	s0 =	sor.u32 s31, s0  }
0x1bf: {  	[tilespmem:s0+$0x0] =	vst v3  }
0x1c0: {  	v3 =	vld [tilespmem:s25+$0xE80];
	_ =	sdelay $0x2  }
0x1c1: {  	s0 =	sadd.s32 $0x9680, s28  }
0x1c2: {  	s10 =	sor.u32 s26, s0  }
0x1c3: {  	[tilespmem:s10+$0x0] =	vst v3  }
0x1c4: {  	v3 =	vld [tilespmem:s25+$0xE90];
	_ =	sdelay $0x3  }
0x1c5: {  	s3 =	sor.u32 s29, s0  }
0x1c6: {  	[tilespmem:s3+$0x0] =	vst v3  }
0x1c7: {  	v3 =	vld [tilespmem:s25+$0xEA0];
	_ =	sdelay $0x3  }
0x1c8: {  	s8 =	sor.u32 s30, s0  }
0x1c9: {  	[tilespmem:s8+$0x0] =	vst v3  }
0x1ca: {  	v3 =	vld [tilespmem:s25+$0xEB0];
	_ =	sdelay $0x3  }
0x1cb: {  	s0 =	sor.u32 s31, s0  }
0x1cc: {  	[tilespmem:s0+$0x0] =	vst v3  }
0x1cd: {  	v3 =	vld [tilespmem:s25+$0xF00];
	_ =	sdelay $0x2  }
0x1ce: {  	s0 =	sadd.s32 $0x9700, s28  }
0x1cf: {  	s10 =	sor.u32 s26, s0  }
0x1d0: {  	[tilespmem:s10+$0x0] =	vst v3  }
0x1d1: {  	v3 =	vld [tilespmem:s25+$0xF10];
	_ =	sdelay $0x3  }
0x1d2: {  	s3 =	sor.u32 s29, s0  }
0x1d3: {  	[tilespmem:s3+$0x0] =	vst v3  }
0x1d4: {  	v3 =	vld [tilespmem:s25+$0xF20];
	_ =	sdelay $0x3  }
0x1d5: {  	s8 =	sor.u32 s30, s0  }
0x1d6: {  	[tilespmem:s8+$0x0] =	vst v3  }
0x1d7: {  	v3 =	vld [tilespmem:s25+$0xF30];
	_ =	sdelay $0x3  }
0x1d8: {  	s0 =	sor.u32 s31, s0  }
0x1d9: {  	[tilespmem:s0+$0x0] =	vst v3  }
0x1da: {  	v3 =	vld [tilespmem:s25+$0xF80];
	_ =	sdelay $0x2  }
0x1db: {  	s0 =	sadd.s32 $0xCB80, s28  }
0x1dc: {  	s10 =	sor.u32 s26, s0  }
0x1dd: {  	[tilespmem:s10+$0x0] =	vst v3  }
0x1de: {  	v3 =	vld [tilespmem:s25+$0xF90];
	_ =	sdelay $0x3  }
0x1df: {  	s3 =	sor.u32 s29, s0  }
0x1e0: {  	[tilespmem:s3+$0x0] =	vst v3  }
0x1e1: {  	v3 =	vld [tilespmem:s25+$0xFA0];
	_ =	sdelay $0x3  }
0x1e2: {  	s8 =	sor.u32 s30, s0  }
0x1e3: {  	[tilespmem:s8+$0x0] =	vst v3  }
0x1e4: {  	v3 =	vld [tilespmem:s25+$0xFB0];
	_ =	sdelay $0x3  }
0x1e5: {  	s0 =	sor.u32 s31, s0  }
0x1e6: {  	[tilespmem:s0+$0x0] =	vst v3  }
0x1e7: {  	v3 =	vld [tilespmem:s25+$0x1000];
	_ =	sdelay $0x2  }
0x1e8: {  	s0 =	sadd.s32 $0xCC00, s28  }
0x1e9: {  	s10 =	sor.u32 s26, s0  }
0x1ea: {  	[tilespmem:s10+$0x0] =	vst v3  }
0x1eb: {  	v3 =	vld [tilespmem:s25+$0x1010];
	_ =	sdelay $0x3  }
0x1ec: {  	s3 =	sor.u32 s29, s0  }
0x1ed: {  	[tilespmem:s3+$0x0] =	vst v3  }
0x1ee: {  	v3 =	vld [tilespmem:s25+$0x1020];
	_ =	sdelay $0x3  }
0x1ef: {  	s8 =	sor.u32 s30, s0  }
0x1f0: {  	[tilespmem:s8+$0x0] =	vst v3  }
0x1f1: {  	v3 =	vld [tilespmem:s25+$0x1030];
	_ =	sdelay $0x3  }
0x1f2: {  	s0 =	sor.u32 s31, s0  }
0x1f3: {  	[tilespmem:s0+$0x0] =	vst v3  }
0x1f4: {  	v3 =	vld [tilespmem:s25+$0x1080];
	_ =	sdelay $0x2  }
0x1f5: {  	s0 =	sadd.s32 $0xCC80, s28  }
0x1f6: {  	s10 =	sor.u32 s26, s0  }
0x1f7: {  	[tilespmem:s10+$0x0] =	vst v3  }
0x1f8: {  	v3 =	vld [tilespmem:s25+$0x1090];
	_ =	sdelay $0x3  }
0x1f9: {  	s3 =	sor.u32 s29, s0  }
0x1fa: {  	[tilespmem:s3+$0x0] =	vst v3  }
0x1fb: {  	v3 =	vld [tilespmem:s25+$0x10A0];
	_ =	sdelay $0x3  }
0x1fc: {  	s8 =	sor.u32 s30, s0  }
0x1fd: {  	[tilespmem:s8+$0x0] =	vst v3  }
0x1fe: {  	v3 =	vld [tilespmem:s25+$0x10B0];
	_ =	sdelay $0x3  }
0x1ff: {  	s0 =	sor.u32 s31, s0  }
0x200: {  	[tilespmem:s0+$0x0] =	vst v3  }
0x201: {  	v3 =	vld [tilespmem:s25+$0x1100];
	_ =	sdelay $0x2  }
0x202: {  	s0 =	sadd.s32 $0xCD00, s28  }
0x203: {  	s10 =	sor.u32 s26, s0  }
0x204: {  	[tilespmem:s10+$0x0] =	vst v3  }
0x205: {  	v3 =	vld [tilespmem:s25+$0x1110];
	_ =	sdelay $0x3  }
0x206: {  	s3 =	sor.u32 s29, s0  }
0x207: {  	[tilespmem:s3+$0x0] =	vst v3  }
0x208: {  	v3 =	vld [tilespmem:s25+$0x1120];
	_ =	sdelay $0x3  }
0x209: {  	s8 =	sor.u32 s30, s0  }
0x20a: {  	[tilespmem:s8+$0x0] =	vst v3  }
0x20b: {  	v3 =	vld [tilespmem:s25+$0x1130];
	_ =	sdelay $0x3  }
0x20c: {  	s0 =	sor.u32 s31, s0  }
0x20d: {  	[tilespmem:s0+$0x0] =	vst v3  }
0x20e: {  	v3 =	vld [tilespmem:s25+$0x1180];
	_ =	sdelay $0x2  }
0x20f: {  	s0 =	sadd.s32 $0xCD80, s28  }
0x210: {  	s10 =	sor.u32 s26, s0  }
0x211: {  	[tilespmem:s10+$0x0] =	vst v3  }
0x212: {  	v3 =	vld [tilespmem:s25+$0x1190];
	_ =	sdelay $0x3  }
0x213: {  	s3 =	sor.u32 s29, s0  }
0x214: {  	[tilespmem:s3+$0x0] =	vst v3  }
0x215: {  	v3 =	vld [tilespmem:s25+$0x11A0];
	_ =	sdelay $0x3  }
0x216: {  	s8 =	sor.u32 s30, s0  }
0x217: {  	[tilespmem:s8+$0x0] =	vst v3  }
0x218: {  	v3 =	vld [tilespmem:s25+$0x11B0];
	_ =	sdelay $0x3  }
0x219: {  	s0 =	sor.u32 s31, s0  }
0x21a: {  	[tilespmem:s0+$0x0] =	vst v3  }
0x21b: {  	v3 =	vld [tilespmem:s25+$0x1200];
	_ =	sdelay $0x2  }
0x21c: {  	s0 =	sadd.s32 $0xCE00, s28  }
0x21d: {  	s10 =	sor.u32 s26, s0  }
0x21e: {  	[tilespmem:s10+$0x0] =	vst v3  }
0x21f: {  	v3 =	vld [tilespmem:s25+$0x1210];
	_ =	sdelay $0x3  }
0x220: {  	s3 =	sor.u32 s29, s0  }
0x221: {  	[tilespmem:s3+$0x0] =	vst v3  }
0x222: {  	v3 =	vld [tilespmem:s25+$0x1220];
	_ =	sdelay $0x3  }
0x223: {  	s8 =	sor.u32 s30, s0  }
0x224: {  	[tilespmem:s8+$0x0] =	vst v3  }
0x225: {  	v3 =	vld [tilespmem:s25+$0x1230];
	_ =	sdelay $0x3  }
0x226: {  	s0 =	sor.u32 s31, s0  }
0x227: {  	[tilespmem:s0+$0x0] =	vst v3  }
0x228: {  	v3 =	vld [tilespmem:s25+$0x1280];
	_ =	sdelay $0x2  }
0x229: {  	s0 =	sadd.s32 $0xCE80, s28  }
0x22a: {  	s10 =	sor.u32 s26, s0  }
0x22b: {  	[tilespmem:s10+$0x0] =	vst v3  }
0x22c: {  	v3 =	vld [tilespmem:s25+$0x1290];
	_ =	sdelay $0x3  }
0x22d: {  	s3 =	sor.u32 s29, s0  }
0x22e: {  	[tilespmem:s3+$0x0] =	vst v3  }
0x22f: {  	v3 =	vld [tilespmem:s25+$0x12A0];
	_ =	sdelay $0x3  }
0x230: {  	s8 =	sor.u32 s30, s0  }
0x231: {  	[tilespmem:s8+$0x0] =	vst v3  }
0x232: {  	v3 =	vld [tilespmem:s25+$0x12B0];
	_ =	sdelay $0x3  }
0x233: {  	s0 =	sor.u32 s31, s0  }
0x234: {  	[tilespmem:s0+$0x0] =	vst v3  }
0x235: {  	v3 =	vld [tilespmem:s25+$0x1300];
	_ =	sdelay $0x2  }
0x236: {  	s10 =	sadd.s32 $0xCF00, s28  }
0x237: {  	s28 =	sor.u32 s26, s10  }
0x238: {  	[tilespmem:s28+$0x0] =	vst v3  }
0x239: {  	v3 =	vld [tilespmem:s25+$0x1310];
	_ =	sdelay $0x3  }
0x23a: {  	s29 =	sor.u32 s29, s10  }
0x23b: {  	[tilespmem:s29+$0x0] =	vst v3  }
0x23c: {  	v3 =	vld [tilespmem:s25+$0x1320];
	_ =	sdelay $0x3  }
0x23d: {  	s30 =	sor.u32 s30, s10  }
0x23e: {  	s24 =	sadd.s32 $0x200, s24;
	[tilespmem:s30+$0x0] =	vst v3  }
0x23f: {  	p1 =	sne.s32 s24, $0x3600;
	v3 =	vld [tilespmem:s25+$0x1330]  }
.Ltmp6:
0x240: {  	_ = 	snop;
	(pc) =	sbr.rel @!p1 .LBB2_8-.Ltmp6, $3  }
0x241: {  	_ =	sdelay $0x1  }
0x242: {  	s23 =	sadd.s32 $0x40, s23;
	s0 =	sor.u32 s31, s10  }
0x243: {  	s21 =	sadd.s32 $0x1000, s21;
	s22 =	sadd.s32 $0x1, s22;
	p0 =	por !p0, !p0;
	[tilespmem:s0+$0x0] =	vst v3  }
.LBB2_5:
0x244: {  	p1 =	seq.s32 s24, $0x3400  }
.Ltmp7:
0x245: {  	_ = 	snop;
	(pc) =	sbr.rel @p1 .LBB2_7-.Ltmp7, $1  }
0x246: {  	_ =	sdelay $0x3  }
0x247: {  	v3 =	vadd.s32 s22, v0;
	_ =	sdelay $0x4  }
0x248: {  	v3 =	vld.idx.msk [tilespmem:v3+s2+$0x0], $0xffff;
	_ =	sdelay $0x4  }
0x249: {  	v3 =	vshll.u32 v3, $0x4  }
0x24a: {  	(v2sf) =	vpush v3, $0x0;
	_ =	sdelay $0x1  }
0x24b: {  	(v2sf) =	vpush v3, $0x1;
	_ =	sdelay $0x1  }
0x24c: {  	(v2sf) =	vpush v3, $0x2;
	_ =	sdelay $0x2  }
0x24d: {  	(v2sf) =	vpush v3, $0x3;
	_ =	sdelay $0x7  }
0x24e: {  	s26 =	spop (v2sf);
	(v2sf) =	vpush v3, $0x4;
	_ =	sdelay $0x1  }
0x24f: {  	s8 =	spop (v2sf);
	(v2sf) =	vpush v3, $0x5;
	_ =	sdelay $0x1  }
0x250: {  	s29 =	spop (v2sf);
	(v2sf) =	vpush v3, $0x6  }
0x251: {  	s25 =	sxor.u32 $0xFFFFFFFF, s21  }
0x252: {  	s25 =	sand.u32 $0x1000, s25;
	s26 =	sand.u32 $0x1FFFFFF0, s26  }
0x253: {  	s28 =	sor.u32 $0x380, s25;
	s26 =	sadd.s32 s5, s26;
	s31 =	spop (v2sf);
	(v2sf) =	vpush v3, $0x7  }
0x254: {  	[tilespmem:s28], [sflag:$0x1] =	stream.linear.gather [hbm4b:s26+s2], $0x80, $0x38;
	[tilespmem:$0x10380] =	vst v63  }
0x255: {  	s26 =	sand.u32 $0x1FFFFFF0, s8  }
0x256: {  	s10 =	sor.u32 $0x400, s25;
	s26 =	sadd.s32 s5, s26  }
0x257: {  	[tilespmem:s10], [sflag:$0x1] =	stream.linear.gather [hbm4b:s26+s2], $0x80, $0x38;
	[tilespmem:$0x10380] =	vst v63  }
0x258: {  	s26 =	sand.u32 $0x1FFFFFF0, s29  }
0x259: {  	s30 =	sor.u32 $0x480, s25;
	s26 =	sadd.s32 s5, s26  }
0x25a: {  	[tilespmem:s30], [sflag:$0x1] =	stream.linear.gather [hbm4b:s26+s2], $0x80, $0x38;
	[tilespmem:$0x10380] =	vst v63  }
0x25b: {  	s1 =	spop (v2sf);
	(v2sf) =	vpush v3, $0x8  }
0x25c: {  	s26 =	sand.u32 $0x1FFFFFF0, s31  }
0x25d: {  	s0 =	sor.u32 $0x500, s25;
	s26 =	sadd.s32 s5, s26;
	s8 =	spop (v2sf);
	(v2sf) =	vpush v3, $0x9  }
0x25e: {  	[tilespmem:s0], [sflag:$0x1] =	stream.linear.gather [hbm4b:s26+s2], $0x80, $0x38;
	[tilespmem:$0x10380] =	vst v63  }
0x25f: {  	s26 =	sand.u32 $0x1FFFFFF0, s1;
	s29 =	spop (v2sf);
	(v2sf) =	vpush v3, $0xA  }
0x260: {  	s3 =	sor.u32 $0x580, s25;
	s26 =	sadd.s32 s5, s26  }
0x261: {  	[tilespmem:s3], [sflag:$0x1] =	stream.linear.gather [hbm4b:s26+s2], $0x80, $0x38;
	[tilespmem:$0x10380] =	vst v63  }
0x262: {  	s31 =	spop (v2sf);
	(v2sf) =	vpush v3, $0xB  }
0x263: {  	s26 =	sand.u32 $0x1FFFFFF0, s8  }
0x264: {  	s10 =	sor.u32 $0x600, s25;
	s26 =	sadd.s32 s5, s26  }
0x265: {  	[tilespmem:s10], [sflag:$0x1] =	stream.linear.gather [hbm4b:s26+s2], $0x80, $0x38;
	[tilespmem:$0x10380] =	vst v63  }
0x266: {  	s26 =	sand.u32 $0x1FFFFFF0, s29  }
0x267: {  	s30 =	sor.u32 $0x680, s25;
	s26 =	sadd.s32 s5, s26  }
0x268: {  	[tilespmem:s30], [sflag:$0x1] =	stream.linear.gather [hbm4b:s26+s2], $0x80, $0x38;
	[tilespmem:$0x10380] =	vst v63  }
0x269: {  	s26 =	sand.u32 $0x1FFFFFF0, s31  }
0x26a: {  	s0 =	sor.u32 $0x700, s25;
	s26 =	sadd.s32 s5, s26;
	s1 =	spop (v2sf);
	(v2sf) =	vpush v3, $0xC  }
0x26b: {  	[tilespmem:s0], [sflag:$0x1] =	stream.linear.gather [hbm4b:s26+s2], $0x80, $0x38;
	[tilespmem:$0x10380] =	vst v63  }
0x26c: {  	s8 =	spop (v2sf);
	(v2sf) =	vpush v3, $0xD  }
0x26d: {  	s26 =	sand.u32 $0x1FFFFFF0, s1  }
0x26e: {  	s3 =	sor.u32 $0x780, s25;
	s26 =	sadd.s32 s5, s26;
	s29 =	spop (v2sf)  }
0x26f: {  	(v2sf) =	vpush v3, $0xE;
	[tilespmem:s3], [sflag:$0x1] =	stream.linear.gather [hbm4b:s26+s2], $0x80, $0x38;
	[tilespmem:$0x10380] =	vst v63  }
0x270: {  	s26 =	sand.u32 $0x1FFFFFF0, s8  }
0x271: {  	s10 =	sor.u32 $0x800, s25;
	s31 =	spop (v2sf);
	s26 =	sadd.s32 s5, s26  }
0x272: {  	(v2sf) =	vpush v3, $0xF;
	[tilespmem:s10], [sflag:$0x1] =	stream.linear.gather [hbm4b:s26+s2], $0x80, $0x38;
	[tilespmem:$0x10380] =	vst v63  }
0x273: {  	s26 =	sand.u32 $0x1FFFFFF0, s29  }
0x274: {  	s30 =	sor.u32 $0x880, s25;
	s26 =	sadd.s32 s5, s26  }
0x275: {  	[tilespmem:s30], [sflag:$0x1] =	stream.linear.gather [hbm4b:s26+s2], $0x80, $0x38;
	[tilespmem:$0x10380] =	vst v63  }
0x276: {  	s26 =	sand.u32 $0x1FFFFFF0, s31  }
0x277: {  	s0 =	sor.u32 $0x900, s25;
	s26 =	sadd.s32 s5, s26  }
0x278: {  	[tilespmem:s0], [sflag:$0x1] =	stream.linear.gather [hbm4b:s26+s2], $0x80, $0x38;
	[tilespmem:$0x10380] =	vst v63  }
0x279: {  	s1 =	spop (v2sf)  }
0x27a: {  	s26 =	sand.u32 $0x1FFFFFF0, s1  }
0x27b: {  	s3 =	sor.u32 $0x980, s25;
	s8 =	spop (v2sf);
	s26 =	sadd.s32 s5, s26  }
0x27c: {  	[tilespmem:s3], [sflag:$0x1] =	stream.linear.gather [hbm4b:s26+s2], $0x80, $0x38;
	[tilespmem:$0x10380] =	vst v63  }
0x27d: {  	s26 =	sand.u32 $0x1FFFFFF0, s8  }
0x27e: {  	s10 =	sor.u32 $0xA00, s25;
	s29 =	spop (v2sf);
	s26 =	sadd.s32 s5, s26  }
0x27f: {  	[tilespmem:s10], [sflag:$0x1] =	stream.linear.gather [hbm4b:s26+s2], $0x80, $0x38;
	[tilespmem:$0x10380] =	vst v63  }
0x280: {  	s26 =	sand.u32 $0x1FFFFFF0, s29  }
0x281: {  	v3 =	vadd.s32 s22, v2;
	s30 =	sor.u32 $0xA80, s25;
	s31 =	spop (v2sf);
	s26 =	sadd.s32 s5, s26  }
0x282: {  	[tilespmem:s30], [sflag:$0x1] =	stream.linear.gather [hbm4b:s26+s2], $0x80, $0x38;
	[tilespmem:$0x10380] =	vst v63  }
0x283: {  	s26 =	sand.u32 $0x1FFFFFF0, s31  }
0x284: {  	s0 =	sor.u32 $0xB00, s25;
	s26 =	sadd.s32 s5, s26  }
0x285: {  	[tilespmem:s0], [sflag:$0x1] =	stream.linear.gather [hbm4b:s26+s2], $0x80, $0x38;
	[tilespmem:$0x10380] =	vst v63  }
0x286: {  	v3 =	vld.idx.msk [tilespmem:v3+s2+$0x0], $0xffff;
	_ =	sdelay $0x4  }
0x287: {  	v3 =	vshll.u32 v3, $0x4  }
0x288: {  	(v2sf) =	vpush v3, $0x0;
	_ =	sdelay $0x1  }
0x289: {  	(v2sf) =	vpush v3, $0x1;
	_ =	sdelay $0x1  }
0x28a: {  	(v2sf) =	vpush v3, $0x2;
	_ =	sdelay $0x2  }
0x28b: {  	(v2sf) =	vpush v3, $0x3;
	_ =	sdelay $0x7  }
0x28c: {  	s1 =	spop (v2sf);
	(v2sf) =	vpush v3, $0x4;
	_ =	sdelay $0x1  }
0x28d: {  	s8 =	spop (v2sf);
	(v2sf) =	vpush v3, $0x5;
	_ =	sdelay $0x1  }
0x28e: {  	s29 =	spop (v2sf);
	(v2sf) =	vpush v3, $0x6;
	_ =	sdelay $0x1  }
0x28f: {  	s26 =	sand.u32 $0x1FFFFFF0, s1  }
0x290: {  	s3 =	sor.u32 $0xB80, s25;
	s26 =	sadd.s32 s5, s26;
	s31 =	spop (v2sf);
	(v2sf) =	vpush v3, $0x7  }
0x291: {  	[tilespmem:s3], [sflag:$0x1] =	stream.linear.gather [hbm4b:s26+s2], $0x80, $0x38;
	[tilespmem:$0x10380] =	vst v63  }
0x292: {  	s26 =	sand.u32 $0x1FFFFFF0, s8  }
0x293: {  	s10 =	sor.u32 $0xC00, s25;
	s26 =	sadd.s32 s5, s26  }
0x294: {  	[tilespmem:s10], [sflag:$0x1] =	stream.linear.gather [hbm4b:s26+s2], $0x80, $0x38;
	[tilespmem:$0x10380] =	vst v63  }
0x295: {  	s26 =	sand.u32 $0x1FFFFFF0, s29  }
0x296: {  	s30 =	sor.u32 $0xC80, s25;
	s26 =	sadd.s32 s5, s26  }
0x297: {  	[tilespmem:s30], [sflag:$0x1] =	stream.linear.gather [hbm4b:s26+s2], $0x80, $0x38;
	[tilespmem:$0x10380] =	vst v63  }
0x298: {  	s1 =	spop (v2sf);
	(v2sf) =	vpush v3, $0x8  }
0x299: {  	s26 =	sand.u32 $0x1FFFFFF0, s31  }
0x29a: {  	s0 =	sor.u32 $0xD00, s25;
	s26 =	sadd.s32 s5, s26;
	s8 =	spop (v2sf);
	(v2sf) =	vpush v3, $0x9  }
0x29b: {  	[tilespmem:s0], [sflag:$0x1] =	stream.linear.gather [hbm4b:s26+s2], $0x80, $0x38;
	[tilespmem:$0x10380] =	vst v63  }
0x29c: {  	s26 =	sand.u32 $0x1FFFFFF0, s1;
	s29 =	spop (v2sf);
	(v2sf) =	vpush v3, $0xA  }
0x29d: {  	s3 =	sor.u32 $0xD80, s25;
	s26 =	sadd.s32 s5, s26  }
0x29e: {  	[tilespmem:s3], [sflag:$0x1] =	stream.linear.gather [hbm4b:s26+s2], $0x80, $0x38;
	[tilespmem:$0x10380] =	vst v63  }
0x29f: {  	s31 =	spop (v2sf);
	(v2sf) =	vpush v3, $0xB  }
0x2a0: {  	s26 =	sand.u32 $0x1FFFFFF0, s8  }
0x2a1: {  	s10 =	sor.u32 $0xE00, s25;
	s26 =	sadd.s32 s5, s26  }
0x2a2: {  	[tilespmem:s10], [sflag:$0x1] =	stream.linear.gather [hbm4b:s26+s2], $0x80, $0x38;
	[tilespmem:$0x10380] =	vst v63  }
0x2a3: {  	s26 =	sand.u32 $0x1FFFFFF0, s29  }
0x2a4: {  	s30 =	sor.u32 $0xE80, s25;
	s26 =	sadd.s32 s5, s26  }
0x2a5: {  	[tilespmem:s30], [sflag:$0x1] =	stream.linear.gather [hbm4b:s26+s2], $0x80, $0x38;
	[tilespmem:$0x10380] =	vst v63  }
0x2a6: {  	s26 =	sand.u32 $0x1FFFFFF0, s31  }
0x2a7: {  	s0 =	sor.u32 $0xF00, s25;
	s26 =	sadd.s32 s5, s26;
	s1 =	spop (v2sf);
	(v2sf) =	vpush v3, $0xC  }
0x2a8: {  	[tilespmem:s0], [sflag:$0x1] =	stream.linear.gather [hbm4b:s26+s2], $0x80, $0x38;
	[tilespmem:$0x10380] =	vst v63  }
0x2a9: {  	s8 =	spop (v2sf);
	(v2sf) =	vpush v3, $0xD  }
0x2aa: {  	s26 =	sand.u32 $0x1FFFFFF0, s1  }
0x2ab: {  	s3 =	sor.u32 $0xF80, s25;
	s26 =	sadd.s32 s5, s26;
	s29 =	spop (v2sf)  }
0x2ac: {  	(v2sf) =	vpush v3, $0xE;
	[tilespmem:s3], [sflag:$0x1] =	stream.linear.gather [hbm4b:s26+s2], $0x80, $0x38;
	[tilespmem:$0x10380] =	vst v63  }
0x2ad: {  	s26 =	sand.u32 $0x1FFFFFF0, s8  }
0x2ae: {  	s10 =	sadd.s32 $0x1000, s25;
	s31 =	spop (v2sf);
	s26 =	sadd.s32 s5, s26  }
0x2af: {  	(v2sf) =	vpush v3, $0xF;
	[tilespmem:s10], [sflag:$0x1] =	stream.linear.gather [hbm4b:s26+s2], $0x80, $0x38;
	[tilespmem:$0x10380] =	vst v63  }
0x2b0: {  	s26 =	sand.u32 $0x1FFFFFF0, s29  }
0x2b1: {  	s30 =	sadd.s32 $0x1080, s25;
	s26 =	sadd.s32 s5, s26  }
0x2b2: {  	[tilespmem:s30], [sflag:$0x1] =	stream.linear.gather [hbm4b:s26+s2], $0x80, $0x38;
	[tilespmem:$0x10380] =	vst v63  }
0x2b3: {  	s26 =	sand.u32 $0x1FFFFFF0, s31  }
0x2b4: {  	s0 =	sadd.s32 $0x1100, s25;
	s26 =	sadd.s32 s5, s26  }
0x2b5: {  	[tilespmem:s0], [sflag:$0x1] =	stream.linear.gather [hbm4b:s26+s2], $0x80, $0x38;
	[tilespmem:$0x10380] =	vst v63  }
0x2b6: {  	s1 =	spop (v2sf)  }
0x2b7: {  	s26 =	sand.u32 $0x1FFFFFF0, s1  }
0x2b8: {  	s3 =	sadd.s32 $0x1180, s25;
	s8 =	spop (v2sf);
	s26 =	sadd.s32 s5, s26  }
0x2b9: {  	[tilespmem:s3], [sflag:$0x1] =	stream.linear.gather [hbm4b:s26+s2], $0x80, $0x38;
	[tilespmem:$0x10380] =	vst v63  }
0x2ba: {  	s26 =	sand.u32 $0x1FFFFFF0, s8  }
0x2bb: {  	s10 =	sadd.s32 $0x1200, s25;
	s29 =	spop (v2sf);
	s26 =	sadd.s32 s5, s26  }
0x2bc: {  	[tilespmem:s10], [sflag:$0x1] =	stream.linear.gather [hbm4b:s26+s2], $0x80, $0x38;
	[tilespmem:$0x10380] =	vst v63  }
0x2bd: {  	s30 =	sadd.s32 $0x1280, s25;
	s26 =	sand.u32 $0x1FFFFFF0, s29  }
.Ltmp8:
0x2be: {  	s31 =	spop (v2sf);
	s26 =	sadd.s32 s5, s26;
	(pc) =	sbr.rel .LBB2_7-.Ltmp8, $4  }
0x2bf: {  	[tilespmem:s30], [sflag:$0x1] =	stream.linear.gather [hbm4b:s26+s2], $0x80, $0x38;
	[tilespmem:$0x10380] =	vst v63  }
0x2c0: {  	s26 =	sand.u32 $0x1FFFFFF0, s31  }
0x2c1: {  	s25 =	sadd.s32 $0x1300, s25;
	s26 =	sadd.s32 s5, s26  }
0x2c2: {  	[tilespmem:s25], [sflag:$0x1] =	stream.linear.gather [hbm4b:s26+s2], $0x80, $0x38;
	[tilespmem:$0x10380] =	vst v63  }
.LBB2_10:
0x2c3: {  	_ =	sfence.sel $0x180000  }
0x2c4: {  	[bflag:$0x0] =	sbarrier.arrive $0xFFFF  }
0x2c5: {  	_ =	strace $0x90000047  }
0x2c6: {  	s0 =	stileid.u32;
	[bflag:$0x2] =	sbarrier.arrive $0xFFFF  }
0x2c7: {  	p0 =	sne.s32 s0, $0x0;
	s0 =	rddreg [dreg:$0x2]  }
0x2c8: {  	s0 =	sadd.s32 @!p0 $0x100000, s0  }
0x2c9: {  	[sflag:s0] =	ssyncadd.tile.s32 @!p0 $0x1;
	_ =	shalt  }
.Lfunc_end2:
_tile_overlayer_lowered:
.L_overlay_start_2:
0x2ca: {  	(tag) =	ssettag $0x2  }
0x2cb: {  	s0 =	rddreg [dreg:$0x0];
	s2 =	stileid.u32  }
0x2cc: {  	s1 =	rddreg [dreg:$0x1];
	p0 =	sne.s32 s2, $0x0  }
0x2cd: {  	s3 =	rddreg [dreg:$0x2];
	[bflag:$0x3] =	sbarrier.arrive $0xFFFF;
	s2 =	simm.s32 @!p0 $0x1C02  }
0x2ce: {  	[timem:s3], [sflag:s2] =	dma.local @!p0 [hbm:s0], s1  }
0x2cf: {  	s0 =	simm.s32 @!p0 $0x2  }
0x2d0: {  	_ =	swait.ge @!p0 [sflag:s0], s1  }
0x2d1: {  	s1 =	ssub.s32 @!p0 $0x0, s1;
	[sflag:s0] =	ssyncset.done @!p0 $0x0  }
0x2d2: {  	[sflag:s0] =	ssyncadd.s32 @!p0 s1  }
0x2d3: {  	[bflag:$0x3] =	sbarrier.arrive $0xFFFF  }
0x2d4: {  	_ =	shalt  }

</sc_bundles>
